<compile_context>
chip_gen: v7x
topology: tpu7x:2x2x1
jax: 0.10.2.dev20260603
libtpu: 0.0.44.dev20260713+nightly
codegen_flags: <defaults>
</compile_context>

<pallas_src>
import functools
import math

import jax
import jax.numpy as jnp
from jax import lax
from jax.experimental import pallas as pl
from jax.experimental.pallas import tpu as pltpu
from jax.experimental.pallas import tpu_sc as plsc

VOCAB = 1000000
DIM = 32
ROWS = 4096
COLS = 200
SCALE = math.sqrt(float(DIM))

NW = 32
RB = ROWS // NW
CB = COLS // 8
NBUF = 8
NGRP = COLS // NBUF

_mesh = plsc.VectorSubcoreMesh(core_axis_name="c", subcore_axis_name="s")


def _transpose_scale(src, dst):
    lanes = lax.iota(jnp.int32, 16)

    def body(g, carry):
        for u in range(4):
            r = g * 4 + u
            rvec = jnp.full((16,), r, jnp.int32)
            for h in range(2):
                d = h * 16 + lanes
                ti_idx = lax.shift_right_logical(d, 3)
                f_idx = lax.bitwise_and(d, 7)
                v = src[r, pl.ds(16 * h, 16)]
                plsc.store_scatter(dst, [ti_idx, f_idx, rvec], v)
        return carry

    lax.fori_loop(0, RB // 4, body, 0)


@functools.partial(
    pl.kernel,
    out_type=jax.ShapeDtypeStruct((COLS, 4, NW, 8, RB), jnp.float32),
    mesh=_mesh,
    compiler_params=pltpu.CompilerParams(use_tc_tiling_on_sc=False,
                                         needs_layout_passes=False),
    scratch_types=[
        pltpu.VMEM((CB, 8, RB), jnp.int32),
        *[pltpu.VMEM((RB, DIM), jnp.float32) for _ in range(NBUF)],
        *[pltpu.VMEM((4, 8, RB + 1), jnp.float32) for _ in range(NBUF)],
        *[pltpu.SemaphoreType.DMA for _ in range(NBUF)],
        *[pltpu.SemaphoreType.DMA for _ in range(NBUF)],
    ],
)
def _emb_lookup(x_hbm, table_hbm, out_hbm, idx_v, *bufs_and_sems):
    in_bufs = bufs_and_sems[:NBUF]
    out_bufs = bufs_and_sems[NBUF:2 * NBUF]
    gsems = bufs_and_sems[2 * NBUF:3 * NBUF]
    ssems = bufs_and_sems[3 * NBUF:4 * NBUF]

    wid = lax.axis_index("s") * 2 + lax.axis_index("c")

    pltpu.sync_copy(x_hbm.at[:, wid], idx_v)

    def _remap_idx(r, carry):
        cb = r // 8
        a = r % 8
        for h in range(RB // 16):
            v = idx_v[cb, a, pl.ds(16 * h, 16)]
            q = ((v >= VQ).astype(jnp.int32)
                 + (v >= 2 * VQ).astype(jnp.int32)
                 + (v >= 3 * VQ).astype(jnp.int32))
            idx_v[cb, a, pl.ds(16 * h, 16)] = (v - q * VQ) * 4 + q
        return carry

    lax.fori_loop(0, CB * 8, _remap_idx, 0)

    def _idx_slice(c):
        return idx_v.at[c // 8, c % 8]

    def _out_slice(c):
        return out_hbm.at[c, :, wid]

    for b in range(NBUF):
        pltpu.async_copy(table_hbm.at[_idx_slice(b)],
                         in_bufs[b], gsems[b])

    def group(g, carry):
        for b in range(NBUF):
            c = g * NBUF + b
            pltpu.make_async_copy(
                table_hbm.at[_idx_slice(c)],
                in_bufs[b], gsems[b]).wait()
            @pl.when(g > 0)
            def _():
                pltpu.make_async_copy(out_bufs[b].at[:, :, pl.ds(0, RB)],
                                      _out_slice(c - NBUF), ssems[b]).wait()

            _transpose_scale(in_bufs[b], out_bufs[b])

            @pl.when(g < NGRP - 1)
            def _():
                pltpu.async_copy(
                    table_hbm.at[_idx_slice(c + NBUF)],
                    in_bufs[b], gsems[b])

            pltpu.async_copy(out_bufs[b].at[:, :, pl.ds(0, RB)],
                             _out_slice(c), ssems[b])
        return carry

    lax.fori_loop(0, NGRP, group, 0)

    for b in range(NBUF):
        c = (NGRP - 1) * NBUF + b
        pltpu.make_async_copy(out_bufs[b].at[:, :, pl.ds(0, RB)],
                              _out_slice(c), ssems[b]).wait()


TW = 4096
TGRID = 62
VQ = TW * TGRID


def _tc_transpose_body(t0, t1, t2, t3, out_ref):
    eye = jnp.eye(DIM, dtype=jnp.float32) * SCALE
    dn = (((0,), (0,)), ((), ()))

    def tr(t):
        return lax.dot_general(t[...], eye, dn,
                               preferred_element_type=jnp.float32)

    out_ref[...] = jnp.concatenate([tr(t0), tr(t1), tr(t2), tr(t3)], axis=1)


_tc_transpose = pl.pallas_call(
    _tc_transpose_body,
    grid=(TGRID,),
    in_specs=[
        pl.BlockSpec((DIM, TW), functools.partial(
            lambda j, i: (0, jnp.minimum(j * TGRID + i,
                                         (VOCAB - 1) // TW)), j))
        for j in range(4)
    ],
    out_specs=pl.BlockSpec((TW, 4 * DIM), lambda i: (i, 0)),
    out_shape=jax.ShapeDtypeStruct((VQ, 4 * DIM), jnp.float32),
)


def kernel(x, table):
    xp = x.astype(jnp.int32).T.reshape(CB, 8, NW, RB).transpose(0, 2, 1, 3)
    tt = table.T
    t2 = _tc_transpose(tt, tt, tt, tt)
    out5 = _emb_lookup(xp, t2.reshape(4 * VQ, DIM))
    return out5.transpose(2, 4, 0, 1, 3).reshape(ROWS, COLS, DIM)

# --- scband reference (transcript-rebuilt; emitter-appended) ---
"""Pipeline reference for scband-embedding-model-3917010174825 (READ-ONLY COPY).

The authoritative reference and input builder live on the scoring server;
editing this copy changes nothing except your own understanding.
"""

import jax, jax.numpy as jnp
import numpy as np

VOCAB_SIZE = 1000000
EMBEDDING_DIM = 32

def setup_inputs(seed: int = 0) -> dict:
    key = jax.random.key(seed)
    k_idx, k_table = jax.random.split(key)
    x = jax.random.randint(k_idx, (4096, 200), 0, VOCAB_SIZE, dtype=jnp.int64 if jax.config.jax_enable_x64 else jnp.int32)
    table = jax.random.normal(k_table, (VOCAB_SIZE, EMBEDDING_DIM), dtype=jnp.float32)
    return {"x": x, "table": table}

def reference(x, table):
    # nn.Embedding lookup followed by scaling by sqrt(embedding_dim)
    emb = jnp.take(table, x, axis=0)
    return emb * (EMBEDDING_DIM ** 0.5)

if __name__ == "__main__":
    import jax
    _d = setup_inputs()
    print(jax.jit(kernel)(*tuple(_d.values())))

</pallas_src>

<mosaic_0001>
#map = affine_map<(d0, d1) -> (0, 0, 0, 0)>
#map1 = affine_map<(d0, d1) -> (0, 0)>
#map2 = affine_map<(d0, d1) -> (0, 0, 0, 0, 0)>
module attributes {stable_mosaic.version = 14 : i64} {
  func.func @_emb_lookup(%arg0: i32, %arg1: i32, %arg2: memref<25x32x8x128xi32, #tpu.memory_space<hbm>>, %arg3: memref<1015808x32xf32, #tpu.memory_space<hbm>>, %arg4: memref<200x4x32x8x128xf32, #tpu.memory_space<hbm>>, %arg5: memref<25x8x128xi32, #tpu.memory_space<vmem>>, %arg6: memref<128x32xf32, #tpu.memory_space<vmem>>, %arg7: memref<128x32xf32, #tpu.memory_space<vmem>>, %arg8: memref<128x32xf32, #tpu.memory_space<vmem>>, %arg9: memref<128x32xf32, #tpu.memory_space<vmem>>, %arg10: memref<128x32xf32, #tpu.memory_space<vmem>>, %arg11: memref<128x32xf32, #tpu.memory_space<vmem>>, %arg12: memref<128x32xf32, #tpu.memory_space<vmem>>, %arg13: memref<128x32xf32, #tpu.memory_space<vmem>>, %arg14: memref<4x8x129xf32, #tpu.memory_space<vmem>>, %arg15: memref<4x8x129xf32, #tpu.memory_space<vmem>>, %arg16: memref<4x8x129xf32, #tpu.memory_space<vmem>>, %arg17: memref<4x8x129xf32, #tpu.memory_space<vmem>>, %arg18: memref<4x8x129xf32, #tpu.memory_space<vmem>>, %arg19: memref<4x8x129xf32, #tpu.memory_space<vmem>>, %arg20: memref<4x8x129xf32, #tpu.memory_space<vmem>>, %arg21: memref<4x8x129xf32, #tpu.memory_space<vmem>>, %arg22: memref<!tpu.dma_semaphore, #tpu.memory_space<semaphore_mem>>, %arg23: memref<!tpu.dma_semaphore, #tpu.memory_space<semaphore_mem>>, %arg24: memref<!tpu.dma_semaphore, #tpu.memory_space<semaphore_mem>>, %arg25: memref<!tpu.dma_semaphore, #tpu.memory_space<semaphore_mem>>, %arg26: memref<!tpu.dma_semaphore, #tpu.memory_space<semaphore_mem>>, %arg27: memref<!tpu.dma_semaphore, #tpu.memory_space<semaphore_mem>>, %arg28: memref<!tpu.dma_semaphore, #tpu.memory_space<semaphore_mem>>, %arg29: memref<!tpu.dma_semaphore, #tpu.memory_space<semaphore_mem>>, %arg30: memref<!tpu.dma_semaphore, #tpu.memory_space<semaphore_mem>>, %arg31: memref<!tpu.dma_semaphore, #tpu.memory_space<semaphore_mem>>, %arg32: memref<!tpu.dma_semaphore, #tpu.memory_space<semaphore_mem>>, %arg33: memref<!tpu.dma_semaphore, #tpu.memory_space<semaphore_mem>>, %arg34: memref<!tpu.dma_semaphore, #tpu.memory_space<semaphore_mem>>, %arg35: memref<!tpu.dma_semaphore, #tpu.memory_space<semaphore_mem>>, %arg36: memref<!tpu.dma_semaphore, #tpu.memory_space<semaphore_mem>>, %arg37: memref<!tpu.dma_semaphore, #tpu.memory_space<semaphore_mem>>) attributes {dimension_semantics = [#tpu.dimension_semantics<core_parallel>, #tpu.dimension_semantics<subcore_parallel>], iteration_bounds = array<i64: 2, 16>, scalar_prefetch = 0 : i64, scratch_operands = 33 : i64, tpu.core_type = #tpu.core_type<sc_vector_subcore>, window_params = [{transform_indices = #map}, {transform_indices = #map1}, {transform_indices = #map2}]} {
    %mul3A = arith.constant 2 : i32
    %mul3A_0 = arith.muli %arg1, %mul3A : i32
    %add3A = arith.addi %mul3A_0, %arg0 : i32
    "tpu.region"() ({
      %run_scoped3A = tpu.sem_alloc : memref<!tpu.dma_semaphore, #tpu.memory_space<semaphore_mem>>
      %dma_start3A_226 = arith.constant 0 : i32
      %dma_start3A_227 = arith.constant 0 : i32
      %dma_start3A_228 = arith.constant 0 : i32
      %dma_start3A_229 = tpu.memref_slice %arg2[%dma_start3A_226, %add3A, %dma_start3A_227, %dma_start3A_228] : memref<25x32x8x128xi32, #tpu.memory_space<hbm>> -> memref<25x1x8x128xi32, #tpu.memory_space<hbm>>
      %dma_start3A_230 = tpu.memref_squeeze %dma_start3A_229 : memref<25x1x8x128xi32, #tpu.memory_space<hbm>> -> memref<25x8x128xi32, #tpu.memory_space<hbm>>
      %dma_start3A_231 = arith.constant 0 : i32
      %dma_start3A_232 = arith.constant 0 : i32
      %dma_start3A_233 = arith.constant 0 : i32
      %dma_start3A_234 = tpu.memref_slice %arg2[%dma_start3A_231, %add3A, %dma_start3A_232, %dma_start3A_233] : memref<25x32x8x128xi32, #tpu.memory_space<hbm>> -> memref<25x1x8x128xi32, #tpu.memory_space<hbm>>
      %dma_start3A_235 = tpu.memref_squeeze %dma_start3A_234 : memref<25x1x8x128xi32, #tpu.memory_space<hbm>> -> memref<25x8x128xi32, #tpu.memory_space<hbm>>
      tpu.enqueue_dma source(%dma_start3A_235 : memref<25x8x128xi32, #tpu.memory_space<hbm>>) target(%arg5 : memref<25x8x128xi32, #tpu.memory_space<vmem>>) target_semaphore(%run_scoped3A : memref<!tpu.dma_semaphore, #tpu.memory_space<semaphore_mem>>)
      %dma_wait3A_236 = arith.constant 0 : i32
      %dma_wait3A_237 = arith.constant 0 : i32
      %dma_wait3A_238 = arith.constant 0 : i32
      %dma_wait3A_239 = tpu.memref_slice %arg2[%dma_wait3A_236, %add3A, %dma_wait3A_237, %dma_wait3A_238] : memref<25x32x8x128xi32, #tpu.memory_space<hbm>> -> memref<25x1x8x128xi32, #tpu.memory_space<hbm>>
      %dma_wait3A_240 = tpu.memref_squeeze %dma_wait3A_239 : memref<25x1x8x128xi32, #tpu.memory_space<hbm>> -> memref<25x8x128xi32, #tpu.memory_space<hbm>>
      %dma_wait3A_241 = arith.constant 0 : i32
      %dma_wait3A_242 = arith.constant 0 : i32
      %dma_wait3A_243 = arith.constant 0 : i32
      %dma_wait3A_244 = tpu.memref_slice %arg2[%dma_wait3A_241, %add3A, %dma_wait3A_242, %dma_wait3A_243] : memref<25x32x8x128xi32, #tpu.memory_space<hbm>> -> memref<25x1x8x128xi32, #tpu.memory_space<hbm>>
      %dma_wait3A_245 = tpu.memref_squeeze %dma_wait3A_244 : memref<25x1x8x128xi32, #tpu.memory_space<hbm>> -> memref<25x8x128xi32, #tpu.memory_space<hbm>>
      tpu.wait_dma2 semaphore(%run_scoped3A : memref<!tpu.dma_semaphore, #tpu.memory_space<semaphore_mem>>) src(%dma_wait3A_245 : memref<25x8x128xi32, #tpu.memory_space<hbm>>) dst(%arg5 : memref<25x8x128xi32, #tpu.memory_space<vmem>>)
      tpu.yield
    }) : () -> ()
    %scan3A = arith.constant 0 : i32
    %scan3A_1 = arith.constant 0 : i32
    %scan3A_2 = arith.constant 200 : i32
    %scan3A_3 = arith.addi %scan3A_1, %scan3A_2 : i32
    %scan3A_4 = arith.constant 1 : i32
    scf.for %scan3A_226 = %scan3A_1 to %scan3A_3 step %scan3A_4  : i32 {
      %jit3A = arith.constant 8 : i32
      %div3A = arith.divsi %scan3A_226, %jit3A : i32
      %sign3A = arith.constant 0 : i32
      %sign3A_227 = arith.cmpi sgt, %scan3A_226, %sign3A : i32
      %sign3A_228 = arith.extui %sign3A_227 : i1 to i32
      %sign3A_229 = arith.constant 0 : i32
      %sign3A_230 = arith.cmpi slt, %scan3A_226, %sign3A_229 : i32
      %sign3A_231 = arith.extui %sign3A_230 : i1 to i32
      %sign3A_232 = arith.subi %sign3A_228, %sign3A_231 : i32
      %sign3A_233 = arith.constant 0 : i32
      %sign3A_234 = arith.cmpi sgt, %jit3A, %sign3A_233 : i32
      %sign3A_235 = arith.extui %sign3A_234 : i1 to i32
      %sign3A_236 = arith.constant 0 : i32
      %sign3A_237 = arith.cmpi slt, %jit3A, %sign3A_236 : i32
      %sign3A_238 = arith.extui %sign3A_237 : i1 to i32
      %sign3A_239 = arith.subi %sign3A_235, %sign3A_238 : i32
      %ne3A = arith.cmpi ne, %sign3A_232, %sign3A_239 : i32
      %rem3A = arith.remsi %scan3A_226, %jit3A : i32
      %ne3A_240 = arith.constant 0 : i32
      %ne3A_241 = arith.cmpi ne, %rem3A, %ne3A_240 : i32
      %and3A = arith.andi %ne3A, %ne3A_241 : i1
      %sub3A = arith.constant 1 : i32
      %sub3A_242 = arith.subi %div3A, %sub3A : i32
      %select_n3A = arith.select %and3A, %sub3A_242, %div3A : i32
      %jit3A_243 = arith.constant 8 : i32
      %eq3A = arith.constant 0 : i32
      %eq3A_244 = arith.cmpi eq, %jit3A_243, %eq3A : i32
      %jit3A_245 = arith.constant 1 : i32
      %select_n3A_246 = arith.select %eq3A_244, %jit3A_245, %jit3A_243 : i32
      %rem3A_247 = arith.remsi %scan3A_226, %select_n3A_246 : i32
      %ne3A_248 = arith.constant 0 : i32
      %ne3A_249 = arith.cmpi ne, %rem3A_247, %ne3A_248 : i32
      %lt3A = arith.constant 0 : i32
      %lt3A_250 = arith.cmpi slt, %rem3A_247, %lt3A : i32
      %lt3A_251 = arith.constant 0 : i32
      %lt3A_252 = arith.cmpi slt, %select_n3A_246, %lt3A_251 : i32
      %ne3A_253 = arith.xori %lt3A_250, %lt3A_252 : i1
      %and3A_254 = arith.andi %ne3A_253, %ne3A_249 : i1
      %add3A_255 = arith.addi %rem3A_247, %select_n3A_246 : i32
      %select_n3A_256 = arith.select %and3A_254, %add3A_255, %rem3A_247 : i32
      %get3A = arith.index_cast %select_n3A : i32 to index
      %get3A_257 = arith.index_cast %select_n3A_256 : i32 to index
      %get3A_258 = arith.constant 0 : index
      %get3A_259 = tpu.vector_load %arg5[%get3A, %get3A_257, %get3A_258] {strides = array<i32>} : memref<25x8x128xi32, #tpu.memory_space<vmem>>, vector<16xi32>,
      %ge3A = arith.constant 253952 : i32
      %ge3A_260 = vector.broadcast %ge3A : i32 to vector<16xi32>
      %ge3A_261 = arith.cmpi sge, %get3A_259, %ge3A_260 : vector<16xi32>
      %convert_element_type3A = arith.extui %ge3A_261 : vector<16xi1> to vector<16xi32>
      %ge3A_262 = arith.constant 507904 : i32
      %ge3A_263 = vector.broadcast %ge3A_262 : i32 to vector<16xi32>
      %ge3A_264 = arith.cmpi sge, %get3A_259, %ge3A_263 : vector<16xi32>
      %convert_element_type3A_265 = arith.extui %ge3A_264 : vector<16xi1> to vector<16xi32>
      %add3A_266 = arith.addi %convert_element_type3A, %convert_element_type3A_265 : vector<16xi32>
      %ge3A_267 = arith.constant 761856 : i32
      %ge3A_268 = vector.broadcast %ge3A_267 : i32 to vector<16xi32>
      %ge3A_269 = arith.cmpi sge, %get3A_259, %ge3A_268 : vector<16xi32>
      %convert_element_type3A_270 = arith.extui %ge3A_269 : vector<16xi1> to vector<16xi32>
      %add3A_271 = arith.addi %add3A_266, %convert_element_type3A_270 : vector<16xi32>
      %mul3A_272 = arith.constant 253952 : i32
      %mul3A_273 = vector.broadcast %mul3A_272 : i32 to vector<16xi32>
      %mul3A_274 = arith.muli %add3A_271, %mul3A_273 : vector<16xi32>
      %sub3A_275 = arith.subi %get3A_259, %mul3A_274 : vector<16xi32>
      %mul3A_276 = arith.constant 4 : i32
      %mul3A_277 = vector.broadcast %mul3A_276 : i32 to vector<16xi32>
      %mul3A_278 = arith.muli %sub3A_275, %mul3A_277 : vector<16xi32>
      %add3A_279 = arith.addi %mul3A_278, %add3A_271 : vector<16xi32>
      %swap3A = arith.index_cast %select_n3A : i32 to index
      %swap3A_280 = arith.index_cast %select_n3A_256 : i32 to index
      %swap3A_281 = arith.constant 0 : index
      %swap3A_282 = tpu.vector_load %arg5[%swap3A, %swap3A_280, %swap3A_281] {strides = array<i32>} : memref<25x8x128xi32, #tpu.memory_space<vmem>>, vector<16xi32>,
      tpu.vector_store %arg5[%swap3A, %swap3A_280, %swap3A_281], %add3A_279 {strides = array<i32>} : memref<25x8x128xi32, #tpu.memory_space<vmem>>, vector<16xi32>,
      %get3A_283 = arith.index_cast %select_n3A : i32 to index
      %get3A_284 = arith.index_cast %select_n3A_256 : i32 to index
      %get3A_285 = arith.constant 16 : index
      %get3A_286 = tpu.vector_load %arg5[%get3A_283, %get3A_284, %get3A_285] {strides = array<i32>} : memref<25x8x128xi32, #tpu.memory_space<vmem>>, vector<16xi32>,
      %ge3A_287 = arith.constant 253952 : i32
      %ge3A_288 = vector.broadcast %ge3A_287 : i32 to vector<16xi32>
      %ge3A_289 = arith.cmpi sge, %get3A_286, %ge3A_288 : vector<16xi32>
      %convert_element_type3A_290 = arith.extui %ge3A_289 : vector<16xi1> to vector<16xi32>
      %ge3A_291 = arith.constant 507904 : i32
      %ge3A_292 = vector.broadcast %ge3A_291 : i32 to vector<16xi32>
      %ge3A_293 = arith.cmpi sge, %get3A_286, %ge3A_292 : vector<16xi32>
      %convert_element_type3A_294 = arith.extui %ge3A_293 : vector<16xi1> to vector<16xi32>
      %add3A_295 = arith.addi %convert_element_type3A_290, %convert_element_type3A_294 : vector<16xi32>
      %ge3A_296 = arith.constant 761856 : i32
      %ge3A_297 = vector.broadcast %ge3A_296 : i32 to vector<16xi32>
      %ge3A_298 = arith.cmpi sge, %get3A_286, %ge3A_297 : vector<16xi32>
      %convert_element_type3A_299 = arith.extui %ge3A_298 : vector<16xi1> to vector<16xi32>
      %add3A_300 = arith.addi %add3A_295, %convert_element_type3A_299 : vector<16xi32>
      %mul3A_301 = arith.constant 253952 : i32
      %mul3A_302 = vector.broadcast %mul3A_301 : i32 to vector<16xi32>
      %mul3A_303 = arith.muli %add3A_300, %mul3A_302 : vector<16xi32>
      %sub3A_304 = arith.subi %get3A_286, %mul3A_303 : vector<16xi32>
      %mul3A_305 = arith.constant 4 : i32
      %mul3A_306 = vector.broadcast %mul3A_305 : i32 to vector<16xi32>
      %mul3A_307 = arith.muli %sub3A_304, %mul3A_306 : vector<16xi32>
      %add3A_308 = arith.addi %mul3A_307, %add3A_300 : vector<16xi32>
      %swap3A_309 = arith.index_cast %select_n3A : i32 to index
      %swap3A_310 = arith.index_cast %select_n3A_256 : i32 to index
      %swap3A_311 = arith.constant 16 : index
      %swap3A_312 = tpu.vector_load %arg5[%swap3A_309, %swap3A_310, %swap3A_311] {strides = array<i32>} : memref<25x8x128xi32, #tpu.memory_space<vmem>>, vector<16xi32>,
      tpu.vector_store %arg5[%swap3A_309, %swap3A_310, %swap3A_311], %add3A_308 {strides = array<i32>} : memref<25x8x128xi32, #tpu.memory_space<vmem>>, vector<16xi32>,
      %get3A_313 = arith.index_cast %select_n3A : i32 to index
      %get3A_314 = arith.index_cast %select_n3A_256 : i32 to index
      %get3A_315 = arith.constant 32 : index
      %get3A_316 = tpu.vector_load %arg5[%get3A_313, %get3A_314, %get3A_315] {strides = array<i32>} : memref<25x8x128xi32, #tpu.memory_space<vmem>>, vector<16xi32>,
      %ge3A_317 = arith.constant 253952 : i32
      %ge3A_318 = vector.broadcast %ge3A_317 : i32 to vector<16xi32>
      %ge3A_319 = arith.cmpi sge, %get3A_316, %ge3A_318 : vector<16xi32>
      %convert_element_type3A_320 = arith.extui %ge3A_319 : vector<16xi1> to vector<16xi32>
      %ge3A_321 = arith.constant 507904 : i32
      %ge3A_322 = vector.broadcast %ge3A_321 : i32 to vector<16xi32>
      %ge3A_323 = arith.cmpi sge, %get3A_316, %ge3A_322 : vector<16xi32>
      %convert_element_type3A_324 = arith.extui %ge3A_323 : vector<16xi1> to vector<16xi32>
      %add3A_325 = arith.addi %convert_element_type3A_320, %convert_element_type3A_324 : vector<16xi32>
      %ge3A_326 = arith.constant 761856 : i32
      %ge3A_327 = vector.broadcast %ge3A_326 : i32 to vector<16xi32>
      %ge3A_328 = arith.cmpi sge, %get3A_316, %ge3A_327 : vector<16xi32>
      %convert_element_type3A_329 = arith.extui %ge3A_328 : vector<16xi1> to vector<16xi32>
      %add3A_330 = arith.addi %add3A_325, %convert_element_type3A_329 : vector<16xi32>
      %mul3A_331 = arith.constant 253952 : i32
      %mul3A_332 = vector.broadcast %mul3A_331 : i32 to vector<16xi32>
      %mul3A_333 = arith.muli %add3A_330, %mul3A_332 : vector<16xi32>
      %sub3A_334 = arith.subi %get3A_316, %mul3A_333 : vector<16xi32>
      %mul3A_335 = arith.constant 4 : i32
      %mul3A_336 = vector.broadcast %mul3A_335 : i32 to vector<16xi32>
      %mul3A_337 = arith.muli %sub3A_334, %mul3A_336 : vector<16xi32>
      %add3A_338 = arith.addi %mul3A_337, %add3A_330 : vector<16xi32>
      %swap3A_339 = arith.index_cast %select_n3A : i32 to index
      %swap3A_340 = arith.index_cast %select_n3A_256 : i32 to index
      %swap3A_341 = arith.constant 32 : index
      %swap3A_342 = tpu.vector_load %arg5[%swap3A_339, %swap3A_340, %swap3A_341] {strides = array<i32>} : memref<25x8x128xi32, #tpu.memory_space<vmem>>, vector<16xi32>,
      tpu.vector_store %arg5[%swap3A_339, %swap3A_340, %swap3A_341], %add3A_338 {strides = array<i32>} : memref<25x8x128xi32, #tpu.memory_space<vmem>>, vector<16xi32>,
      %get3A_343 = arith.index_cast %select_n3A : i32 to index
      %get3A_344 = arith.index_cast %select_n3A_256 : i32 to index
      %get3A_345 = arith.constant 48 : index
      %get3A_346 = tpu.vector_load %arg5[%get3A_343, %get3A_344, %get3A_345] {strides = array<i32>} : memref<25x8x128xi32, #tpu.memory_space<vmem>>, vector<16xi32>,
      %ge3A_347 = arith.constant 253952 : i32
      %ge3A_348 = vector.broadcast %ge3A_347 : i32 to vector<16xi32>
      %ge3A_349 = arith.cmpi sge, %get3A_346, %ge3A_348 : vector<16xi32>
      %convert_element_type3A_350 = arith.extui %ge3A_349 : vector<16xi1> to vector<16xi32>
      %ge3A_351 = arith.constant 507904 : i32
      %ge3A_352 = vector.broadcast %ge3A_351 : i32 to vector<16xi32>
      %ge3A_353 = arith.cmpi sge, %get3A_346, %ge3A_352 : vector<16xi32>
      %convert_element_type3A_354 = arith.extui %ge3A_353 : vector<16xi1> to vector<16xi32>
      %add3A_355 = arith.addi %convert_element_type3A_350, %convert_element_type3A_354 : vector<16xi32>
      %ge3A_356 = arith.constant 761856 : i32
      %ge3A_357 = vector.broadcast %ge3A_356 : i32 to vector<16xi32>
      %ge3A_358 = arith.cmpi sge, %get3A_346, %ge3A_357 : vector<16xi32>
      %convert_element_type3A_359 = arith.extui %ge3A_358 : vector<16xi1> to vector<16xi32>
      %add3A_360 = arith.addi %add3A_355, %convert_element_type3A_359 : vector<16xi32>
      %mul3A_361 = arith.constant 253952 : i32
      %mul3A_362 = vector.broadcast %mul3A_361 : i32 to vector<16xi32>
      %mul3A_363 = arith.muli %add3A_360, %mul3A_362 : vector<16xi32>
      %sub3A_364 = arith.subi %get3A_346, %mul3A_363 : vector<16xi32>
      %mul3A_365 = arith.constant 4 : i32
      %mul3A_366 = vector.broadcast %mul3A_365 : i32 to vector<16xi32>
      %mul3A_367 = arith.muli %sub3A_364, %mul3A_366 : vector<16xi32>
      %add3A_368 = arith.addi %mul3A_367, %add3A_360 : vector<16xi32>
      %swap3A_369 = arith.index_cast %select_n3A : i32 to index
      %swap3A_370 = arith.index_cast %select_n3A_256 : i32 to index
      %swap3A_371 = arith.constant 48 : index
      %swap3A_372 = tpu.vector_load %arg5[%swap3A_369, %swap3A_370, %swap3A_371] {strides = array<i32>} : memref<25x8x128xi32, #tpu.memory_space<vmem>>, vector<16xi32>,
      tpu.vector_store %arg5[%swap3A_369, %swap3A_370, %swap3A_371], %add3A_368 {strides = array<i32>} : memref<25x8x128xi32, #tpu.memory_space<vmem>>, vector<16xi32>,
      %get3A_373 = arith.index_cast %select_n3A : i32 to index
      %get3A_374 = arith.index_cast %select_n3A_256 : i32 to index
      %get3A_375 = arith.constant 64 : index
      %get3A_376 = tpu.vector_load %arg5[%get3A_373, %get3A_374, %get3A_375] {strides = array<i32>} : memref<25x8x128xi32, #tpu.memory_space<vmem>>, vector<16xi32>,
      %ge3A_377 = arith.constant 253952 : i32
      %ge3A_378 = vector.broadcast %ge3A_377 : i32 to vector<16xi32>
      %ge3A_379 = arith.cmpi sge, %get3A_376, %ge3A_378 : vector<16xi32>
      %convert_element_type3A_380 = arith.extui %ge3A_379 : vector<16xi1> to vector<16xi32>
      %ge3A_381 = arith.constant 507904 : i32
      %ge3A_382 = vector.broadcast %ge3A_381 : i32 to vector<16xi32>
      %ge3A_383 = arith.cmpi sge, %get3A_376, %ge3A_382 : vector<16xi32>
      %convert_element_type3A_384 = arith.extui %ge3A_383 : vector<16xi1> to vector<16xi32>
      %add3A_385 = arith.addi %convert_element_type3A_380, %convert_element_type3A_384 : vector<16xi32>
      %ge3A_386 = arith.constant 761856 : i32
      %ge3A_387 = vector.broadcast %ge3A_386 : i32 to vector<16xi32>
      %ge3A_388 = arith.cmpi sge, %get3A_376, %ge3A_387 : vector<16xi32>
      %convert_element_type3A_389 = arith.extui %ge3A_388 : vector<16xi1> to vector<16xi32>
      %add3A_390 = arith.addi %add3A_385, %convert_element_type3A_389 : vector<16xi32>
      %mul3A_391 = arith.constant 253952 : i32
      %mul3A_392 = vector.broadcast %mul3A_391 : i32 to vector<16xi32>
      %mul3A_393 = arith.muli %add3A_390, %mul3A_392 : vector<16xi32>
      %sub3A_394 = arith.subi %get3A_376, %mul3A_393 : vector<16xi32>
      %mul3A_395 = arith.constant 4 : i32
      %mul3A_396 = vector.broadcast %mul3A_395 : i32 to vector<16xi32>
      %mul3A_397 = arith.muli %sub3A_394, %mul3A_396 : vector<16xi32>
      %add3A_398 = arith.addi %mul3A_397, %add3A_390 : vector<16xi32>
      %swap3A_399 = arith.index_cast %select_n3A : i32 to index
      %swap3A_400 = arith.index_cast %select_n3A_256 : i32 to index
      %swap3A_401 = arith.constant 64 : index
      %swap3A_402 = tpu.vector_load %arg5[%swap3A_399, %swap3A_400, %swap3A_401] {strides = array<i32>} : memref<25x8x128xi32, #tpu.memory_space<vmem>>, vector<16xi32>,
      tpu.vector_store %arg5[%swap3A_399, %swap3A_400, %swap3A_401], %add3A_398 {strides = array<i32>} : memref<25x8x128xi32, #tpu.memory_space<vmem>>, vector<16xi32>,
      %get3A_403 = arith.index_cast %select_n3A : i32 to index
      %get3A_404 = arith.index_cast %select_n3A_256 : i32 to index
      %get3A_405 = arith.constant 80 : index
      %get3A_406 = tpu.vector_load %arg5[%get3A_403, %get3A_404, %get3A_405] {strides = array<i32>} : memref<25x8x128xi32, #tpu.memory_space<vmem>>, vector<16xi32>,
      %ge3A_407 = arith.constant 253952 : i32
      %ge3A_408 = vector.broadcast %ge3A_407 : i32 to vector<16xi32>
      %ge3A_409 = arith.cmpi sge, %get3A_406, %ge3A_408 : vector<16xi32>
      %convert_element_type3A_410 = arith.extui %ge3A_409 : vector<16xi1> to vector<16xi32>
      %ge3A_411 = arith.constant 507904 : i32
      %ge3A_412 = vector.broadcast %ge3A_411 : i32 to vector<16xi32>
      %ge3A_413 = arith.cmpi sge, %get3A_406, %ge3A_412 : vector<16xi32>
      %convert_element_type3A_414 = arith.extui %ge3A_413 : vector<16xi1> to vector<16xi32>
      %add3A_415 = arith.addi %convert_element_type3A_410, %convert_element_type3A_414 : vector<16xi32>
      %ge3A_416 = arith.constant 761856 : i32
      %ge3A_417 = vector.broadcast %ge3A_416 : i32 to vector<16xi32>
      %ge3A_418 = arith.cmpi sge, %get3A_406, %ge3A_417 : vector<16xi32>
      %convert_element_type3A_419 = arith.extui %ge3A_418 : vector<16xi1> to vector<16xi32>
      %add3A_420 = arith.addi %add3A_415, %convert_element_type3A_419 : vector<16xi32>
      %mul3A_421 = arith.constant 253952 : i32
      %mul3A_422 = vector.broadcast %mul3A_421 : i32 to vector<16xi32>
      %mul3A_423 = arith.muli %add3A_420, %mul3A_422 : vector<16xi32>
      %sub3A_424 = arith.subi %get3A_406, %mul3A_423 : vector<16xi32>
      %mul3A_425 = arith.constant 4 : i32
      %mul3A_426 = vector.broadcast %mul3A_425 : i32 to vector<16xi32>
      %mul3A_427 = arith.muli %sub3A_424, %mul3A_426 : vector<16xi32>
      %add3A_428 = arith.addi %mul3A_427, %add3A_420 : vector<16xi32>
      %swap3A_429 = arith.index_cast %select_n3A : i32 to index
      %swap3A_430 = arith.index_cast %select_n3A_256 : i32 to index
      %swap3A_431 = arith.constant 80 : index
      %swap3A_432 = tpu.vector_load %arg5[%swap3A_429, %swap3A_430, %swap3A_431] {strides = array<i32>} : memref<25x8x128xi32, #tpu.memory_space<vmem>>, vector<16xi32>,
      tpu.vector_store %arg5[%swap3A_429, %swap3A_430, %swap3A_431], %add3A_428 {strides = array<i32>} : memref<25x8x128xi32, #tpu.memory_space<vmem>>, vector<16xi32>,
      %get3A_433 = arith.index_cast %select_n3A : i32 to index
      %get3A_434 = arith.index_cast %select_n3A_256 : i32 to index
      %get3A_435 = arith.constant 96 : index
      %get3A_436 = tpu.vector_load %arg5[%get3A_433, %get3A_434, %get3A_435] {strides = array<i32>} : memref<25x8x128xi32, #tpu.memory_space<vmem>>, vector<16xi32>,
      %ge3A_437 = arith.constant 253952 : i32
      %ge3A_438 = vector.broadcast %ge3A_437 : i32 to vector<16xi32>
      %ge3A_439 = arith.cmpi sge, %get3A_436, %ge3A_438 : vector<16xi32>
      %convert_element_type3A_440 = arith.extui %ge3A_439 : vector<16xi1> to vector<16xi32>
      %ge3A_441 = arith.constant 507904 : i32
      %ge3A_442 = vector.broadcast %ge3A_441 : i32 to vector<16xi32>
      %ge3A_443 = arith.cmpi sge, %get3A_436, %ge3A_442 : vector<16xi32>
      %convert_element_type3A_444 = arith.extui %ge3A_443 : vector<16xi1> to vector<16xi32>
      %add3A_445 = arith.addi %convert_element_type3A_440, %convert_element_type3A_444 : vector<16xi32>
      %ge3A_446 = arith.constant 761856 : i32
      %ge3A_447 = vector.broadcast %ge3A_446 : i32 to vector<16xi32>
      %ge3A_448 = arith.cmpi sge, %get3A_436, %ge3A_447 : vector<16xi32>
      %convert_element_type3A_449 = arith.extui %ge3A_448 : vector<16xi1> to vector<16xi32>
      %add3A_450 = arith.addi %add3A_445, %convert_element_type3A_449 : vector<16xi32>
      %mul3A_451 = arith.constant 253952 : i32
      %mul3A_452 = vector.broadcast %mul3A_451 : i32 to vector<16xi32>
      %mul3A_453 = arith.muli %add3A_450, %mul3A_452 : vector<16xi32>
      %sub3A_454 = arith.subi %get3A_436, %mul3A_453 : vector<16xi32>
      %mul3A_455 = arith.constant 4 : i32
      %mul3A_456 = vector.broadcast %mul3A_455 : i32 to vector<16xi32>
      %mul3A_457 = arith.muli %sub3A_454, %mul3A_456 : vector<16xi32>
      %add3A_458 = arith.addi %mul3A_457, %add3A_450 : vector<16xi32>
      %swap3A_459 = arith.index_cast %select_n3A : i32 to index
      %swap3A_460 = arith.index_cast %select_n3A_256 : i32 to index
      %swap3A_461 = arith.constant 96 : index
      %swap3A_462 = tpu.vector_load %arg5[%swap3A_459, %swap3A_460, %swap3A_461] {strides = array<i32>} : memref<25x8x128xi32, #tpu.memory_space<vmem>>, vector<16xi32>,
      tpu.vector_store %arg5[%swap3A_459, %swap3A_460, %swap3A_461], %add3A_458 {strides = array<i32>} : memref<25x8x128xi32, #tpu.memory_space<vmem>>, vector<16xi32>,
      %get3A_463 = arith.index_cast %select_n3A : i32 to index
      %get3A_464 = arith.index_cast %select_n3A_256 : i32 to index
      %get3A_465 = arith.constant 112 : index
      %get3A_466 = tpu.vector_load %arg5[%get3A_463, %get3A_464, %get3A_465] {strides = array<i32>} : memref<25x8x128xi32, #tpu.memory_space<vmem>>, vector<16xi32>,
      %ge3A_467 = arith.constant 253952 : i32
      %ge3A_468 = vector.broadcast %ge3A_467 : i32 to vector<16xi32>
      %ge3A_469 = arith.cmpi sge, %get3A_466, %ge3A_468 : vector<16xi32>
      %convert_element_type3A_470 = arith.extui %ge3A_469 : vector<16xi1> to vector<16xi32>
      %ge3A_471 = arith.constant 507904 : i32
      %ge3A_472 = vector.broadcast %ge3A_471 : i32 to vector<16xi32>
      %ge3A_473 = arith.cmpi sge, %get3A_466, %ge3A_472 : vector<16xi32>
      %convert_element_type3A_474 = arith.extui %ge3A_473 : vector<16xi1> to vector<16xi32>
      %add3A_475 = arith.addi %convert_element_type3A_470, %convert_element_type3A_474 : vector<16xi32>
      %ge3A_476 = arith.constant 761856 : i32
      %ge3A_477 = vector.broadcast %ge3A_476 : i32 to vector<16xi32>
      %ge3A_478 = arith.cmpi sge, %get3A_466, %ge3A_477 : vector<16xi32>
      %convert_element_type3A_479 = arith.extui %ge3A_478 : vector<16xi1> to vector<16xi32>
      %add3A_480 = arith.addi %add3A_475, %convert_element_type3A_479 : vector<16xi32>
      %mul3A_481 = arith.constant 253952 : i32
      %mul3A_482 = vector.broadcast %mul3A_481 : i32 to vector<16xi32>
      %mul3A_483 = arith.muli %add3A_480, %mul3A_482 : vector<16xi32>
      %sub3A_484 = arith.subi %get3A_466, %mul3A_483 : vector<16xi32>
      %mul3A_485 = arith.constant 4 : i32
      %mul3A_486 = vector.broadcast %mul3A_485 : i32 to vector<16xi32>
      %mul3A_487 = arith.muli %sub3A_484, %mul3A_486 : vector<16xi32>
      %add3A_488 = arith.addi %mul3A_487, %add3A_480 : vector<16xi32>
      %swap3A_489 = arith.index_cast %select_n3A : i32 to index
      %swap3A_490 = arith.index_cast %select_n3A_256 : i32 to index
      %swap3A_491 = arith.constant 112 : index
      %swap3A_492 = tpu.vector_load %arg5[%swap3A_489, %swap3A_490, %swap3A_491] {strides = array<i32>} : memref<25x8x128xi32, #tpu.memory_space<vmem>>, vector<16xi32>,
      tpu.vector_store %arg5[%swap3A_489, %swap3A_490, %swap3A_491], %add3A_488 {strides = array<i32>} : memref<25x8x128xi32, #tpu.memory_space<vmem>>, vector<16xi32>,
    }
    %scan3A_5 = arith.constant 200 : i32
    %dma_start3A = arith.constant 0 : i32
    %dma_start3A_6 = arith.constant 0 : i32
    %dma_start3A_7 = arith.constant 0 : i32
    %dma_start3A_8 = tpu.memref_slice %arg5[%dma_start3A, %dma_start3A_6, %dma_start3A_7] : memref<25x8x128xi32, #tpu.memory_space<vmem>> -> memref<1x1x128xi32, #tpu.memory_space<vmem>>
    %dma_start3A_9 = tpu.memref_squeeze %dma_start3A_8 : memref<1x1x128xi32, #tpu.memory_space<vmem>> -> memref<128xi32, #tpu.memory_space<vmem>>
    %dma_start3A_10 = arith.constant 0 : i32
    %dma_start3A_11 = arith.constant 0 : i32
    %dma_start3A_12 = tpu.memref_slice %arg3[%dma_start3A_10, %dma_start3A_11] : memref<1015808x32xf32, #tpu.memory_space<hbm>> -> memref<1015808x32xf32, #tpu.memory_space<hbm>>
    tpu.enqueue_indirect_dma source(%dma_start3A_12 : memref<1015808x32xf32, #tpu.memory_space<hbm>>) target(%arg6 : memref<128x32xf32, #tpu.memory_space<vmem>>) offsets(%dma_start3A_9 : memref<128xi32, #tpu.memory_space<vmem>>) semaphore(%arg22 : memref<!tpu.dma_semaphore, #tpu.memory_space<semaphore_mem>>)
    %dma_start3A_13 = arith.constant 0 : i32
    %dma_start3A_14 = arith.constant 1 : i32
    %dma_start3A_15 = arith.constant 0 : i32
    %dma_start3A_16 = tpu.memref_slice %arg5[%dma_start3A_13, %dma_start3A_14, %dma_start3A_15] : memref<25x8x128xi32, #tpu.memory_space<vmem>> -> memref<1x1x128xi32, #tpu.memory_space<vmem>>
    %dma_start3A_17 = tpu.memref_squeeze %dma_start3A_16 : memref<1x1x128xi32, #tpu.memory_space<vmem>> -> memref<128xi32, #tpu.memory_space<vmem>>
    %dma_start3A_18 = arith.constant 0 : i32
    %dma_start3A_19 = arith.constant 0 : i32
    %dma_start3A_20 = tpu.memref_slice %arg3[%dma_start3A_18, %dma_start3A_19] : memref<1015808x32xf32, #tpu.memory_space<hbm>> -> memref<1015808x32xf32, #tpu.memory_space<hbm>>
    tpu.enqueue_indirect_dma source(%dma_start3A_20 : memref<1015808x32xf32, #tpu.memory_space<hbm>>) target(%arg7 : memref<128x32xf32, #tpu.memory_space<vmem>>) offsets(%dma_start3A_17 : memref<128xi32, #tpu.memory_space<vmem>>) semaphore(%arg23 : memref<!tpu.dma_semaphore, #tpu.memory_space<semaphore_mem>>)
    %dma_start3A_21 = arith.constant 0 : i32
    %dma_start3A_22 = arith.constant 2 : i32
    %dma_start3A_23 = arith.constant 0 : i32
    %dma_start3A_24 = tpu.memref_slice %arg5[%dma_start3A_21, %dma_start3A_22, %dma_start3A_23] : memref<25x8x128xi32, #tpu.memory_space<vmem>> -> memref<1x1x128xi32, #tpu.memory_space<vmem>>
    %dma_start3A_25 = tpu.memref_squeeze %dma_start3A_24 : memref<1x1x128xi32, #tpu.memory_space<vmem>> -> memref<128xi32, #tpu.memory_space<vmem>>
    %dma_start3A_26 = arith.constant 0 : i32
    %dma_start3A_27 = arith.constant 0 : i32
    %dma_start3A_28 = tpu.memref_slice %arg3[%dma_start3A_26, %dma_start3A_27] : memref<1015808x32xf32, #tpu.memory_space<hbm>> -> memref<1015808x32xf32, #tpu.memory_space<hbm>>
    tpu.enqueue_indirect_dma source(%dma_start3A_28 : memref<1015808x32xf32, #tpu.memory_space<hbm>>) target(%arg8 : memref<128x32xf32, #tpu.memory_space<vmem>>) offsets(%dma_start3A_25 : memref<128xi32, #tpu.memory_space<vmem>>) semaphore(%arg24 : memref<!tpu.dma_semaphore, #tpu.memory_space<semaphore_mem>>)
    %dma_start3A_29 = arith.constant 0 : i32
    %dma_start3A_30 = arith.constant 3 : i32
    %dma_start3A_31 = arith.constant 0 : i32
    %dma_start3A_32 = tpu.memref_slice %arg5[%dma_start3A_29, %dma_start3A_30, %dma_start3A_31] : memref<25x8x128xi32, #tpu.memory_space<vmem>> -> memref<1x1x128xi32, #tpu.memory_space<vmem>>
    %dma_start3A_33 = tpu.memref_squeeze %dma_start3A_32 : memref<1x1x128xi32, #tpu.memory_space<vmem>> -> memref<128xi32, #tpu.memory_space<vmem>>
    %dma_start3A_34 = arith.constant 0 : i32
    %dma_start3A_35 = arith.constant 0 : i32
    %dma_start3A_36 = tpu.memref_slice %arg3[%dma_start3A_34, %dma_start3A_35] : memref<1015808x32xf32, #tpu.memory_space<hbm>> -> memref<1015808x32xf32, #tpu.memory_space<hbm>>
    tpu.enqueue_indirect_dma source(%dma_start3A_36 : memref<1015808x32xf32, #tpu.memory_space<hbm>>) target(%arg9 : memref<128x32xf32, #tpu.memory_space<vmem>>) offsets(%dma_start3A_33 : memref<128xi32, #tpu.memory_space<vmem>>) semaphore(%arg25 : memref<!tpu.dma_semaphore, #tpu.memory_space<semaphore_mem>>)
    %dma_start3A_37 = arith.constant 0 : i32
    %dma_start3A_38 = arith.constant 4 : i32
    %dma_start3A_39 = arith.constant 0 : i32
    %dma_start3A_40 = tpu.memref_slice %arg5[%dma_start3A_37, %dma_start3A_38, %dma_start3A_39] : memref<25x8x128xi32, #tpu.memory_space<vmem>> -> memref<1x1x128xi32, #tpu.memory_space<vmem>>
    %dma_start3A_41 = tpu.memref_squeeze %dma_start3A_40 : memref<1x1x128xi32, #tpu.memory_space<vmem>> -> memref<128xi32, #tpu.memory_space<vmem>>
    %dma_start3A_42 = arith.constant 0 : i32
    %dma_start3A_43 = arith.constant 0 : i32
    %dma_start3A_44 = tpu.memref_slice %arg3[%dma_start3A_42, %dma_start3A_43] : memref<1015808x32xf32, #tpu.memory_space<hbm>> -> memref<1015808x32xf32, #tpu.memory_space<hbm>>
    tpu.enqueue_indirect_dma source(%dma_start3A_44 : memref<1015808x32xf32, #tpu.memory_space<hbm>>) target(%arg10 : memref<128x32xf32, #tpu.memory_space<vmem>>) offsets(%dma_start3A_41 : memref<128xi32, #tpu.memory_space<vmem>>) semaphore(%arg26 : memref<!tpu.dma_semaphore, #tpu.memory_space<semaphore_mem>>)
    %dma_start3A_45 = arith.constant 0 : i32
    %dma_start3A_46 = arith.constant 5 : i32
    %dma_start3A_47 = arith.constant 0 : i32
    %dma_start3A_48 = tpu.memref_slice %arg5[%dma_start3A_45, %dma_start3A_46, %dma_start3A_47] : memref<25x8x128xi32, #tpu.memory_space<vmem>> -> memref<1x1x128xi32, #tpu.memory_space<vmem>>
    %dma_start3A_49 = tpu.memref_squeeze %dma_start3A_48 : memref<1x1x128xi32, #tpu.memory_space<vmem>> -> memref<128xi32, #tpu.memory_space<vmem>>
    %dma_start3A_50 = arith.constant 0 : i32
    %dma_start3A_51 = arith.constant 0 : i32
    %dma_start3A_52 = tpu.memref_slice %arg3[%dma_start3A_50, %dma_start3A_51] : memref<1015808x32xf32, #tpu.memory_space<hbm>> -> memref<1015808x32xf32, #tpu.memory_space<hbm>>
    tpu.enqueue_indirect_dma source(%dma_start3A_52 : memref<1015808x32xf32, #tpu.memory_space<hbm>>) target(%arg11 : memref<128x32xf32, #tpu.memory_space<vmem>>) offsets(%dma_start3A_49 : memref<128xi32, #tpu.memory_space<vmem>>) semaphore(%arg27 : memref<!tpu.dma_semaphore, #tpu.memory_space<semaphore_mem>>)
    %dma_start3A_53 = arith.constant 0 : i32
    %dma_start3A_54 = arith.constant 6 : i32
    %dma_start3A_55 = arith.constant 0 : i32
    %dma_start3A_56 = tpu.memref_slice %arg5[%dma_start3A_53, %dma_start3A_54, %dma_start3A_55] : memref<25x8x128xi32, #tpu.memory_space<vmem>> -> memref<1x1x128xi32, #tpu.memory_space<vmem>>
    %dma_start3A_57 = tpu.memref_squeeze %dma_start3A_56 : memref<1x1x128xi32, #tpu.memory_space<vmem>> -> memref<128xi32, #tpu.memory_space<vmem>>
    %dma_start3A_58 = arith.constant 0 : i32
    %dma_start3A_59 = arith.constant 0 : i32
    %dma_start3A_60 = tpu.memref_slice %arg3[%dma_start3A_58, %dma_start3A_59] : memref<1015808x32xf32, #tpu.memory_space<hbm>> -> memref<1015808x32xf32, #tpu.memory_space<hbm>>
    tpu.enqueue_indirect_dma source(%dma_start3A_60 : memref<1015808x32xf32, #tpu.memory_space<hbm>>) target(%arg12 : memref<128x32xf32, #tpu.memory_space<vmem>>) offsets(%dma_start3A_57 : memref<128xi32, #tpu.memory_space<vmem>>) semaphore(%arg28 : memref<!tpu.dma_semaphore, #tpu.memory_space<semaphore_mem>>)
    %dma_start3A_61 = arith.constant 0 : i32
    %dma_start3A_62 = arith.constant 7 : i32
    %dma_start3A_63 = arith.constant 0 : i32
    %dma_start3A_64 = tpu.memref_slice %arg5[%dma_start3A_61, %dma_start3A_62, %dma_start3A_63] : memref<25x8x128xi32, #tpu.memory_space<vmem>> -> memref<1x1x128xi32, #tpu.memory_space<vmem>>
    %dma_start3A_65 = tpu.memref_squeeze %dma_start3A_64 : memref<1x1x128xi32, #tpu.memory_space<vmem>> -> memref<128xi32, #tpu.memory_space<vmem>>
    %dma_start3A_66 = arith.constant 0 : i32
    %dma_start3A_67 = arith.constant 0 : i32
    %dma_start3A_68 = tpu.memref_slice %arg3[%dma_start3A_66, %dma_start3A_67] : memref<1015808x32xf32, #tpu.memory_space<hbm>> -> memref<1015808x32xf32, #tpu.memory_space<hbm>>
    tpu.enqueue_indirect_dma source(%dma_start3A_68 : memref<1015808x32xf32, #tpu.memory_space<hbm>>) target(%arg13 : memref<128x32xf32, #tpu.memory_space<vmem>>) offsets(%dma_start3A_65 : memref<128xi32, #tpu.memory_space<vmem>>) semaphore(%arg29 : memref<!tpu.dma_semaphore, #tpu.memory_space<semaphore_mem>>)
    %scan3A_69 = arith.constant 0 : i32
    %scan3A_70 = arith.constant 0 : i32
    %scan3A_71 = arith.constant 25 : i32
    %scan3A_72 = arith.addi %scan3A_70, %scan3A_71 : i32
    %scan3A_73 = arith.constant 1 : i32
    scf.for %scan3A_226 = %scan3A_70 to %scan3A_72 step %scan3A_73  : i32 {
      %mul3A_227 = arith.constant 8 : i32
      %mul3A_228 = arith.muli %scan3A_226, %mul3A_227 : i32
      %add3A_229 = arith.constant 0 : i32
      %add3A_230 = arith.addi %mul3A_228, %add3A_229 : i32
      %jit3A = arith.constant 8 : i32
      %div3A = arith.divsi %add3A_230, %jit3A : i32
      %sign3A = arith.constant 0 : i32
      %sign3A_231 = arith.cmpi sgt, %add3A_230, %sign3A : i32
      %sign3A_232 = arith.extui %sign3A_231 : i1 to i32
      %sign3A_233 = arith.constant 0 : i32
      %sign3A_234 = arith.cmpi slt, %add3A_230, %sign3A_233 : i32
      %sign3A_235 = arith.extui %sign3A_234 : i1 to i32
      %sign3A_236 = arith.subi %sign3A_232, %sign3A_235 : i32
      %sign3A_237 = arith.constant 0 : i32
      %sign3A_238 = arith.cmpi sgt, %jit3A, %sign3A_237 : i32
      %sign3A_239 = arith.extui %sign3A_238 : i1 to i32
      %sign3A_240 = arith.constant 0 : i32
      %sign3A_241 = arith.cmpi slt, %jit3A, %sign3A_240 : i32
      %sign3A_242 = arith.extui %sign3A_241 : i1 to i32
      %sign3A_243 = arith.subi %sign3A_239, %sign3A_242 : i32
      %ne3A = arith.cmpi ne, %sign3A_236, %sign3A_243 : i32
      %rem3A = arith.remsi %add3A_230, %jit3A : i32
      %ne3A_244 = arith.constant 0 : i32
      %ne3A_245 = arith.cmpi ne, %rem3A, %ne3A_244 : i32
      %and3A = arith.andi %ne3A, %ne3A_245 : i1
      %sub3A = arith.constant 1 : i32
      %sub3A_246 = arith.subi %div3A, %sub3A : i32
      %select_n3A = arith.select %and3A, %sub3A_246, %div3A : i32
      %jit3A_247 = arith.constant 8 : i32
      %eq3A = arith.constant 0 : i32
      %eq3A_248 = arith.cmpi eq, %jit3A_247, %eq3A : i32
      %jit3A_249 = arith.constant 1 : i32
      %select_n3A_250 = arith.select %eq3A_248, %jit3A_249, %jit3A_247 : i32
      %rem3A_251 = arith.remsi %add3A_230, %select_n3A_250 : i32
      %ne3A_252 = arith.constant 0 : i32
      %ne3A_253 = arith.cmpi ne, %rem3A_251, %ne3A_252 : i32
      %lt3A = arith.constant 0 : i32
      %lt3A_254 = arith.cmpi slt, %rem3A_251, %lt3A : i32
      %lt3A_255 = arith.constant 0 : i32
      %lt3A_256 = arith.cmpi slt, %select_n3A_250, %lt3A_255 : i32
      %ne3A_257 = arith.xori %lt3A_254, %lt3A_256 : i1
      %and3A_258 = arith.andi %ne3A_257, %ne3A_253 : i1
      %add3A_259 = arith.addi %rem3A_251, %select_n3A_250 : i32
      %select_n3A_260 = arith.select %and3A_258, %add3A_259, %rem3A_251 : i32
      %dma_wait3A_261 = arith.constant 0 : i32
      %dma_wait3A_262 = tpu.memref_slice %arg5[%select_n3A, %select_n3A_260, %dma_wait3A_261] : memref<25x8x128xi32, #tpu.memory_space<vmem>> -> memref<1x1x128xi32, #tpu.memory_space<vmem>>
      %dma_wait3A_263 = tpu.memref_squeeze %dma_wait3A_262 : memref<1x1x128xi32, #tpu.memory_space<vmem>> -> memref<128xi32, #tpu.memory_space<vmem>>
      %dma_wait3A_264 = arith.constant 0 : i32
      %dma_wait3A_265 = arith.constant 0 : i32
      %dma_wait3A_266 = tpu.memref_slice %arg3[%dma_wait3A_264, %dma_wait3A_265] : memref<1015808x32xf32, #tpu.memory_space<hbm>> -> memref<1015808x32xf32, #tpu.memory_space<hbm>>
      tpu.wait_indirect_dma semaphore(%arg22 : memref<!tpu.dma_semaphore, #tpu.memory_space<semaphore_mem>>) src(%dma_wait3A_266 : memref<1015808x32xf32, #tpu.memory_space<hbm>>) dst(%arg6 : memref<128x32xf32, #tpu.memory_space<vmem>>)
      %gt3A = arith.constant 0 : i32
      %gt3A_267 = arith.cmpi sgt, %scan3A_226, %gt3A : i32
      %convert_element_type3A = arith.extui %gt3A_267 : i1 to i32
      %cond3A = arith.constant 0 : i32
      %cond3A_268 = arith.cmpi ne, %convert_element_type3A, %cond3A : i32
      scf.if %cond3A_268 {
        %sub3A_893 = arith.constant 8 : i32
        %sub3A_894 = arith.subi %add3A_230, %sub3A_893 : i32
        %dma_wait3A_895 = arith.constant 0 : i32
        %dma_wait3A_896 = arith.constant 0 : i32
        %dma_wait3A_897 = arith.constant 0 : i32
        %dma_wait3A_898 = tpu.memref_slice %arg14[%dma_wait3A_895, %dma_wait3A_896, %dma_wait3A_897] : memref<4x8x129xf32, #tpu.memory_space<vmem>> -> memref<4x8x128xf32, #tpu.memory_space<vmem>>
        %dma_wait3A_899 = arith.constant 0 : i32
        %dma_wait3A_900 = arith.constant 0 : i32
        %dma_wait3A_901 = arith.constant 0 : i32
        %dma_wait3A_902 = tpu.memref_slice %arg4[%sub3A_894, %dma_wait3A_899, %add3A, %dma_wait3A_900, %dma_wait3A_901] : memref<200x4x32x8x128xf32, #tpu.memory_space<hbm>> -> memref<1x4x1x8x128xf32, #tpu.memory_space<hbm>>
        %dma_wait3A_903 = tpu.memref_squeeze %dma_wait3A_902 : memref<1x4x1x8x128xf32, #tpu.memory_space<hbm>> -> memref<4x8x128xf32, #tpu.memory_space<hbm>>
        %dma_wait3A_904 = arith.constant 0 : i32
        %dma_wait3A_905 = arith.constant 0 : i32
        %dma_wait3A_906 = arith.constant 0 : i32
        %dma_wait3A_907 = tpu.memref_slice %arg4[%sub3A_894, %dma_wait3A_904, %add3A, %dma_wait3A_905, %dma_wait3A_906] : memref<200x4x32x8x128xf32, #tpu.memory_space<hbm>> -> memref<1x4x1x8x128xf32, #tpu.memory_space<hbm>>
        %dma_wait3A_908 = tpu.memref_squeeze %dma_wait3A_907 : memref<1x4x1x8x128xf32, #tpu.memory_space<hbm>> -> memref<4x8x128xf32, #tpu.memory_space<hbm>>
        %dma_wait3A_909 = arith.constant 0 : i32
        %dma_wait3A_910 = arith.constant 0 : i32
        %dma_wait3A_911 = arith.constant 0 : i32
        %dma_wait3A_912 = tpu.memref_slice %arg14[%dma_wait3A_909, %dma_wait3A_910, %dma_wait3A_911] : memref<4x8x129xf32, #tpu.memory_space<vmem>> -> memref<4x8x128xf32, #tpu.memory_space<vmem>>
        tpu.wait_dma2 semaphore(%arg30 : memref<!tpu.dma_semaphore, #tpu.memory_space<semaphore_mem>>) src(%dma_wait3A_912 : memref<4x8x128xf32, #tpu.memory_space<vmem>>) dst(%dma_wait3A_908 : memref<4x8x128xf32, #tpu.memory_space<hbm>>)
      } else {
      }
      %iota3A = tpu.iota {dimensions = array<i32: 0>} : vector<16xi32>
      %scan3A_269 = arith.constant 0 : i32
      %scan3A_270 = arith.constant 0 : i32
      %scan3A_271 = arith.constant 32 : i32
      %scan3A_272 = arith.addi %scan3A_270, %scan3A_271 : i32
      %scan3A_273 = arith.constant 1 : i32
      scf.for %scan3A_893 = %scan3A_270 to %scan3A_272 step %scan3A_273  : i32 {
        %mul3A_894 = arith.constant 4 : i32
        %mul3A_895 = arith.muli %scan3A_893, %mul3A_894 : i32
        %add3A_896 = arith.constant 0 : i32
        %add3A_897 = arith.addi %mul3A_895, %add3A_896 : i32
        %broadcast_in_dim3A = vector.broadcast %add3A_897 : i32 to vector<16xi32>
        %add3A_898 = arith.constant 0 : i32
        %add3A_899 = vector.broadcast %add3A_898 : i32 to vector<16xi32>
        %add3A_900 = arith.addi %add3A_899, %iota3A : vector<16xi32>
        %shift_right_logical3A = arith.constant 3 : i32
        %shift_right_logical3A_901 = vector.broadcast %shift_right_logical3A : i32 to vector<16xi32>
        %shift_right_logical3A_902 = arith.shrui %add3A_900, %shift_right_logical3A_901 : vector<16xi32>
        %and3A_903 = arith.constant 7 : i32
        %and3A_904 = vector.broadcast %and3A_903 : i32 to vector<16xi32>
        %and3A_905 = arith.andi %add3A_900, %and3A_904 : vector<16xi32>
        %get3A = arith.index_cast %add3A_897 : i32 to index
        %get3A_906 = arith.constant 0 : index
        %get3A_907 = tpu.vector_load %arg6[%get3A, %get3A_906] {strides = array<i32>} : memref<128x32xf32, #tpu.memory_space<vmem>>, vector<16xf32>,
        tpu.vector_store_idx %arg14[%shift_right_logical3A_902, %and3A_905, %broadcast_in_dim3A], %get3A_907 : memref<4x8x129xf32, #tpu.memory_space<vmem>>[vector<16xi32>, vector<16xi32>, vector<16xi32>], vector<16xf32>,
        %add3A_908 = arith.constant 16 : i32
        %add3A_909 = vector.broadcast %add3A_908 : i32 to vector<16xi32>
        %add3A_910 = arith.addi %add3A_909, %iota3A : vector<16xi32>
        %shift_right_logical3A_911 = arith.constant 3 : i32
        %shift_right_logical3A_912 = vector.broadcast %shift_right_logical3A_911 : i32 to vector<16xi32>
        %shift_right_logical3A_913 = arith.shrui %add3A_910, %shift_right_logical3A_912 : vector<16xi32>
        %and3A_914 = arith.constant 7 : i32
        %and3A_915 = vector.broadcast %and3A_914 : i32 to vector<16xi32>
        %and3A_916 = arith.andi %add3A_910, %and3A_915 : vector<16xi32>
        %get3A_917 = arith.index_cast %add3A_897 : i32 to index
        %get3A_918 = arith.constant 16 : index
        %get3A_919 = tpu.vector_load %arg6[%get3A_917, %get3A_918] {strides = array<i32>} : memref<128x32xf32, #tpu.memory_space<vmem>>, vector<16xf32>,
        tpu.vector_store_idx %arg14[%shift_right_logical3A_913, %and3A_916, %broadcast_in_dim3A], %get3A_919 : memref<4x8x129xf32, #tpu.memory_space<vmem>>[vector<16xi32>, vector<16xi32>, vector<16xi32>], vector<16xf32>,
        %mul3A_920 = arith.constant 4 : i32
        %mul3A_921 = arith.muli %scan3A_893, %mul3A_920 : i32
        %add3A_922 = arith.constant 1 : i32
        %add3A_923 = arith.addi %mul3A_921, %add3A_922 : i32
        %broadcast_in_dim3A_924 = vector.broadcast %add3A_923 : i32 to vector<16xi32>
        %add3A_925 = arith.constant 0 : i32
        %add3A_926 = vector.broadcast %add3A_925 : i32 to vector<16xi32>
        %add3A_927 = arith.addi %add3A_926, %iota3A : vector<16xi32>
        %shift_right_logical3A_928 = arith.constant 3 : i32
        %shift_right_logical3A_929 = vector.broadcast %shift_right_logical3A_928 : i32 to vector<16xi32>
        %shift_right_logical3A_930 = arith.shrui %add3A_927, %shift_right_logical3A_929 : vector<16xi32>
        %and3A_931 = arith.constant 7 : i32
        %and3A_932 = vector.broadcast %and3A_931 : i32 to vector<16xi32>
        %and3A_933 = arith.andi %add3A_927, %and3A_932 : vector<16xi32>
        %get3A_934 = arith.index_cast %add3A_923 : i32 to index
        %get3A_935 = arith.constant 0 : index
        %get3A_936 = tpu.vector_load %arg6[%get3A_934, %get3A_935] {strides = array<i32>} : memref<128x32xf32, #tpu.memory_space<vmem>>, vector<16xf32>,
        tpu.vector_store_idx %arg14[%shift_right_logical3A_930, %and3A_933, %broadcast_in_dim3A_924], %get3A_936 : memref<4x8x129xf32, #tpu.memory_space<vmem>>[vector<16xi32>, vector<16xi32>, vector<16xi32>], vector<16xf32>,
        %add3A_937 = arith.constant 16 : i32
        %add3A_938 = vector.broadcast %add3A_937 : i32 to vector<16xi32>
        %add3A_939 = arith.addi %add3A_938, %iota3A : vector<16xi32>
        %shift_right_logical3A_940 = arith.constant 3 : i32
        %shift_right_logical3A_941 = vector.broadcast %shift_right_logical3A_940 : i32 to vector<16xi32>
        %shift_right_logical3A_942 = arith.shrui %add3A_939, %shift_right_logical3A_941 : vector<16xi32>
        %and3A_943 = arith.constant 7 : i32
        %and3A_944 = vector.broadcast %and3A_943 : i32 to vector<16xi32>
        %and3A_945 = arith.andi %add3A_939, %and3A_944 : vector<16xi32>
        %get3A_946 = arith.index_cast %add3A_923 : i32 to index
        %get3A_947 = arith.constant 16 : index
        %get3A_948 = tpu.vector_load %arg6[%get3A_946, %get3A_947] {strides = array<i32>} : memref<128x32xf32, #tpu.memory_space<vmem>>, vector<16xf32>,
        tpu.vector_store_idx %arg14[%shift_right_logical3A_942, %and3A_945, %broadcast_in_dim3A_924], %get3A_948 : memref<4x8x129xf32, #tpu.memory_space<vmem>>[vector<16xi32>, vector<16xi32>, vector<16xi32>], vector<16xf32>,
        %mul3A_949 = arith.constant 4 : i32
        %mul3A_950 = arith.muli %scan3A_893, %mul3A_949 : i32
        %add3A_951 = arith.constant 2 : i32
        %add3A_952 = arith.addi %mul3A_950, %add3A_951 : i32
        %broadcast_in_dim3A_953 = vector.broadcast %add3A_952 : i32 to vector<16xi32>
        %add3A_954 = arith.constant 0 : i32
        %add3A_955 = vector.broadcast %add3A_954 : i32 to vector<16xi32>
        %add3A_956 = arith.addi %add3A_955, %iota3A : vector<16xi32>
        %shift_right_logical3A_957 = arith.constant 3 : i32
        %shift_right_logical3A_958 = vector.broadcast %shift_right_logical3A_957 : i32 to vector<16xi32>
        %shift_right_logical3A_959 = arith.shrui %add3A_956, %shift_right_logical3A_958 : vector<16xi32>
        %and3A_960 = arith.constant 7 : i32
        %and3A_961 = vector.broadcast %and3A_960 : i32 to vector<16xi32>
        %and3A_962 = arith.andi %add3A_956, %and3A_961 : vector<16xi32>
        %get3A_963 = arith.index_cast %add3A_952 : i32 to index
        %get3A_964 = arith.constant 0 : index
        %get3A_965 = tpu.vector_load %arg6[%get3A_963, %get3A_964] {strides = array<i32>} : memref<128x32xf32, #tpu.memory_space<vmem>>, vector<16xf32>,
        tpu.vector_store_idx %arg14[%shift_right_logical3A_959, %and3A_962, %broadcast_in_dim3A_953], %get3A_965 : memref<4x8x129xf32, #tpu.memory_space<vmem>>[vector<16xi32>, vector<16xi32>, vector<16xi32>], vector<16xf32>,
        %add3A_966 = arith.constant 16 : i32
        %add3A_967 = vector.broadcast %add3A_966 : i32 to vector<16xi32>
        %add3A_968 = arith.addi %add3A_967, %iota3A : vector<16xi32>
        %shift_right_logical3A_969 = arith.constant 3 : i32
        %shift_right_logical3A_970 = vector.broadcast %shift_right_logical3A_969 : i32 to vector<16xi32>
        %shift_right_logical3A_971 = arith.shrui %add3A_968, %shift_right_logical3A_970 : vector<16xi32>
        %and3A_972 = arith.constant 7 : i32
        %and3A_973 = vector.broadcast %and3A_972 : i32 to vector<16xi32>
        %and3A_974 = arith.andi %add3A_968, %and3A_973 : vector<16xi32>
        %get3A_975 = arith.index_cast %add3A_952 : i32 to index
        %get3A_976 = arith.constant 16 : index
        %get3A_977 = tpu.vector_load %arg6[%get3A_975, %get3A_976] {strides = array<i32>} : memref<128x32xf32, #tpu.memory_space<vmem>>, vector<16xf32>,
        tpu.vector_store_idx %arg14[%shift_right_logical3A_971, %and3A_974, %broadcast_in_dim3A_953], %get3A_977 : memref<4x8x129xf32, #tpu.memory_space<vmem>>[vector<16xi32>, vector<16xi32>, vector<16xi32>], vector<16xf32>,
        %mul3A_978 = arith.constant 4 : i32
        %mul3A_979 = arith.muli %scan3A_893, %mul3A_978 : i32
        %add3A_980 = arith.constant 3 : i32
        %add3A_981 = arith.addi %mul3A_979, %add3A_980 : i32
        %broadcast_in_dim3A_982 = vector.broadcast %add3A_981 : i32 to vector<16xi32>
        %add3A_983 = arith.constant 0 : i32
        %add3A_984 = vector.broadcast %add3A_983 : i32 to vector<16xi32>
        %add3A_985 = arith.addi %add3A_984, %iota3A : vector<16xi32>
        %shift_right_logical3A_986 = arith.constant 3 : i32
        %shift_right_logical3A_987 = vector.broadcast %shift_right_logical3A_986 : i32 to vector<16xi32>
        %shift_right_logical3A_988 = arith.shrui %add3A_985, %shift_right_logical3A_987 : vector<16xi32>
        %and3A_989 = arith.constant 7 : i32
        %and3A_990 = vector.broadcast %and3A_989 : i32 to vector<16xi32>
        %and3A_991 = arith.andi %add3A_985, %and3A_990 : vector<16xi32>
        %get3A_992 = arith.index_cast %add3A_981 : i32 to index
        %get3A_993 = arith.constant 0 : index
        %get3A_994 = tpu.vector_load %arg6[%get3A_992, %get3A_993] {strides = array<i32>} : memref<128x32xf32, #tpu.memory_space<vmem>>, vector<16xf32>,
        tpu.vector_store_idx %arg14[%shift_right_logical3A_988, %and3A_991, %broadcast_in_dim3A_982], %get3A_994 : memref<4x8x129xf32, #tpu.memory_space<vmem>>[vector<16xi32>, vector<16xi32>, vector<16xi32>], vector<16xf32>,
        %add3A_995 = arith.constant 16 : i32
        %add3A_996 = vector.broadcast %add3A_995 : i32 to vector<16xi32>
        %add3A_997 = arith.addi %add3A_996, %iota3A : vector<16xi32>
        %shift_right_logical3A_998 = arith.constant 3 : i32
        %shift_right_logical3A_999 = vector.broadcast %shift_right_logical3A_998 : i32 to vector<16xi32>
        %shift_right_logical3A_1000 = arith.shrui %add3A_997, %shift_right_logical3A_999 : vector<16xi32>
        %and3A_1001 = arith.constant 7 : i32
        %and3A_1002 = vector.broadcast %and3A_1001 : i32 to vector<16xi32>
        %and3A_1003 = arith.andi %add3A_997, %and3A_1002 : vector<16xi32>
        %get3A_1004 = arith.index_cast %add3A_981 : i32 to index
        %get3A_1005 = arith.constant 16 : index
        %get3A_1006 = tpu.vector_load %arg6[%get3A_1004, %get3A_1005] {strides = array<i32>} : memref<128x32xf32, #tpu.memory_space<vmem>>, vector<16xf32>,
        tpu.vector_store_idx %arg14[%shift_right_logical3A_1000, %and3A_1003, %broadcast_in_dim3A_982], %get3A_1006 : memref<4x8x129xf32, #tpu.memory_space<vmem>>[vector<16xi32>, vector<16xi32>, vector<16xi32>], vector<16xf32>,
      }
      %scan3A_274 = arith.constant 32 : i32
      %lt3A_275 = arith.constant 24 : i32
      %lt3A_276 = arith.cmpi slt, %scan3A_226, %lt3A_275 : i32
      %convert_element_type3A_277 = arith.extui %lt3A_276 : i1 to i32
      %cond3A_278 = arith.constant 0 : i32
      %cond3A_279 = arith.cmpi ne, %convert_element_type3A_277, %cond3A_278 : i32
      scf.if %cond3A_279 {
        %add3A_893 = arith.constant 8 : i32
        %add3A_894 = arith.addi %add3A_230, %add3A_893 : i32
        %jit3A_895 = arith.constant 8 : i32
        %div3A_896 = arith.divsi %add3A_894, %jit3A_895 : i32
        %sign3A_897 = arith.constant 0 : i32
        %sign3A_898 = arith.cmpi sgt, %add3A_894, %sign3A_897 : i32
        %sign3A_899 = arith.extui %sign3A_898 : i1 to i32
        %sign3A_900 = arith.constant 0 : i32
        %sign3A_901 = arith.cmpi slt, %add3A_894, %sign3A_900 : i32
        %sign3A_902 = arith.extui %sign3A_901 : i1 to i32
        %sign3A_903 = arith.subi %sign3A_899, %sign3A_902 : i32
        %sign3A_904 = arith.constant 0 : i32
        %sign3A_905 = arith.cmpi sgt, %jit3A_895, %sign3A_904 : i32
        %sign3A_906 = arith.extui %sign3A_905 : i1 to i32
        %sign3A_907 = arith.constant 0 : i32
        %sign3A_908 = arith.cmpi slt, %jit3A_895, %sign3A_907 : i32
        %sign3A_909 = arith.extui %sign3A_908 : i1 to i32
        %sign3A_910 = arith.subi %sign3A_906, %sign3A_909 : i32
        %ne3A_911 = arith.cmpi ne, %sign3A_903, %sign3A_910 : i32
        %rem3A_912 = arith.remsi %add3A_894, %jit3A_895 : i32
        %ne3A_913 = arith.constant 0 : i32
        %ne3A_914 = arith.cmpi ne, %rem3A_912, %ne3A_913 : i32
        %and3A_915 = arith.andi %ne3A_911, %ne3A_914 : i1
        %sub3A_916 = arith.constant 1 : i32
        %sub3A_917 = arith.subi %div3A_896, %sub3A_916 : i32
        %select_n3A_918 = arith.select %and3A_915, %sub3A_917, %div3A_896 : i32
        %jit3A_919 = arith.constant 8 : i32
        %eq3A_920 = arith.constant 0 : i32
        %eq3A_921 = arith.cmpi eq, %jit3A_919, %eq3A_920 : i32
        %jit3A_922 = arith.constant 1 : i32
        %select_n3A_923 = arith.select %eq3A_921, %jit3A_922, %jit3A_919 : i32
        %rem3A_924 = arith.remsi %add3A_894, %select_n3A_923 : i32
        %ne3A_925 = arith.constant 0 : i32
        %ne3A_926 = arith.cmpi ne, %rem3A_924, %ne3A_925 : i32
        %lt3A_927 = arith.constant 0 : i32
        %lt3A_928 = arith.cmpi slt, %rem3A_924, %lt3A_927 : i32
        %lt3A_929 = arith.constant 0 : i32
        %lt3A_930 = arith.cmpi slt, %select_n3A_923, %lt3A_929 : i32
        %ne3A_931 = arith.xori %lt3A_928, %lt3A_930 : i1
        %and3A_932 = arith.andi %ne3A_931, %ne3A_926 : i1
        %add3A_933 = arith.addi %rem3A_924, %select_n3A_923 : i32
        %select_n3A_934 = arith.select %and3A_932, %add3A_933, %rem3A_924 : i32
        %dma_start3A_935 = arith.constant 0 : i32
        %dma_start3A_936 = tpu.memref_slice %arg5[%select_n3A_918, %select_n3A_934, %dma_start3A_935] : memref<25x8x128xi32, #tpu.memory_space<vmem>> -> memref<1x1x128xi32, #tpu.memory_space<vmem>>
        %dma_start3A_937 = tpu.memref_squeeze %dma_start3A_936 : memref<1x1x128xi32, #tpu.memory_space<vmem>> -> memref<128xi32, #tpu.memory_space<vmem>>
        %dma_start3A_938 = arith.constant 0 : i32
        %dma_start3A_939 = arith.constant 0 : i32
        %dma_start3A_940 = tpu.memref_slice %arg3[%dma_start3A_938, %dma_start3A_939] : memref<1015808x32xf32, #tpu.memory_space<hbm>> -> memref<1015808x32xf32, #tpu.memory_space<hbm>>
        tpu.enqueue_indirect_dma source(%dma_start3A_940 : memref<1015808x32xf32, #tpu.memory_space<hbm>>) target(%arg6 : memref<128x32xf32, #tpu.memory_space<vmem>>) offsets(%dma_start3A_937 : memref<128xi32, #tpu.memory_space<vmem>>) semaphore(%arg22 : memref<!tpu.dma_semaphore, #tpu.memory_space<semaphore_mem>>)
      } else {
      }
      %dma_start3A_280 = arith.constant 0 : i32
      %dma_start3A_281 = arith.constant 0 : i32
      %dma_start3A_282 = arith.constant 0 : i32
      %dma_start3A_283 = tpu.memref_slice %arg14[%dma_start3A_280, %dma_start3A_281, %dma_start3A_282] : memref<4x8x129xf32, #tpu.memory_space<vmem>> -> memref<4x8x128xf32, #tpu.memory_space<vmem>>
      %dma_start3A_284 = arith.constant 0 : i32
      %dma_start3A_285 = arith.constant 0 : i32
      %dma_start3A_286 = arith.constant 0 : i32
      %dma_start3A_287 = tpu.memref_slice %arg4[%add3A_230, %dma_start3A_284, %add3A, %dma_start3A_285, %dma_start3A_286] : memref<200x4x32x8x128xf32, #tpu.memory_space<hbm>> -> memref<1x4x1x8x128xf32, #tpu.memory_space<hbm>>
      %dma_start3A_288 = tpu.memref_squeeze %dma_start3A_287 : memref<1x4x1x8x128xf32, #tpu.memory_space<hbm>> -> memref<4x8x128xf32, #tpu.memory_space<hbm>>
      %dma_start3A_289 = arith.constant 0 : i32
      %dma_start3A_290 = arith.constant 0 : i32
      %dma_start3A_291 = arith.constant 0 : i32
      %dma_start3A_292 = tpu.memref_slice %arg4[%add3A_230, %dma_start3A_289, %add3A, %dma_start3A_290, %dma_start3A_291] : memref<200x4x32x8x128xf32, #tpu.memory_space<hbm>> -> memref<1x4x1x8x128xf32, #tpu.memory_space<hbm>>
      %dma_start3A_293 = tpu.memref_squeeze %dma_start3A_292 : memref<1x4x1x8x128xf32, #tpu.memory_space<hbm>> -> memref<4x8x128xf32, #tpu.memory_space<hbm>>
      %dma_start3A_294 = arith.constant 0 : i32
      %dma_start3A_295 = arith.constant 0 : i32
      %dma_start3A_296 = arith.constant 0 : i32
      %dma_start3A_297 = tpu.memref_slice %arg14[%dma_start3A_294, %dma_start3A_295, %dma_start3A_296] : memref<4x8x129xf32, #tpu.memory_space<vmem>> -> memref<4x8x128xf32, #tpu.memory_space<vmem>>
      tpu.enqueue_dma source(%dma_start3A_297 : memref<4x8x128xf32, #tpu.memory_space<vmem>>) target(%dma_start3A_293 : memref<4x8x128xf32, #tpu.memory_space<hbm>>) target_semaphore(%arg30 : memref<!tpu.dma_semaphore, #tpu.memory_space<semaphore_mem>>)
      %mul3A_298 = arith.constant 8 : i32
      %mul3A_299 = arith.muli %scan3A_226, %mul3A_298 : i32
      %add3A_300 = arith.constant 1 : i32
      %add3A_301 = arith.addi %mul3A_299, %add3A_300 : i32
      %jit3A_302 = arith.constant 8 : i32
      %div3A_303 = arith.divsi %add3A_301, %jit3A_302 : i32
      %sign3A_304 = arith.constant 0 : i32
      %sign3A_305 = arith.cmpi sgt, %add3A_301, %sign3A_304 : i32
      %sign3A_306 = arith.extui %sign3A_305 : i1 to i32
      %sign3A_307 = arith.constant 0 : i32
      %sign3A_308 = arith.cmpi slt, %add3A_301, %sign3A_307 : i32
      %sign3A_309 = arith.extui %sign3A_308 : i1 to i32
      %sign3A_310 = arith.subi %sign3A_306, %sign3A_309 : i32
      %sign3A_311 = arith.constant 0 : i32
      %sign3A_312 = arith.cmpi sgt, %jit3A_302, %sign3A_311 : i32
      %sign3A_313 = arith.extui %sign3A_312 : i1 to i32
      %sign3A_314 = arith.constant 0 : i32
      %sign3A_315 = arith.cmpi slt, %jit3A_302, %sign3A_314 : i32
      %sign3A_316 = arith.extui %sign3A_315 : i1 to i32
      %sign3A_317 = arith.subi %sign3A_313, %sign3A_316 : i32
      %ne3A_318 = arith.cmpi ne, %sign3A_310, %sign3A_317 : i32
      %rem3A_319 = arith.remsi %add3A_301, %jit3A_302 : i32
      %ne3A_320 = arith.constant 0 : i32
      %ne3A_321 = arith.cmpi ne, %rem3A_319, %ne3A_320 : i32
      %and3A_322 = arith.andi %ne3A_318, %ne3A_321 : i1
      %sub3A_323 = arith.constant 1 : i32
      %sub3A_324 = arith.subi %div3A_303, %sub3A_323 : i32
      %select_n3A_325 = arith.select %and3A_322, %sub3A_324, %div3A_303 : i32
      %jit3A_326 = arith.constant 8 : i32
      %eq3A_327 = arith.constant 0 : i32
      %eq3A_328 = arith.cmpi eq, %jit3A_326, %eq3A_327 : i32
      %jit3A_329 = arith.constant 1 : i32
      %select_n3A_330 = arith.select %eq3A_328, %jit3A_329, %jit3A_326 : i32
      %rem3A_331 = arith.remsi %add3A_301, %select_n3A_330 : i32
      %ne3A_332 = arith.constant 0 : i32
      %ne3A_333 = arith.cmpi ne, %rem3A_331, %ne3A_332 : i32
      %lt3A_334 = arith.constant 0 : i32
      %lt3A_335 = arith.cmpi slt, %rem3A_331, %lt3A_334 : i32
      %lt3A_336 = arith.constant 0 : i32
      %lt3A_337 = arith.cmpi slt, %select_n3A_330, %lt3A_336 : i32
      %ne3A_338 = arith.xori %lt3A_335, %lt3A_337 : i1
      %and3A_339 = arith.andi %ne3A_338, %ne3A_333 : i1
      %add3A_340 = arith.addi %rem3A_331, %select_n3A_330 : i32
      %select_n3A_341 = arith.select %and3A_339, %add3A_340, %rem3A_331 : i32
      %dma_wait3A_342 = arith.constant 0 : i32
      %dma_wait3A_343 = tpu.memref_slice %arg5[%select_n3A_325, %select_n3A_341, %dma_wait3A_342] : memref<25x8x128xi32, #tpu.memory_space<vmem>> -> memref<1x1x128xi32, #tpu.memory_space<vmem>>
      %dma_wait3A_344 = tpu.memref_squeeze %dma_wait3A_343 : memref<1x1x128xi32, #tpu.memory_space<vmem>> -> memref<128xi32, #tpu.memory_space<vmem>>
      %dma_wait3A_345 = arith.constant 0 : i32
      %dma_wait3A_346 = arith.constant 0 : i32
      %dma_wait3A_347 = tpu.memref_slice %arg3[%dma_wait3A_345, %dma_wait3A_346] : memref<1015808x32xf32, #tpu.memory_space<hbm>> -> memref<1015808x32xf32, #tpu.memory_space<hbm>>
      tpu.wait_indirect_dma semaphore(%arg23 : memref<!tpu.dma_semaphore, #tpu.memory_space<semaphore_mem>>) src(%dma_wait3A_347 : memref<1015808x32xf32, #tpu.memory_space<hbm>>) dst(%arg7 : memref<128x32xf32, #tpu.memory_space<vmem>>)
      %gt3A_348 = arith.constant 0 : i32
      %gt3A_349 = arith.cmpi sgt, %scan3A_226, %gt3A_348 : i32
      %convert_element_type3A_350 = arith.extui %gt3A_349 : i1 to i32
      %cond3A_351 = arith.constant 0 : i32
      %cond3A_352 = arith.cmpi ne, %convert_element_type3A_350, %cond3A_351 : i32
      scf.if %cond3A_352 {
        %sub3A_893 = arith.constant 8 : i32
        %sub3A_894 = arith.subi %add3A_301, %sub3A_893 : i32
        %dma_wait3A_895 = arith.constant 0 : i32
        %dma_wait3A_896 = arith.constant 0 : i32
        %dma_wait3A_897 = arith.constant 0 : i32
        %dma_wait3A_898 = tpu.memref_slice %arg15[%dma_wait3A_895, %dma_wait3A_896, %dma_wait3A_897] : memref<4x8x129xf32, #tpu.memory_space<vmem>> -> memref<4x8x128xf32, #tpu.memory_space<vmem>>
        %dma_wait3A_899 = arith.constant 0 : i32
        %dma_wait3A_900 = arith.constant 0 : i32
        %dma_wait3A_901 = arith.constant 0 : i32
        %dma_wait3A_902 = tpu.memref_slice %arg4[%sub3A_894, %dma_wait3A_899, %add3A, %dma_wait3A_900, %dma_wait3A_901] : memref<200x4x32x8x128xf32, #tpu.memory_space<hbm>> -> memref<1x4x1x8x128xf32, #tpu.memory_space<hbm>>
        %dma_wait3A_903 = tpu.memref_squeeze %dma_wait3A_902 : memref<1x4x1x8x128xf32, #tpu.memory_space<hbm>> -> memref<4x8x128xf32, #tpu.memory_space<hbm>>
        %dma_wait3A_904 = arith.constant 0 : i32
        %dma_wait3A_905 = arith.constant 0 : i32
        %dma_wait3A_906 = arith.constant 0 : i32
        %dma_wait3A_907 = tpu.memref_slice %arg4[%sub3A_894, %dma_wait3A_904, %add3A, %dma_wait3A_905, %dma_wait3A_906] : memref<200x4x32x8x128xf32, #tpu.memory_space<hbm>> -> memref<1x4x1x8x128xf32, #tpu.memory_space<hbm>>
        %dma_wait3A_908 = tpu.memref_squeeze %dma_wait3A_907 : memref<1x4x1x8x128xf32, #tpu.memory_space<hbm>> -> memref<4x8x128xf32, #tpu.memory_space<hbm>>
        %dma_wait3A_909 = arith.constant 0 : i32
        %dma_wait3A_910 = arith.constant 0 : i32
        %dma_wait3A_911 = arith.constant 0 : i32
        %dma_wait3A_912 = tpu.memref_slice %arg15[%dma_wait3A_909, %dma_wait3A_910, %dma_wait3A_911] : memref<4x8x129xf32, #tpu.memory_space<vmem>> -> memref<4x8x128xf32, #tpu.memory_space<vmem>>
        tpu.wait_dma2 semaphore(%arg31 : memref<!tpu.dma_semaphore, #tpu.memory_space<semaphore_mem>>) src(%dma_wait3A_912 : memref<4x8x128xf32, #tpu.memory_space<vmem>>) dst(%dma_wait3A_908 : memref<4x8x128xf32, #tpu.memory_space<hbm>>)
      } else {
      }
      %iota3A_353 = tpu.iota {dimensions = array<i32: 0>} : vector<16xi32>
      %scan3A_354 = arith.constant 0 : i32
      %scan3A_355 = arith.constant 0 : i32
      %scan3A_356 = arith.constant 32 : i32
      %scan3A_357 = arith.addi %scan3A_355, %scan3A_356 : i32
      %scan3A_358 = arith.constant 1 : i32
      scf.for %scan3A_893 = %scan3A_355 to %scan3A_357 step %scan3A_358  : i32 {
        %mul3A_894 = arith.constant 4 : i32
        %mul3A_895 = arith.muli %scan3A_893, %mul3A_894 : i32
        %add3A_896 = arith.constant 0 : i32
        %add3A_897 = arith.addi %mul3A_895, %add3A_896 : i32
        %broadcast_in_dim3A = vector.broadcast %add3A_897 : i32 to vector<16xi32>
        %add3A_898 = arith.constant 0 : i32
        %add3A_899 = vector.broadcast %add3A_898 : i32 to vector<16xi32>
        %add3A_900 = arith.addi %add3A_899, %iota3A_353 : vector<16xi32>
        %shift_right_logical3A = arith.constant 3 : i32
        %shift_right_logical3A_901 = vector.broadcast %shift_right_logical3A : i32 to vector<16xi32>
        %shift_right_logical3A_902 = arith.shrui %add3A_900, %shift_right_logical3A_901 : vector<16xi32>
        %and3A_903 = arith.constant 7 : i32
        %and3A_904 = vector.broadcast %and3A_903 : i32 to vector<16xi32>
        %and3A_905 = arith.andi %add3A_900, %and3A_904 : vector<16xi32>
        %get3A = arith.index_cast %add3A_897 : i32 to index
        %get3A_906 = arith.constant 0 : index
        %get3A_907 = tpu.vector_load %arg7[%get3A, %get3A_906] {strides = array<i32>} : memref<128x32xf32, #tpu.memory_space<vmem>>, vector<16xf32>,
        tpu.vector_store_idx %arg15[%shift_right_logical3A_902, %and3A_905, %broadcast_in_dim3A], %get3A_907 : memref<4x8x129xf32, #tpu.memory_space<vmem>>[vector<16xi32>, vector<16xi32>, vector<16xi32>], vector<16xf32>,
        %add3A_908 = arith.constant 16 : i32
        %add3A_909 = vector.broadcast %add3A_908 : i32 to vector<16xi32>
        %add3A_910 = arith.addi %add3A_909, %iota3A_353 : vector<16xi32>
        %shift_right_logical3A_911 = arith.constant 3 : i32
        %shift_right_logical3A_912 = vector.broadcast %shift_right_logical3A_911 : i32 to vector<16xi32>
        %shift_right_logical3A_913 = arith.shrui %add3A_910, %shift_right_logical3A_912 : vector<16xi32>
        %and3A_914 = arith.constant 7 : i32
        %and3A_915 = vector.broadcast %and3A_914 : i32 to vector<16xi32>
        %and3A_916 = arith.andi %add3A_910, %and3A_915 : vector<16xi32>
        %get3A_917 = arith.index_cast %add3A_897 : i32 to index
        %get3A_918 = arith.constant 16 : index
        %get3A_919 = tpu.vector_load %arg7[%get3A_917, %get3A_918] {strides = array<i32>} : memref<128x32xf32, #tpu.memory_space<vmem>>, vector<16xf32>,
        tpu.vector_store_idx %arg15[%shift_right_logical3A_913, %and3A_916, %broadcast_in_dim3A], %get3A_919 : memref<4x8x129xf32, #tpu.memory_space<vmem>>[vector<16xi32>, vector<16xi32>, vector<16xi32>], vector<16xf32>,
        %mul3A_920 = arith.constant 4 : i32
        %mul3A_921 = arith.muli %scan3A_893, %mul3A_920 : i32
        %add3A_922 = arith.constant 1 : i32
        %add3A_923 = arith.addi %mul3A_921, %add3A_922 : i32
        %broadcast_in_dim3A_924 = vector.broadcast %add3A_923 : i32 to vector<16xi32>
        %add3A_925 = arith.constant 0 : i32
        %add3A_926 = vector.broadcast %add3A_925 : i32 to vector<16xi32>
        %add3A_927 = arith.addi %add3A_926, %iota3A_353 : vector<16xi32>
        %shift_right_logical3A_928 = arith.constant 3 : i32
        %shift_right_logical3A_929 = vector.broadcast %shift_right_logical3A_928 : i32 to vector<16xi32>
        %shift_right_logical3A_930 = arith.shrui %add3A_927, %shift_right_logical3A_929 : vector<16xi32>
        %and3A_931 = arith.constant 7 : i32
        %and3A_932 = vector.broadcast %and3A_931 : i32 to vector<16xi32>
        %and3A_933 = arith.andi %add3A_927, %and3A_932 : vector<16xi32>
        %get3A_934 = arith.index_cast %add3A_923 : i32 to index
        %get3A_935 = arith.constant 0 : index
        %get3A_936 = tpu.vector_load %arg7[%get3A_934, %get3A_935] {strides = array<i32>} : memref<128x32xf32, #tpu.memory_space<vmem>>, vector<16xf32>,
        tpu.vector_store_idx %arg15[%shift_right_logical3A_930, %and3A_933, %broadcast_in_dim3A_924], %get3A_936 : memref<4x8x129xf32, #tpu.memory_space<vmem>>[vector<16xi32>, vector<16xi32>, vector<16xi32>], vector<16xf32>,
        %add3A_937 = arith.constant 16 : i32
        %add3A_938 = vector.broadcast %add3A_937 : i32 to vector<16xi32>
        %add3A_939 = arith.addi %add3A_938, %iota3A_353 : vector<16xi32>
        %shift_right_logical3A_940 = arith.constant 3 : i32
        %shift_right_logical3A_941 = vector.broadcast %shift_right_logical3A_940 : i32 to vector<16xi32>
        %shift_right_logical3A_942 = arith.shrui %add3A_939, %shift_right_logical3A_941 : vector<16xi32>
        %and3A_943 = arith.constant 7 : i32
        %and3A_944 = vector.broadcast %and3A_943 : i32 to vector<16xi32>
        %and3A_945 = arith.andi %add3A_939, %and3A_944 : vector<16xi32>
        %get3A_946 = arith.index_cast %add3A_923 : i32 to index
        %get3A_947 = arith.constant 16 : index
        %get3A_948 = tpu.vector_load %arg7[%get3A_946, %get3A_947] {strides = array<i32>} : memref<128x32xf32, #tpu.memory_space<vmem>>, vector<16xf32>,
        tpu.vector_store_idx %arg15[%shift_right_logical3A_942, %and3A_945, %broadcast_in_dim3A_924], %get3A_948 : memref<4x8x129xf32, #tpu.memory_space<vmem>>[vector<16xi32>, vector<16xi32>, vector<16xi32>], vector<16xf32>,
        %mul3A_949 = arith.constant 4 : i32
        %mul3A_950 = arith.muli %scan3A_893, %mul3A_949 : i32
        %add3A_951 = arith.constant 2 : i32
        %add3A_952 = arith.addi %mul3A_950, %add3A_951 : i32
        %broadcast_in_dim3A_953 = vector.broadcast %add3A_952 : i32 to vector<16xi32>
        %add3A_954 = arith.constant 0 : i32
        %add3A_955 = vector.broadcast %add3A_954 : i32 to vector<16xi32>
        %add3A_956 = arith.addi %add3A_955, %iota3A_353 : vector<16xi32>
        %shift_right_logical3A_957 = arith.constant 3 : i32
        %shift_right_logical3A_958 = vector.broadcast %shift_right_logical3A_957 : i32 to vector<16xi32>
        %shift_right_logical3A_959 = arith.shrui %add3A_956, %shift_right_logical3A_958 : vector<16xi32>
        %and3A_960 = arith.constant 7 : i32
        %and3A_961 = vector.broadcast %and3A_960 : i32 to vector<16xi32>
        %and3A_962 = arith.andi %add3A_956, %and3A_961 : vector<16xi32>
        %get3A_963 = arith.index_cast %add3A_952 : i32 to index
        %get3A_964 = arith.constant 0 : index
        %get3A_965 = tpu.vector_load %arg7[%get3A_963, %get3A_964] {strides = array<i32>} : memref<128x32xf32, #tpu.memory_space<vmem>>, vector<16xf32>,
        tpu.vector_store_idx %arg15[%shift_right_logical3A_959, %and3A_962, %broadcast_in_dim3A_953], %get3A_965 : memref<4x8x129xf32, #tpu.memory_space<vmem>>[vector<16xi32>, vector<16xi32>, vector<16xi32>], vector<16xf32>,
        %add3A_966 = arith.constant 16 : i32
        %add3A_967 = vector.broadcast %add3A_966 : i32 to vector<16xi32>
        %add3A_968 = arith.addi %add3A_967, %iota3A_353 : vector<16xi32>
        %shift_right_logical3A_969 = arith.constant 3 : i32
        %shift_right_logical3A_970 = vector.broadcast %shift_right_logical3A_969 : i32 to vector<16xi32>
        %shift_right_logical3A_971 = arith.shrui %add3A_968, %shift_right_logical3A_970 : vector<16xi32>
        %and3A_972 = arith.constant 7 : i32
        %and3A_973 = vector.broadcast %and3A_972 : i32 to vector<16xi32>
        %and3A_974 = arith.andi %add3A_968, %and3A_973 : vector<16xi32>
        %get3A_975 = arith.index_cast %add3A_952 : i32 to index
        %get3A_976 = arith.constant 16 : index
        %get3A_977 = tpu.vector_load %arg7[%get3A_975, %get3A_976] {strides = array<i32>} : memref<128x32xf32, #tpu.memory_space<vmem>>, vector<16xf32>,
        tpu.vector_store_idx %arg15[%shift_right_logical3A_971, %and3A_974, %broadcast_in_dim3A_953], %get3A_977 : memref<4x8x129xf32, #tpu.memory_space<vmem>>[vector<16xi32>, vector<16xi32>, vector<16xi32>], vector<16xf32>,
        %mul3A_978 = arith.constant 4 : i32
        %mul3A_979 = arith.muli %scan3A_893, %mul3A_978 : i32
        %add3A_980 = arith.constant 3 : i32
        %add3A_981 = arith.addi %mul3A_979, %add3A_980 : i32
        %broadcast_in_dim3A_982 = vector.broadcast %add3A_981 : i32 to vector<16xi32>
        %add3A_983 = arith.constant 0 : i32
        %add3A_984 = vector.broadcast %add3A_983 : i32 to vector<16xi32>
        %add3A_985 = arith.addi %add3A_984, %iota3A_353 : vector<16xi32>
        %shift_right_logical3A_986 = arith.constant 3 : i32
        %shift_right_logical3A_987 = vector.broadcast %shift_right_logical3A_986 : i32 to vector<16xi32>
        %shift_right_logical3A_988 = arith.shrui %add3A_985, %shift_right_logical3A_987 : vector<16xi32>
        %and3A_989 = arith.constant 7 : i32
        %and3A_990 = vector.broadcast %and3A_989 : i32 to vector<16xi32>
        %and3A_991 = arith.andi %add3A_985, %and3A_990 : vector<16xi32>
        %get3A_992 = arith.index_cast %add3A_981 : i32 to index
        %get3A_993 = arith.constant 0 : index
        %get3A_994 = tpu.vector_load %arg7[%get3A_992, %get3A_993] {strides = array<i32>} : memref<128x32xf32, #tpu.memory_space<vmem>>, vector<16xf32>,
        tpu.vector_store_idx %arg15[%shift_right_logical3A_988, %and3A_991, %broadcast_in_dim3A_982], %get3A_994 : memref<4x8x129xf32, #tpu.memory_space<vmem>>[vector<16xi32>, vector<16xi32>, vector<16xi32>], vector<16xf32>,
        %add3A_995 = arith.constant 16 : i32
        %add3A_996 = vector.broadcast %add3A_995 : i32 to vector<16xi32>
        %add3A_997 = arith.addi %add3A_996, %iota3A_353 : vector<16xi32>
        %shift_right_logical3A_998 = arith.constant 3 : i32
        %shift_right_logical3A_999 = vector.broadcast %shift_right_logical3A_998 : i32 to vector<16xi32>
        %shift_right_logical3A_1000 = arith.shrui %add3A_997, %shift_right_logical3A_999 : vector<16xi32>
        %and3A_1001 = arith.constant 7 : i32
        %and3A_1002 = vector.broadcast %and3A_1001 : i32 to vector<16xi32>
        %and3A_1003 = arith.andi %add3A_997, %and3A_1002 : vector<16xi32>
        %get3A_1004 = arith.index_cast %add3A_981 : i32 to index
        %get3A_1005 = arith.constant 16 : index
        %get3A_1006 = tpu.vector_load %arg7[%get3A_1004, %get3A_1005] {strides = array<i32>} : memref<128x32xf32, #tpu.memory_space<vmem>>, vector<16xf32>,
        tpu.vector_store_idx %arg15[%shift_right_logical3A_1000, %and3A_1003, %broadcast_in_dim3A_982], %get3A_1006 : memref<4x8x129xf32, #tpu.memory_space<vmem>>[vector<16xi32>, vector<16xi32>, vector<16xi32>], vector<16xf32>,
      }
      %scan3A_359 = arith.constant 32 : i32
      %lt3A_360 = arith.constant 24 : i32
      %lt3A_361 = arith.cmpi slt, %scan3A_226, %lt3A_360 : i32
      %convert_element_type3A_362 = arith.extui %lt3A_361 : i1 to i32
      %cond3A_363 = arith.constant 0 : i32
      %cond3A_364 = arith.cmpi ne, %convert_element_type3A_362, %cond3A_363 : i32
      scf.if %cond3A_364 {
        %add3A_893 = arith.constant 8 : i32
        %add3A_894 = arith.addi %add3A_301, %add3A_893 : i32
        %jit3A_895 = arith.constant 8 : i32
        %div3A_896 = arith.divsi %add3A_894, %jit3A_895 : i32
        %sign3A_897 = arith.constant 0 : i32
        %sign3A_898 = arith.cmpi sgt, %add3A_894, %sign3A_897 : i32
        %sign3A_899 = arith.extui %sign3A_898 : i1 to i32
        %sign3A_900 = arith.constant 0 : i32
        %sign3A_901 = arith.cmpi slt, %add3A_894, %sign3A_900 : i32
        %sign3A_902 = arith.extui %sign3A_901 : i1 to i32
        %sign3A_903 = arith.subi %sign3A_899, %sign3A_902 : i32
        %sign3A_904 = arith.constant 0 : i32
        %sign3A_905 = arith.cmpi sgt, %jit3A_895, %sign3A_904 : i32
        %sign3A_906 = arith.extui %sign3A_905 : i1 to i32
        %sign3A_907 = arith.constant 0 : i32
        %sign3A_908 = arith.cmpi slt, %jit3A_895, %sign3A_907 : i32
        %sign3A_909 = arith.extui %sign3A_908 : i1 to i32
        %sign3A_910 = arith.subi %sign3A_906, %sign3A_909 : i32
        %ne3A_911 = arith.cmpi ne, %sign3A_903, %sign3A_910 : i32
        %rem3A_912 = arith.remsi %add3A_894, %jit3A_895 : i32
        %ne3A_913 = arith.constant 0 : i32
        %ne3A_914 = arith.cmpi ne, %rem3A_912, %ne3A_913 : i32
        %and3A_915 = arith.andi %ne3A_911, %ne3A_914 : i1
        %sub3A_916 = arith.constant 1 : i32
        %sub3A_917 = arith.subi %div3A_896, %sub3A_916 : i32
        %select_n3A_918 = arith.select %and3A_915, %sub3A_917, %div3A_896 : i32
        %jit3A_919 = arith.constant 8 : i32
        %eq3A_920 = arith.constant 0 : i32
        %eq3A_921 = arith.cmpi eq, %jit3A_919, %eq3A_920 : i32
        %jit3A_922 = arith.constant 1 : i32
        %select_n3A_923 = arith.select %eq3A_921, %jit3A_922, %jit3A_919 : i32
        %rem3A_924 = arith.remsi %add3A_894, %select_n3A_923 : i32
        %ne3A_925 = arith.constant 0 : i32
        %ne3A_926 = arith.cmpi ne, %rem3A_924, %ne3A_925 : i32
        %lt3A_927 = arith.constant 0 : i32
        %lt3A_928 = arith.cmpi slt, %rem3A_924, %lt3A_927 : i32
        %lt3A_929 = arith.constant 0 : i32
        %lt3A_930 = arith.cmpi slt, %select_n3A_923, %lt3A_929 : i32
        %ne3A_931 = arith.xori %lt3A_928, %lt3A_930 : i1
        %and3A_932 = arith.andi %ne3A_931, %ne3A_926 : i1
        %add3A_933 = arith.addi %rem3A_924, %select_n3A_923 : i32
        %select_n3A_934 = arith.select %and3A_932, %add3A_933, %rem3A_924 : i32
        %dma_start3A_935 = arith.constant 0 : i32
        %dma_start3A_936 = tpu.memref_slice %arg5[%select_n3A_918, %select_n3A_934, %dma_start3A_935] : memref<25x8x128xi32, #tpu.memory_space<vmem>> -> memref<1x1x128xi32, #tpu.memory_space<vmem>>
        %dma_start3A_937 = tpu.memref_squeeze %dma_start3A_936 : memref<1x1x128xi32, #tpu.memory_space<vmem>> -> memref<128xi32, #tpu.memory_space<vmem>>
        %dma_start3A_938 = arith.constant 0 : i32
        %dma_start3A_939 = arith.constant 0 : i32
        %dma_start3A_940 = tpu.memref_slice %arg3[%dma_start3A_938, %dma_start3A_939] : memref<1015808x32xf32, #tpu.memory_space<hbm>> -> memref<1015808x32xf32, #tpu.memory_space<hbm>>
        tpu.enqueue_indirect_dma source(%dma_start3A_940 : memref<1015808x32xf32, #tpu.memory_space<hbm>>) target(%arg7 : memref<128x32xf32, #tpu.memory_space<vmem>>) offsets(%dma_start3A_937 : memref<128xi32, #tpu.memory_space<vmem>>) semaphore(%arg23 : memref<!tpu.dma_semaphore, #tpu.memory_space<semaphore_mem>>)
      } else {
      }
      %dma_start3A_365 = arith.constant 0 : i32
      %dma_start3A_366 = arith.constant 0 : i32
      %dma_start3A_367 = arith.constant 0 : i32
      %dma_start3A_368 = tpu.memref_slice %arg15[%dma_start3A_365, %dma_start3A_366, %dma_start3A_367] : memref<4x8x129xf32, #tpu.memory_space<vmem>> -> memref<4x8x128xf32, #tpu.memory_space<vmem>>
      %dma_start3A_369 = arith.constant 0 : i32
      %dma_start3A_370 = arith.constant 0 : i32
      %dma_start3A_371 = arith.constant 0 : i32
      %dma_start3A_372 = tpu.memref_slice %arg4[%add3A_301, %dma_start3A_369, %add3A, %dma_start3A_370, %dma_start3A_371] : memref<200x4x32x8x128xf32, #tpu.memory_space<hbm>> -> memref<1x4x1x8x128xf32, #tpu.memory_space<hbm>>
      %dma_start3A_373 = tpu.memref_squeeze %dma_start3A_372 : memref<1x4x1x8x128xf32, #tpu.memory_space<hbm>> -> memref<4x8x128xf32, #tpu.memory_space<hbm>>
      %dma_start3A_374 = arith.constant 0 : i32
      %dma_start3A_375 = arith.constant 0 : i32
      %dma_start3A_376 = arith.constant 0 : i32
      %dma_start3A_377 = tpu.memref_slice %arg4[%add3A_301, %dma_start3A_374, %add3A, %dma_start3A_375, %dma_start3A_376] : memref<200x4x32x8x128xf32, #tpu.memory_space<hbm>> -> memref<1x4x1x8x128xf32, #tpu.memory_space<hbm>>
      %dma_start3A_378 = tpu.memref_squeeze %dma_start3A_377 : memref<1x4x1x8x128xf32, #tpu.memory_space<hbm>> -> memref<4x8x128xf32, #tpu.memory_space<hbm>>
      %dma_start3A_379 = arith.constant 0 : i32
      %dma_start3A_380 = arith.constant 0 : i32
      %dma_start3A_381 = arith.constant 0 : i32
      %dma_start3A_382 = tpu.memref_slice %arg15[%dma_start3A_379, %dma_start3A_380, %dma_start3A_381] : memref<4x8x129xf32, #tpu.memory_space<vmem>> -> memref<4x8x128xf32, #tpu.memory_space<vmem>>
      tpu.enqueue_dma source(%dma_start3A_382 : memref<4x8x128xf32, #tpu.memory_space<vmem>>) target(%dma_start3A_378 : memref<4x8x128xf32, #tpu.memory_space<hbm>>) target_semaphore(%arg31 : memref<!tpu.dma_semaphore, #tpu.memory_space<semaphore_mem>>)
      %mul3A_383 = arith.constant 8 : i32
      %mul3A_384 = arith.muli %scan3A_226, %mul3A_383 : i32
      %add3A_385 = arith.constant 2 : i32
      %add3A_386 = arith.addi %mul3A_384, %add3A_385 : i32
      %jit3A_387 = arith.constant 8 : i32
      %div3A_388 = arith.divsi %add3A_386, %jit3A_387 : i32
      %sign3A_389 = arith.constant 0 : i32
      %sign3A_390 = arith.cmpi sgt, %add3A_386, %sign3A_389 : i32
      %sign3A_391 = arith.extui %sign3A_390 : i1 to i32
      %sign3A_392 = arith.constant 0 : i32
      %sign3A_393 = arith.cmpi slt, %add3A_386, %sign3A_392 : i32
      %sign3A_394 = arith.extui %sign3A_393 : i1 to i32
      %sign3A_395 = arith.subi %sign3A_391, %sign3A_394 : i32
      %sign3A_396 = arith.constant 0 : i32
      %sign3A_397 = arith.cmpi sgt, %jit3A_387, %sign3A_396 : i32
      %sign3A_398 = arith.extui %sign3A_397 : i1 to i32
      %sign3A_399 = arith.constant 0 : i32
      %sign3A_400 = arith.cmpi slt, %jit3A_387, %sign3A_399 : i32
      %sign3A_401 = arith.extui %sign3A_400 : i1 to i32
      %sign3A_402 = arith.subi %sign3A_398, %sign3A_401 : i32
      %ne3A_403 = arith.cmpi ne, %sign3A_395, %sign3A_402 : i32
      %rem3A_404 = arith.remsi %add3A_386, %jit3A_387 : i32
      %ne3A_405 = arith.constant 0 : i32
      %ne3A_406 = arith.cmpi ne, %rem3A_404, %ne3A_405 : i32
      %and3A_407 = arith.andi %ne3A_403, %ne3A_406 : i1
      %sub3A_408 = arith.constant 1 : i32
      %sub3A_409 = arith.subi %div3A_388, %sub3A_408 : i32
      %select_n3A_410 = arith.select %and3A_407, %sub3A_409, %div3A_388 : i32
      %jit3A_411 = arith.constant 8 : i32
      %eq3A_412 = arith.constant 0 : i32
      %eq3A_413 = arith.cmpi eq, %jit3A_411, %eq3A_412 : i32
      %jit3A_414 = arith.constant 1 : i32
      %select_n3A_415 = arith.select %eq3A_413, %jit3A_414, %jit3A_411 : i32
      %rem3A_416 = arith.remsi %add3A_386, %select_n3A_415 : i32
      %ne3A_417 = arith.constant 0 : i32
      %ne3A_418 = arith.cmpi ne, %rem3A_416, %ne3A_417 : i32
      %lt3A_419 = arith.constant 0 : i32
      %lt3A_420 = arith.cmpi slt, %rem3A_416, %lt3A_419 : i32
      %lt3A_421 = arith.constant 0 : i32
      %lt3A_422 = arith.cmpi slt, %select_n3A_415, %lt3A_421 : i32
      %ne3A_423 = arith.xori %lt3A_420, %lt3A_422 : i1
      %and3A_424 = arith.andi %ne3A_423, %ne3A_418 : i1
      %add3A_425 = arith.addi %rem3A_416, %select_n3A_415 : i32
      %select_n3A_426 = arith.select %and3A_424, %add3A_425, %rem3A_416 : i32
      %dma_wait3A_427 = arith.constant 0 : i32
      %dma_wait3A_428 = tpu.memref_slice %arg5[%select_n3A_410, %select_n3A_426, %dma_wait3A_427] : memref<25x8x128xi32, #tpu.memory_space<vmem>> -> memref<1x1x128xi32, #tpu.memory_space<vmem>>
      %dma_wait3A_429 = tpu.memref_squeeze %dma_wait3A_428 : memref<1x1x128xi32, #tpu.memory_space<vmem>> -> memref<128xi32, #tpu.memory_space<vmem>>
      %dma_wait3A_430 = arith.constant 0 : i32
      %dma_wait3A_431 = arith.constant 0 : i32
      %dma_wait3A_432 = tpu.memref_slice %arg3[%dma_wait3A_430, %dma_wait3A_431] : memref<1015808x32xf32, #tpu.memory_space<hbm>> -> memref<1015808x32xf32, #tpu.memory_space<hbm>>
      tpu.wait_indirect_dma semaphore(%arg24 : memref<!tpu.dma_semaphore, #tpu.memory_space<semaphore_mem>>) src(%dma_wait3A_432 : memref<1015808x32xf32, #tpu.memory_space<hbm>>) dst(%arg8 : memref<128x32xf32, #tpu.memory_space<vmem>>)
      %gt3A_433 = arith.constant 0 : i32
      %gt3A_434 = arith.cmpi sgt, %scan3A_226, %gt3A_433 : i32
      %convert_element_type3A_435 = arith.extui %gt3A_434 : i1 to i32
      %cond3A_436 = arith.constant 0 : i32
      %cond3A_437 = arith.cmpi ne, %convert_element_type3A_435, %cond3A_436 : i32
      scf.if %cond3A_437 {
        %sub3A_893 = arith.constant 8 : i32
        %sub3A_894 = arith.subi %add3A_386, %sub3A_893 : i32
        %dma_wait3A_895 = arith.constant 0 : i32
        %dma_wait3A_896 = arith.constant 0 : i32
        %dma_wait3A_897 = arith.constant 0 : i32
        %dma_wait3A_898 = tpu.memref_slice %arg16[%dma_wait3A_895, %dma_wait3A_896, %dma_wait3A_897] : memref<4x8x129xf32, #tpu.memory_space<vmem>> -> memref<4x8x128xf32, #tpu.memory_space<vmem>>
        %dma_wait3A_899 = arith.constant 0 : i32
        %dma_wait3A_900 = arith.constant 0 : i32
        %dma_wait3A_901 = arith.constant 0 : i32
        %dma_wait3A_902 = tpu.memref_slice %arg4[%sub3A_894, %dma_wait3A_899, %add3A, %dma_wait3A_900, %dma_wait3A_901] : memref<200x4x32x8x128xf32, #tpu.memory_space<hbm>> -> memref<1x4x1x8x128xf32, #tpu.memory_space<hbm>>
        %dma_wait3A_903 = tpu.memref_squeeze %dma_wait3A_902 : memref<1x4x1x8x128xf32, #tpu.memory_space<hbm>> -> memref<4x8x128xf32, #tpu.memory_space<hbm>>
        %dma_wait3A_904 = arith.constant 0 : i32
        %dma_wait3A_905 = arith.constant 0 : i32
        %dma_wait3A_906 = arith.constant 0 : i32
        %dma_wait3A_907 = tpu.memref_slice %arg4[%sub3A_894, %dma_wait3A_904, %add3A, %dma_wait3A_905, %dma_wait3A_906] : memref<200x4x32x8x128xf32, #tpu.memory_space<hbm>> -> memref<1x4x1x8x128xf32, #tpu.memory_space<hbm>>
        %dma_wait3A_908 = tpu.memref_squeeze %dma_wait3A_907 : memref<1x4x1x8x128xf32, #tpu.memory_space<hbm>> -> memref<4x8x128xf32, #tpu.memory_space<hbm>>
        %dma_wait3A_909 = arith.constant 0 : i32
        %dma_wait3A_910 = arith.constant 0 : i32
        %dma_wait3A_911 = arith.constant 0 : i32
        %dma_wait3A_912 = tpu.memref_slice %arg16[%dma_wait3A_909, %dma_wait3A_910, %dma_wait3A_911] : memref<4x8x129xf32, #tpu.memory_space<vmem>> -> memref<4x8x128xf32, #tpu.memory_space<vmem>>
        tpu.wait_dma2 semaphore(%arg32 : memref<!tpu.dma_semaphore, #tpu.memory_space<semaphore_mem>>) src(%dma_wait3A_912 : memref<4x8x128xf32, #tpu.memory_space<vmem>>) dst(%dma_wait3A_908 : memref<4x8x128xf32, #tpu.memory_space<hbm>>)
      } else {
      }
      %iota3A_438 = tpu.iota {dimensions = array<i32: 0>} : vector<16xi32>
      %scan3A_439 = arith.constant 0 : i32
      %scan3A_440 = arith.constant 0 : i32
      %scan3A_441 = arith.constant 32 : i32
      %scan3A_442 = arith.addi %scan3A_440, %scan3A_441 : i32
      %scan3A_443 = arith.constant 1 : i32
      scf.for %scan3A_893 = %scan3A_440 to %scan3A_442 step %scan3A_443  : i32 {
        %mul3A_894 = arith.constant 4 : i32
        %mul3A_895 = arith.muli %scan3A_893, %mul3A_894 : i32
        %add3A_896 = arith.constant 0 : i32
        %add3A_897 = arith.addi %mul3A_895, %add3A_896 : i32
        %broadcast_in_dim3A = vector.broadcast %add3A_897 : i32 to vector<16xi32>
        %add3A_898 = arith.constant 0 : i32
        %add3A_899 = vector.broadcast %add3A_898 : i32 to vector<16xi32>
        %add3A_900 = arith.addi %add3A_899, %iota3A_438 : vector<16xi32>
        %shift_right_logical3A = arith.constant 3 : i32
        %shift_right_logical3A_901 = vector.broadcast %shift_right_logical3A : i32 to vector<16xi32>
        %shift_right_logical3A_902 = arith.shrui %add3A_900, %shift_right_logical3A_901 : vector<16xi32>
        %and3A_903 = arith.constant 7 : i32
        %and3A_904 = vector.broadcast %and3A_903 : i32 to vector<16xi32>
        %and3A_905 = arith.andi %add3A_900, %and3A_904 : vector<16xi32>
        %get3A = arith.index_cast %add3A_897 : i32 to index
        %get3A_906 = arith.constant 0 : index
        %get3A_907 = tpu.vector_load %arg8[%get3A, %get3A_906] {strides = array<i32>} : memref<128x32xf32, #tpu.memory_space<vmem>>, vector<16xf32>,
        tpu.vector_store_idx %arg16[%shift_right_logical3A_902, %and3A_905, %broadcast_in_dim3A], %get3A_907 : memref<4x8x129xf32, #tpu.memory_space<vmem>>[vector<16xi32>, vector<16xi32>, vector<16xi32>], vector<16xf32>,
        %add3A_908 = arith.constant 16 : i32
        %add3A_909 = vector.broadcast %add3A_908 : i32 to vector<16xi32>
        %add3A_910 = arith.addi %add3A_909, %iota3A_438 : vector<16xi32>
        %shift_right_logical3A_911 = arith.constant 3 : i32
        %shift_right_logical3A_912 = vector.broadcast %shift_right_logical3A_911 : i32 to vector<16xi32>
        %shift_right_logical3A_913 = arith.shrui %add3A_910, %shift_right_logical3A_912 : vector<16xi32>
        %and3A_914 = arith.constant 7 : i32
        %and3A_915 = vector.broadcast %and3A_914 : i32 to vector<16xi32>
        %and3A_916 = arith.andi %add3A_910, %and3A_915 : vector<16xi32>
        %get3A_917 = arith.index_cast %add3A_897 : i32 to index
        %get3A_918 = arith.constant 16 : index
        %get3A_919 = tpu.vector_load %arg8[%get3A_917, %get3A_918] {strides = array<i32>} : memref<128x32xf32, #tpu.memory_space<vmem>>, vector<16xf32>,
        tpu.vector_store_idx %arg16[%shift_right_logical3A_913, %and3A_916, %broadcast_in_dim3A], %get3A_919 : memref<4x8x129xf32, #tpu.memory_space<vmem>>[vector<16xi32>, vector<16xi32>, vector<16xi32>], vector<16xf32>,
        %mul3A_920 = arith.constant 4 : i32
        %mul3A_921 = arith.muli %scan3A_893, %mul3A_920 : i32
        %add3A_922 = arith.constant 1 : i32
        %add3A_923 = arith.addi %mul3A_921, %add3A_922 : i32
        %broadcast_in_dim3A_924 = vector.broadcast %add3A_923 : i32 to vector<16xi32>
        %add3A_925 = arith.constant 0 : i32
        %add3A_926 = vector.broadcast %add3A_925 : i32 to vector<16xi32>
        %add3A_927 = arith.addi %add3A_926, %iota3A_438 : vector<16xi32>
        %shift_right_logical3A_928 = arith.constant 3 : i32
        %shift_right_logical3A_929 = vector.broadcast %shift_right_logical3A_928 : i32 to vector<16xi32>
        %shift_right_logical3A_930 = arith.shrui %add3A_927, %shift_right_logical3A_929 : vector<16xi32>
        %and3A_931 = arith.constant 7 : i32
        %and3A_932 = vector.broadcast %and3A_931 : i32 to vector<16xi32>
        %and3A_933 = arith.andi %add3A_927, %and3A_932 : vector<16xi32>
        %get3A_934 = arith.index_cast %add3A_923 : i32 to index
        %get3A_935 = arith.constant 0 : index
        %get3A_936 = tpu.vector_load %arg8[%get3A_934, %get3A_935] {strides = array<i32>} : memref<128x32xf32, #tpu.memory_space<vmem>>, vector<16xf32>,
        tpu.vector_store_idx %arg16[%shift_right_logical3A_930, %and3A_933, %broadcast_in_dim3A_924], %get3A_936 : memref<4x8x129xf32, #tpu.memory_space<vmem>>[vector<16xi32>, vector<16xi32>, vector<16xi32>], vector<16xf32>,
        %add3A_937 = arith.constant 16 : i32
        %add3A_938 = vector.broadcast %add3A_937 : i32 to vector<16xi32>
        %add3A_939 = arith.addi %add3A_938, %iota3A_438 : vector<16xi32>
        %shift_right_logical3A_940 = arith.constant 3 : i32
        %shift_right_logical3A_941 = vector.broadcast %shift_right_logical3A_940 : i32 to vector<16xi32>
        %shift_right_logical3A_942 = arith.shrui %add3A_939, %shift_right_logical3A_941 : vector<16xi32>
        %and3A_943 = arith.constant 7 : i32
        %and3A_944 = vector.broadcast %and3A_943 : i32 to vector<16xi32>
        %and3A_945 = arith.andi %add3A_939, %and3A_944 : vector<16xi32>
        %get3A_946 = arith.index_cast %add3A_923 : i32 to index
        %get3A_947 = arith.constant 16 : index
        %get3A_948 = tpu.vector_load %arg8[%get3A_946, %get3A_947] {strides = array<i32>} : memref<128x32xf32, #tpu.memory_space<vmem>>, vector<16xf32>,
        tpu.vector_store_idx %arg16[%shift_right_logical3A_942, %and3A_945, %broadcast_in_dim3A_924], %get3A_948 : memref<4x8x129xf32, #tpu.memory_space<vmem>>[vector<16xi32>, vector<16xi32>, vector<16xi32>], vector<16xf32>,
        %mul3A_949 = arith.constant 4 : i32
        %mul3A_950 = arith.muli %scan3A_893, %mul3A_949 : i32
        %add3A_951 = arith.constant 2 : i32
        %add3A_952 = arith.addi %mul3A_950, %add3A_951 : i32
        %broadcast_in_dim3A_953 = vector.broadcast %add3A_952 : i32 to vector<16xi32>
        %add3A_954 = arith.constant 0 : i32
        %add3A_955 = vector.broadcast %add3A_954 : i32 to vector<16xi32>
        %add3A_956 = arith.addi %add3A_955, %iota3A_438 : vector<16xi32>
        %shift_right_logical3A_957 = arith.constant 3 : i32
        %shift_right_logical3A_958 = vector.broadcast %shift_right_logical3A_957 : i32 to vector<16xi32>
        %shift_right_logical3A_959 = arith.shrui %add3A_956, %shift_right_logical3A_958 : vector<16xi32>
        %and3A_960 = arith.constant 7 : i32
        %and3A_961 = vector.broadcast %and3A_960 : i32 to vector<16xi32>
        %and3A_962 = arith.andi %add3A_956, %and3A_961 : vector<16xi32>
        %get3A_963 = arith.index_cast %add3A_952 : i32 to index
        %get3A_964 = arith.constant 0 : index
        %get3A_965 = tpu.vector_load %arg8[%get3A_963, %get3A_964] {strides = array<i32>} : memref<128x32xf32, #tpu.memory_space<vmem>>, vector<16xf32>,
        tpu.vector_store_idx %arg16[%shift_right_logical3A_959, %and3A_962, %broadcast_in_dim3A_953], %get3A_965 : memref<4x8x129xf32, #tpu.memory_space<vmem>>[vector<16xi32>, vector<16xi32>, vector<16xi32>], vector<16xf32>,
        %add3A_966 = arith.constant 16 : i32
        %add3A_967 = vector.broadcast %add3A_966 : i32 to vector<16xi32>
        %add3A_968 = arith.addi %add3A_967, %iota3A_438 : vector<16xi32>
        %shift_right_logical3A_969 = arith.constant 3 : i32
        %shift_right_logical3A_970 = vector.broadcast %shift_right_logical3A_969 : i32 to vector<16xi32>
        %shift_right_logical3A_971 = arith.shrui %add3A_968, %shift_right_logical3A_970 : vector<16xi32>
        %and3A_972 = arith.constant 7 : i32
        %and3A_973 = vector.broadcast %and3A_972 : i32 to vector<16xi32>
        %and3A_974 = arith.andi %add3A_968, %and3A_973 : vector<16xi32>
        %get3A_975 = arith.index_cast %add3A_952 : i32 to index
        %get3A_976 = arith.constant 16 : index
        %get3A_977 = tpu.vector_load %arg8[%get3A_975, %get3A_976] {strides = array<i32>} : memref<128x32xf32, #tpu.memory_space<vmem>>, vector<16xf32>,
        tpu.vector_store_idx %arg16[%shift_right_logical3A_971, %and3A_974, %broadcast_in_dim3A_953], %get3A_977 : memref<4x8x129xf32, #tpu.memory_space<vmem>>[vector<16xi32>, vector<16xi32>, vector<16xi32>], vector<16xf32>,
        %mul3A_978 = arith.constant 4 : i32
        %mul3A_979 = arith.muli %scan3A_893, %mul3A_978 : i32
        %add3A_980 = arith.constant 3 : i32
        %add3A_981 = arith.addi %mul3A_979, %add3A_980 : i32
        %broadcast_in_dim3A_982 = vector.broadcast %add3A_981 : i32 to vector<16xi32>
        %add3A_983 = arith.constant 0 : i32
        %add3A_984 = vector.broadcast %add3A_983 : i32 to vector<16xi32>
        %add3A_985 = arith.addi %add3A_984, %iota3A_438 : vector<16xi32>
        %shift_right_logical3A_986 = arith.constant 3 : i32
        %shift_right_logical3A_987 = vector.broadcast %shift_right_logical3A_986 : i32 to vector<16xi32>
        %shift_right_logical3A_988 = arith.shrui %add3A_985, %shift_right_logical3A_987 : vector<16xi32>
        %and3A_989 = arith.constant 7 : i32
        %and3A_990 = vector.broadcast %and3A_989 : i32 to vector<16xi32>
        %and3A_991 = arith.andi %add3A_985, %and3A_990 : vector<16xi32>
        %get3A_992 = arith.index_cast %add3A_981 : i32 to index
        %get3A_993 = arith.constant 0 : index
        %get3A_994 = tpu.vector_load %arg8[%get3A_992, %get3A_993] {strides = array<i32>} : memref<128x32xf32, #tpu.memory_space<vmem>>, vector<16xf32>,
        tpu.vector_store_idx %arg16[%shift_right_logical3A_988, %and3A_991, %broadcast_in_dim3A_982], %get3A_994 : memref<4x8x129xf32, #tpu.memory_space<vmem>>[vector<16xi32>, vector<16xi32>, vector<16xi32>], vector<16xf32>,
        %add3A_995 = arith.constant 16 : i32
        %add3A_996 = vector.broadcast %add3A_995 : i32 to vector<16xi32>
        %add3A_997 = arith.addi %add3A_996, %iota3A_438 : vector<16xi32>
        %shift_right_logical3A_998 = arith.constant 3 : i32
        %shift_right_logical3A_999 = vector.broadcast %shift_right_logical3A_998 : i32 to vector<16xi32>
        %shift_right_logical3A_1000 = arith.shrui %add3A_997, %shift_right_logical3A_999 : vector<16xi32>
        %and3A_1001 = arith.constant 7 : i32
        %and3A_1002 = vector.broadcast %and3A_1001 : i32 to vector<16xi32>
        %and3A_1003 = arith.andi %add3A_997, %and3A_1002 : vector<16xi32>
        %get3A_1004 = arith.index_cast %add3A_981 : i32 to index
        %get3A_1005 = arith.constant 16 : index
        %get3A_1006 = tpu.vector_load %arg8[%get3A_1004, %get3A_1005] {strides = array<i32>} : memref<128x32xf32, #tpu.memory_space<vmem>>, vector<16xf32>,
        tpu.vector_store_idx %arg16[%shift_right_logical3A_1000, %and3A_1003, %broadcast_in_dim3A_982], %get3A_1006 : memref<4x8x129xf32, #tpu.memory_space<vmem>>[vector<16xi32>, vector<16xi32>, vector<16xi32>], vector<16xf32>,
      }
      %scan3A_444 = arith.constant 32 : i32
      %lt3A_445 = arith.constant 24 : i32
      %lt3A_446 = arith.cmpi slt, %scan3A_226, %lt3A_445 : i32
      %convert_element_type3A_447 = arith.extui %lt3A_446 : i1 to i32
      %cond3A_448 = arith.constant 0 : i32
      %cond3A_449 = arith.cmpi ne, %convert_element_type3A_447, %cond3A_448 : i32
      scf.if %cond3A_449 {
        %add3A_893 = arith.constant 8 : i32
        %add3A_894 = arith.addi %add3A_386, %add3A_893 : i32
        %jit3A_895 = arith.constant 8 : i32
        %div3A_896 = arith.divsi %add3A_894, %jit3A_895 : i32
        %sign3A_897 = arith.constant 0 : i32
        %sign3A_898 = arith.cmpi sgt, %add3A_894, %sign3A_897 : i32
        %sign3A_899 = arith.extui %sign3A_898 : i1 to i32
        %sign3A_900 = arith.constant 0 : i32
        %sign3A_901 = arith.cmpi slt, %add3A_894, %sign3A_900 : i32
        %sign3A_902 = arith.extui %sign3A_901 : i1 to i32
        %sign3A_903 = arith.subi %sign3A_899, %sign3A_902 : i32
        %sign3A_904 = arith.constant 0 : i32
        %sign3A_905 = arith.cmpi sgt, %jit3A_895, %sign3A_904 : i32
        %sign3A_906 = arith.extui %sign3A_905 : i1 to i32
        %sign3A_907 = arith.constant 0 : i32
        %sign3A_908 = arith.cmpi slt, %jit3A_895, %sign3A_907 : i32
        %sign3A_909 = arith.extui %sign3A_908 : i1 to i32
        %sign3A_910 = arith.subi %sign3A_906, %sign3A_909 : i32
        %ne3A_911 = arith.cmpi ne, %sign3A_903, %sign3A_910 : i32
        %rem3A_912 = arith.remsi %add3A_894, %jit3A_895 : i32
        %ne3A_913 = arith.constant 0 : i32
        %ne3A_914 = arith.cmpi ne, %rem3A_912, %ne3A_913 : i32
        %and3A_915 = arith.andi %ne3A_911, %ne3A_914 : i1
        %sub3A_916 = arith.constant 1 : i32
        %sub3A_917 = arith.subi %div3A_896, %sub3A_916 : i32
        %select_n3A_918 = arith.select %and3A_915, %sub3A_917, %div3A_896 : i32
        %jit3A_919 = arith.constant 8 : i32
        %eq3A_920 = arith.constant 0 : i32
        %eq3A_921 = arith.cmpi eq, %jit3A_919, %eq3A_920 : i32
        %jit3A_922 = arith.constant 1 : i32
        %select_n3A_923 = arith.select %eq3A_921, %jit3A_922, %jit3A_919 : i32
        %rem3A_924 = arith.remsi %add3A_894, %select_n3A_923 : i32
        %ne3A_925 = arith.constant 0 : i32
        %ne3A_926 = arith.cmpi ne, %rem3A_924, %ne3A_925 : i32
        %lt3A_927 = arith.constant 0 : i32
        %lt3A_928 = arith.cmpi slt, %rem3A_924, %lt3A_927 : i32
        %lt3A_929 = arith.constant 0 : i32
        %lt3A_930 = arith.cmpi slt, %select_n3A_923, %lt3A_929 : i32
        %ne3A_931 = arith.xori %lt3A_928, %lt3A_930 : i1
        %and3A_932 = arith.andi %ne3A_931, %ne3A_926 : i1
        %add3A_933 = arith.addi %rem3A_924, %select_n3A_923 : i32
        %select_n3A_934 = arith.select %and3A_932, %add3A_933, %rem3A_924 : i32
        %dma_start3A_935 = arith.constant 0 : i32
        %dma_start3A_936 = tpu.memref_slice %arg5[%select_n3A_918, %select_n3A_934, %dma_start3A_935] : memref<25x8x128xi32, #tpu.memory_space<vmem>> -> memref<1x1x128xi32, #tpu.memory_space<vmem>>
        %dma_start3A_937 = tpu.memref_squeeze %dma_start3A_936 : memref<1x1x128xi32, #tpu.memory_space<vmem>> -> memref<128xi32, #tpu.memory_space<vmem>>
        %dma_start3A_938 = arith.constant 0 : i32
        %dma_start3A_939 = arith.constant 0 : i32
        %dma_start3A_940 = tpu.memref_slice %arg3[%dma_start3A_938, %dma_start3A_939] : memref<1015808x32xf32, #tpu.memory_space<hbm>> -> memref<1015808x32xf32, #tpu.memory_space<hbm>>
        tpu.enqueue_indirect_dma source(%dma_start3A_940 : memref<1015808x32xf32, #tpu.memory_space<hbm>>) target(%arg8 : memref<128x32xf32, #tpu.memory_space<vmem>>) offsets(%dma_start3A_937 : memref<128xi32, #tpu.memory_space<vmem>>) semaphore(%arg24 : memref<!tpu.dma_semaphore, #tpu.memory_space<semaphore_mem>>)
      } else {
      }
      %dma_start3A_450 = arith.constant 0 : i32
      %dma_start3A_451 = arith.constant 0 : i32
      %dma_start3A_452 = arith.constant 0 : i32
      %dma_start3A_453 = tpu.memref_slice %arg16[%dma_start3A_450, %dma_start3A_451, %dma_start3A_452] : memref<4x8x129xf32, #tpu.memory_space<vmem>> -> memref<4x8x128xf32, #tpu.memory_space<vmem>>
      %dma_start3A_454 = arith.constant 0 : i32
      %dma_start3A_455 = arith.constant 0 : i32
      %dma_start3A_456 = arith.constant 0 : i32
      %dma_start3A_457 = tpu.memref_slice %arg4[%add3A_386, %dma_start3A_454, %add3A, %dma_start3A_455, %dma_start3A_456] : memref<200x4x32x8x128xf32, #tpu.memory_space<hbm>> -> memref<1x4x1x8x128xf32, #tpu.memory_space<hbm>>
      %dma_start3A_458 = tpu.memref_squeeze %dma_start3A_457 : memref<1x4x1x8x128xf32, #tpu.memory_space<hbm>> -> memref<4x8x128xf32, #tpu.memory_space<hbm>>
      %dma_start3A_459 = arith.constant 0 : i32
      %dma_start3A_460 = arith.constant 0 : i32
      %dma_start3A_461 = arith.constant 0 : i32
      %dma_start3A_462 = tpu.memref_slice %arg4[%add3A_386, %dma_start3A_459, %add3A, %dma_start3A_460, %dma_start3A_461] : memref<200x4x32x8x128xf32, #tpu.memory_space<hbm>> -> memref<1x4x1x8x128xf32, #tpu.memory_space<hbm>>
      %dma_start3A_463 = tpu.memref_squeeze %dma_start3A_462 : memref<1x4x1x8x128xf32, #tpu.memory_space<hbm>> -> memref<4x8x128xf32, #tpu.memory_space<hbm>>
      %dma_start3A_464 = arith.constant 0 : i32
      %dma_start3A_465 = arith.constant 0 : i32
      %dma_start3A_466 = arith.constant 0 : i32
      %dma_start3A_467 = tpu.memref_slice %arg16[%dma_start3A_464, %dma_start3A_465, %dma_start3A_466] : memref<4x8x129xf32, #tpu.memory_space<vmem>> -> memref<4x8x128xf32, #tpu.memory_space<vmem>>
      tpu.enqueue_dma source(%dma_start3A_467 : memref<4x8x128xf32, #tpu.memory_space<vmem>>) target(%dma_start3A_463 : memref<4x8x128xf32, #tpu.memory_space<hbm>>) target_semaphore(%arg32 : memref<!tpu.dma_semaphore, #tpu.memory_space<semaphore_mem>>)
      %mul3A_468 = arith.constant 8 : i32
      %mul3A_469 = arith.muli %scan3A_226, %mul3A_468 : i32
      %add3A_470 = arith.constant 3 : i32
      %add3A_471 = arith.addi %mul3A_469, %add3A_470 : i32
      %jit3A_472 = arith.constant 8 : i32
      %div3A_473 = arith.divsi %add3A_471, %jit3A_472 : i32
      %sign3A_474 = arith.constant 0 : i32
      %sign3A_475 = arith.cmpi sgt, %add3A_471, %sign3A_474 : i32
      %sign3A_476 = arith.extui %sign3A_475 : i1 to i32
      %sign3A_477 = arith.constant 0 : i32
      %sign3A_478 = arith.cmpi slt, %add3A_471, %sign3A_477 : i32
      %sign3A_479 = arith.extui %sign3A_478 : i1 to i32
      %sign3A_480 = arith.subi %sign3A_476, %sign3A_479 : i32
      %sign3A_481 = arith.constant 0 : i32
      %sign3A_482 = arith.cmpi sgt, %jit3A_472, %sign3A_481 : i32
      %sign3A_483 = arith.extui %sign3A_482 : i1 to i32
      %sign3A_484 = arith.constant 0 : i32
      %sign3A_485 = arith.cmpi slt, %jit3A_472, %sign3A_484 : i32
      %sign3A_486 = arith.extui %sign3A_485 : i1 to i32
      %sign3A_487 = arith.subi %sign3A_483, %sign3A_486 : i32
      %ne3A_488 = arith.cmpi ne, %sign3A_480, %sign3A_487 : i32
      %rem3A_489 = arith.remsi %add3A_471, %jit3A_472 : i32
      %ne3A_490 = arith.constant 0 : i32
      %ne3A_491 = arith.cmpi ne, %rem3A_489, %ne3A_490 : i32
      %and3A_492 = arith.andi %ne3A_488, %ne3A_491 : i1
      %sub3A_493 = arith.constant 1 : i32
      %sub3A_494 = arith.subi %div3A_473, %sub3A_493 : i32
      %select_n3A_495 = arith.select %and3A_492, %sub3A_494, %div3A_473 : i32
      %jit3A_496 = arith.constant 8 : i32
      %eq3A_497 = arith.constant 0 : i32
      %eq3A_498 = arith.cmpi eq, %jit3A_496, %eq3A_497 : i32
      %jit3A_499 = arith.constant 1 : i32
      %select_n3A_500 = arith.select %eq3A_498, %jit3A_499, %jit3A_496 : i32
      %rem3A_501 = arith.remsi %add3A_471, %select_n3A_500 : i32
      %ne3A_502 = arith.constant 0 : i32
      %ne3A_503 = arith.cmpi ne, %rem3A_501, %ne3A_502 : i32
      %lt3A_504 = arith.constant 0 : i32
      %lt3A_505 = arith.cmpi slt, %rem3A_501, %lt3A_504 : i32
      %lt3A_506 = arith.constant 0 : i32
      %lt3A_507 = arith.cmpi slt, %select_n3A_500, %lt3A_506 : i32
      %ne3A_508 = arith.xori %lt3A_505, %lt3A_507 : i1
      %and3A_509 = arith.andi %ne3A_508, %ne3A_503 : i1
      %add3A_510 = arith.addi %rem3A_501, %select_n3A_500 : i32
      %select_n3A_511 = arith.select %and3A_509, %add3A_510, %rem3A_501 : i32
      %dma_wait3A_512 = arith.constant 0 : i32
      %dma_wait3A_513 = tpu.memref_slice %arg5[%select_n3A_495, %select_n3A_511, %dma_wait3A_512] : memref<25x8x128xi32, #tpu.memory_space<vmem>> -> memref<1x1x128xi32, #tpu.memory_space<vmem>>
      %dma_wait3A_514 = tpu.memref_squeeze %dma_wait3A_513 : memref<1x1x128xi32, #tpu.memory_space<vmem>> -> memref<128xi32, #tpu.memory_space<vmem>>
      %dma_wait3A_515 = arith.constant 0 : i32
      %dma_wait3A_516 = arith.constant 0 : i32
      %dma_wait3A_517 = tpu.memref_slice %arg3[%dma_wait3A_515, %dma_wait3A_516] : memref<1015808x32xf32, #tpu.memory_space<hbm>> -> memref<1015808x32xf32, #tpu.memory_space<hbm>>
      tpu.wait_indirect_dma semaphore(%arg25 : memref<!tpu.dma_semaphore, #tpu.memory_space<semaphore_mem>>) src(%dma_wait3A_517 : memref<1015808x32xf32, #tpu.memory_space<hbm>>) dst(%arg9 : memref<128x32xf32, #tpu.memory_space<vmem>>)
      %gt3A_518 = arith.constant 0 : i32
      %gt3A_519 = arith.cmpi sgt, %scan3A_226, %gt3A_518 : i32
      %convert_element_type3A_520 = arith.extui %gt3A_519 : i1 to i32
      %cond3A_521 = arith.constant 0 : i32
      %cond3A_522 = arith.cmpi ne, %convert_element_type3A_520, %cond3A_521 : i32
      scf.if %cond3A_522 {
        %sub3A_893 = arith.constant 8 : i32
        %sub3A_894 = arith.subi %add3A_471, %sub3A_893 : i32
        %dma_wait3A_895 = arith.constant 0 : i32
        %dma_wait3A_896 = arith.constant 0 : i32
        %dma_wait3A_897 = arith.constant 0 : i32
        %dma_wait3A_898 = tpu.memref_slice %arg17[%dma_wait3A_895, %dma_wait3A_896, %dma_wait3A_897] : memref<4x8x129xf32, #tpu.memory_space<vmem>> -> memref<4x8x128xf32, #tpu.memory_space<vmem>>
        %dma_wait3A_899 = arith.constant 0 : i32
        %dma_wait3A_900 = arith.constant 0 : i32
        %dma_wait3A_901 = arith.constant 0 : i32
        %dma_wait3A_902 = tpu.memref_slice %arg4[%sub3A_894, %dma_wait3A_899, %add3A, %dma_wait3A_900, %dma_wait3A_901] : memref<200x4x32x8x128xf32, #tpu.memory_space<hbm>> -> memref<1x4x1x8x128xf32, #tpu.memory_space<hbm>>
        %dma_wait3A_903 = tpu.memref_squeeze %dma_wait3A_902 : memref<1x4x1x8x128xf32, #tpu.memory_space<hbm>> -> memref<4x8x128xf32, #tpu.memory_space<hbm>>
        %dma_wait3A_904 = arith.constant 0 : i32
        %dma_wait3A_905 = arith.constant 0 : i32
        %dma_wait3A_906 = arith.constant 0 : i32
        %dma_wait3A_907 = tpu.memref_slice %arg4[%sub3A_894, %dma_wait3A_904, %add3A, %dma_wait3A_905, %dma_wait3A_906] : memref<200x4x32x8x128xf32, #tpu.memory_space<hbm>> -> memref<1x4x1x8x128xf32, #tpu.memory_space<hbm>>
        %dma_wait3A_908 = tpu.memref_squeeze %dma_wait3A_907 : memref<1x4x1x8x128xf32, #tpu.memory_space<hbm>> -> memref<4x8x128xf32, #tpu.memory_space<hbm>>
        %dma_wait3A_909 = arith.constant 0 : i32
        %dma_wait3A_910 = arith.constant 0 : i32
        %dma_wait3A_911 = arith.constant 0 : i32
        %dma_wait3A_912 = tpu.memref_slice %arg17[%dma_wait3A_909, %dma_wait3A_910, %dma_wait3A_911] : memref<4x8x129xf32, #tpu.memory_space<vmem>> -> memref<4x8x128xf32, #tpu.memory_space<vmem>>
        tpu.wait_dma2 semaphore(%arg33 : memref<!tpu.dma_semaphore, #tpu.memory_space<semaphore_mem>>) src(%dma_wait3A_912 : memref<4x8x128xf32, #tpu.memory_space<vmem>>) dst(%dma_wait3A_908 : memref<4x8x128xf32, #tpu.memory_space<hbm>>)
      } else {
      }
      %iota3A_523 = tpu.iota {dimensions = array<i32: 0>} : vector<16xi32>
      %scan3A_524 = arith.constant 0 : i32
      %scan3A_525 = arith.constant 0 : i32
      %scan3A_526 = arith.constant 32 : i32
      %scan3A_527 = arith.addi %scan3A_525, %scan3A_526 : i32
      %scan3A_528 = arith.constant 1 : i32
      scf.for %scan3A_893 = %scan3A_525 to %scan3A_527 step %scan3A_528  : i32 {
        %mul3A_894 = arith.constant 4 : i32
        %mul3A_895 = arith.muli %scan3A_893, %mul3A_894 : i32
        %add3A_896 = arith.constant 0 : i32
        %add3A_897 = arith.addi %mul3A_895, %add3A_896 : i32
        %broadcast_in_dim3A = vector.broadcast %add3A_897 : i32 to vector<16xi32>
        %add3A_898 = arith.constant 0 : i32
        %add3A_899 = vector.broadcast %add3A_898 : i32 to vector<16xi32>
        %add3A_900 = arith.addi %add3A_899, %iota3A_523 : vector<16xi32>
        %shift_right_logical3A = arith.constant 3 : i32
        %shift_right_logical3A_901 = vector.broadcast %shift_right_logical3A : i32 to vector<16xi32>
        %shift_right_logical3A_902 = arith.shrui %add3A_900, %shift_right_logical3A_901 : vector<16xi32>
        %and3A_903 = arith.constant 7 : i32
        %and3A_904 = vector.broadcast %and3A_903 : i32 to vector<16xi32>
        %and3A_905 = arith.andi %add3A_900, %and3A_904 : vector<16xi32>
        %get3A = arith.index_cast %add3A_897 : i32 to index
        %get3A_906 = arith.constant 0 : index
        %get3A_907 = tpu.vector_load %arg9[%get3A, %get3A_906] {strides = array<i32>} : memref<128x32xf32, #tpu.memory_space<vmem>>, vector<16xf32>,
        tpu.vector_store_idx %arg17[%shift_right_logical3A_902, %and3A_905, %broadcast_in_dim3A], %get3A_907 : memref<4x8x129xf32, #tpu.memory_space<vmem>>[vector<16xi32>, vector<16xi32>, vector<16xi32>], vector<16xf32>,
        %add3A_908 = arith.constant 16 : i32
        %add3A_909 = vector.broadcast %add3A_908 : i32 to vector<16xi32>
        %add3A_910 = arith.addi %add3A_909, %iota3A_523 : vector<16xi32>
        %shift_right_logical3A_911 = arith.constant 3 : i32
        %shift_right_logical3A_912 = vector.broadcast %shift_right_logical3A_911 : i32 to vector<16xi32>
        %shift_right_logical3A_913 = arith.shrui %add3A_910, %shift_right_logical3A_912 : vector<16xi32>
        %and3A_914 = arith.constant 7 : i32
        %and3A_915 = vector.broadcast %and3A_914 : i32 to vector<16xi32>
        %and3A_916 = arith.andi %add3A_910, %and3A_915 : vector<16xi32>
        %get3A_917 = arith.index_cast %add3A_897 : i32 to index
        %get3A_918 = arith.constant 16 : index
        %get3A_919 = tpu.vector_load %arg9[%get3A_917, %get3A_918] {strides = array<i32>} : memref<128x32xf32, #tpu.memory_space<vmem>>, vector<16xf32>,
        tpu.vector_store_idx %arg17[%shift_right_logical3A_913, %and3A_916, %broadcast_in_dim3A], %get3A_919 : memref<4x8x129xf32, #tpu.memory_space<vmem>>[vector<16xi32>, vector<16xi32>, vector<16xi32>], vector<16xf32>,
        %mul3A_920 = arith.constant 4 : i32
        %mul3A_921 = arith.muli %scan3A_893, %mul3A_920 : i32
        %add3A_922 = arith.constant 1 : i32
        %add3A_923 = arith.addi %mul3A_921, %add3A_922 : i32
        %broadcast_in_dim3A_924 = vector.broadcast %add3A_923 : i32 to vector<16xi32>
        %add3A_925 = arith.constant 0 : i32
        %add3A_926 = vector.broadcast %add3A_925 : i32 to vector<16xi32>
        %add3A_927 = arith.addi %add3A_926, %iota3A_523 : vector<16xi32>
        %shift_right_logical3A_928 = arith.constant 3 : i32
        %shift_right_logical3A_929 = vector.broadcast %shift_right_logical3A_928 : i32 to vector<16xi32>
        %shift_right_logical3A_930 = arith.shrui %add3A_927, %shift_right_logical3A_929 : vector<16xi32>
        %and3A_931 = arith.constant 7 : i32
        %and3A_932 = vector.broadcast %and3A_931 : i32 to vector<16xi32>
        %and3A_933 = arith.andi %add3A_927, %and3A_932 : vector<16xi32>
        %get3A_934 = arith.index_cast %add3A_923 : i32 to index
        %get3A_935 = arith.constant 0 : index
        %get3A_936 = tpu.vector_load %arg9[%get3A_934, %get3A_935] {strides = array<i32>} : memref<128x32xf32, #tpu.memory_space<vmem>>, vector<16xf32>,
        tpu.vector_store_idx %arg17[%shift_right_logical3A_930, %and3A_933, %broadcast_in_dim3A_924], %get3A_936 : memref<4x8x129xf32, #tpu.memory_space<vmem>>[vector<16xi32>, vector<16xi32>, vector<16xi32>], vector<16xf32>,
        %add3A_937 = arith.constant 16 : i32
        %add3A_938 = vector.broadcast %add3A_937 : i32 to vector<16xi32>
        %add3A_939 = arith.addi %add3A_938, %iota3A_523 : vector<16xi32>
        %shift_right_logical3A_940 = arith.constant 3 : i32
        %shift_right_logical3A_941 = vector.broadcast %shift_right_logical3A_940 : i32 to vector<16xi32>
        %shift_right_logical3A_942 = arith.shrui %add3A_939, %shift_right_logical3A_941 : vector<16xi32>
        %and3A_943 = arith.constant 7 : i32
        %and3A_944 = vector.broadcast %and3A_943 : i32 to vector<16xi32>
        %and3A_945 = arith.andi %add3A_939, %and3A_944 : vector<16xi32>
        %get3A_946 = arith.index_cast %add3A_923 : i32 to index
        %get3A_947 = arith.constant 16 : index
        %get3A_948 = tpu.vector_load %arg9[%get3A_946, %get3A_947] {strides = array<i32>} : memref<128x32xf32, #tpu.memory_space<vmem>>, vector<16xf32>,
        tpu.vector_store_idx %arg17[%shift_right_logical3A_942, %and3A_945, %broadcast_in_dim3A_924], %get3A_948 : memref<4x8x129xf32, #tpu.memory_space<vmem>>[vector<16xi32>, vector<16xi32>, vector<16xi32>], vector<16xf32>,
        %mul3A_949 = arith.constant 4 : i32
        %mul3A_950 = arith.muli %scan3A_893, %mul3A_949 : i32
        %add3A_951 = arith.constant 2 : i32
        %add3A_952 = arith.addi %mul3A_950, %add3A_951 : i32
        %broadcast_in_dim3A_953 = vector.broadcast %add3A_952 : i32 to vector<16xi32>
        %add3A_954 = arith.constant 0 : i32
        %add3A_955 = vector.broadcast %add3A_954 : i32 to vector<16xi32>
        %add3A_956 = arith.addi %add3A_955, %iota3A_523 : vector<16xi32>
        %shift_right_logical3A_957 = arith.constant 3 : i32
        %shift_right_logical3A_958 = vector.broadcast %shift_right_logical3A_957 : i32 to vector<16xi32>
        %shift_right_logical3A_959 = arith.shrui %add3A_956, %shift_right_logical3A_958 : vector<16xi32>
        %and3A_960 = arith.constant 7 : i32
        %and3A_961 = vector.broadcast %and3A_960 : i32 to vector<16xi32>
        %and3A_962 = arith.andi %add3A_956, %and3A_961 : vector<16xi32>
        %get3A_963 = arith.index_cast %add3A_952 : i32 to index
        %get3A_964 = arith.constant 0 : index
        %get3A_965 = tpu.vector_load %arg9[%get3A_963, %get3A_964] {strides = array<i32>} : memref<128x32xf32, #tpu.memory_space<vmem>>, vector<16xf32>,
        tpu.vector_store_idx %arg17[%shift_right_logical3A_959, %and3A_962, %broadcast_in_dim3A_953], %get3A_965 : memref<4x8x129xf32, #tpu.memory_space<vmem>>[vector<16xi32>, vector<16xi32>, vector<16xi32>], vector<16xf32>,
        %add3A_966 = arith.constant 16 : i32
        %add3A_967 = vector.broadcast %add3A_966 : i32 to vector<16xi32>
        %add3A_968 = arith.addi %add3A_967, %iota3A_523 : vector<16xi32>
        %shift_right_logical3A_969 = arith.constant 3 : i32
        %shift_right_logical3A_970 = vector.broadcast %shift_right_logical3A_969 : i32 to vector<16xi32>
        %shift_right_logical3A_971 = arith.shrui %add3A_968, %shift_right_logical3A_970 : vector<16xi32>
        %and3A_972 = arith.constant 7 : i32
        %and3A_973 = vector.broadcast %and3A_972 : i32 to vector<16xi32>
        %and3A_974 = arith.andi %add3A_968, %and3A_973 : vector<16xi32>
        %get3A_975 = arith.index_cast %add3A_952 : i32 to index
        %get3A_976 = arith.constant 16 : index
        %get3A_977 = tpu.vector_load %arg9[%get3A_975, %get3A_976] {strides = array<i32>} : memref<128x32xf32, #tpu.memory_space<vmem>>, vector<16xf32>,
        tpu.vector_store_idx %arg17[%shift_right_logical3A_971, %and3A_974, %broadcast_in_dim3A_953], %get3A_977 : memref<4x8x129xf32, #tpu.memory_space<vmem>>[vector<16xi32>, vector<16xi32>, vector<16xi32>], vector<16xf32>,
        %mul3A_978 = arith.constant 4 : i32
        %mul3A_979 = arith.muli %scan3A_893, %mul3A_978 : i32
        %add3A_980 = arith.constant 3 : i32
        %add3A_981 = arith.addi %mul3A_979, %add3A_980 : i32
        %broadcast_in_dim3A_982 = vector.broadcast %add3A_981 : i32 to vector<16xi32>
        %add3A_983 = arith.constant 0 : i32
        %add3A_984 = vector.broadcast %add3A_983 : i32 to vector<16xi32>
        %add3A_985 = arith.addi %add3A_984, %iota3A_523 : vector<16xi32>
        %shift_right_logical3A_986 = arith.constant 3 : i32
        %shift_right_logical3A_987 = vector.broadcast %shift_right_logical3A_986 : i32 to vector<16xi32>
        %shift_right_logical3A_988 = arith.shrui %add3A_985, %shift_right_logical3A_987 : vector<16xi32>
        %and3A_989 = arith.constant 7 : i32
        %and3A_990 = vector.broadcast %and3A_989 : i32 to vector<16xi32>
        %and3A_991 = arith.andi %add3A_985, %and3A_990 : vector<16xi32>
        %get3A_992 = arith.index_cast %add3A_981 : i32 to index
        %get3A_993 = arith.constant 0 : index
        %get3A_994 = tpu.vector_load %arg9[%get3A_992, %get3A_993] {strides = array<i32>} : memref<128x32xf32, #tpu.memory_space<vmem>>, vector<16xf32>,
        tpu.vector_store_idx %arg17[%shift_right_logical3A_988, %and3A_991, %broadcast_in_dim3A_982], %get3A_994 : memref<4x8x129xf32, #tpu.memory_space<vmem>>[vector<16xi32>, vector<16xi32>, vector<16xi32>], vector<16xf32>,
        %add3A_995 = arith.constant 16 : i32
        %add3A_996 = vector.broadcast %add3A_995 : i32 to vector<16xi32>
        %add3A_997 = arith.addi %add3A_996, %iota3A_523 : vector<16xi32>
        %shift_right_logical3A_998 = arith.constant 3 : i32
        %shift_right_logical3A_999 = vector.broadcast %shift_right_logical3A_998 : i32 to vector<16xi32>
        %shift_right_logical3A_1000 = arith.shrui %add3A_997, %shift_right_logical3A_999 : vector<16xi32>
        %and3A_1001 = arith.constant 7 : i32
        %and3A_1002 = vector.broadcast %and3A_1001 : i32 to vector<16xi32>
        %and3A_1003 = arith.andi %add3A_997, %and3A_1002 : vector<16xi32>
        %get3A_1004 = arith.index_cast %add3A_981 : i32 to index
        %get3A_1005 = arith.constant 16 : index
        %get3A_1006 = tpu.vector_load %arg9[%get3A_1004, %get3A_1005] {strides = array<i32>} : memref<128x32xf32, #tpu.memory_space<vmem>>, vector<16xf32>,
        tpu.vector_store_idx %arg17[%shift_right_logical3A_1000, %and3A_1003, %broadcast_in_dim3A_982], %get3A_1006 : memref<4x8x129xf32, #tpu.memory_space<vmem>>[vector<16xi32>, vector<16xi32>, vector<16xi32>], vector<16xf32>,
      }
      %scan3A_529 = arith.constant 32 : i32
      %lt3A_530 = arith.constant 24 : i32
      %lt3A_531 = arith.cmpi slt, %scan3A_226, %lt3A_530 : i32
      %convert_element_type3A_532 = arith.extui %lt3A_531 : i1 to i32
      %cond3A_533 = arith.constant 0 : i32
      %cond3A_534 = arith.cmpi ne, %convert_element_type3A_532, %cond3A_533 : i32
      scf.if %cond3A_534 {
        %add3A_893 = arith.constant 8 : i32
        %add3A_894 = arith.addi %add3A_471, %add3A_893 : i32
        %jit3A_895 = arith.constant 8 : i32
        %div3A_896 = arith.divsi %add3A_894, %jit3A_895 : i32
        %sign3A_897 = arith.constant 0 : i32
        %sign3A_898 = arith.cmpi sgt, %add3A_894, %sign3A_897 : i32
        %sign3A_899 = arith.extui %sign3A_898 : i1 to i32
        %sign3A_900 = arith.constant 0 : i32
        %sign3A_901 = arith.cmpi slt, %add3A_894, %sign3A_900 : i32
        %sign3A_902 = arith.extui %sign3A_901 : i1 to i32
        %sign3A_903 = arith.subi %sign3A_899, %sign3A_902 : i32
        %sign3A_904 = arith.constant 0 : i32
        %sign3A_905 = arith.cmpi sgt, %jit3A_895, %sign3A_904 : i32
        %sign3A_906 = arith.extui %sign3A_905 : i1 to i32
        %sign3A_907 = arith.constant 0 : i32
        %sign3A_908 = arith.cmpi slt, %jit3A_895, %sign3A_907 : i32
        %sign3A_909 = arith.extui %sign3A_908 : i1 to i32
        %sign3A_910 = arith.subi %sign3A_906, %sign3A_909 : i32
        %ne3A_911 = arith.cmpi ne, %sign3A_903, %sign3A_910 : i32
        %rem3A_912 = arith.remsi %add3A_894, %jit3A_895 : i32
        %ne3A_913 = arith.constant 0 : i32
        %ne3A_914 = arith.cmpi ne, %rem3A_912, %ne3A_913 : i32
        %and3A_915 = arith.andi %ne3A_911, %ne3A_914 : i1
        %sub3A_916 = arith.constant 1 : i32
        %sub3A_917 = arith.subi %div3A_896, %sub3A_916 : i32
        %select_n3A_918 = arith.select %and3A_915, %sub3A_917, %div3A_896 : i32
        %jit3A_919 = arith.constant 8 : i32
        %eq3A_920 = arith.constant 0 : i32
        %eq3A_921 = arith.cmpi eq, %jit3A_919, %eq3A_920 : i32
        %jit3A_922 = arith.constant 1 : i32
        %select_n3A_923 = arith.select %eq3A_921, %jit3A_922, %jit3A_919 : i32
        %rem3A_924 = arith.remsi %add3A_894, %select_n3A_923 : i32
        %ne3A_925 = arith.constant 0 : i32
        %ne3A_926 = arith.cmpi ne, %rem3A_924, %ne3A_925 : i32
        %lt3A_927 = arith.constant 0 : i32
        %lt3A_928 = arith.cmpi slt, %rem3A_924, %lt3A_927 : i32
        %lt3A_929 = arith.constant 0 : i32
        %lt3A_930 = arith.cmpi slt, %select_n3A_923, %lt3A_929 : i32
        %ne3A_931 = arith.xori %lt3A_928, %lt3A_930 : i1
        %and3A_932 = arith.andi %ne3A_931, %ne3A_926 : i1
        %add3A_933 = arith.addi %rem3A_924, %select_n3A_923 : i32
        %select_n3A_934 = arith.select %and3A_932, %add3A_933, %rem3A_924 : i32
        %dma_start3A_935 = arith.constant 0 : i32
        %dma_start3A_936 = tpu.memref_slice %arg5[%select_n3A_918, %select_n3A_934, %dma_start3A_935] : memref<25x8x128xi32, #tpu.memory_space<vmem>> -> memref<1x1x128xi32, #tpu.memory_space<vmem>>
        %dma_start3A_937 = tpu.memref_squeeze %dma_start3A_936 : memref<1x1x128xi32, #tpu.memory_space<vmem>> -> memref<128xi32, #tpu.memory_space<vmem>>
        %dma_start3A_938 = arith.constant 0 : i32
        %dma_start3A_939 = arith.constant 0 : i32
        %dma_start3A_940 = tpu.memref_slice %arg3[%dma_start3A_938, %dma_start3A_939] : memref<1015808x32xf32, #tpu.memory_space<hbm>> -> memref<1015808x32xf32, #tpu.memory_space<hbm>>
        tpu.enqueue_indirect_dma source(%dma_start3A_940 : memref<1015808x32xf32, #tpu.memory_space<hbm>>) target(%arg9 : memref<128x32xf32, #tpu.memory_space<vmem>>) offsets(%dma_start3A_937 : memref<128xi32, #tpu.memory_space<vmem>>) semaphore(%arg25 : memref<!tpu.dma_semaphore, #tpu.memory_space<semaphore_mem>>)
      } else {
      }
      %dma_start3A_535 = arith.constant 0 : i32
      %dma_start3A_536 = arith.constant 0 : i32
      %dma_start3A_537 = arith.constant 0 : i32
      %dma_start3A_538 = tpu.memref_slice %arg17[%dma_start3A_535, %dma_start3A_536, %dma_start3A_537] : memref<4x8x129xf32, #tpu.memory_space<vmem>> -> memref<4x8x128xf32, #tpu.memory_space<vmem>>
      %dma_start3A_539 = arith.constant 0 : i32
      %dma_start3A_540 = arith.constant 0 : i32
      %dma_start3A_541 = arith.constant 0 : i32
      %dma_start3A_542 = tpu.memref_slice %arg4[%add3A_471, %dma_start3A_539, %add3A, %dma_start3A_540, %dma_start3A_541] : memref<200x4x32x8x128xf32, #tpu.memory_space<hbm>> -> memref<1x4x1x8x128xf32, #tpu.memory_space<hbm>>
      %dma_start3A_543 = tpu.memref_squeeze %dma_start3A_542 : memref<1x4x1x8x128xf32, #tpu.memory_space<hbm>> -> memref<4x8x128xf32, #tpu.memory_space<hbm>>
      %dma_start3A_544 = arith.constant 0 : i32
      %dma_start3A_545 = arith.constant 0 : i32
      %dma_start3A_546 = arith.constant 0 : i32
      %dma_start3A_547 = tpu.memref_slice %arg4[%add3A_471, %dma_start3A_544, %add3A, %dma_start3A_545, %dma_start3A_546] : memref<200x4x32x8x128xf32, #tpu.memory_space<hbm>> -> memref<1x4x1x8x128xf32, #tpu.memory_space<hbm>>
      %dma_start3A_548 = tpu.memref_squeeze %dma_start3A_547 : memref<1x4x1x8x128xf32, #tpu.memory_space<hbm>> -> memref<4x8x128xf32, #tpu.memory_space<hbm>>
      %dma_start3A_549 = arith.constant 0 : i32
      %dma_start3A_550 = arith.constant 0 : i32
      %dma_start3A_551 = arith.constant 0 : i32
      %dma_start3A_552 = tpu.memref_slice %arg17[%dma_start3A_549, %dma_start3A_550, %dma_start3A_551] : memref<4x8x129xf32, #tpu.memory_space<vmem>> -> memref<4x8x128xf32, #tpu.memory_space<vmem>>
      tpu.enqueue_dma source(%dma_start3A_552 : memref<4x8x128xf32, #tpu.memory_space<vmem>>) target(%dma_start3A_548 : memref<4x8x128xf32, #tpu.memory_space<hbm>>) target_semaphore(%arg33 : memref<!tpu.dma_semaphore, #tpu.memory_space<semaphore_mem>>)
      %mul3A_553 = arith.constant 8 : i32
      %mul3A_554 = arith.muli %scan3A_226, %mul3A_553 : i32
      %add3A_555 = arith.constant 4 : i32
      %add3A_556 = arith.addi %mul3A_554, %add3A_555 : i32
      %jit3A_557 = arith.constant 8 : i32
      %div3A_558 = arith.divsi %add3A_556, %jit3A_557 : i32
      %sign3A_559 = arith.constant 0 : i32
      %sign3A_560 = arith.cmpi sgt, %add3A_556, %sign3A_559 : i32
      %sign3A_561 = arith.extui %sign3A_560 : i1 to i32
      %sign3A_562 = arith.constant 0 : i32
      %sign3A_563 = arith.cmpi slt, %add3A_556, %sign3A_562 : i32
      %sign3A_564 = arith.extui %sign3A_563 : i1 to i32
      %sign3A_565 = arith.subi %sign3A_561, %sign3A_564 : i32
      %sign3A_566 = arith.constant 0 : i32
      %sign3A_567 = arith.cmpi sgt, %jit3A_557, %sign3A_566 : i32
      %sign3A_568 = arith.extui %sign3A_567 : i1 to i32
      %sign3A_569 = arith.constant 0 : i32
      %sign3A_570 = arith.cmpi slt, %jit3A_557, %sign3A_569 : i32
      %sign3A_571 = arith.extui %sign3A_570 : i1 to i32
      %sign3A_572 = arith.subi %sign3A_568, %sign3A_571 : i32
      %ne3A_573 = arith.cmpi ne, %sign3A_565, %sign3A_572 : i32
      %rem3A_574 = arith.remsi %add3A_556, %jit3A_557 : i32
      %ne3A_575 = arith.constant 0 : i32
      %ne3A_576 = arith.cmpi ne, %rem3A_574, %ne3A_575 : i32
      %and3A_577 = arith.andi %ne3A_573, %ne3A_576 : i1
      %sub3A_578 = arith.constant 1 : i32
      %sub3A_579 = arith.subi %div3A_558, %sub3A_578 : i32
      %select_n3A_580 = arith.select %and3A_577, %sub3A_579, %div3A_558 : i32
      %jit3A_581 = arith.constant 8 : i32
      %eq3A_582 = arith.constant 0 : i32
      %eq3A_583 = arith.cmpi eq, %jit3A_581, %eq3A_582 : i32
      %jit3A_584 = arith.constant 1 : i32
      %select_n3A_585 = arith.select %eq3A_583, %jit3A_584, %jit3A_581 : i32
      %rem3A_586 = arith.remsi %add3A_556, %select_n3A_585 : i32
      %ne3A_587 = arith.constant 0 : i32
      %ne3A_588 = arith.cmpi ne, %rem3A_586, %ne3A_587 : i32
      %lt3A_589 = arith.constant 0 : i32
      %lt3A_590 = arith.cmpi slt, %rem3A_586, %lt3A_589 : i32
      %lt3A_591 = arith.constant 0 : i32
      %lt3A_592 = arith.cmpi slt, %select_n3A_585, %lt3A_591 : i32
      %ne3A_593 = arith.xori %lt3A_590, %lt3A_592 : i1
      %and3A_594 = arith.andi %ne3A_593, %ne3A_588 : i1
      %add3A_595 = arith.addi %rem3A_586, %select_n3A_585 : i32
      %select_n3A_596 = arith.select %and3A_594, %add3A_595, %rem3A_586 : i32
      %dma_wait3A_597 = arith.constant 0 : i32
      %dma_wait3A_598 = tpu.memref_slice %arg5[%select_n3A_580, %select_n3A_596, %dma_wait3A_597] : memref<25x8x128xi32, #tpu.memory_space<vmem>> -> memref<1x1x128xi32, #tpu.memory_space<vmem>>
      %dma_wait3A_599 = tpu.memref_squeeze %dma_wait3A_598 : memref<1x1x128xi32, #tpu.memory_space<vmem>> -> memref<128xi32, #tpu.memory_space<vmem>>
      %dma_wait3A_600 = arith.constant 0 : i32
      %dma_wait3A_601 = arith.constant 0 : i32
      %dma_wait3A_602 = tpu.memref_slice %arg3[%dma_wait3A_600, %dma_wait3A_601] : memref<1015808x32xf32, #tpu.memory_space<hbm>> -> memref<1015808x32xf32, #tpu.memory_space<hbm>>
      tpu.wait_indirect_dma semaphore(%arg26 : memref<!tpu.dma_semaphore, #tpu.memory_space<semaphore_mem>>) src(%dma_wait3A_602 : memref<1015808x32xf32, #tpu.memory_space<hbm>>) dst(%arg10 : memref<128x32xf32, #tpu.memory_space<vmem>>)
      %gt3A_603 = arith.constant 0 : i32
      %gt3A_604 = arith.cmpi sgt, %scan3A_226, %gt3A_603 : i32
      %convert_element_type3A_605 = arith.extui %gt3A_604 : i1 to i32
      %cond3A_606 = arith.constant 0 : i32
      %cond3A_607 = arith.cmpi ne, %convert_element_type3A_605, %cond3A_606 : i32
      scf.if %cond3A_607 {
        %sub3A_893 = arith.constant 8 : i32
        %sub3A_894 = arith.subi %add3A_556, %sub3A_893 : i32
        %dma_wait3A_895 = arith.constant 0 : i32
        %dma_wait3A_896 = arith.constant 0 : i32
        %dma_wait3A_897 = arith.constant 0 : i32
        %dma_wait3A_898 = tpu.memref_slice %arg18[%dma_wait3A_895, %dma_wait3A_896, %dma_wait3A_897] : memref<4x8x129xf32, #tpu.memory_space<vmem>> -> memref<4x8x128xf32, #tpu.memory_space<vmem>>
        %dma_wait3A_899 = arith.constant 0 : i32
        %dma_wait3A_900 = arith.constant 0 : i32
        %dma_wait3A_901 = arith.constant 0 : i32
        %dma_wait3A_902 = tpu.memref_slice %arg4[%sub3A_894, %dma_wait3A_899, %add3A, %dma_wait3A_900, %dma_wait3A_901] : memref<200x4x32x8x128xf32, #tpu.memory_space<hbm>> -> memref<1x4x1x8x128xf32, #tpu.memory_space<hbm>>
        %dma_wait3A_903 = tpu.memref_squeeze %dma_wait3A_902 : memref<1x4x1x8x128xf32, #tpu.memory_space<hbm>> -> memref<4x8x128xf32, #tpu.memory_space<hbm>>
        %dma_wait3A_904 = arith.constant 0 : i32
        %dma_wait3A_905 = arith.constant 0 : i32
        %dma_wait3A_906 = arith.constant 0 : i32
        %dma_wait3A_907 = tpu.memref_slice %arg4[%sub3A_894, %dma_wait3A_904, %add3A, %dma_wait3A_905, %dma_wait3A_906] : memref<200x4x32x8x128xf32, #tpu.memory_space<hbm>> -> memref<1x4x1x8x128xf32, #tpu.memory_space<hbm>>
        %dma_wait3A_908 = tpu.memref_squeeze %dma_wait3A_907 : memref<1x4x1x8x128xf32, #tpu.memory_space<hbm>> -> memref<4x8x128xf32, #tpu.memory_space<hbm>>
        %dma_wait3A_909 = arith.constant 0 : i32
        %dma_wait3A_910 = arith.constant 0 : i32
        %dma_wait3A_911 = arith.constant 0 : i32
        %dma_wait3A_912 = tpu.memref_slice %arg18[%dma_wait3A_909, %dma_wait3A_910, %dma_wait3A_911] : memref<4x8x129xf32, #tpu.memory_space<vmem>> -> memref<4x8x128xf32, #tpu.memory_space<vmem>>
        tpu.wait_dma2 semaphore(%arg34 : memref<!tpu.dma_semaphore, #tpu.memory_space<semaphore_mem>>) src(%dma_wait3A_912 : memref<4x8x128xf32, #tpu.memory_space<vmem>>) dst(%dma_wait3A_908 : memref<4x8x128xf32, #tpu.memory_space<hbm>>)
      } else {
      }
      %iota3A_608 = tpu.iota {dimensions = array<i32: 0>} : vector<16xi32>
      %scan3A_609 = arith.constant 0 : i32
      %scan3A_610 = arith.constant 0 : i32
      %scan3A_611 = arith.constant 32 : i32
      %scan3A_612 = arith.addi %scan3A_610, %scan3A_611 : i32
      %scan3A_613 = arith.constant 1 : i32
      scf.for %scan3A_893 = %scan3A_610 to %scan3A_612 step %scan3A_613  : i32 {
        %mul3A_894 = arith.constant 4 : i32
        %mul3A_895 = arith.muli %scan3A_893, %mul3A_894 : i32
        %add3A_896 = arith.constant 0 : i32
        %add3A_897 = arith.addi %mul3A_895, %add3A_896 : i32
        %broadcast_in_dim3A = vector.broadcast %add3A_897 : i32 to vector<16xi32>
        %add3A_898 = arith.constant 0 : i32
        %add3A_899 = vector.broadcast %add3A_898 : i32 to vector<16xi32>
        %add3A_900 = arith.addi %add3A_899, %iota3A_608 : vector<16xi32>
        %shift_right_logical3A = arith.constant 3 : i32
        %shift_right_logical3A_901 = vector.broadcast %shift_right_logical3A : i32 to vector<16xi32>
        %shift_right_logical3A_902 = arith.shrui %add3A_900, %shift_right_logical3A_901 : vector<16xi32>
        %and3A_903 = arith.constant 7 : i32
        %and3A_904 = vector.broadcast %and3A_903 : i32 to vector<16xi32>
        %and3A_905 = arith.andi %add3A_900, %and3A_904 : vector<16xi32>
        %get3A = arith.index_cast %add3A_897 : i32 to index
        %get3A_906 = arith.constant 0 : index
        %get3A_907 = tpu.vector_load %arg10[%get3A, %get3A_906] {strides = array<i32>} : memref<128x32xf32, #tpu.memory_space<vmem>>, vector<16xf32>,
        tpu.vector_store_idx %arg18[%shift_right_logical3A_902, %and3A_905, %broadcast_in_dim3A], %get3A_907 : memref<4x8x129xf32, #tpu.memory_space<vmem>>[vector<16xi32>, vector<16xi32>, vector<16xi32>], vector<16xf32>,
        %add3A_908 = arith.constant 16 : i32
        %add3A_909 = vector.broadcast %add3A_908 : i32 to vector<16xi32>
        %add3A_910 = arith.addi %add3A_909, %iota3A_608 : vector<16xi32>
        %shift_right_logical3A_911 = arith.constant 3 : i32
        %shift_right_logical3A_912 = vector.broadcast %shift_right_logical3A_911 : i32 to vector<16xi32>
        %shift_right_logical3A_913 = arith.shrui %add3A_910, %shift_right_logical3A_912 : vector<16xi32>
        %and3A_914 = arith.constant 7 : i32
        %and3A_915 = vector.broadcast %and3A_914 : i32 to vector<16xi32>
        %and3A_916 = arith.andi %add3A_910, %and3A_915 : vector<16xi32>
        %get3A_917 = arith.index_cast %add3A_897 : i32 to index
        %get3A_918 = arith.constant 16 : index
        %get3A_919 = tpu.vector_load %arg10[%get3A_917, %get3A_918] {strides = array<i32>} : memref<128x32xf32, #tpu.memory_space<vmem>>, vector<16xf32>,
        tpu.vector_store_idx %arg18[%shift_right_logical3A_913, %and3A_916, %broadcast_in_dim3A], %get3A_919 : memref<4x8x129xf32, #tpu.memory_space<vmem>>[vector<16xi32>, vector<16xi32>, vector<16xi32>], vector<16xf32>,
        %mul3A_920 = arith.constant 4 : i32
        %mul3A_921 = arith.muli %scan3A_893, %mul3A_920 : i32
        %add3A_922 = arith.constant 1 : i32
        %add3A_923 = arith.addi %mul3A_921, %add3A_922 : i32
        %broadcast_in_dim3A_924 = vector.broadcast %add3A_923 : i32 to vector<16xi32>
        %add3A_925 = arith.constant 0 : i32
        %add3A_926 = vector.broadcast %add3A_925 : i32 to vector<16xi32>
        %add3A_927 = arith.addi %add3A_926, %iota3A_608 : vector<16xi32>
        %shift_right_logical3A_928 = arith.constant 3 : i32
        %shift_right_logical3A_929 = vector.broadcast %shift_right_logical3A_928 : i32 to vector<16xi32>
        %shift_right_logical3A_930 = arith.shrui %add3A_927, %shift_right_logical3A_929 : vector<16xi32>
        %and3A_931 = arith.constant 7 : i32
        %and3A_932 = vector.broadcast %and3A_931 : i32 to vector<16xi32>
        %and3A_933 = arith.andi %add3A_927, %and3A_932 : vector<16xi32>
        %get3A_934 = arith.index_cast %add3A_923 : i32 to index
        %get3A_935 = arith.constant 0 : index
        %get3A_936 = tpu.vector_load %arg10[%get3A_934, %get3A_935] {strides = array<i32>} : memref<128x32xf32, #tpu.memory_space<vmem>>, vector<16xf32>,
        tpu.vector_store_idx %arg18[%shift_right_logical3A_930, %and3A_933, %broadcast_in_dim3A_924], %get3A_936 : memref<4x8x129xf32, #tpu.memory_space<vmem>>[vector<16xi32>, vector<16xi32>, vector<16xi32>], vector<16xf32>,
        %add3A_937 = arith.constant 16 : i32
        %add3A_938 = vector.broadcast %add3A_937 : i32 to vector<16xi32>
        %add3A_939 = arith.addi %add3A_938, %iota3A_608 : vector<16xi32>
        %shift_right_logical3A_940 = arith.constant 3 : i32
        %shift_right_logical3A_941 = vector.broadcast %shift_right_logical3A_940 : i32 to vector<16xi32>
        %shift_right_logical3A_942 = arith.shrui %add3A_939, %shift_right_logical3A_941 : vector<16xi32>
        %and3A_943 = arith.constant 7 : i32
        %and3A_944 = vector.broadcast %and3A_943 : i32 to vector<16xi32>
        %and3A_945 = arith.andi %add3A_939, %and3A_944 : vector<16xi32>
        %get3A_946 = arith.index_cast %add3A_923 : i32 to index
        %get3A_947 = arith.constant 16 : index
        %get3A_948 = tpu.vector_load %arg10[%get3A_946, %get3A_947] {strides = array<i32>} : memref<128x32xf32, #tpu.memory_space<vmem>>, vector<16xf32>,
        tpu.vector_store_idx %arg18[%shift_right_logical3A_942, %and3A_945, %broadcast_in_dim3A_924], %get3A_948 : memref<4x8x129xf32, #tpu.memory_space<vmem>>[vector<16xi32>, vector<16xi32>, vector<16xi32>], vector<16xf32>,
        %mul3A_949 = arith.constant 4 : i32
        %mul3A_950 = arith.muli %scan3A_893, %mul3A_949 : i32
        %add3A_951 = arith.constant 2 : i32
        %add3A_952 = arith.addi %mul3A_950, %add3A_951 : i32
        %broadcast_in_dim3A_953 = vector.broadcast %add3A_952 : i32 to vector<16xi32>
        %add3A_954 = arith.constant 0 : i32
        %add3A_955 = vector.broadcast %add3A_954 : i32 to vector<16xi32>
        %add3A_956 = arith.addi %add3A_955, %iota3A_608 : vector<16xi32>
        %shift_right_logical3A_957 = arith.constant 3 : i32
        %shift_right_logical3A_958 = vector.broadcast %shift_right_logical3A_957 : i32 to vector<16xi32>
        %shift_right_logical3A_959 = arith.shrui %add3A_956, %shift_right_logical3A_958 : vector<16xi32>
        %and3A_960 = arith.constant 7 : i32
        %and3A_961 = vector.broadcast %and3A_960 : i32 to vector<16xi32>
        %and3A_962 = arith.andi %add3A_956, %and3A_961 : vector<16xi32>
        %get3A_963 = arith.index_cast %add3A_952 : i32 to index
        %get3A_964 = arith.constant 0 : index
        %get3A_965 = tpu.vector_load %arg10[%get3A_963, %get3A_964] {strides = array<i32>} : memref<128x32xf32, #tpu.memory_space<vmem>>, vector<16xf32>,
        tpu.vector_store_idx %arg18[%shift_right_logical3A_959, %and3A_962, %broadcast_in_dim3A_953], %get3A_965 : memref<4x8x129xf32, #tpu.memory_space<vmem>>[vector<16xi32>, vector<16xi32>, vector<16xi32>], vector<16xf32>,
        %add3A_966 = arith.constant 16 : i32
        %add3A_967 = vector.broadcast %add3A_966 : i32 to vector<16xi32>
        %add3A_968 = arith.addi %add3A_967, %iota3A_608 : vector<16xi32>
        %shift_right_logical3A_969 = arith.constant 3 : i32
        %shift_right_logical3A_970 = vector.broadcast %shift_right_logical3A_969 : i32 to vector<16xi32>
        %shift_right_logical3A_971 = arith.shrui %add3A_968, %shift_right_logical3A_970 : vector<16xi32>
        %and3A_972 = arith.constant 7 : i32
        %and3A_973 = vector.broadcast %and3A_972 : i32 to vector<16xi32>
        %and3A_974 = arith.andi %add3A_968, %and3A_973 : vector<16xi32>
        %get3A_975 = arith.index_cast %add3A_952 : i32 to index
        %get3A_976 = arith.constant 16 : index
        %get3A_977 = tpu.vector_load %arg10[%get3A_975, %get3A_976] {strides = array<i32>} : memref<128x32xf32, #tpu.memory_space<vmem>>, vector<16xf32>,
        tpu.vector_store_idx %arg18[%shift_right_logical3A_971, %and3A_974, %broadcast_in_dim3A_953], %get3A_977 : memref<4x8x129xf32, #tpu.memory_space<vmem>>[vector<16xi32>, vector<16xi32>, vector<16xi32>], vector<16xf32>,
        %mul3A_978 = arith.constant 4 : i32
        %mul3A_979 = arith.muli %scan3A_893, %mul3A_978 : i32
        %add3A_980 = arith.constant 3 : i32
        %add3A_981 = arith.addi %mul3A_979, %add3A_980 : i32
        %broadcast_in_dim3A_982 = vector.broadcast %add3A_981 : i32 to vector<16xi32>
        %add3A_983 = arith.constant 0 : i32
        %add3A_984 = vector.broadcast %add3A_983 : i32 to vector<16xi32>
        %add3A_985 = arith.addi %add3A_984, %iota3A_608 : vector<16xi32>
        %shift_right_logical3A_986 = arith.constant 3 : i32
        %shift_right_logical3A_987 = vector.broadcast %shift_right_logical3A_986 : i32 to vector<16xi32>
        %shift_right_logical3A_988 = arith.shrui %add3A_985, %shift_right_logical3A_987 : vector<16xi32>
        %and3A_989 = arith.constant 7 : i32
        %and3A_990 = vector.broadcast %and3A_989 : i32 to vector<16xi32>
        %and3A_991 = arith.andi %add3A_985, %and3A_990 : vector<16xi32>
        %get3A_992 = arith.index_cast %add3A_981 : i32 to index
        %get3A_993 = arith.constant 0 : index
        %get3A_994 = tpu.vector_load %arg10[%get3A_992, %get3A_993] {strides = array<i32>} : memref<128x32xf32, #tpu.memory_space<vmem>>, vector<16xf32>,
        tpu.vector_store_idx %arg18[%shift_right_logical3A_988, %and3A_991, %broadcast_in_dim3A_982], %get3A_994 : memref<4x8x129xf32, #tpu.memory_space<vmem>>[vector<16xi32>, vector<16xi32>, vector<16xi32>], vector<16xf32>,
        %add3A_995 = arith.constant 16 : i32
        %add3A_996 = vector.broadcast %add3A_995 : i32 to vector<16xi32>
        %add3A_997 = arith.addi %add3A_996, %iota3A_608 : vector<16xi32>
        %shift_right_logical3A_998 = arith.constant 3 : i32
        %shift_right_logical3A_999 = vector.broadcast %shift_right_logical3A_998 : i32 to vector<16xi32>
        %shift_right_logical3A_1000 = arith.shrui %add3A_997, %shift_right_logical3A_999 : vector<16xi32>
        %and3A_1001 = arith.constant 7 : i32
        %and3A_1002 = vector.broadcast %and3A_1001 : i32 to vector<16xi32>
        %and3A_1003 = arith.andi %add3A_997, %and3A_1002 : vector<16xi32>
        %get3A_1004 = arith.index_cast %add3A_981 : i32 to index
        %get3A_1005 = arith.constant 16 : index
        %get3A_1006 = tpu.vector_load %arg10[%get3A_1004, %get3A_1005] {strides = array<i32>} : memref<128x32xf32, #tpu.memory_space<vmem>>, vector<16xf32>,
        tpu.vector_store_idx %arg18[%shift_right_logical3A_1000, %and3A_1003, %broadcast_in_dim3A_982], %get3A_1006 : memref<4x8x129xf32, #tpu.memory_space<vmem>>[vector<16xi32>, vector<16xi32>, vector<16xi32>], vector<16xf32>,
      }
      %scan3A_614 = arith.constant 32 : i32
      %lt3A_615 = arith.constant 24 : i32
      %lt3A_616 = arith.cmpi slt, %scan3A_226, %lt3A_615 : i32
      %convert_element_type3A_617 = arith.extui %lt3A_616 : i1 to i32
      %cond3A_618 = arith.constant 0 : i32
      %cond3A_619 = arith.cmpi ne, %convert_element_type3A_617, %cond3A_618 : i32
      scf.if %cond3A_619 {
        %add3A_893 = arith.constant 8 : i32
        %add3A_894 = arith.addi %add3A_556, %add3A_893 : i32
        %jit3A_895 = arith.constant 8 : i32
        %div3A_896 = arith.divsi %add3A_894, %jit3A_895 : i32
        %sign3A_897 = arith.constant 0 : i32
        %sign3A_898 = arith.cmpi sgt, %add3A_894, %sign3A_897 : i32
        %sign3A_899 = arith.extui %sign3A_898 : i1 to i32
        %sign3A_900 = arith.constant 0 : i32
        %sign3A_901 = arith.cmpi slt, %add3A_894, %sign3A_900 : i32
        %sign3A_902 = arith.extui %sign3A_901 : i1 to i32
        %sign3A_903 = arith.subi %sign3A_899, %sign3A_902 : i32
        %sign3A_904 = arith.constant 0 : i32
        %sign3A_905 = arith.cmpi sgt, %jit3A_895, %sign3A_904 : i32
        %sign3A_906 = arith.extui %sign3A_905 : i1 to i32
        %sign3A_907 = arith.constant 0 : i32
        %sign3A_908 = arith.cmpi slt, %jit3A_895, %sign3A_907 : i32
        %sign3A_909 = arith.extui %sign3A_908 : i1 to i32
        %sign3A_910 = arith.subi %sign3A_906, %sign3A_909 : i32
        %ne3A_911 = arith.cmpi ne, %sign3A_903, %sign3A_910 : i32
        %rem3A_912 = arith.remsi %add3A_894, %jit3A_895 : i32
        %ne3A_913 = arith.constant 0 : i32
        %ne3A_914 = arith.cmpi ne, %rem3A_912, %ne3A_913 : i32
        %and3A_915 = arith.andi %ne3A_911, %ne3A_914 : i1
        %sub3A_916 = arith.constant 1 : i32
        %sub3A_917 = arith.subi %div3A_896, %sub3A_916 : i32
        %select_n3A_918 = arith.select %and3A_915, %sub3A_917, %div3A_896 : i32
        %jit3A_919 = arith.constant 8 : i32
        %eq3A_920 = arith.constant 0 : i32
        %eq3A_921 = arith.cmpi eq, %jit3A_919, %eq3A_920 : i32
        %jit3A_922 = arith.constant 1 : i32
        %select_n3A_923 = arith.select %eq3A_921, %jit3A_922, %jit3A_919 : i32
        %rem3A_924 = arith.remsi %add3A_894, %select_n3A_923 : i32
        %ne3A_925 = arith.constant 0 : i32
        %ne3A_926 = arith.cmpi ne, %rem3A_924, %ne3A_925 : i32
        %lt3A_927 = arith.constant 0 : i32
        %lt3A_928 = arith.cmpi slt, %rem3A_924, %lt3A_927 : i32
        %lt3A_929 = arith.constant 0 : i32
        %lt3A_930 = arith.cmpi slt, %select_n3A_923, %lt3A_929 : i32
        %ne3A_931 = arith.xori %lt3A_928, %lt3A_930 : i1
        %and3A_932 = arith.andi %ne3A_931, %ne3A_926 : i1
        %add3A_933 = arith.addi %rem3A_924, %select_n3A_923 : i32
        %select_n3A_934 = arith.select %and3A_932, %add3A_933, %rem3A_924 : i32
        %dma_start3A_935 = arith.constant 0 : i32
        %dma_start3A_936 = tpu.memref_slice %arg5[%select_n3A_918, %select_n3A_934, %dma_start3A_935] : memref<25x8x128xi32, #tpu.memory_space<vmem>> -> memref<1x1x128xi32, #tpu.memory_space<vmem>>
        %dma_start3A_937 = tpu.memref_squeeze %dma_start3A_936 : memref<1x1x128xi32, #tpu.memory_space<vmem>> -> memref<128xi32, #tpu.memory_space<vmem>>
        %dma_start3A_938 = arith.constant 0 : i32
        %dma_start3A_939 = arith.constant 0 : i32
        %dma_start3A_940 = tpu.memref_slice %arg3[%dma_start3A_938, %dma_start3A_939] : memref<1015808x32xf32, #tpu.memory_space<hbm>> -> memref<1015808x32xf32, #tpu.memory_space<hbm>>
        tpu.enqueue_indirect_dma source(%dma_start3A_940 : memref<1015808x32xf32, #tpu.memory_space<hbm>>) target(%arg10 : memref<128x32xf32, #tpu.memory_space<vmem>>) offsets(%dma_start3A_937 : memref<128xi32, #tpu.memory_space<vmem>>) semaphore(%arg26 : memref<!tpu.dma_semaphore, #tpu.memory_space<semaphore_mem>>)
      } else {
      }
      %dma_start3A_620 = arith.constant 0 : i32
      %dma_start3A_621 = arith.constant 0 : i32
      %dma_start3A_622 = arith.constant 0 : i32
      %dma_start3A_623 = tpu.memref_slice %arg18[%dma_start3A_620, %dma_start3A_621, %dma_start3A_622] : memref<4x8x129xf32, #tpu.memory_space<vmem>> -> memref<4x8x128xf32, #tpu.memory_space<vmem>>
      %dma_start3A_624 = arith.constant 0 : i32
      %dma_start3A_625 = arith.constant 0 : i32
      %dma_start3A_626 = arith.constant 0 : i32
      %dma_start3A_627 = tpu.memref_slice %arg4[%add3A_556, %dma_start3A_624, %add3A, %dma_start3A_625, %dma_start3A_626] : memref<200x4x32x8x128xf32, #tpu.memory_space<hbm>> -> memref<1x4x1x8x128xf32, #tpu.memory_space<hbm>>
      %dma_start3A_628 = tpu.memref_squeeze %dma_start3A_627 : memref<1x4x1x8x128xf32, #tpu.memory_space<hbm>> -> memref<4x8x128xf32, #tpu.memory_space<hbm>>
      %dma_start3A_629 = arith.constant 0 : i32
      %dma_start3A_630 = arith.constant 0 : i32
      %dma_start3A_631 = arith.constant 0 : i32
      %dma_start3A_632 = tpu.memref_slice %arg4[%add3A_556, %dma_start3A_629, %add3A, %dma_start3A_630, %dma_start3A_631] : memref<200x4x32x8x128xf32, #tpu.memory_space<hbm>> -> memref<1x4x1x8x128xf32, #tpu.memory_space<hbm>>
      %dma_start3A_633 = tpu.memref_squeeze %dma_start3A_632 : memref<1x4x1x8x128xf32, #tpu.memory_space<hbm>> -> memref<4x8x128xf32, #tpu.memory_space<hbm>>
      %dma_start3A_634 = arith.constant 0 : i32
      %dma_start3A_635 = arith.constant 0 : i32
      %dma_start3A_636 = arith.constant 0 : i32
      %dma_start3A_637 = tpu.memref_slice %arg18[%dma_start3A_634, %dma_start3A_635, %dma_start3A_636] : memref<4x8x129xf32, #tpu.memory_space<vmem>> -> memref<4x8x128xf32, #tpu.memory_space<vmem>>
      tpu.enqueue_dma source(%dma_start3A_637 : memref<4x8x128xf32, #tpu.memory_space<vmem>>) target(%dma_start3A_633 : memref<4x8x128xf32, #tpu.memory_space<hbm>>) target_semaphore(%arg34 : memref<!tpu.dma_semaphore, #tpu.memory_space<semaphore_mem>>)
      %mul3A_638 = arith.constant 8 : i32
      %mul3A_639 = arith.muli %scan3A_226, %mul3A_638 : i32
      %add3A_640 = arith.constant 5 : i32
      %add3A_641 = arith.addi %mul3A_639, %add3A_640 : i32
      %jit3A_642 = arith.constant 8 : i32
      %div3A_643 = arith.divsi %add3A_641, %jit3A_642 : i32
      %sign3A_644 = arith.constant 0 : i32
      %sign3A_645 = arith.cmpi sgt, %add3A_641, %sign3A_644 : i32
      %sign3A_646 = arith.extui %sign3A_645 : i1 to i32
      %sign3A_647 = arith.constant 0 : i32
      %sign3A_648 = arith.cmpi slt, %add3A_641, %sign3A_647 : i32
      %sign3A_649 = arith.extui %sign3A_648 : i1 to i32
      %sign3A_650 = arith.subi %sign3A_646, %sign3A_649 : i32
      %sign3A_651 = arith.constant 0 : i32
      %sign3A_652 = arith.cmpi sgt, %jit3A_642, %sign3A_651 : i32
      %sign3A_653 = arith.extui %sign3A_652 : i1 to i32
      %sign3A_654 = arith.constant 0 : i32
      %sign3A_655 = arith.cmpi slt, %jit3A_642, %sign3A_654 : i32
      %sign3A_656 = arith.extui %sign3A_655 : i1 to i32
      %sign3A_657 = arith.subi %sign3A_653, %sign3A_656 : i32
      %ne3A_658 = arith.cmpi ne, %sign3A_650, %sign3A_657 : i32
      %rem3A_659 = arith.remsi %add3A_641, %jit3A_642 : i32
      %ne3A_660 = arith.constant 0 : i32
      %ne3A_661 = arith.cmpi ne, %rem3A_659, %ne3A_660 : i32
      %and3A_662 = arith.andi %ne3A_658, %ne3A_661 : i1
      %sub3A_663 = arith.constant 1 : i32
      %sub3A_664 = arith.subi %div3A_643, %sub3A_663 : i32
      %select_n3A_665 = arith.select %and3A_662, %sub3A_664, %div3A_643 : i32
      %jit3A_666 = arith.constant 8 : i32
      %eq3A_667 = arith.constant 0 : i32
      %eq3A_668 = arith.cmpi eq, %jit3A_666, %eq3A_667 : i32
      %jit3A_669 = arith.constant 1 : i32
      %select_n3A_670 = arith.select %eq3A_668, %jit3A_669, %jit3A_666 : i32
      %rem3A_671 = arith.remsi %add3A_641, %select_n3A_670 : i32
      %ne3A_672 = arith.constant 0 : i32
      %ne3A_673 = arith.cmpi ne, %rem3A_671, %ne3A_672 : i32
      %lt3A_674 = arith.constant 0 : i32
      %lt3A_675 = arith.cmpi slt, %rem3A_671, %lt3A_674 : i32
      %lt3A_676 = arith.constant 0 : i32
      %lt3A_677 = arith.cmpi slt, %select_n3A_670, %lt3A_676 : i32
      %ne3A_678 = arith.xori %lt3A_675, %lt3A_677 : i1
      %and3A_679 = arith.andi %ne3A_678, %ne3A_673 : i1
      %add3A_680 = arith.addi %rem3A_671, %select_n3A_670 : i32
      %select_n3A_681 = arith.select %and3A_679, %add3A_680, %rem3A_671 : i32
      %dma_wait3A_682 = arith.constant 0 : i32
      %dma_wait3A_683 = tpu.memref_slice %arg5[%select_n3A_665, %select_n3A_681, %dma_wait3A_682] : memref<25x8x128xi32, #tpu.memory_space<vmem>> -> memref<1x1x128xi32, #tpu.memory_space<vmem>>
      %dma_wait3A_684 = tpu.memref_squeeze %dma_wait3A_683 : memref<1x1x128xi32, #tpu.memory_space<vmem>> -> memref<128xi32, #tpu.memory_space<vmem>>
      %dma_wait3A_685 = arith.constant 0 : i32
      %dma_wait3A_686 = arith.constant 0 : i32
      %dma_wait3A_687 = tpu.memref_slice %arg3[%dma_wait3A_685, %dma_wait3A_686] : memref<1015808x32xf32, #tpu.memory_space<hbm>> -> memref<1015808x32xf32, #tpu.memory_space<hbm>>
      tpu.wait_indirect_dma semaphore(%arg27 : memref<!tpu.dma_semaphore, #tpu.memory_space<semaphore_mem>>) src(%dma_wait3A_687 : memref<1015808x32xf32, #tpu.memory_space<hbm>>) dst(%arg11 : memref<128x32xf32, #tpu.memory_space<vmem>>)
      %gt3A_688 = arith.constant 0 : i32
      %gt3A_689 = arith.cmpi sgt, %scan3A_226, %gt3A_688 : i32
      %convert_element_type3A_690 = arith.extui %gt3A_689 : i1 to i32
      %cond3A_691 = arith.constant 0 : i32
      %cond3A_692 = arith.cmpi ne, %convert_element_type3A_690, %cond3A_691 : i32
      scf.if %cond3A_692 {
        %sub3A_893 = arith.constant 8 : i32
        %sub3A_894 = arith.subi %add3A_641, %sub3A_893 : i32
        %dma_wait3A_895 = arith.constant 0 : i32
        %dma_wait3A_896 = arith.constant 0 : i32
        %dma_wait3A_897 = arith.constant 0 : i32
        %dma_wait3A_898 = tpu.memref_slice %arg19[%dma_wait3A_895, %dma_wait3A_896, %dma_wait3A_897] : memref<4x8x129xf32, #tpu.memory_space<vmem>> -> memref<4x8x128xf32, #tpu.memory_space<vmem>>
        %dma_wait3A_899 = arith.constant 0 : i32
        %dma_wait3A_900 = arith.constant 0 : i32
        %dma_wait3A_901 = arith.constant 0 : i32
        %dma_wait3A_902 = tpu.memref_slice %arg4[%sub3A_894, %dma_wait3A_899, %add3A, %dma_wait3A_900, %dma_wait3A_901] : memref<200x4x32x8x128xf32, #tpu.memory_space<hbm>> -> memref<1x4x1x8x128xf32, #tpu.memory_space<hbm>>
        %dma_wait3A_903 = tpu.memref_squeeze %dma_wait3A_902 : memref<1x4x1x8x128xf32, #tpu.memory_space<hbm>> -> memref<4x8x128xf32, #tpu.memory_space<hbm>>
        %dma_wait3A_904 = arith.constant 0 : i32
        %dma_wait3A_905 = arith.constant 0 : i32
        %dma_wait3A_906 = arith.constant 0 : i32
        %dma_wait3A_907 = tpu.memref_slice %arg4[%sub3A_894, %dma_wait3A_904, %add3A, %dma_wait3A_905, %dma_wait3A_906] : memref<200x4x32x8x128xf32, #tpu.memory_space<hbm>> -> memref<1x4x1x8x128xf32, #tpu.memory_space<hbm>>
        %dma_wait3A_908 = tpu.memref_squeeze %dma_wait3A_907 : memref<1x4x1x8x128xf32, #tpu.memory_space<hbm>> -> memref<4x8x128xf32, #tpu.memory_space<hbm>>
        %dma_wait3A_909 = arith.constant 0 : i32
        %dma_wait3A_910 = arith.constant 0 : i32
        %dma_wait3A_911 = arith.constant 0 : i32
        %dma_wait3A_912 = tpu.memref_slice %arg19[%dma_wait3A_909, %dma_wait3A_910, %dma_wait3A_911] : memref<4x8x129xf32, #tpu.memory_space<vmem>> -> memref<4x8x128xf32, #tpu.memory_space<vmem>>
        tpu.wait_dma2 semaphore(%arg35 : memref<!tpu.dma_semaphore, #tpu.memory_space<semaphore_mem>>) src(%dma_wait3A_912 : memref<4x8x128xf32, #tpu.memory_space<vmem>>) dst(%dma_wait3A_908 : memref<4x8x128xf32, #tpu.memory_space<hbm>>)
      } else {
      }
      %iota3A_693 = tpu.iota {dimensions = array<i32: 0>} : vector<16xi32>
      %scan3A_694 = arith.constant 0 : i32
      %scan3A_695 = arith.constant 0 : i32
      %scan3A_696 = arith.constant 32 : i32
      %scan3A_697 = arith.addi %scan3A_695, %scan3A_696 : i32
      %scan3A_698 = arith.constant 1 : i32
      scf.for %scan3A_893 = %scan3A_695 to %scan3A_697 step %scan3A_698  : i32 {
        %mul3A_894 = arith.constant 4 : i32
        %mul3A_895 = arith.muli %scan3A_893, %mul3A_894 : i32
        %add3A_896 = arith.constant 0 : i32
        %add3A_897 = arith.addi %mul3A_895, %add3A_896 : i32
        %broadcast_in_dim3A = vector.broadcast %add3A_897 : i32 to vector<16xi32>
        %add3A_898 = arith.constant 0 : i32
        %add3A_899 = vector.broadcast %add3A_898 : i32 to vector<16xi32>
        %add3A_900 = arith.addi %add3A_899, %iota3A_693 : vector<16xi32>
        %shift_right_logical3A = arith.constant 3 : i32
        %shift_right_logical3A_901 = vector.broadcast %shift_right_logical3A : i32 to vector<16xi32>
        %shift_right_logical3A_902 = arith.shrui %add3A_900, %shift_right_logical3A_901 : vector<16xi32>
        %and3A_903 = arith.constant 7 : i32
        %and3A_904 = vector.broadcast %and3A_903 : i32 to vector<16xi32>
        %and3A_905 = arith.andi %add3A_900, %and3A_904 : vector<16xi32>
        %get3A = arith.index_cast %add3A_897 : i32 to index
        %get3A_906 = arith.constant 0 : index
        %get3A_907 = tpu.vector_load %arg11[%get3A, %get3A_906] {strides = array<i32>} : memref<128x32xf32, #tpu.memory_space<vmem>>, vector<16xf32>,
        tpu.vector_store_idx %arg19[%shift_right_logical3A_902, %and3A_905, %broadcast_in_dim3A], %get3A_907 : memref<4x8x129xf32, #tpu.memory_space<vmem>>[vector<16xi32>, vector<16xi32>, vector<16xi32>], vector<16xf32>,
        %add3A_908 = arith.constant 16 : i32
        %add3A_909 = vector.broadcast %add3A_908 : i32 to vector<16xi32>
        %add3A_910 = arith.addi %add3A_909, %iota3A_693 : vector<16xi32>
        %shift_right_logical3A_911 = arith.constant 3 : i32
        %shift_right_logical3A_912 = vector.broadcast %shift_right_logical3A_911 : i32 to vector<16xi32>
        %shift_right_logical3A_913 = arith.shrui %add3A_910, %shift_right_logical3A_912 : vector<16xi32>
        %and3A_914 = arith.constant 7 : i32
        %and3A_915 = vector.broadcast %and3A_914 : i32 to vector<16xi32>
        %and3A_916 = arith.andi %add3A_910, %and3A_915 : vector<16xi32>
        %get3A_917 = arith.index_cast %add3A_897 : i32 to index
        %get3A_918 = arith.constant 16 : index
        %get3A_919 = tpu.vector_load %arg11[%get3A_917, %get3A_918] {strides = array<i32>} : memref<128x32xf32, #tpu.memory_space<vmem>>, vector<16xf32>,
        tpu.vector_store_idx %arg19[%shift_right_logical3A_913, %and3A_916, %broadcast_in_dim3A], %get3A_919 : memref<4x8x129xf32, #tpu.memory_space<vmem>>[vector<16xi32>, vector<16xi32>, vector<16xi32>], vector<16xf32>,
        %mul3A_920 = arith.constant 4 : i32
        %mul3A_921 = arith.muli %scan3A_893, %mul3A_920 : i32
        %add3A_922 = arith.constant 1 : i32
        %add3A_923 = arith.addi %mul3A_921, %add3A_922 : i32
        %broadcast_in_dim3A_924 = vector.broadcast %add3A_923 : i32 to vector<16xi32>
        %add3A_925 = arith.constant 0 : i32
        %add3A_926 = vector.broadcast %add3A_925 : i32 to vector<16xi32>
        %add3A_927 = arith.addi %add3A_926, %iota3A_693 : vector<16xi32>
        %shift_right_logical3A_928 = arith.constant 3 : i32
        %shift_right_logical3A_929 = vector.broadcast %shift_right_logical3A_928 : i32 to vector<16xi32>
        %shift_right_logical3A_930 = arith.shrui %add3A_927, %shift_right_logical3A_929 : vector<16xi32>
        %and3A_931 = arith.constant 7 : i32
        %and3A_932 = vector.broadcast %and3A_931 : i32 to vector<16xi32>
        %and3A_933 = arith.andi %add3A_927, %and3A_932 : vector<16xi32>
        %get3A_934 = arith.index_cast %add3A_923 : i32 to index
        %get3A_935 = arith.constant 0 : index
        %get3A_936 = tpu.vector_load %arg11[%get3A_934, %get3A_935] {strides = array<i32>} : memref<128x32xf32, #tpu.memory_space<vmem>>, vector<16xf32>,
        tpu.vector_store_idx %arg19[%shift_right_logical3A_930, %and3A_933, %broadcast_in_dim3A_924], %get3A_936 : memref<4x8x129xf32, #tpu.memory_space<vmem>>[vector<16xi32>, vector<16xi32>, vector<16xi32>], vector<16xf32>,
        %add3A_937 = arith.constant 16 : i32
        %add3A_938 = vector.broadcast %add3A_937 : i32 to vector<16xi32>
        %add3A_939 = arith.addi %add3A_938, %iota3A_693 : vector<16xi32>
        %shift_right_logical3A_940 = arith.constant 3 : i32
        %shift_right_logical3A_941 = vector.broadcast %shift_right_logical3A_940 : i32 to vector<16xi32>
        %shift_right_logical3A_942 = arith.shrui %add3A_939, %shift_right_logical3A_941 : vector<16xi32>
        %and3A_943 = arith.constant 7 : i32
        %and3A_944 = vector.broadcast %and3A_943 : i32 to vector<16xi32>
        %and3A_945 = arith.andi %add3A_939, %and3A_944 : vector<16xi32>
        %get3A_946 = arith.index_cast %add3A_923 : i32 to index
        %get3A_947 = arith.constant 16 : index
        %get3A_948 = tpu.vector_load %arg11[%get3A_946, %get3A_947] {strides = array<i32>} : memref<128x32xf32, #tpu.memory_space<vmem>>, vector<16xf32>,
        tpu.vector_store_idx %arg19[%shift_right_logical3A_942, %and3A_945, %broadcast_in_dim3A_924], %get3A_948 : memref<4x8x129xf32, #tpu.memory_space<vmem>>[vector<16xi32>, vector<16xi32>, vector<16xi32>], vector<16xf32>,
        %mul3A_949 = arith.constant 4 : i32
        %mul3A_950 = arith.muli %scan3A_893, %mul3A_949 : i32
        %add3A_951 = arith.constant 2 : i32
        %add3A_952 = arith.addi %mul3A_950, %add3A_951 : i32
        %broadcast_in_dim3A_953 = vector.broadcast %add3A_952 : i32 to vector<16xi32>
        %add3A_954 = arith.constant 0 : i32
        %add3A_955 = vector.broadcast %add3A_954 : i32 to vector<16xi32>
        %add3A_956 = arith.addi %add3A_955, %iota3A_693 : vector<16xi32>
        %shift_right_logical3A_957 = arith.constant 3 : i32
        %shift_right_logical3A_958 = vector.broadcast %shift_right_logical3A_957 : i32 to vector<16xi32>
        %shift_right_logical3A_959 = arith.shrui %add3A_956, %shift_right_logical3A_958 : vector<16xi32>
        %and3A_960 = arith.constant 7 : i32
        %and3A_961 = vector.broadcast %and3A_960 : i32 to vector<16xi32>
        %and3A_962 = arith.andi %add3A_956, %and3A_961 : vector<16xi32>
        %get3A_963 = arith.index_cast %add3A_952 : i32 to index
        %get3A_964 = arith.constant 0 : index
        %get3A_965 = tpu.vector_load %arg11[%get3A_963, %get3A_964] {strides = array<i32>} : memref<128x32xf32, #tpu.memory_space<vmem>>, vector<16xf32>,
        tpu.vector_store_idx %arg19[%shift_right_logical3A_959, %and3A_962, %broadcast_in_dim3A_953], %get3A_965 : memref<4x8x129xf32, #tpu.memory_space<vmem>>[vector<16xi32>, vector<16xi32>, vector<16xi32>], vector<16xf32>,
        %add3A_966 = arith.constant 16 : i32
        %add3A_967 = vector.broadcast %add3A_966 : i32 to vector<16xi32>
        %add3A_968 = arith.addi %add3A_967, %iota3A_693 : vector<16xi32>
        %shift_right_logical3A_969 = arith.constant 3 : i32
        %shift_right_logical3A_970 = vector.broadcast %shift_right_logical3A_969 : i32 to vector<16xi32>
        %shift_right_logical3A_971 = arith.shrui %add3A_968, %shift_right_logical3A_970 : vector<16xi32>
        %and3A_972 = arith.constant 7 : i32
        %and3A_973 = vector.broadcast %and3A_972 : i32 to vector<16xi32>
        %and3A_974 = arith.andi %add3A_968, %and3A_973 : vector<16xi32>
        %get3A_975 = arith.index_cast %add3A_952 : i32 to index
        %get3A_976 = arith.constant 16 : index
        %get3A_977 = tpu.vector_load %arg11[%get3A_975, %get3A_976] {strides = array<i32>} : memref<128x32xf32, #tpu.memory_space<vmem>>, vector<16xf32>,
        tpu.vector_store_idx %arg19[%shift_right_logical3A_971, %and3A_974, %broadcast_in_dim3A_953], %get3A_977 : memref<4x8x129xf32, #tpu.memory_space<vmem>>[vector<16xi32>, vector<16xi32>, vector<16xi32>], vector<16xf32>,
        %mul3A_978 = arith.constant 4 : i32
        %mul3A_979 = arith.muli %scan3A_893, %mul3A_978 : i32
        %add3A_980 = arith.constant 3 : i32
        %add3A_981 = arith.addi %mul3A_979, %add3A_980 : i32
        %broadcast_in_dim3A_982 = vector.broadcast %add3A_981 : i32 to vector<16xi32>
        %add3A_983 = arith.constant 0 : i32
        %add3A_984 = vector.broadcast %add3A_983 : i32 to vector<16xi32>
        %add3A_985 = arith.addi %add3A_984, %iota3A_693 : vector<16xi32>
        %shift_right_logical3A_986 = arith.constant 3 : i32
        %shift_right_logical3A_987 = vector.broadcast %shift_right_logical3A_986 : i32 to vector<16xi32>
        %shift_right_logical3A_988 = arith.shrui %add3A_985, %shift_right_logical3A_987 : vector<16xi32>
        %and3A_989 = arith.constant 7 : i32
        %and3A_990 = vector.broadcast %and3A_989 : i32 to vector<16xi32>
        %and3A_991 = arith.andi %add3A_985, %and3A_990 : vector<16xi32>
        %get3A_992 = arith.index_cast %add3A_981 : i32 to index
        %get3A_993 = arith.constant 0 : index
        %get3A_994 = tpu.vector_load %arg11[%get3A_992, %get3A_993] {strides = array<i32>} : memref<128x32xf32, #tpu.memory_space<vmem>>, vector<16xf32>,
        tpu.vector_store_idx %arg19[%shift_right_logical3A_988, %and3A_991, %broadcast_in_dim3A_982], %get3A_994 : memref<4x8x129xf32, #tpu.memory_space<vmem>>[vector<16xi32>, vector<16xi32>, vector<16xi32>], vector<16xf32>,
        %add3A_995 = arith.constant 16 : i32
        %add3A_996 = vector.broadcast %add3A_995 : i32 to vector<16xi32>
        %add3A_997 = arith.addi %add3A_996, %iota3A_693 : vector<16xi32>
        %shift_right_logical3A_998 = arith.constant 3 : i32
        %shift_right_logical3A_999 = vector.broadcast %shift_right_logical3A_998 : i32 to vector<16xi32>
        %shift_right_logical3A_1000 = arith.shrui %add3A_997, %shift_right_logical3A_999 : vector<16xi32>
        %and3A_1001 = arith.constant 7 : i32
        %and3A_1002 = vector.broadcast %and3A_1001 : i32 to vector<16xi32>
        %and3A_1003 = arith.andi %add3A_997, %and3A_1002 : vector<16xi32>
        %get3A_1004 = arith.index_cast %add3A_981 : i32 to index
        %get3A_1005 = arith.constant 16 : index
        %get3A_1006 = tpu.vector_load %arg11[%get3A_1004, %get3A_1005] {strides = array<i32>} : memref<128x32xf32, #tpu.memory_space<vmem>>, vector<16xf32>,
        tpu.vector_store_idx %arg19[%shift_right_logical3A_1000, %and3A_1003, %broadcast_in_dim3A_982], %get3A_1006 : memref<4x8x129xf32, #tpu.memory_space<vmem>>[vector<16xi32>, vector<16xi32>, vector<16xi32>], vector<16xf32>,
      }
      %scan3A_699 = arith.constant 32 : i32
      %lt3A_700 = arith.constant 24 : i32
      %lt3A_701 = arith.cmpi slt, %scan3A_226, %lt3A_700 : i32
      %convert_element_type3A_702 = arith.extui %lt3A_701 : i1 to i32
      %cond3A_703 = arith.constant 0 : i32
      %cond3A_704 = arith.cmpi ne, %convert_element_type3A_702, %cond3A_703 : i32
      scf.if %cond3A_704 {
        %add3A_893 = arith.constant 8 : i32
        %add3A_894 = arith.addi %add3A_641, %add3A_893 : i32
        %jit3A_895 = arith.constant 8 : i32
        %div3A_896 = arith.divsi %add3A_894, %jit3A_895 : i32
        %sign3A_897 = arith.constant 0 : i32
        %sign3A_898 = arith.cmpi sgt, %add3A_894, %sign3A_897 : i32
        %sign3A_899 = arith.extui %sign3A_898 : i1 to i32
        %sign3A_900 = arith.constant 0 : i32
        %sign3A_901 = arith.cmpi slt, %add3A_894, %sign3A_900 : i32
        %sign3A_902 = arith.extui %sign3A_901 : i1 to i32
        %sign3A_903 = arith.subi %sign3A_899, %sign3A_902 : i32
        %sign3A_904 = arith.constant 0 : i32
        %sign3A_905 = arith.cmpi sgt, %jit3A_895, %sign3A_904 : i32
        %sign3A_906 = arith.extui %sign3A_905 : i1 to i32
        %sign3A_907 = arith.constant 0 : i32
        %sign3A_908 = arith.cmpi slt, %jit3A_895, %sign3A_907 : i32
        %sign3A_909 = arith.extui %sign3A_908 : i1 to i32
        %sign3A_910 = arith.subi %sign3A_906, %sign3A_909 : i32
        %ne3A_911 = arith.cmpi ne, %sign3A_903, %sign3A_910 : i32
        %rem3A_912 = arith.remsi %add3A_894, %jit3A_895 : i32
        %ne3A_913 = arith.constant 0 : i32
        %ne3A_914 = arith.cmpi ne, %rem3A_912, %ne3A_913 : i32
        %and3A_915 = arith.andi %ne3A_911, %ne3A_914 : i1
        %sub3A_916 = arith.constant 1 : i32
        %sub3A_917 = arith.subi %div3A_896, %sub3A_916 : i32
        %select_n3A_918 = arith.select %and3A_915, %sub3A_917, %div3A_896 : i32
        %jit3A_919 = arith.constant 8 : i32
        %eq3A_920 = arith.constant 0 : i32
        %eq3A_921 = arith.cmpi eq, %jit3A_919, %eq3A_920 : i32
        %jit3A_922 = arith.constant 1 : i32
        %select_n3A_923 = arith.select %eq3A_921, %jit3A_922, %jit3A_919 : i32
        %rem3A_924 = arith.remsi %add3A_894, %select_n3A_923 : i32
        %ne3A_925 = arith.constant 0 : i32
        %ne3A_926 = arith.cmpi ne, %rem3A_924, %ne3A_925 : i32
        %lt3A_927 = arith.constant 0 : i32
        %lt3A_928 = arith.cmpi slt, %rem3A_924, %lt3A_927 : i32
        %lt3A_929 = arith.constant 0 : i32
        %lt3A_930 = arith.cmpi slt, %select_n3A_923, %lt3A_929 : i32
        %ne3A_931 = arith.xori %lt3A_928, %lt3A_930 : i1
        %and3A_932 = arith.andi %ne3A_931, %ne3A_926 : i1
        %add3A_933 = arith.addi %rem3A_924, %select_n3A_923 : i32
        %select_n3A_934 = arith.select %and3A_932, %add3A_933, %rem3A_924 : i32
        %dma_start3A_935 = arith.constant 0 : i32
        %dma_start3A_936 = tpu.memref_slice %arg5[%select_n3A_918, %select_n3A_934, %dma_start3A_935] : memref<25x8x128xi32, #tpu.memory_space<vmem>> -> memref<1x1x128xi32, #tpu.memory_space<vmem>>
        %dma_start3A_937 = tpu.memref_squeeze %dma_start3A_936 : memref<1x1x128xi32, #tpu.memory_space<vmem>> -> memref<128xi32, #tpu.memory_space<vmem>>
        %dma_start3A_938 = arith.constant 0 : i32
        %dma_start3A_939 = arith.constant 0 : i32
        %dma_start3A_940 = tpu.memref_slice %arg3[%dma_start3A_938, %dma_start3A_939] : memref<1015808x32xf32, #tpu.memory_space<hbm>> -> memref<1015808x32xf32, #tpu.memory_space<hbm>>
        tpu.enqueue_indirect_dma source(%dma_start3A_940 : memref<1015808x32xf32, #tpu.memory_space<hbm>>) target(%arg11 : memref<128x32xf32, #tpu.memory_space<vmem>>) offsets(%dma_start3A_937 : memref<128xi32, #tpu.memory_space<vmem>>) semaphore(%arg27 : memref<!tpu.dma_semaphore, #tpu.memory_space<semaphore_mem>>)
      } else {
      }
      %dma_start3A_705 = arith.constant 0 : i32
      %dma_start3A_706 = arith.constant 0 : i32
      %dma_start3A_707 = arith.constant 0 : i32
      %dma_start3A_708 = tpu.memref_slice %arg19[%dma_start3A_705, %dma_start3A_706, %dma_start3A_707] : memref<4x8x129xf32, #tpu.memory_space<vmem>> -> memref<4x8x128xf32, #tpu.memory_space<vmem>>
      %dma_start3A_709 = arith.constant 0 : i32
      %dma_start3A_710 = arith.constant 0 : i32
      %dma_start3A_711 = arith.constant 0 : i32
      %dma_start3A_712 = tpu.memref_slice %arg4[%add3A_641, %dma_start3A_709, %add3A, %dma_start3A_710, %dma_start3A_711] : memref<200x4x32x8x128xf32, #tpu.memory_space<hbm>> -> memref<1x4x1x8x128xf32, #tpu.memory_space<hbm>>
      %dma_start3A_713 = tpu.memref_squeeze %dma_start3A_712 : memref<1x4x1x8x128xf32, #tpu.memory_space<hbm>> -> memref<4x8x128xf32, #tpu.memory_space<hbm>>
      %dma_start3A_714 = arith.constant 0 : i32
      %dma_start3A_715 = arith.constant 0 : i32
      %dma_start3A_716 = arith.constant 0 : i32
      %dma_start3A_717 = tpu.memref_slice %arg4[%add3A_641, %dma_start3A_714, %add3A, %dma_start3A_715, %dma_start3A_716] : memref<200x4x32x8x128xf32, #tpu.memory_space<hbm>> -> memref<1x4x1x8x128xf32, #tpu.memory_space<hbm>>
      %dma_start3A_718 = tpu.memref_squeeze %dma_start3A_717 : memref<1x4x1x8x128xf32, #tpu.memory_space<hbm>> -> memref<4x8x128xf32, #tpu.memory_space<hbm>>
      %dma_start3A_719 = arith.constant 0 : i32
      %dma_start3A_720 = arith.constant 0 : i32
      %dma_start3A_721 = arith.constant 0 : i32
      %dma_start3A_722 = tpu.memref_slice %arg19[%dma_start3A_719, %dma_start3A_720, %dma_start3A_721] : memref<4x8x129xf32, #tpu.memory_space<vmem>> -> memref<4x8x128xf32, #tpu.memory_space<vmem>>
      tpu.enqueue_dma source(%dma_start3A_722 : memref<4x8x128xf32, #tpu.memory_space<vmem>>) target(%dma_start3A_718 : memref<4x8x128xf32, #tpu.memory_space<hbm>>) target_semaphore(%arg35 : memref<!tpu.dma_semaphore, #tpu.memory_space<semaphore_mem>>)
      %mul3A_723 = arith.constant 8 : i32
      %mul3A_724 = arith.muli %scan3A_226, %mul3A_723 : i32
      %add3A_725 = arith.constant 6 : i32
      %add3A_726 = arith.addi %mul3A_724, %add3A_725 : i32
      %jit3A_727 = arith.constant 8 : i32
      %div3A_728 = arith.divsi %add3A_726, %jit3A_727 : i32
      %sign3A_729 = arith.constant 0 : i32
      %sign3A_730 = arith.cmpi sgt, %add3A_726, %sign3A_729 : i32
      %sign3A_731 = arith.extui %sign3A_730 : i1 to i32
      %sign3A_732 = arith.constant 0 : i32
      %sign3A_733 = arith.cmpi slt, %add3A_726, %sign3A_732 : i32
      %sign3A_734 = arith.extui %sign3A_733 : i1 to i32
      %sign3A_735 = arith.subi %sign3A_731, %sign3A_734 : i32
      %sign3A_736 = arith.constant 0 : i32
      %sign3A_737 = arith.cmpi sgt, %jit3A_727, %sign3A_736 : i32
      %sign3A_738 = arith.extui %sign3A_737 : i1 to i32
      %sign3A_739 = arith.constant 0 : i32
      %sign3A_740 = arith.cmpi slt, %jit3A_727, %sign3A_739 : i32
      %sign3A_741 = arith.extui %sign3A_740 : i1 to i32
      %sign3A_742 = arith.subi %sign3A_738, %sign3A_741 : i32
      %ne3A_743 = arith.cmpi ne, %sign3A_735, %sign3A_742 : i32
      %rem3A_744 = arith.remsi %add3A_726, %jit3A_727 : i32
      %ne3A_745 = arith.constant 0 : i32
      %ne3A_746 = arith.cmpi ne, %rem3A_744, %ne3A_745 : i32
      %and3A_747 = arith.andi %ne3A_743, %ne3A_746 : i1
      %sub3A_748 = arith.constant 1 : i32
      %sub3A_749 = arith.subi %div3A_728, %sub3A_748 : i32
      %select_n3A_750 = arith.select %and3A_747, %sub3A_749, %div3A_728 : i32
      %jit3A_751 = arith.constant 8 : i32
      %eq3A_752 = arith.constant 0 : i32
      %eq3A_753 = arith.cmpi eq, %jit3A_751, %eq3A_752 : i32
      %jit3A_754 = arith.constant 1 : i32
      %select_n3A_755 = arith.select %eq3A_753, %jit3A_754, %jit3A_751 : i32
      %rem3A_756 = arith.remsi %add3A_726, %select_n3A_755 : i32
      %ne3A_757 = arith.constant 0 : i32
      %ne3A_758 = arith.cmpi ne, %rem3A_756, %ne3A_757 : i32
      %lt3A_759 = arith.constant 0 : i32
      %lt3A_760 = arith.cmpi slt, %rem3A_756, %lt3A_759 : i32
      %lt3A_761 = arith.constant 0 : i32
      %lt3A_762 = arith.cmpi slt, %select_n3A_755, %lt3A_761 : i32
      %ne3A_763 = arith.xori %lt3A_760, %lt3A_762 : i1
      %and3A_764 = arith.andi %ne3A_763, %ne3A_758 : i1
      %add3A_765 = arith.addi %rem3A_756, %select_n3A_755 : i32
      %select_n3A_766 = arith.select %and3A_764, %add3A_765, %rem3A_756 : i32
      %dma_wait3A_767 = arith.constant 0 : i32
      %dma_wait3A_768 = tpu.memref_slice %arg5[%select_n3A_750, %select_n3A_766, %dma_wait3A_767] : memref<25x8x128xi32, #tpu.memory_space<vmem>> -> memref<1x1x128xi32, #tpu.memory_space<vmem>>
      %dma_wait3A_769 = tpu.memref_squeeze %dma_wait3A_768 : memref<1x1x128xi32, #tpu.memory_space<vmem>> -> memref<128xi32, #tpu.memory_space<vmem>>
      %dma_wait3A_770 = arith.constant 0 : i32
      %dma_wait3A_771 = arith.constant 0 : i32
      %dma_wait3A_772 = tpu.memref_slice %arg3[%dma_wait3A_770, %dma_wait3A_771] : memref<1015808x32xf32, #tpu.memory_space<hbm>> -> memref<1015808x32xf32, #tpu.memory_space<hbm>>
      tpu.wait_indirect_dma semaphore(%arg28 : memref<!tpu.dma_semaphore, #tpu.memory_space<semaphore_mem>>) src(%dma_wait3A_772 : memref<1015808x32xf32, #tpu.memory_space<hbm>>) dst(%arg12 : memref<128x32xf32, #tpu.memory_space<vmem>>)
      %gt3A_773 = arith.constant 0 : i32
      %gt3A_774 = arith.cmpi sgt, %scan3A_226, %gt3A_773 : i32
      %convert_element_type3A_775 = arith.extui %gt3A_774 : i1 to i32
      %cond3A_776 = arith.constant 0 : i32
      %cond3A_777 = arith.cmpi ne, %convert_element_type3A_775, %cond3A_776 : i32
      scf.if %cond3A_777 {
        %sub3A_893 = arith.constant 8 : i32
        %sub3A_894 = arith.subi %add3A_726, %sub3A_893 : i32
        %dma_wait3A_895 = arith.constant 0 : i32
        %dma_wait3A_896 = arith.constant 0 : i32
        %dma_wait3A_897 = arith.constant 0 : i32
        %dma_wait3A_898 = tpu.memref_slice %arg20[%dma_wait3A_895, %dma_wait3A_896, %dma_wait3A_897] : memref<4x8x129xf32, #tpu.memory_space<vmem>> -> memref<4x8x128xf32, #tpu.memory_space<vmem>>
        %dma_wait3A_899 = arith.constant 0 : i32
        %dma_wait3A_900 = arith.constant 0 : i32
        %dma_wait3A_901 = arith.constant 0 : i32
        %dma_wait3A_902 = tpu.memref_slice %arg4[%sub3A_894, %dma_wait3A_899, %add3A, %dma_wait3A_900, %dma_wait3A_901] : memref<200x4x32x8x128xf32, #tpu.memory_space<hbm>> -> memref<1x4x1x8x128xf32, #tpu.memory_space<hbm>>
        %dma_wait3A_903 = tpu.memref_squeeze %dma_wait3A_902 : memref<1x4x1x8x128xf32, #tpu.memory_space<hbm>> -> memref<4x8x128xf32, #tpu.memory_space<hbm>>
        %dma_wait3A_904 = arith.constant 0 : i32
        %dma_wait3A_905 = arith.constant 0 : i32
        %dma_wait3A_906 = arith.constant 0 : i32
        %dma_wait3A_907 = tpu.memref_slice %arg4[%sub3A_894, %dma_wait3A_904, %add3A, %dma_wait3A_905, %dma_wait3A_906] : memref<200x4x32x8x128xf32, #tpu.memory_space<hbm>> -> memref<1x4x1x8x128xf32, #tpu.memory_space<hbm>>
        %dma_wait3A_908 = tpu.memref_squeeze %dma_wait3A_907 : memref<1x4x1x8x128xf32, #tpu.memory_space<hbm>> -> memref<4x8x128xf32, #tpu.memory_space<hbm>>
        %dma_wait3A_909 = arith.constant 0 : i32
        %dma_wait3A_910 = arith.constant 0 : i32
        %dma_wait3A_911 = arith.constant 0 : i32
        %dma_wait3A_912 = tpu.memref_slice %arg20[%dma_wait3A_909, %dma_wait3A_910, %dma_wait3A_911] : memref<4x8x129xf32, #tpu.memory_space<vmem>> -> memref<4x8x128xf32, #tpu.memory_space<vmem>>
        tpu.wait_dma2 semaphore(%arg36 : memref<!tpu.dma_semaphore, #tpu.memory_space<semaphore_mem>>) src(%dma_wait3A_912 : memref<4x8x128xf32, #tpu.memory_space<vmem>>) dst(%dma_wait3A_908 : memref<4x8x128xf32, #tpu.memory_space<hbm>>)
      } else {
      }
      %iota3A_778 = tpu.iota {dimensions = array<i32: 0>} : vector<16xi32>
      %scan3A_779 = arith.constant 0 : i32
      %scan3A_780 = arith.constant 0 : i32
      %scan3A_781 = arith.constant 32 : i32
      %scan3A_782 = arith.addi %scan3A_780, %scan3A_781 : i32
      %scan3A_783 = arith.constant 1 : i32
      scf.for %scan3A_893 = %scan3A_780 to %scan3A_782 step %scan3A_783  : i32 {
        %mul3A_894 = arith.constant 4 : i32
        %mul3A_895 = arith.muli %scan3A_893, %mul3A_894 : i32
        %add3A_896 = arith.constant 0 : i32
        %add3A_897 = arith.addi %mul3A_895, %add3A_896 : i32
        %broadcast_in_dim3A = vector.broadcast %add3A_897 : i32 to vector<16xi32>
        %add3A_898 = arith.constant 0 : i32
        %add3A_899 = vector.broadcast %add3A_898 : i32 to vector<16xi32>
        %add3A_900 = arith.addi %add3A_899, %iota3A_778 : vector<16xi32>
        %shift_right_logical3A = arith.constant 3 : i32
        %shift_right_logical3A_901 = vector.broadcast %shift_right_logical3A : i32 to vector<16xi32>
        %shift_right_logical3A_902 = arith.shrui %add3A_900, %shift_right_logical3A_901 : vector<16xi32>
        %and3A_903 = arith.constant 7 : i32
        %and3A_904 = vector.broadcast %and3A_903 : i32 to vector<16xi32>
        %and3A_905 = arith.andi %add3A_900, %and3A_904 : vector<16xi32>
        %get3A = arith.index_cast %add3A_897 : i32 to index
        %get3A_906 = arith.constant 0 : index
        %get3A_907 = tpu.vector_load %arg12[%get3A, %get3A_906] {strides = array<i32>} : memref<128x32xf32, #tpu.memory_space<vmem>>, vector<16xf32>,
        tpu.vector_store_idx %arg20[%shift_right_logical3A_902, %and3A_905, %broadcast_in_dim3A], %get3A_907 : memref<4x8x129xf32, #tpu.memory_space<vmem>>[vector<16xi32>, vector<16xi32>, vector<16xi32>], vector<16xf32>,
        %add3A_908 = arith.constant 16 : i32
        %add3A_909 = vector.broadcast %add3A_908 : i32 to vector<16xi32>
        %add3A_910 = arith.addi %add3A_909, %iota3A_778 : vector<16xi32>
        %shift_right_logical3A_911 = arith.constant 3 : i32
        %shift_right_logical3A_912 = vector.broadcast %shift_right_logical3A_911 : i32 to vector<16xi32>
        %shift_right_logical3A_913 = arith.shrui %add3A_910, %shift_right_logical3A_912 : vector<16xi32>
        %and3A_914 = arith.constant 7 : i32
        %and3A_915 = vector.broadcast %and3A_914 : i32 to vector<16xi32>
        %and3A_916 = arith.andi %add3A_910, %and3A_915 : vector<16xi32>
        %get3A_917 = arith.index_cast %add3A_897 : i32 to index
        %get3A_918 = arith.constant 16 : index
        %get3A_919 = tpu.vector_load %arg12[%get3A_917, %get3A_918] {strides = array<i32>} : memref<128x32xf32, #tpu.memory_space<vmem>>, vector<16xf32>,
        tpu.vector_store_idx %arg20[%shift_right_logical3A_913, %and3A_916, %broadcast_in_dim3A], %get3A_919 : memref<4x8x129xf32, #tpu.memory_space<vmem>>[vector<16xi32>, vector<16xi32>, vector<16xi32>], vector<16xf32>,
        %mul3A_920 = arith.constant 4 : i32
        %mul3A_921 = arith.muli %scan3A_893, %mul3A_920 : i32
        %add3A_922 = arith.constant 1 : i32
        %add3A_923 = arith.addi %mul3A_921, %add3A_922 : i32
        %broadcast_in_dim3A_924 = vector.broadcast %add3A_923 : i32 to vector<16xi32>
        %add3A_925 = arith.constant 0 : i32
        %add3A_926 = vector.broadcast %add3A_925 : i32 to vector<16xi32>
        %add3A_927 = arith.addi %add3A_926, %iota3A_778 : vector<16xi32>
        %shift_right_logical3A_928 = arith.constant 3 : i32
        %shift_right_logical3A_929 = vector.broadcast %shift_right_logical3A_928 : i32 to vector<16xi32>
        %shift_right_logical3A_930 = arith.shrui %add3A_927, %shift_right_logical3A_929 : vector<16xi32>
        %and3A_931 = arith.constant 7 : i32
        %and3A_932 = vector.broadcast %and3A_931 : i32 to vector<16xi32>
        %and3A_933 = arith.andi %add3A_927, %and3A_932 : vector<16xi32>
        %get3A_934 = arith.index_cast %add3A_923 : i32 to index
        %get3A_935 = arith.constant 0 : index
        %get3A_936 = tpu.vector_load %arg12[%get3A_934, %get3A_935] {strides = array<i32>} : memref<128x32xf32, #tpu.memory_space<vmem>>, vector<16xf32>,
        tpu.vector_store_idx %arg20[%shift_right_logical3A_930, %and3A_933, %broadcast_in_dim3A_924], %get3A_936 : memref<4x8x129xf32, #tpu.memory_space<vmem>>[vector<16xi32>, vector<16xi32>, vector<16xi32>], vector<16xf32>,
        %add3A_937 = arith.constant 16 : i32
        %add3A_938 = vector.broadcast %add3A_937 : i32 to vector<16xi32>
        %add3A_939 = arith.addi %add3A_938, %iota3A_778 : vector<16xi32>
        %shift_right_logical3A_940 = arith.constant 3 : i32
        %shift_right_logical3A_941 = vector.broadcast %shift_right_logical3A_940 : i32 to vector<16xi32>
        %shift_right_logical3A_942 = arith.shrui %add3A_939, %shift_right_logical3A_941 : vector<16xi32>
        %and3A_943 = arith.constant 7 : i32
        %and3A_944 = vector.broadcast %and3A_943 : i32 to vector<16xi32>
        %and3A_945 = arith.andi %add3A_939, %and3A_944 : vector<16xi32>
        %get3A_946 = arith.index_cast %add3A_923 : i32 to index
        %get3A_947 = arith.constant 16 : index
        %get3A_948 = tpu.vector_load %arg12[%get3A_946, %get3A_947] {strides = array<i32>} : memref<128x32xf32, #tpu.memory_space<vmem>>, vector<16xf32>,
        tpu.vector_store_idx %arg20[%shift_right_logical3A_942, %and3A_945, %broadcast_in_dim3A_924], %get3A_948 : memref<4x8x129xf32, #tpu.memory_space<vmem>>[vector<16xi32>, vector<16xi32>, vector<16xi32>], vector<16xf32>,
        %mul3A_949 = arith.constant 4 : i32
        %mul3A_950 = arith.muli %scan3A_893, %mul3A_949 : i32
        %add3A_951 = arith.constant 2 : i32
        %add3A_952 = arith.addi %mul3A_950, %add3A_951 : i32
        %broadcast_in_dim3A_953 = vector.broadcast %add3A_952 : i32 to vector<16xi32>
        %add3A_954 = arith.constant 0 : i32
        %add3A_955 = vector.broadcast %add3A_954 : i32 to vector<16xi32>
        %add3A_956 = arith.addi %add3A_955, %iota3A_778 : vector<16xi32>
        %shift_right_logical3A_957 = arith.constant 3 : i32
        %shift_right_logical3A_958 = vector.broadcast %shift_right_logical3A_957 : i32 to vector<16xi32>
        %shift_right_logical3A_959 = arith.shrui %add3A_956, %shift_right_logical3A_958 : vector<16xi32>
        %and3A_960 = arith.constant 7 : i32
        %and3A_961 = vector.broadcast %and3A_960 : i32 to vector<16xi32>
        %and3A_962 = arith.andi %add3A_956, %and3A_961 : vector<16xi32>
        %get3A_963 = arith.index_cast %add3A_952 : i32 to index
        %get3A_964 = arith.constant 0 : index
        %get3A_965 = tpu.vector_load %arg12[%get3A_963, %get3A_964] {strides = array<i32>} : memref<128x32xf32, #tpu.memory_space<vmem>>, vector<16xf32>,
        tpu.vector_store_idx %arg20[%shift_right_logical3A_959, %and3A_962, %broadcast_in_dim3A_953], %get3A_965 : memref<4x8x129xf32, #tpu.memory_space<vmem>>[vector<16xi32>, vector<16xi32>, vector<16xi32>], vector<16xf32>,
        %add3A_966 = arith.constant 16 : i32
        %add3A_967 = vector.broadcast %add3A_966 : i32 to vector<16xi32>
        %add3A_968 = arith.addi %add3A_967, %iota3A_778 : vector<16xi32>
        %shift_right_logical3A_969 = arith.constant 3 : i32
        %shift_right_logical3A_970 = vector.broadcast %shift_right_logical3A_969 : i32 to vector<16xi32>
        %shift_right_logical3A_971 = arith.shrui %add3A_968, %shift_right_logical3A_970 : vector<16xi32>
        %and3A_972 = arith.constant 7 : i32
        %and3A_973 = vector.broadcast %and3A_972 : i32 to vector<16xi32>
        %and3A_974 = arith.andi %add3A_968, %and3A_973 : vector<16xi32>
        %get3A_975 = arith.index_cast %add3A_952 : i32 to index
        %get3A_976 = arith.constant 16 : index
        %get3A_977 = tpu.vector_load %arg12[%get3A_975, %get3A_976] {strides = array<i32>} : memref<128x32xf32, #tpu.memory_space<vmem>>, vector<16xf32>,
        tpu.vector_store_idx %arg20[%shift_right_logical3A_971, %and3A_974, %broadcast_in_dim3A_953], %get3A_977 : memref<4x8x129xf32, #tpu.memory_space<vmem>>[vector<16xi32>, vector<16xi32>, vector<16xi32>], vector<16xf32>,
        %mul3A_978 = arith.constant 4 : i32
        %mul3A_979 = arith.muli %scan3A_893, %mul3A_978 : i32
        %add3A_980 = arith.constant 3 : i32
        %add3A_981 = arith.addi %mul3A_979, %add3A_980 : i32
        %broadcast_in_dim3A_982 = vector.broadcast %add3A_981 : i32 to vector<16xi32>
        %add3A_983 = arith.constant 0 : i32
        %add3A_984 = vector.broadcast %add3A_983 : i32 to vector<16xi32>
        %add3A_985 = arith.addi %add3A_984, %iota3A_778 : vector<16xi32>
        %shift_right_logical3A_986 = arith.constant 3 : i32
        %shift_right_logical3A_987 = vector.broadcast %shift_right_logical3A_986 : i32 to vector<16xi32>
        %shift_right_logical3A_988 = arith.shrui %add3A_985, %shift_right_logical3A_987 : vector<16xi32>
        %and3A_989 = arith.constant 7 : i32
        %and3A_990 = vector.broadcast %and3A_989 : i32 to vector<16xi32>
        %and3A_991 = arith.andi %add3A_985, %and3A_990 : vector<16xi32>
        %get3A_992 = arith.index_cast %add3A_981 : i32 to index
        %get3A_993 = arith.constant 0 : index
        %get3A_994 = tpu.vector_load %arg12[%get3A_992, %get3A_993] {strides = array<i32>} : memref<128x32xf32, #tpu.memory_space<vmem>>, vector<16xf32>,
        tpu.vector_store_idx %arg20[%shift_right_logical3A_988, %and3A_991, %broadcast_in_dim3A_982], %get3A_994 : memref<4x8x129xf32, #tpu.memory_space<vmem>>[vector<16xi32>, vector<16xi32>, vector<16xi32>], vector<16xf32>,
        %add3A_995 = arith.constant 16 : i32
        %add3A_996 = vector.broadcast %add3A_995 : i32 to vector<16xi32>
        %add3A_997 = arith.addi %add3A_996, %iota3A_778 : vector<16xi32>
        %shift_right_logical3A_998 = arith.constant 3 : i32
        %shift_right_logical3A_999 = vector.broadcast %shift_right_logical3A_998 : i32 to vector<16xi32>
        %shift_right_logical3A_1000 = arith.shrui %add3A_997, %shift_right_logical3A_999 : vector<16xi32>
        %and3A_1001 = arith.constant 7 : i32
        %and3A_1002 = vector.broadcast %and3A_1001 : i32 to vector<16xi32>
        %and3A_1003 = arith.andi %add3A_997, %and3A_1002 : vector<16xi32>
        %get3A_1004 = arith.index_cast %add3A_981 : i32 to index
        %get3A_1005 = arith.constant 16 : index
        %get3A_1006 = tpu.vector_load %arg12[%get3A_1004, %get3A_1005] {strides = array<i32>} : memref<128x32xf32, #tpu.memory_space<vmem>>, vector<16xf32>,
        tpu.vector_store_idx %arg20[%shift_right_logical3A_1000, %and3A_1003, %broadcast_in_dim3A_982], %get3A_1006 : memref<4x8x129xf32, #tpu.memory_space<vmem>>[vector<16xi32>, vector<16xi32>, vector<16xi32>], vector<16xf32>,
      }
      %scan3A_784 = arith.constant 32 : i32
      %lt3A_785 = arith.constant 24 : i32
      %lt3A_786 = arith.cmpi slt, %scan3A_226, %lt3A_785 : i32
      %convert_element_type3A_787 = arith.extui %lt3A_786 : i1 to i32
      %cond3A_788 = arith.constant 0 : i32
      %cond3A_789 = arith.cmpi ne, %convert_element_type3A_787, %cond3A_788 : i32
      scf.if %cond3A_789 {
        %add3A_893 = arith.constant 8 : i32
        %add3A_894 = arith.addi %add3A_726, %add3A_893 : i32
        %jit3A_895 = arith.constant 8 : i32
        %div3A_896 = arith.divsi %add3A_894, %jit3A_895 : i32
        %sign3A_897 = arith.constant 0 : i32
        %sign3A_898 = arith.cmpi sgt, %add3A_894, %sign3A_897 : i32
        %sign3A_899 = arith.extui %sign3A_898 : i1 to i32
        %sign3A_900 = arith.constant 0 : i32
        %sign3A_901 = arith.cmpi slt, %add3A_894, %sign3A_900 : i32
        %sign3A_902 = arith.extui %sign3A_901 : i1 to i32
        %sign3A_903 = arith.subi %sign3A_899, %sign3A_902 : i32
        %sign3A_904 = arith.constant 0 : i32
        %sign3A_905 = arith.cmpi sgt, %jit3A_895, %sign3A_904 : i32
        %sign3A_906 = arith.extui %sign3A_905 : i1 to i32
        %sign3A_907 = arith.constant 0 : i32
        %sign3A_908 = arith.cmpi slt, %jit3A_895, %sign3A_907 : i32
        %sign3A_909 = arith.extui %sign3A_908 : i1 to i32
        %sign3A_910 = arith.subi %sign3A_906, %sign3A_909 : i32
        %ne3A_911 = arith.cmpi ne, %sign3A_903, %sign3A_910 : i32
        %rem3A_912 = arith.remsi %add3A_894, %jit3A_895 : i32
        %ne3A_913 = arith.constant 0 : i32
        %ne3A_914 = arith.cmpi ne, %rem3A_912, %ne3A_913 : i32
        %and3A_915 = arith.andi %ne3A_911, %ne3A_914 : i1
        %sub3A_916 = arith.constant 1 : i32
        %sub3A_917 = arith.subi %div3A_896, %sub3A_916 : i32
        %select_n3A_918 = arith.select %and3A_915, %sub3A_917, %div3A_896 : i32
        %jit3A_919 = arith.constant 8 : i32
        %eq3A_920 = arith.constant 0 : i32
        %eq3A_921 = arith.cmpi eq, %jit3A_919, %eq3A_920 : i32
        %jit3A_922 = arith.constant 1 : i32
        %select_n3A_923 = arith.select %eq3A_921, %jit3A_922, %jit3A_919 : i32
        %rem3A_924 = arith.remsi %add3A_894, %select_n3A_923 : i32
        %ne3A_925 = arith.constant 0 : i32
        %ne3A_926 = arith.cmpi ne, %rem3A_924, %ne3A_925 : i32
        %lt3A_927 = arith.constant 0 : i32
        %lt3A_928 = arith.cmpi slt, %rem3A_924, %lt3A_927 : i32
        %lt3A_929 = arith.constant 0 : i32
        %lt3A_930 = arith.cmpi slt, %select_n3A_923, %lt3A_929 : i32
        %ne3A_931 = arith.xori %lt3A_928, %lt3A_930 : i1
        %and3A_932 = arith.andi %ne3A_931, %ne3A_926 : i1
        %add3A_933 = arith.addi %rem3A_924, %select_n3A_923 : i32
        %select_n3A_934 = arith.select %and3A_932, %add3A_933, %rem3A_924 : i32
        %dma_start3A_935 = arith.constant 0 : i32
        %dma_start3A_936 = tpu.memref_slice %arg5[%select_n3A_918, %select_n3A_934, %dma_start3A_935] : memref<25x8x128xi32, #tpu.memory_space<vmem>> -> memref<1x1x128xi32, #tpu.memory_space<vmem>>
        %dma_start3A_937 = tpu.memref_squeeze %dma_start3A_936 : memref<1x1x128xi32, #tpu.memory_space<vmem>> -> memref<128xi32, #tpu.memory_space<vmem>>
        %dma_start3A_938 = arith.constant 0 : i32
        %dma_start3A_939 = arith.constant 0 : i32
        %dma_start3A_940 = tpu.memref_slice %arg3[%dma_start3A_938, %dma_start3A_939] : memref<1015808x32xf32, #tpu.memory_space<hbm>> -> memref<1015808x32xf32, #tpu.memory_space<hbm>>
        tpu.enqueue_indirect_dma source(%dma_start3A_940 : memref<1015808x32xf32, #tpu.memory_space<hbm>>) target(%arg12 : memref<128x32xf32, #tpu.memory_space<vmem>>) offsets(%dma_start3A_937 : memref<128xi32, #tpu.memory_space<vmem>>) semaphore(%arg28 : memref<!tpu.dma_semaphore, #tpu.memory_space<semaphore_mem>>)
      } else {
      }
      %dma_start3A_790 = arith.constant 0 : i32
      %dma_start3A_791 = arith.constant 0 : i32
      %dma_start3A_792 = arith.constant 0 : i32
      %dma_start3A_793 = tpu.memref_slice %arg20[%dma_start3A_790, %dma_start3A_791, %dma_start3A_792] : memref<4x8x129xf32, #tpu.memory_space<vmem>> -> memref<4x8x128xf32, #tpu.memory_space<vmem>>
      %dma_start3A_794 = arith.constant 0 : i32
      %dma_start3A_795 = arith.constant 0 : i32
      %dma_start3A_796 = arith.constant 0 : i32
      %dma_start3A_797 = tpu.memref_slice %arg4[%add3A_726, %dma_start3A_794, %add3A, %dma_start3A_795, %dma_start3A_796] : memref<200x4x32x8x128xf32, #tpu.memory_space<hbm>> -> memref<1x4x1x8x128xf32, #tpu.memory_space<hbm>>
      %dma_start3A_798 = tpu.memref_squeeze %dma_start3A_797 : memref<1x4x1x8x128xf32, #tpu.memory_space<hbm>> -> memref<4x8x128xf32, #tpu.memory_space<hbm>>
      %dma_start3A_799 = arith.constant 0 : i32
      %dma_start3A_800 = arith.constant 0 : i32
      %dma_start3A_801 = arith.constant 0 : i32
      %dma_start3A_802 = tpu.memref_slice %arg4[%add3A_726, %dma_start3A_799, %add3A, %dma_start3A_800, %dma_start3A_801] : memref<200x4x32x8x128xf32, #tpu.memory_space<hbm>> -> memref<1x4x1x8x128xf32, #tpu.memory_space<hbm>>
      %dma_start3A_803 = tpu.memref_squeeze %dma_start3A_802 : memref<1x4x1x8x128xf32, #tpu.memory_space<hbm>> -> memref<4x8x128xf32, #tpu.memory_space<hbm>>
      %dma_start3A_804 = arith.constant 0 : i32
      %dma_start3A_805 = arith.constant 0 : i32
      %dma_start3A_806 = arith.constant 0 : i32
      %dma_start3A_807 = tpu.memref_slice %arg20[%dma_start3A_804, %dma_start3A_805, %dma_start3A_806] : memref<4x8x129xf32, #tpu.memory_space<vmem>> -> memref<4x8x128xf32, #tpu.memory_space<vmem>>
      tpu.enqueue_dma source(%dma_start3A_807 : memref<4x8x128xf32, #tpu.memory_space<vmem>>) target(%dma_start3A_803 : memref<4x8x128xf32, #tpu.memory_space<hbm>>) target_semaphore(%arg36 : memref<!tpu.dma_semaphore, #tpu.memory_space<semaphore_mem>>)
      %mul3A_808 = arith.constant 8 : i32
      %mul3A_809 = arith.muli %scan3A_226, %mul3A_808 : i32
      %add3A_810 = arith.constant 7 : i32
      %add3A_811 = arith.addi %mul3A_809, %add3A_810 : i32
      %jit3A_812 = arith.constant 8 : i32
      %div3A_813 = arith.divsi %add3A_811, %jit3A_812 : i32
      %sign3A_814 = arith.constant 0 : i32
      %sign3A_815 = arith.cmpi sgt, %add3A_811, %sign3A_814 : i32
      %sign3A_816 = arith.extui %sign3A_815 : i1 to i32
      %sign3A_817 = arith.constant 0 : i32
      %sign3A_818 = arith.cmpi slt, %add3A_811, %sign3A_817 : i32
      %sign3A_819 = arith.extui %sign3A_818 : i1 to i32
      %sign3A_820 = arith.subi %sign3A_816, %sign3A_819 : i32
      %sign3A_821 = arith.constant 0 : i32
      %sign3A_822 = arith.cmpi sgt, %jit3A_812, %sign3A_821 : i32
      %sign3A_823 = arith.extui %sign3A_822 : i1 to i32
      %sign3A_824 = arith.constant 0 : i32
      %sign3A_825 = arith.cmpi slt, %jit3A_812, %sign3A_824 : i32
      %sign3A_826 = arith.extui %sign3A_825 : i1 to i32
      %sign3A_827 = arith.subi %sign3A_823, %sign3A_826 : i32
      %ne3A_828 = arith.cmpi ne, %sign3A_820, %sign3A_827 : i32
      %rem3A_829 = arith.remsi %add3A_811, %jit3A_812 : i32
      %ne3A_830 = arith.constant 0 : i32
      %ne3A_831 = arith.cmpi ne, %rem3A_829, %ne3A_830 : i32
      %and3A_832 = arith.andi %ne3A_828, %ne3A_831 : i1
      %sub3A_833 = arith.constant 1 : i32
      %sub3A_834 = arith.subi %div3A_813, %sub3A_833 : i32
      %select_n3A_835 = arith.select %and3A_832, %sub3A_834, %div3A_813 : i32
      %jit3A_836 = arith.constant 8 : i32
      %eq3A_837 = arith.constant 0 : i32
      %eq3A_838 = arith.cmpi eq, %jit3A_836, %eq3A_837 : i32
      %jit3A_839 = arith.constant 1 : i32
      %select_n3A_840 = arith.select %eq3A_838, %jit3A_839, %jit3A_836 : i32
      %rem3A_841 = arith.remsi %add3A_811, %select_n3A_840 : i32
      %ne3A_842 = arith.constant 0 : i32
      %ne3A_843 = arith.cmpi ne, %rem3A_841, %ne3A_842 : i32
      %lt3A_844 = arith.constant 0 : i32
      %lt3A_845 = arith.cmpi slt, %rem3A_841, %lt3A_844 : i32
      %lt3A_846 = arith.constant 0 : i32
      %lt3A_847 = arith.cmpi slt, %select_n3A_840, %lt3A_846 : i32
      %ne3A_848 = arith.xori %lt3A_845, %lt3A_847 : i1
      %and3A_849 = arith.andi %ne3A_848, %ne3A_843 : i1
      %add3A_850 = arith.addi %rem3A_841, %select_n3A_840 : i32
      %select_n3A_851 = arith.select %and3A_849, %add3A_850, %rem3A_841 : i32
      %dma_wait3A_852 = arith.constant 0 : i32
      %dma_wait3A_853 = tpu.memref_slice %arg5[%select_n3A_835, %select_n3A_851, %dma_wait3A_852] : memref<25x8x128xi32, #tpu.memory_space<vmem>> -> memref<1x1x128xi32, #tpu.memory_space<vmem>>
      %dma_wait3A_854 = tpu.memref_squeeze %dma_wait3A_853 : memref<1x1x128xi32, #tpu.memory_space<vmem>> -> memref<128xi32, #tpu.memory_space<vmem>>
      %dma_wait3A_855 = arith.constant 0 : i32
      %dma_wait3A_856 = arith.constant 0 : i32
      %dma_wait3A_857 = tpu.memref_slice %arg3[%dma_wait3A_855, %dma_wait3A_856] : memref<1015808x32xf32, #tpu.memory_space<hbm>> -> memref<1015808x32xf32, #tpu.memory_space<hbm>>
      tpu.wait_indirect_dma semaphore(%arg29 : memref<!tpu.dma_semaphore, #tpu.memory_space<semaphore_mem>>) src(%dma_wait3A_857 : memref<1015808x32xf32, #tpu.memory_space<hbm>>) dst(%arg13 : memref<128x32xf32, #tpu.memory_space<vmem>>)
      %gt3A_858 = arith.constant 0 : i32
      %gt3A_859 = arith.cmpi sgt, %scan3A_226, %gt3A_858 : i32
      %convert_element_type3A_860 = arith.extui %gt3A_859 : i1 to i32
      %cond3A_861 = arith.constant 0 : i32
      %cond3A_862 = arith.cmpi ne, %convert_element_type3A_860, %cond3A_861 : i32
      scf.if %cond3A_862 {
        %sub3A_893 = arith.constant 8 : i32
        %sub3A_894 = arith.subi %add3A_811, %sub3A_893 : i32
        %dma_wait3A_895 = arith.constant 0 : i32
        %dma_wait3A_896 = arith.constant 0 : i32
        %dma_wait3A_897 = arith.constant 0 : i32
        %dma_wait3A_898 = tpu.memref_slice %arg21[%dma_wait3A_895, %dma_wait3A_896, %dma_wait3A_897] : memref<4x8x129xf32, #tpu.memory_space<vmem>> -> memref<4x8x128xf32, #tpu.memory_space<vmem>>
        %dma_wait3A_899 = arith.constant 0 : i32
        %dma_wait3A_900 = arith.constant 0 : i32
        %dma_wait3A_901 = arith.constant 0 : i32
        %dma_wait3A_902 = tpu.memref_slice %arg4[%sub3A_894, %dma_wait3A_899, %add3A, %dma_wait3A_900, %dma_wait3A_901] : memref<200x4x32x8x128xf32, #tpu.memory_space<hbm>> -> memref<1x4x1x8x128xf32, #tpu.memory_space<hbm>>
        %dma_wait3A_903 = tpu.memref_squeeze %dma_wait3A_902 : memref<1x4x1x8x128xf32, #tpu.memory_space<hbm>> -> memref<4x8x128xf32, #tpu.memory_space<hbm>>
        %dma_wait3A_904 = arith.constant 0 : i32
        %dma_wait3A_905 = arith.constant 0 : i32
        %dma_wait3A_906 = arith.constant 0 : i32
        %dma_wait3A_907 = tpu.memref_slice %arg4[%sub3A_894, %dma_wait3A_904, %add3A, %dma_wait3A_905, %dma_wait3A_906] : memref<200x4x32x8x128xf32, #tpu.memory_space<hbm>> -> memref<1x4x1x8x128xf32, #tpu.memory_space<hbm>>
        %dma_wait3A_908 = tpu.memref_squeeze %dma_wait3A_907 : memref<1x4x1x8x128xf32, #tpu.memory_space<hbm>> -> memref<4x8x128xf32, #tpu.memory_space<hbm>>
        %dma_wait3A_909 = arith.constant 0 : i32
        %dma_wait3A_910 = arith.constant 0 : i32
        %dma_wait3A_911 = arith.constant 0 : i32
        %dma_wait3A_912 = tpu.memref_slice %arg21[%dma_wait3A_909, %dma_wait3A_910, %dma_wait3A_911] : memref<4x8x129xf32, #tpu.memory_space<vmem>> -> memref<4x8x128xf32, #tpu.memory_space<vmem>>
        tpu.wait_dma2 semaphore(%arg37 : memref<!tpu.dma_semaphore, #tpu.memory_space<semaphore_mem>>) src(%dma_wait3A_912 : memref<4x8x128xf32, #tpu.memory_space<vmem>>) dst(%dma_wait3A_908 : memref<4x8x128xf32, #tpu.memory_space<hbm>>)
      } else {
      }
      %iota3A_863 = tpu.iota {dimensions = array<i32: 0>} : vector<16xi32>
      %scan3A_864 = arith.constant 0 : i32
      %scan3A_865 = arith.constant 0 : i32
      %scan3A_866 = arith.constant 32 : i32
      %scan3A_867 = arith.addi %scan3A_865, %scan3A_866 : i32
      %scan3A_868 = arith.constant 1 : i32
      scf.for %scan3A_893 = %scan3A_865 to %scan3A_867 step %scan3A_868  : i32 {
        %mul3A_894 = arith.constant 4 : i32
        %mul3A_895 = arith.muli %scan3A_893, %mul3A_894 : i32
        %add3A_896 = arith.constant 0 : i32
        %add3A_897 = arith.addi %mul3A_895, %add3A_896 : i32
        %broadcast_in_dim3A = vector.broadcast %add3A_897 : i32 to vector<16xi32>
        %add3A_898 = arith.constant 0 : i32
        %add3A_899 = vector.broadcast %add3A_898 : i32 to vector<16xi32>
        %add3A_900 = arith.addi %add3A_899, %iota3A_863 : vector<16xi32>
        %shift_right_logical3A = arith.constant 3 : i32
        %shift_right_logical3A_901 = vector.broadcast %shift_right_logical3A : i32 to vector<16xi32>
        %shift_right_logical3A_902 = arith.shrui %add3A_900, %shift_right_logical3A_901 : vector<16xi32>
        %and3A_903 = arith.constant 7 : i32
        %and3A_904 = vector.broadcast %and3A_903 : i32 to vector<16xi32>
        %and3A_905 = arith.andi %add3A_900, %and3A_904 : vector<16xi32>
        %get3A = arith.index_cast %add3A_897 : i32 to index
        %get3A_906 = arith.constant 0 : index
        %get3A_907 = tpu.vector_load %arg13[%get3A, %get3A_906] {strides = array<i32>} : memref<128x32xf32, #tpu.memory_space<vmem>>, vector<16xf32>,
        tpu.vector_store_idx %arg21[%shift_right_logical3A_902, %and3A_905, %broadcast_in_dim3A], %get3A_907 : memref<4x8x129xf32, #tpu.memory_space<vmem>>[vector<16xi32>, vector<16xi32>, vector<16xi32>], vector<16xf32>,
        %add3A_908 = arith.constant 16 : i32
        %add3A_909 = vector.broadcast %add3A_908 : i32 to vector<16xi32>
        %add3A_910 = arith.addi %add3A_909, %iota3A_863 : vector<16xi32>
        %shift_right_logical3A_911 = arith.constant 3 : i32
        %shift_right_logical3A_912 = vector.broadcast %shift_right_logical3A_911 : i32 to vector<16xi32>
        %shift_right_logical3A_913 = arith.shrui %add3A_910, %shift_right_logical3A_912 : vector<16xi32>
        %and3A_914 = arith.constant 7 : i32
        %and3A_915 = vector.broadcast %and3A_914 : i32 to vector<16xi32>
        %and3A_916 = arith.andi %add3A_910, %and3A_915 : vector<16xi32>
        %get3A_917 = arith.index_cast %add3A_897 : i32 to index
        %get3A_918 = arith.constant 16 : index
        %get3A_919 = tpu.vector_load %arg13[%get3A_917, %get3A_918] {strides = array<i32>} : memref<128x32xf32, #tpu.memory_space<vmem>>, vector<16xf32>,
        tpu.vector_store_idx %arg21[%shift_right_logical3A_913, %and3A_916, %broadcast_in_dim3A], %get3A_919 : memref<4x8x129xf32, #tpu.memory_space<vmem>>[vector<16xi32>, vector<16xi32>, vector<16xi32>], vector<16xf32>,
        %mul3A_920 = arith.constant 4 : i32
        %mul3A_921 = arith.muli %scan3A_893, %mul3A_920 : i32
        %add3A_922 = arith.constant 1 : i32
        %add3A_923 = arith.addi %mul3A_921, %add3A_922 : i32
        %broadcast_in_dim3A_924 = vector.broadcast %add3A_923 : i32 to vector<16xi32>
        %add3A_925 = arith.constant 0 : i32
        %add3A_926 = vector.broadcast %add3A_925 : i32 to vector<16xi32>
        %add3A_927 = arith.addi %add3A_926, %iota3A_863 : vector<16xi32>
        %shift_right_logical3A_928 = arith.constant 3 : i32
        %shift_right_logical3A_929 = vector.broadcast %shift_right_logical3A_928 : i32 to vector<16xi32>
        %shift_right_logical3A_930 = arith.shrui %add3A_927, %shift_right_logical3A_929 : vector<16xi32>
        %and3A_931 = arith.constant 7 : i32
        %and3A_932 = vector.broadcast %and3A_931 : i32 to vector<16xi32>
        %and3A_933 = arith.andi %add3A_927, %and3A_932 : vector<16xi32>
        %get3A_934 = arith.index_cast %add3A_923 : i32 to index
        %get3A_935 = arith.constant 0 : index
        %get3A_936 = tpu.vector_load %arg13[%get3A_934, %get3A_935] {strides = array<i32>} : memref<128x32xf32, #tpu.memory_space<vmem>>, vector<16xf32>,
        tpu.vector_store_idx %arg21[%shift_right_logical3A_930, %and3A_933, %broadcast_in_dim3A_924], %get3A_936 : memref<4x8x129xf32, #tpu.memory_space<vmem>>[vector<16xi32>, vector<16xi32>, vector<16xi32>], vector<16xf32>,
        %add3A_937 = arith.constant 16 : i32
        %add3A_938 = vector.broadcast %add3A_937 : i32 to vector<16xi32>
        %add3A_939 = arith.addi %add3A_938, %iota3A_863 : vector<16xi32>
        %shift_right_logical3A_940 = arith.constant 3 : i32
        %shift_right_logical3A_941 = vector.broadcast %shift_right_logical3A_940 : i32 to vector<16xi32>
        %shift_right_logical3A_942 = arith.shrui %add3A_939, %shift_right_logical3A_941 : vector<16xi32>
        %and3A_943 = arith.constant 7 : i32
        %and3A_944 = vector.broadcast %and3A_943 : i32 to vector<16xi32>
        %and3A_945 = arith.andi %add3A_939, %and3A_944 : vector<16xi32>
        %get3A_946 = arith.index_cast %add3A_923 : i32 to index
        %get3A_947 = arith.constant 16 : index
        %get3A_948 = tpu.vector_load %arg13[%get3A_946, %get3A_947] {strides = array<i32>} : memref<128x32xf32, #tpu.memory_space<vmem>>, vector<16xf32>,
        tpu.vector_store_idx %arg21[%shift_right_logical3A_942, %and3A_945, %broadcast_in_dim3A_924], %get3A_948 : memref<4x8x129xf32, #tpu.memory_space<vmem>>[vector<16xi32>, vector<16xi32>, vector<16xi32>], vector<16xf32>,
        %mul3A_949 = arith.constant 4 : i32
        %mul3A_950 = arith.muli %scan3A_893, %mul3A_949 : i32
        %add3A_951 = arith.constant 2 : i32
        %add3A_952 = arith.addi %mul3A_950, %add3A_951 : i32
        %broadcast_in_dim3A_953 = vector.broadcast %add3A_952 : i32 to vector<16xi32>
        %add3A_954 = arith.constant 0 : i32
        %add3A_955 = vector.broadcast %add3A_954 : i32 to vector<16xi32>
        %add3A_956 = arith.addi %add3A_955, %iota3A_863 : vector<16xi32>
        %shift_right_logical3A_957 = arith.constant 3 : i32
        %shift_right_logical3A_958 = vector.broadcast %shift_right_logical3A_957 : i32 to vector<16xi32>
        %shift_right_logical3A_959 = arith.shrui %add3A_956, %shift_right_logical3A_958 : vector<16xi32>
        %and3A_960 = arith.constant 7 : i32
        %and3A_961 = vector.broadcast %and3A_960 : i32 to vector<16xi32>
        %and3A_962 = arith.andi %add3A_956, %and3A_961 : vector<16xi32>
        %get3A_963 = arith.index_cast %add3A_952 : i32 to index
        %get3A_964 = arith.constant 0 : index
        %get3A_965 = tpu.vector_load %arg13[%get3A_963, %get3A_964] {strides = array<i32>} : memref<128x32xf32, #tpu.memory_space<vmem>>, vector<16xf32>,
        tpu.vector_store_idx %arg21[%shift_right_logical3A_959, %and3A_962, %broadcast_in_dim3A_953], %get3A_965 : memref<4x8x129xf32, #tpu.memory_space<vmem>>[vector<16xi32>, vector<16xi32>, vector<16xi32>], vector<16xf32>,
        %add3A_966 = arith.constant 16 : i32
        %add3A_967 = vector.broadcast %add3A_966 : i32 to vector<16xi32>
        %add3A_968 = arith.addi %add3A_967, %iota3A_863 : vector<16xi32>
        %shift_right_logical3A_969 = arith.constant 3 : i32
        %shift_right_logical3A_970 = vector.broadcast %shift_right_logical3A_969 : i32 to vector<16xi32>
        %shift_right_logical3A_971 = arith.shrui %add3A_968, %shift_right_logical3A_970 : vector<16xi32>
        %and3A_972 = arith.constant 7 : i32
        %and3A_973 = vector.broadcast %and3A_972 : i32 to vector<16xi32>
        %and3A_974 = arith.andi %add3A_968, %and3A_973 : vector<16xi32>
        %get3A_975 = arith.index_cast %add3A_952 : i32 to index
        %get3A_976 = arith.constant 16 : index
        %get3A_977 = tpu.vector_load %arg13[%get3A_975, %get3A_976] {strides = array<i32>} : memref<128x32xf32, #tpu.memory_space<vmem>>, vector<16xf32>,
        tpu.vector_store_idx %arg21[%shift_right_logical3A_971, %and3A_974, %broadcast_in_dim3A_953], %get3A_977 : memref<4x8x129xf32, #tpu.memory_space<vmem>>[vector<16xi32>, vector<16xi32>, vector<16xi32>], vector<16xf32>,
        %mul3A_978 = arith.constant 4 : i32
        %mul3A_979 = arith.muli %scan3A_893, %mul3A_978 : i32
        %add3A_980 = arith.constant 3 : i32
        %add3A_981 = arith.addi %mul3A_979, %add3A_980 : i32
        %broadcast_in_dim3A_982 = vector.broadcast %add3A_981 : i32 to vector<16xi32>
        %add3A_983 = arith.constant 0 : i32
        %add3A_984 = vector.broadcast %add3A_983 : i32 to vector<16xi32>
        %add3A_985 = arith.addi %add3A_984, %iota3A_863 : vector<16xi32>
        %shift_right_logical3A_986 = arith.constant 3 : i32
        %shift_right_logical3A_987 = vector.broadcast %shift_right_logical3A_986 : i32 to vector<16xi32>
        %shift_right_logical3A_988 = arith.shrui %add3A_985, %shift_right_logical3A_987 : vector<16xi32>
        %and3A_989 = arith.constant 7 : i32
        %and3A_990 = vector.broadcast %and3A_989 : i32 to vector<16xi32>
        %and3A_991 = arith.andi %add3A_985, %and3A_990 : vector<16xi32>
        %get3A_992 = arith.index_cast %add3A_981 : i32 to index
        %get3A_993 = arith.constant 0 : index
        %get3A_994 = tpu.vector_load %arg13[%get3A_992, %get3A_993] {strides = array<i32>} : memref<128x32xf32, #tpu.memory_space<vmem>>, vector<16xf32>,
        tpu.vector_store_idx %arg21[%shift_right_logical3A_988, %and3A_991, %broadcast_in_dim3A_982], %get3A_994 : memref<4x8x129xf32, #tpu.memory_space<vmem>>[vector<16xi32>, vector<16xi32>, vector<16xi32>], vector<16xf32>,
        %add3A_995 = arith.constant 16 : i32
        %add3A_996 = vector.broadcast %add3A_995 : i32 to vector<16xi32>
        %add3A_997 = arith.addi %add3A_996, %iota3A_863 : vector<16xi32>
        %shift_right_logical3A_998 = arith.constant 3 : i32
        %shift_right_logical3A_999 = vector.broadcast %shift_right_logical3A_998 : i32 to vector<16xi32>
        %shift_right_logical3A_1000 = arith.shrui %add3A_997, %shift_right_logical3A_999 : vector<16xi32>
        %and3A_1001 = arith.constant 7 : i32
        %and3A_1002 = vector.broadcast %and3A_1001 : i32 to vector<16xi32>
        %and3A_1003 = arith.andi %add3A_997, %and3A_1002 : vector<16xi32>
        %get3A_1004 = arith.index_cast %add3A_981 : i32 to index
        %get3A_1005 = arith.constant 16 : index
        %get3A_1006 = tpu.vector_load %arg13[%get3A_1004, %get3A_1005] {strides = array<i32>} : memref<128x32xf32, #tpu.memory_space<vmem>>, vector<16xf32>,
        tpu.vector_store_idx %arg21[%shift_right_logical3A_1000, %and3A_1003, %broadcast_in_dim3A_982], %get3A_1006 : memref<4x8x129xf32, #tpu.memory_space<vmem>>[vector<16xi32>, vector<16xi32>, vector<16xi32>], vector<16xf32>,
      }
      %scan3A_869 = arith.constant 32 : i32
      %lt3A_870 = arith.constant 24 : i32
      %lt3A_871 = arith.cmpi slt, %scan3A_226, %lt3A_870 : i32
      %convert_element_type3A_872 = arith.extui %lt3A_871 : i1 to i32
      %cond3A_873 = arith.constant 0 : i32
      %cond3A_874 = arith.cmpi ne, %convert_element_type3A_872, %cond3A_873 : i32
      scf.if %cond3A_874 {
        %add3A_893 = arith.constant 8 : i32
        %add3A_894 = arith.addi %add3A_811, %add3A_893 : i32
        %jit3A_895 = arith.constant 8 : i32
        %div3A_896 = arith.divsi %add3A_894, %jit3A_895 : i32
        %sign3A_897 = arith.constant 0 : i32
        %sign3A_898 = arith.cmpi sgt, %add3A_894, %sign3A_897 : i32
        %sign3A_899 = arith.extui %sign3A_898 : i1 to i32
        %sign3A_900 = arith.constant 0 : i32
        %sign3A_901 = arith.cmpi slt, %add3A_894, %sign3A_900 : i32
        %sign3A_902 = arith.extui %sign3A_901 : i1 to i32
        %sign3A_903 = arith.subi %sign3A_899, %sign3A_902 : i32
        %sign3A_904 = arith.constant 0 : i32
        %sign3A_905 = arith.cmpi sgt, %jit3A_895, %sign3A_904 : i32
        %sign3A_906 = arith.extui %sign3A_905 : i1 to i32
        %sign3A_907 = arith.constant 0 : i32
        %sign3A_908 = arith.cmpi slt, %jit3A_895, %sign3A_907 : i32
        %sign3A_909 = arith.extui %sign3A_908 : i1 to i32
        %sign3A_910 = arith.subi %sign3A_906, %sign3A_909 : i32
        %ne3A_911 = arith.cmpi ne, %sign3A_903, %sign3A_910 : i32
        %rem3A_912 = arith.remsi %add3A_894, %jit3A_895 : i32
        %ne3A_913 = arith.constant 0 : i32
        %ne3A_914 = arith.cmpi ne, %rem3A_912, %ne3A_913 : i32
        %and3A_915 = arith.andi %ne3A_911, %ne3A_914 : i1
        %sub3A_916 = arith.constant 1 : i32
        %sub3A_917 = arith.subi %div3A_896, %sub3A_916 : i32
        %select_n3A_918 = arith.select %and3A_915, %sub3A_917, %div3A_896 : i32
        %jit3A_919 = arith.constant 8 : i32
        %eq3A_920 = arith.constant 0 : i32
        %eq3A_921 = arith.cmpi eq, %jit3A_919, %eq3A_920 : i32
        %jit3A_922 = arith.constant 1 : i32
        %select_n3A_923 = arith.select %eq3A_921, %jit3A_922, %jit3A_919 : i32
        %rem3A_924 = arith.remsi %add3A_894, %select_n3A_923 : i32
        %ne3A_925 = arith.constant 0 : i32
        %ne3A_926 = arith.cmpi ne, %rem3A_924, %ne3A_925 : i32
        %lt3A_927 = arith.constant 0 : i32
        %lt3A_928 = arith.cmpi slt, %rem3A_924, %lt3A_927 : i32
        %lt3A_929 = arith.constant 0 : i32
        %lt3A_930 = arith.cmpi slt, %select_n3A_923, %lt3A_929 : i32
        %ne3A_931 = arith.xori %lt3A_928, %lt3A_930 : i1
        %and3A_932 = arith.andi %ne3A_931, %ne3A_926 : i1
        %add3A_933 = arith.addi %rem3A_924, %select_n3A_923 : i32
        %select_n3A_934 = arith.select %and3A_932, %add3A_933, %rem3A_924 : i32
        %dma_start3A_935 = arith.constant 0 : i32
        %dma_start3A_936 = tpu.memref_slice %arg5[%select_n3A_918, %select_n3A_934, %dma_start3A_935] : memref<25x8x128xi32, #tpu.memory_space<vmem>> -> memref<1x1x128xi32, #tpu.memory_space<vmem>>
        %dma_start3A_937 = tpu.memref_squeeze %dma_start3A_936 : memref<1x1x128xi32, #tpu.memory_space<vmem>> -> memref<128xi32, #tpu.memory_space<vmem>>
        %dma_start3A_938 = arith.constant 0 : i32
        %dma_start3A_939 = arith.constant 0 : i32
        %dma_start3A_940 = tpu.memref_slice %arg3[%dma_start3A_938, %dma_start3A_939] : memref<1015808x32xf32, #tpu.memory_space<hbm>> -> memref<1015808x32xf32, #tpu.memory_space<hbm>>
        tpu.enqueue_indirect_dma source(%dma_start3A_940 : memref<1015808x32xf32, #tpu.memory_space<hbm>>) target(%arg13 : memref<128x32xf32, #tpu.memory_space<vmem>>) offsets(%dma_start3A_937 : memref<128xi32, #tpu.memory_space<vmem>>) semaphore(%arg29 : memref<!tpu.dma_semaphore, #tpu.memory_space<semaphore_mem>>)
      } else {
      }
      %dma_start3A_875 = arith.constant 0 : i32
      %dma_start3A_876 = arith.constant 0 : i32
      %dma_start3A_877 = arith.constant 0 : i32
      %dma_start3A_878 = tpu.memref_slice %arg21[%dma_start3A_875, %dma_start3A_876, %dma_start3A_877] : memref<4x8x129xf32, #tpu.memory_space<vmem>> -> memref<4x8x128xf32, #tpu.memory_space<vmem>>
      %dma_start3A_879 = arith.constant 0 : i32
      %dma_start3A_880 = arith.constant 0 : i32
      %dma_start3A_881 = arith.constant 0 : i32
      %dma_start3A_882 = tpu.memref_slice %arg4[%add3A_811, %dma_start3A_879, %add3A, %dma_start3A_880, %dma_start3A_881] : memref<200x4x32x8x128xf32, #tpu.memory_space<hbm>> -> memref<1x4x1x8x128xf32, #tpu.memory_space<hbm>>
      %dma_start3A_883 = tpu.memref_squeeze %dma_start3A_882 : memref<1x4x1x8x128xf32, #tpu.memory_space<hbm>> -> memref<4x8x128xf32, #tpu.memory_space<hbm>>
      %dma_start3A_884 = arith.constant 0 : i32
      %dma_start3A_885 = arith.constant 0 : i32
      %dma_start3A_886 = arith.constant 0 : i32
      %dma_start3A_887 = tpu.memref_slice %arg4[%add3A_811, %dma_start3A_884, %add3A, %dma_start3A_885, %dma_start3A_886] : memref<200x4x32x8x128xf32, #tpu.memory_space<hbm>> -> memref<1x4x1x8x128xf32, #tpu.memory_space<hbm>>
      %dma_start3A_888 = tpu.memref_squeeze %dma_start3A_887 : memref<1x4x1x8x128xf32, #tpu.memory_space<hbm>> -> memref<4x8x128xf32, #tpu.memory_space<hbm>>
      %dma_start3A_889 = arith.constant 0 : i32
      %dma_start3A_890 = arith.constant 0 : i32
      %dma_start3A_891 = arith.constant 0 : i32
      %dma_start3A_892 = tpu.memref_slice %arg21[%dma_start3A_889, %dma_start3A_890, %dma_start3A_891] : memref<4x8x129xf32, #tpu.memory_space<vmem>> -> memref<4x8x128xf32, #tpu.memory_space<vmem>>
      tpu.enqueue_dma source(%dma_start3A_892 : memref<4x8x128xf32, #tpu.memory_space<vmem>>) target(%dma_start3A_888 : memref<4x8x128xf32, #tpu.memory_space<hbm>>) target_semaphore(%arg37 : memref<!tpu.dma_semaphore, #tpu.memory_space<semaphore_mem>>)
    }
    %scan3A_74 = arith.constant 25 : i32
    %dma_wait3A = arith.constant 192 : i32
    %dma_wait3A_75 = arith.constant 0 : i32
    %dma_wait3A_76 = arith.constant 0 : i32
    %dma_wait3A_77 = arith.constant 0 : i32
    %dma_wait3A_78 = tpu.memref_slice %arg14[%dma_wait3A_75, %dma_wait3A_76, %dma_wait3A_77] : memref<4x8x129xf32, #tpu.memory_space<vmem>> -> memref<4x8x128xf32, #tpu.memory_space<vmem>>
    %dma_wait3A_79 = arith.constant 0 : i32
    %dma_wait3A_80 = arith.constant 0 : i32
    %dma_wait3A_81 = arith.constant 0 : i32
    %dma_wait3A_82 = tpu.memref_slice %arg4[%dma_wait3A, %dma_wait3A_79, %add3A, %dma_wait3A_80, %dma_wait3A_81] : memref<200x4x32x8x128xf32, #tpu.memory_space<hbm>> -> memref<1x4x1x8x128xf32, #tpu.memory_space<hbm>>
    %dma_wait3A_83 = tpu.memref_squeeze %dma_wait3A_82 : memref<1x4x1x8x128xf32, #tpu.memory_space<hbm>> -> memref<4x8x128xf32, #tpu.memory_space<hbm>>
    %dma_wait3A_84 = arith.constant 0 : i32
    %dma_wait3A_85 = arith.constant 0 : i32
    %dma_wait3A_86 = arith.constant 0 : i32
    %dma_wait3A_87 = tpu.memref_slice %arg4[%dma_wait3A, %dma_wait3A_84, %add3A, %dma_wait3A_85, %dma_wait3A_86] : memref<200x4x32x8x128xf32, #tpu.memory_space<hbm>> -> memref<1x4x1x8x128xf32, #tpu.memory_space<hbm>>
    %dma_wait3A_88 = tpu.memref_squeeze %dma_wait3A_87 : memref<1x4x1x8x128xf32, #tpu.memory_space<hbm>> -> memref<4x8x128xf32, #tpu.memory_space<hbm>>
    %dma_wait3A_89 = arith.constant 0 : i32
    %dma_wait3A_90 = arith.constant 0 : i32
    %dma_wait3A_91 = arith.constant 0 : i32
    %dma_wait3A_92 = tpu.memref_slice %arg14[%dma_wait3A_89, %dma_wait3A_90, %dma_wait3A_91] : memref<4x8x129xf32, #tpu.memory_space<vmem>> -> memref<4x8x128xf32, #tpu.memory_space<vmem>>
    tpu.wait_dma2 semaphore(%arg30 : memref<!tpu.dma_semaphore, #tpu.memory_space<semaphore_mem>>) src(%dma_wait3A_92 : memref<4x8x128xf32, #tpu.memory_space<vmem>>) dst(%dma_wait3A_88 : memref<4x8x128xf32, #tpu.memory_space<hbm>>)
    %dma_wait3A_93 = arith.constant 193 : i32
    %dma_wait3A_94 = arith.constant 0 : i32
    %dma_wait3A_95 = arith.constant 0 : i32
    %dma_wait3A_96 = arith.constant 0 : i32
    %dma_wait3A_97 = tpu.memref_slice %arg15[%dma_wait3A_94, %dma_wait3A_95, %dma_wait3A_96] : memref<4x8x129xf32, #tpu.memory_space<vmem>> -> memref<4x8x128xf32, #tpu.memory_space<vmem>>
    %dma_wait3A_98 = arith.constant 0 : i32
    %dma_wait3A_99 = arith.constant 0 : i32
    %dma_wait3A_100 = arith.constant 0 : i32
    %dma_wait3A_101 = tpu.memref_slice %arg4[%dma_wait3A_93, %dma_wait3A_98, %add3A, %dma_wait3A_99, %dma_wait3A_100] : memref<200x4x32x8x128xf32, #tpu.memory_space<hbm>> -> memref<1x4x1x8x128xf32, #tpu.memory_space<hbm>>
    %dma_wait3A_102 = tpu.memref_squeeze %dma_wait3A_101 : memref<1x4x1x8x128xf32, #tpu.memory_space<hbm>> -> memref<4x8x128xf32, #tpu.memory_space<hbm>>
    %dma_wait3A_103 = arith.constant 0 : i32
    %dma_wait3A_104 = arith.constant 0 : i32
    %dma_wait3A_105 = arith.constant 0 : i32
    %dma_wait3A_106 = tpu.memref_slice %arg4[%dma_wait3A_93, %dma_wait3A_103, %add3A, %dma_wait3A_104, %dma_wait3A_105] : memref<200x4x32x8x128xf32, #tpu.memory_space<hbm>> -> memref<1x4x1x8x128xf32, #tpu.memory_space<hbm>>
    %dma_wait3A_107 = tpu.memref_squeeze %dma_wait3A_106 : memref<1x4x1x8x128xf32, #tpu.memory_space<hbm>> -> memref<4x8x128xf32, #tpu.memory_space<hbm>>
    %dma_wait3A_108 = arith.constant 0 : i32
    %dma_wait3A_109 = arith.constant 0 : i32
    %dma_wait3A_110 = arith.constant 0 : i32
    %dma_wait3A_111 = tpu.memref_slice %arg15[%dma_wait3A_108, %dma_wait3A_109, %dma_wait3A_110] : memref<4x8x129xf32, #tpu.memory_space<vmem>> -> memref<4x8x128xf32, #tpu.memory_space<vmem>>
    tpu.wait_dma2 semaphore(%arg31 : memref<!tpu.dma_semaphore, #tpu.memory_space<semaphore_mem>>) src(%dma_wait3A_111 : memref<4x8x128xf32, #tpu.memory_space<vmem>>) dst(%dma_wait3A_107 : memref<4x8x128xf32, #tpu.memory_space<hbm>>)
    %dma_wait3A_112 = arith.constant 194 : i32
    %dma_wait3A_113 = arith.constant 0 : i32
    %dma_wait3A_114 = arith.constant 0 : i32
    %dma_wait3A_115 = arith.constant 0 : i32
    %dma_wait3A_116 = tpu.memref_slice %arg16[%dma_wait3A_113, %dma_wait3A_114, %dma_wait3A_115] : memref<4x8x129xf32, #tpu.memory_space<vmem>> -> memref<4x8x128xf32, #tpu.memory_space<vmem>>
    %dma_wait3A_117 = arith.constant 0 : i32
    %dma_wait3A_118 = arith.constant 0 : i32
    %dma_wait3A_119 = arith.constant 0 : i32
    %dma_wait3A_120 = tpu.memref_slice %arg4[%dma_wait3A_112, %dma_wait3A_117, %add3A, %dma_wait3A_118, %dma_wait3A_119] : memref<200x4x32x8x128xf32, #tpu.memory_space<hbm>> -> memref<1x4x1x8x128xf32, #tpu.memory_space<hbm>>
    %dma_wait3A_121 = tpu.memref_squeeze %dma_wait3A_120 : memref<1x4x1x8x128xf32, #tpu.memory_space<hbm>> -> memref<4x8x128xf32, #tpu.memory_space<hbm>>
    %dma_wait3A_122 = arith.constant 0 : i32
    %dma_wait3A_123 = arith.constant 0 : i32
    %dma_wait3A_124 = arith.constant 0 : i32
    %dma_wait3A_125 = tpu.memref_slice %arg4[%dma_wait3A_112, %dma_wait3A_122, %add3A, %dma_wait3A_123, %dma_wait3A_124] : memref<200x4x32x8x128xf32, #tpu.memory_space<hbm>> -> memref<1x4x1x8x128xf32, #tpu.memory_space<hbm>>
    %dma_wait3A_126 = tpu.memref_squeeze %dma_wait3A_125 : memref<1x4x1x8x128xf32, #tpu.memory_space<hbm>> -> memref<4x8x128xf32, #tpu.memory_space<hbm>>
    %dma_wait3A_127 = arith.constant 0 : i32
    %dma_wait3A_128 = arith.constant 0 : i32
    %dma_wait3A_129 = arith.constant 0 : i32
    %dma_wait3A_130 = tpu.memref_slice %arg16[%dma_wait3A_127, %dma_wait3A_128, %dma_wait3A_129] : memref<4x8x129xf32, #tpu.memory_space<vmem>> -> memref<4x8x128xf32, #tpu.memory_space<vmem>>
    tpu.wait_dma2 semaphore(%arg32 : memref<!tpu.dma_semaphore, #tpu.memory_space<semaphore_mem>>) src(%dma_wait3A_130 : memref<4x8x128xf32, #tpu.memory_space<vmem>>) dst(%dma_wait3A_126 : memref<4x8x128xf32, #tpu.memory_space<hbm>>)
    %dma_wait3A_131 = arith.constant 195 : i32
    %dma_wait3A_132 = arith.constant 0 : i32
    %dma_wait3A_133 = arith.constant 0 : i32
    %dma_wait3A_134 = arith.constant 0 : i32
    %dma_wait3A_135 = tpu.memref_slice %arg17[%dma_wait3A_132, %dma_wait3A_133, %dma_wait3A_134] : memref<4x8x129xf32, #tpu.memory_space<vmem>> -> memref<4x8x128xf32, #tpu.memory_space<vmem>>
    %dma_wait3A_136 = arith.constant 0 : i32
    %dma_wait3A_137 = arith.constant 0 : i32
    %dma_wait3A_138 = arith.constant 0 : i32
    %dma_wait3A_139 = tpu.memref_slice %arg4[%dma_wait3A_131, %dma_wait3A_136, %add3A, %dma_wait3A_137, %dma_wait3A_138] : memref<200x4x32x8x128xf32, #tpu.memory_space<hbm>> -> memref<1x4x1x8x128xf32, #tpu.memory_space<hbm>>
    %dma_wait3A_140 = tpu.memref_squeeze %dma_wait3A_139 : memref<1x4x1x8x128xf32, #tpu.memory_space<hbm>> -> memref<4x8x128xf32, #tpu.memory_space<hbm>>
    %dma_wait3A_141 = arith.constant 0 : i32
    %dma_wait3A_142 = arith.constant 0 : i32
    %dma_wait3A_143 = arith.constant 0 : i32
    %dma_wait3A_144 = tpu.memref_slice %arg4[%dma_wait3A_131, %dma_wait3A_141, %add3A, %dma_wait3A_142, %dma_wait3A_143] : memref<200x4x32x8x128xf32, #tpu.memory_space<hbm>> -> memref<1x4x1x8x128xf32, #tpu.memory_space<hbm>>
    %dma_wait3A_145 = tpu.memref_squeeze %dma_wait3A_144 : memref<1x4x1x8x128xf32, #tpu.memory_space<hbm>> -> memref<4x8x128xf32, #tpu.memory_space<hbm>>
    %dma_wait3A_146 = arith.constant 0 : i32
    %dma_wait3A_147 = arith.constant 0 : i32
    %dma_wait3A_148 = arith.constant 0 : i32
    %dma_wait3A_149 = tpu.memref_slice %arg17[%dma_wait3A_146, %dma_wait3A_147, %dma_wait3A_148] : memref<4x8x129xf32, #tpu.memory_space<vmem>> -> memref<4x8x128xf32, #tpu.memory_space<vmem>>
    tpu.wait_dma2 semaphore(%arg33 : memref<!tpu.dma_semaphore, #tpu.memory_space<semaphore_mem>>) src(%dma_wait3A_149 : memref<4x8x128xf32, #tpu.memory_space<vmem>>) dst(%dma_wait3A_145 : memref<4x8x128xf32, #tpu.memory_space<hbm>>)
    %dma_wait3A_150 = arith.constant 196 : i32
    %dma_wait3A_151 = arith.constant 0 : i32
    %dma_wait3A_152 = arith.constant 0 : i32
    %dma_wait3A_153 = arith.constant 0 : i32
    %dma_wait3A_154 = tpu.memref_slice %arg18[%dma_wait3A_151, %dma_wait3A_152, %dma_wait3A_153] : memref<4x8x129xf32, #tpu.memory_space<vmem>> -> memref<4x8x128xf32, #tpu.memory_space<vmem>>
    %dma_wait3A_155 = arith.constant 0 : i32
    %dma_wait3A_156 = arith.constant 0 : i32
    %dma_wait3A_157 = arith.constant 0 : i32
    %dma_wait3A_158 = tpu.memref_slice %arg4[%dma_wait3A_150, %dma_wait3A_155, %add3A, %dma_wait3A_156, %dma_wait3A_157] : memref<200x4x32x8x128xf32, #tpu.memory_space<hbm>> -> memref<1x4x1x8x128xf32, #tpu.memory_space<hbm>>
    %dma_wait3A_159 = tpu.memref_squeeze %dma_wait3A_158 : memref<1x4x1x8x128xf32, #tpu.memory_space<hbm>> -> memref<4x8x128xf32, #tpu.memory_space<hbm>>
    %dma_wait3A_160 = arith.constant 0 : i32
    %dma_wait3A_161 = arith.constant 0 : i32
    %dma_wait3A_162 = arith.constant 0 : i32
    %dma_wait3A_163 = tpu.memref_slice %arg4[%dma_wait3A_150, %dma_wait3A_160, %add3A, %dma_wait3A_161, %dma_wait3A_162] : memref<200x4x32x8x128xf32, #tpu.memory_space<hbm>> -> memref<1x4x1x8x128xf32, #tpu.memory_space<hbm>>
    %dma_wait3A_164 = tpu.memref_squeeze %dma_wait3A_163 : memref<1x4x1x8x128xf32, #tpu.memory_space<hbm>> -> memref<4x8x128xf32, #tpu.memory_space<hbm>>
    %dma_wait3A_165 = arith.constant 0 : i32
    %dma_wait3A_166 = arith.constant 0 : i32
    %dma_wait3A_167 = arith.constant 0 : i32
    %dma_wait3A_168 = tpu.memref_slice %arg18[%dma_wait3A_165, %dma_wait3A_166, %dma_wait3A_167] : memref<4x8x129xf32, #tpu.memory_space<vmem>> -> memref<4x8x128xf32, #tpu.memory_space<vmem>>
    tpu.wait_dma2 semaphore(%arg34 : memref<!tpu.dma_semaphore, #tpu.memory_space<semaphore_mem>>) src(%dma_wait3A_168 : memref<4x8x128xf32, #tpu.memory_space<vmem>>) dst(%dma_wait3A_164 : memref<4x8x128xf32, #tpu.memory_space<hbm>>)
    %dma_wait3A_169 = arith.constant 197 : i32
    %dma_wait3A_170 = arith.constant 0 : i32
    %dma_wait3A_171 = arith.constant 0 : i32
    %dma_wait3A_172 = arith.constant 0 : i32
    %dma_wait3A_173 = tpu.memref_slice %arg19[%dma_wait3A_170, %dma_wait3A_171, %dma_wait3A_172] : memref<4x8x129xf32, #tpu.memory_space<vmem>> -> memref<4x8x128xf32, #tpu.memory_space<vmem>>
    %dma_wait3A_174 = arith.constant 0 : i32
    %dma_wait3A_175 = arith.constant 0 : i32
    %dma_wait3A_176 = arith.constant 0 : i32
    %dma_wait3A_177 = tpu.memref_slice %arg4[%dma_wait3A_169, %dma_wait3A_174, %add3A, %dma_wait3A_175, %dma_wait3A_176] : memref<200x4x32x8x128xf32, #tpu.memory_space<hbm>> -> memref<1x4x1x8x128xf32, #tpu.memory_space<hbm>>
    %dma_wait3A_178 = tpu.memref_squeeze %dma_wait3A_177 : memref<1x4x1x8x128xf32, #tpu.memory_space<hbm>> -> memref<4x8x128xf32, #tpu.memory_space<hbm>>
    %dma_wait3A_179 = arith.constant 0 : i32
    %dma_wait3A_180 = arith.constant 0 : i32
    %dma_wait3A_181 = arith.constant 0 : i32
    %dma_wait3A_182 = tpu.memref_slice %arg4[%dma_wait3A_169, %dma_wait3A_179, %add3A, %dma_wait3A_180, %dma_wait3A_181] : memref<200x4x32x8x128xf32, #tpu.memory_space<hbm>> -> memref<1x4x1x8x128xf32, #tpu.memory_space<hbm>>
    %dma_wait3A_183 = tpu.memref_squeeze %dma_wait3A_182 : memref<1x4x1x8x128xf32, #tpu.memory_space<hbm>> -> memref<4x8x128xf32, #tpu.memory_space<hbm>>
    %dma_wait3A_184 = arith.constant 0 : i32
    %dma_wait3A_185 = arith.constant 0 : i32
    %dma_wait3A_186 = arith.constant 0 : i32
    %dma_wait3A_187 = tpu.memref_slice %arg19[%dma_wait3A_184, %dma_wait3A_185, %dma_wait3A_186] : memref<4x8x129xf32, #tpu.memory_space<vmem>> -> memref<4x8x128xf32, #tpu.memory_space<vmem>>
    tpu.wait_dma2 semaphore(%arg35 : memref<!tpu.dma_semaphore, #tpu.memory_space<semaphore_mem>>) src(%dma_wait3A_187 : memref<4x8x128xf32, #tpu.memory_space<vmem>>) dst(%dma_wait3A_183 : memref<4x8x128xf32, #tpu.memory_space<hbm>>)
    %dma_wait3A_188 = arith.constant 198 : i32
    %dma_wait3A_189 = arith.constant 0 : i32
    %dma_wait3A_190 = arith.constant 0 : i32
    %dma_wait3A_191 = arith.constant 0 : i32
    %dma_wait3A_192 = tpu.memref_slice %arg20[%dma_wait3A_189, %dma_wait3A_190, %dma_wait3A_191] : memref<4x8x129xf32, #tpu.memory_space<vmem>> -> memref<4x8x128xf32, #tpu.memory_space<vmem>>
    %dma_wait3A_193 = arith.constant 0 : i32
    %dma_wait3A_194 = arith.constant 0 : i32
    %dma_wait3A_195 = arith.constant 0 : i32
    %dma_wait3A_196 = tpu.memref_slice %arg4[%dma_wait3A_188, %dma_wait3A_193, %add3A, %dma_wait3A_194, %dma_wait3A_195] : memref<200x4x32x8x128xf32, #tpu.memory_space<hbm>> -> memref<1x4x1x8x128xf32, #tpu.memory_space<hbm>>
    %dma_wait3A_197 = tpu.memref_squeeze %dma_wait3A_196 : memref<1x4x1x8x128xf32, #tpu.memory_space<hbm>> -> memref<4x8x128xf32, #tpu.memory_space<hbm>>
    %dma_wait3A_198 = arith.constant 0 : i32
    %dma_wait3A_199 = arith.constant 0 : i32
    %dma_wait3A_200 = arith.constant 0 : i32
    %dma_wait3A_201 = tpu.memref_slice %arg4[%dma_wait3A_188, %dma_wait3A_198, %add3A, %dma_wait3A_199, %dma_wait3A_200] : memref<200x4x32x8x128xf32, #tpu.memory_space<hbm>> -> memref<1x4x1x8x128xf32, #tpu.memory_space<hbm>>
    %dma_wait3A_202 = tpu.memref_squeeze %dma_wait3A_201 : memref<1x4x1x8x128xf32, #tpu.memory_space<hbm>> -> memref<4x8x128xf32, #tpu.memory_space<hbm>>
    %dma_wait3A_203 = arith.constant 0 : i32
    %dma_wait3A_204 = arith.constant 0 : i32
    %dma_wait3A_205 = arith.constant 0 : i32
    %dma_wait3A_206 = tpu.memref_slice %arg20[%dma_wait3A_203, %dma_wait3A_204, %dma_wait3A_205] : memref<4x8x129xf32, #tpu.memory_space<vmem>> -> memref<4x8x128xf32, #tpu.memory_space<vmem>>
    tpu.wait_dma2 semaphore(%arg36 : memref<!tpu.dma_semaphore, #tpu.memory_space<semaphore_mem>>) src(%dma_wait3A_206 : memref<4x8x128xf32, #tpu.memory_space<vmem>>) dst(%dma_wait3A_202 : memref<4x8x128xf32, #tpu.memory_space<hbm>>)
    %dma_wait3A_207 = arith.constant 199 : i32
    %dma_wait3A_208 = arith.constant 0 : i32
    %dma_wait3A_209 = arith.constant 0 : i32
    %dma_wait3A_210 = arith.constant 0 : i32
    %dma_wait3A_211 = tpu.memref_slice %arg21[%dma_wait3A_208, %dma_wait3A_209, %dma_wait3A_210] : memref<4x8x129xf32, #tpu.memory_space<vmem>> -> memref<4x8x128xf32, #tpu.memory_space<vmem>>
    %dma_wait3A_212 = arith.constant 0 : i32
    %dma_wait3A_213 = arith.constant 0 : i32
    %dma_wait3A_214 = arith.constant 0 : i32
    %dma_wait3A_215 = tpu.memref_slice %arg4[%dma_wait3A_207, %dma_wait3A_212, %add3A, %dma_wait3A_213, %dma_wait3A_214] : memref<200x4x32x8x128xf32, #tpu.memory_space<hbm>> -> memref<1x4x1x8x128xf32, #tpu.memory_space<hbm>>
    %dma_wait3A_216 = tpu.memref_squeeze %dma_wait3A_215 : memref<1x4x1x8x128xf32, #tpu.memory_space<hbm>> -> memref<4x8x128xf32, #tpu.memory_space<hbm>>
    %dma_wait3A_217 = arith.constant 0 : i32
    %dma_wait3A_218 = arith.constant 0 : i32
    %dma_wait3A_219 = arith.constant 0 : i32
    %dma_wait3A_220 = tpu.memref_slice %arg4[%dma_wait3A_207, %dma_wait3A_217, %add3A, %dma_wait3A_218, %dma_wait3A_219] : memref<200x4x32x8x128xf32, #tpu.memory_space<hbm>> -> memref<1x4x1x8x128xf32, #tpu.memory_space<hbm>>
    %dma_wait3A_221 = tpu.memref_squeeze %dma_wait3A_220 : memref<1x4x1x8x128xf32, #tpu.memory_space<hbm>> -> memref<4x8x128xf32, #tpu.memory_space<hbm>>
    %dma_wait3A_222 = arith.constant 0 : i32
    %dma_wait3A_223 = arith.constant 0 : i32
    %dma_wait3A_224 = arith.constant 0 : i32
    %dma_wait3A_225 = tpu.memref_slice %arg21[%dma_wait3A_222, %dma_wait3A_223, %dma_wait3A_224] : memref<4x8x129xf32, #tpu.memory_space<vmem>> -> memref<4x8x128xf32, #tpu.memory_space<vmem>>
    tpu.wait_dma2 semaphore(%arg37 : memref<!tpu.dma_semaphore, #tpu.memory_space<semaphore_mem>>) src(%dma_wait3A_225 : memref<4x8x128xf32, #tpu.memory_space<vmem>>) dst(%dma_wait3A_221 : memref<4x8x128xf32, #tpu.memory_space<hbm>>)
    return
  }
}

module attributes {stable_mosaic.version = 14 : i64} {
  func.func @_tc_transpose_body(%arg0: i32, %arg1: memref<32x4096xf32, #tpu.memory_space<vmem>>, %arg2: memref<32x4096xf32, #tpu.memory_space<vmem>>, %arg3: memref<32x4096xf32, #tpu.memory_space<vmem>>, %arg4: memref<32x4096xf32, #tpu.memory_space<vmem>>, %arg5: memref<4096x128xf32, #tpu.memory_space<vmem>>) attributes {dimension_semantics = [#tpu.dimension_semantics<arbitrary>], iteration_bounds = array<i64: 62>, scalar_prefetch = 0 : i64, scratch_operands = 0 : i64, tpu.core_type = #tpu.core_type<tc>, window_params = [{transform_indices = @transform_0, window_bounds = array<i64: 32, 4096>}, {transform_indices = @transform_1, window_bounds = array<i64: 32, 4096>}, {transform_indices = @transform_2, window_bounds = array<i64: 32, 4096>}, {transform_indices = @transform_3, window_bounds = array<i64: 32, 4096>}, {transform_indices = @transform_4, window_bounds = array<i64: 4096, 128>}]} {
    %iota3A = tpu.iota {dimensions = array<i32: 0>} : vector<32x32xi32>
    %iota3A_0 = tpu.iota {dimensions = array<i32: 1>} : vector<32x32xi32>
    %add3A = arith.constant 0 : i32
    %add3A_1 = vector.broadcast %add3A : i32 to vector<32x32xi32>
    %add3A_2 = arith.addi %iota3A, %add3A_1 : vector<32x32xi32>
    %eq3A = arith.cmpi eq, %add3A_2, %iota3A_0 : vector<32x32xi32>
    %convert_element_type3A = arith.extui %eq3A : vector<32x32xi1> to vector<32x32xi32>
    %convert_element_type3A_3 = arith.sitofp %convert_element_type3A : vector<32x32xi32> to vector<32x32xf32>
    %mul3A = arith.constant 5.65685415 : f32
    %mul3A_4 = vector.broadcast %mul3A : f32 to vector<32x32xf32>
    %mul3A_5 = arith.mulf %convert_element_type3A_3, %mul3A_4 : vector<32x32xf32>
    %get3A = arith.constant 0 : index
    %get3A_6 = arith.constant 0 : index
    %get3A_7 = vector.load %arg1[%get3A, %get3A_6] : memref<32x4096xf32, #tpu.memory_space<vmem>>, vector<32x4096xf32>
    %dot_general3A = arith.constant dense<0.000000e+00> : vector<4096x32xf32>
    %dot_general3A_8 = tpu.matmul %get3A_7, %mul3A_5, %dot_general3A {dimension_numbers = #tpu.dot_dimension_numbers<[0], [0], [1], [1], [0, 1, 1, 1], [], []>, transpose_lhs_hint = false} : vector<32x4096xf32>, vector<32x32xf32>, vector<4096x32xf32> -> vector<4096x32xf32>
    %get3A_9 = arith.constant 0 : index
    %get3A_10 = arith.constant 0 : index
    %get3A_11 = vector.load %arg2[%get3A_9, %get3A_10] : memref<32x4096xf32, #tpu.memory_space<vmem>>, vector<32x4096xf32>
    %dot_general3A_12 = arith.constant dense<0.000000e+00> : vector<4096x32xf32>
    %dot_general3A_13 = tpu.matmul %get3A_11, %mul3A_5, %dot_general3A_12 {dimension_numbers = #tpu.dot_dimension_numbers<[0], [0], [1], [1], [0, 1, 1, 1], [], []>, transpose_lhs_hint = false} : vector<32x4096xf32>, vector<32x32xf32>, vector<4096x32xf32> -> vector<4096x32xf32>
    %get3A_14 = arith.constant 0 : index
    %get3A_15 = arith.constant 0 : index
    %get3A_16 = vector.load %arg3[%get3A_14, %get3A_15] : memref<32x4096xf32, #tpu.memory_space<vmem>>, vector<32x4096xf32>
    %dot_general3A_17 = arith.constant dense<0.000000e+00> : vector<4096x32xf32>
    %dot_general3A_18 = tpu.matmul %get3A_16, %mul3A_5, %dot_general3A_17 {dimension_numbers = #tpu.dot_dimension_numbers<[0], [0], [1], [1], [0, 1, 1, 1], [], []>, transpose_lhs_hint = false} : vector<32x4096xf32>, vector<32x32xf32>, vector<4096x32xf32> -> vector<4096x32xf32>
    %get3A_19 = arith.constant 0 : index
    %get3A_20 = arith.constant 0 : index
    %get3A_21 = vector.load %arg4[%get3A_19, %get3A_20] : memref<32x4096xf32, #tpu.memory_space<vmem>>, vector<32x4096xf32>
    %dot_general3A_22 = arith.constant dense<0.000000e+00> : vector<4096x32xf32>
    %dot_general3A_23 = tpu.matmul %get3A_21, %mul3A_5, %dot_general3A_22 {dimension_numbers = #tpu.dot_dimension_numbers<[0], [0], [1], [1], [0, 1, 1, 1], [], []>, transpose_lhs_hint = false} : vector<32x4096xf32>, vector<32x32xf32>, vector<4096x32xf32> -> vector<4096x32xf32>
    %concatenate3A = tpu.concatenate %dot_general3A_8, %dot_general3A_13, %dot_general3A_18, %dot_general3A_23 in 1 : vector<4096x32xf32>, vector<4096x32xf32>, vector<4096x32xf32>, vector<4096x32xf32> -> vector<4096x128xf32>
    %swap3A = arith.constant 0 : index
    %swap3A_24 = arith.constant 0 : index
    %swap3A_25 = vector.load %arg5[%swap3A, %swap3A_24] : memref<4096x128xf32, #tpu.memory_space<vmem>>, vector<4096x128xf32>
    tpu.vector_store %arg5[%swap3A, %swap3A_24], %concatenate3A {strides = array<i32>} : memref<4096x128xf32, #tpu.memory_space<vmem>>, vector<4096x128xf32>,
    return
  }
  func.func @transform_0(%arg0: i32) -> (i32, i32) {
    %add3A = arith.constant 0 : i32
    %add3A_0 = arith.addi %add3A, %arg0 : i32
    %min3A = arith.constant 244 : i32
    %min3A_1 = arith.minsi %add3A_0, %min3A : i32
    %c0_i32 = arith.constant 0 : i32
    %c0_i32_2 = arith.constant 0 : i32
    return %c0_i32, %min3A_1 : i32, i32
  }
  func.func @transform_1(%arg0: i32) -> (i32, i32) {
    %add3A = arith.constant 62 : i32
    %add3A_0 = arith.addi %add3A, %arg0 : i32
    %min3A = arith.constant 244 : i32
    %min3A_1 = arith.minsi %add3A_0, %min3A : i32
    %c0_i32 = arith.constant 0 : i32
    %c0_i32_2 = arith.constant 0 : i32
    return %c0_i32, %min3A_1 : i32, i32
  }
  func.func @transform_2(%arg0: i32) -> (i32, i32) {
    %add3A = arith.constant 124 : i32
    %add3A_0 = arith.addi %add3A, %arg0 : i32
    %min3A = arith.constant 244 : i32
    %min3A_1 = arith.minsi %add3A_0, %min3A : i32
    %c0_i32 = arith.constant 0 : i32
    %c0_i32_2 = arith.constant 0 : i32
    return %c0_i32, %min3A_1 : i32, i32
  }
  func.func @transform_3(%arg0: i32) -> (i32, i32) {
    %add3A = arith.constant 186 : i32
    %add3A_0 = arith.addi %add3A, %arg0 : i32
    %min3A = arith.constant 244 : i32
    %min3A_1 = arith.minsi %add3A_0, %min3A : i32
    %c0_i32 = arith.constant 0 : i32
    %c0_i32_2 = arith.constant 0 : i32
    return %c0_i32, %min3A_1 : i32, i32
  }
  func.func @transform_4(%arg0: i32) -> (i32, i32) {
    %c0_i32 = arith.constant 0 : i32
    %c0_i32_0 = arith.constant 0 : i32
    return %arg0, %c0_i32 : i32, i32
  }
}

</mosaic_0001>

<sc_bundles>
// kernel: kernel.4.cloned.1.call-start
scs
__scs_entry_jumppad:
0x0: {  	(pc) =	sbr.rel $0x88, $3  }
0x1: {  	(tag) =	ssettag $0x0;
	lr =	simm.s32 $0x1  }
0x2: {  	[smem:$0x3F9F] =	sst lr;
	_ =	strace $0xD0000000  }
0x3: {  	_ = 	snop  }
0x4: {  	_ = 	snop  }
0x5: {  	_ = 	snop  }
0x6: {  	_ = 	snop  }
0x7: {  	_ = 	snop  }
__scs_overlays_trampoline_lowered:
0x8: {  	[smem:$0x3FAE] =	sst s0  }
0x9: {  	[smem:$0x3FAF] =	sst s1  }
0xa: {  	[smem:$0x3FB0] =	sst s2  }
0xb: {  	[smem:$0x3FB1] =	sst s3  }
0xc: {  	[smem:$0x3FB2] =	sst s4  }
0xd: {  	[smem:$0x3FB3] =	sst s5  }
0xe: {  	[smem:$0x3FB4] =	sst s6  }
0xf: {  	[smem:$0x3FB5] =	sst s7  }
0x10: {  	[smem:$0x3FB6] =	sst s8  }
0x11: {  	[smem:$0x3FB7] =	sst s9;
	s0 =	simm.s32 @!p0 $0x0  }
0x12: {  	s1 =	sld [smem:$0x3F9D];
	s0 =	simm.s32 @p0 $0x1  }
0x13: {  	[smem:$0x3FB8] =	sst s0;
	s0 =	simm.s32 @!p1 $0x0  }
0x14: {  	s2 =	sld [smem:$0x3F9C];
	s0 =	simm.s32 @p1 $0x1  }
0x15: {  	[smem:$0x3FB9] =	sst s0;
	s0 =	simm.s32 @!p2 $0x0  }
0x16: {  	s3 =	sld [smem:$0x3FDB];
	s0 =	simm.s32 @p2 $0x1  }
0x17: {  	s4 =	simm.s32 $0x1BF5;
	[smem:$0x3FBB] =	sst s0  }
0x18: {  	s0 =	sld [smem:$0x3F9E];
	_ =	swait.ge [sflag:s4], $0x0  }
0x19: {  	s7 =	sld [smem:$0x3F9F]  }
0x1a: {  	s8 =	sadd.s32 $0xFFFFE003, lr  }
0x1b: {  	s9 =	sadd.s32 $0xFFFFFEF7, lr;
	s5 =	simm.s32 $0xFFFFFFFF;
	p2 =	slt.u32 s8, $0xFFFFF086  }
0x1c: {  	p1 =	slt.u32 s9, $0xF7A;
	s5 =	simm.s32 @!p2 $0x0  }
0x1d: {  	s5 =	simm.s32 @p1 $0x1;
	p0 =	seq.s32 s7, s2  }
0x1e: {  	s7 =	smul.u32 @!p0 $0xF7A, s2;
	p2 =	seq.s32 @!p0 s5, $0x0  }
0x1f: {  	s9 =	smul.u32 $0xF7A, s1;
	s8 =	simm.s32 @!p0 $0x1BF5;
	p2 =	por !p2, p0  }
0x20: {  	[sflag:s8] =	ssyncset.s32 @!p0 $0xFFFFF086;
	s6 =	sadd.s32 @!p0 s3, s7;
	s7 =	simm.s32 @!p0 $0x108  }
0x21: {  	s3 =	sadd.s32 s3, s9;
	s6 =	sadd.s32 @!p0 $0x88, s6;
	s7 =	simm.s32 @p2 $0x1082  }
0x22: {  	[simem:s7], [sflag:s8] =	dma.local @!p0 [hbm:s6], $0xF7A  }
0x23: {  	s9 =	sor.u32 $0xD0000000, s2;
	s6 =	simm.s32 $0x108;
	_ =	swait.ge @!p0 [sflag:s8], $0x0  }
0x24: {  	s3 =	sadd.s32 $0x88, s3;
	s6 =	simm.s32 @!p1 $0x1082;
	[sflag:s4] =	ssyncset.s32 $0xFFFFF086  }
0x25: {  	[simem:s6], [sflag:s4] =	dma.local [hbm:s3], $0xF7A  }
0x26: {  	[smem:$0x3F9F] =	sst s1;
	(tag) =	ssettag s2;
	_ =	strace s9  }
0x27: {  	s1 =	sld [smem:$0x3FAF]  }
0x28: {  	s2 =	sld [smem:$0x3FB0]  }
0x29: {  	s4 =	sld [smem:$0x3FB2]  }
0x2a: {  	p0 =	seq.s32 s5, $0x0;
	s5 =	sld [smem:$0x3FB3]  }
0x2b: {  	s6 =	sld [smem:$0x3FB4]  }
0x2c: {  	s7 =	sld [smem:$0x3FB5]  }
0x2d: {  	s3 =	simm.s32 $0x108;
	s8 =	sld [smem:$0x3FB6]  }
0x2e: {  	s3 =	simm.s32 @!p0 $0x1082;
	s9 =	sld [smem:$0x3FB7]  }
0x2f: {  	lr =	sadd.s32 s0, s3;
	s0 =	sld [smem:$0x3FAE]  }
0x30: {  	s3 =	sld [smem:$0x3FB1]  }
0x31: {  	[smem:$0x3FBA] =	sst s10  }
0x32: {  	s10 =	sld [smem:$0x3FB8];
	_ =	sdelay $0x3  }
0x33: {  	p0 =	seq.s32 s10, $0x1;
	s10 =	sld [smem:$0x3FBA];
	_ =	sdelay $0x3  }
0x34: {  	[smem:$0x3FBA] =	sst s10  }
0x35: {  	s10 =	sld [smem:$0x3FB9];
	_ =	sdelay $0x3  }
0x36: {  	p1 =	seq.s32 s10, $0x1;
	s10 =	sld [smem:$0x3FBA];
	_ =	sdelay $0x3  }
0x37: {  	[smem:$0x3FBA] =	sst s10  }
0x38: {  	s10 =	sld [smem:$0x3FBB]  }
0x39: {  	_ = 	snop;
	(pc) =	sbr.ind lr, $3  }
0x3a: {  	_ = 	snop  }
0x3b: {  	_ = 	snop  }
0x3c: {  	p2 =	seq.s32 s10, $0x1;
	s10 =	sld [smem:$0x3FBA]  }
0x3d: {  	_ =	shalt  }
0x3e: {  	_ =	shalt  }
0x3f: {  	_ =	shalt  }
0x40: {  	_ =	shalt  }
0x41: {  	_ =	shalt  }
0x42: {  	_ =	shalt  }
0x43: {  	_ =	shalt  }
0x44: {  	_ =	shalt  }
0x45: {  	_ =	shalt  }
0x46: {  	_ =	shalt  }
0x47: {  	_ =	shalt  }
0x48: {  	_ =	shalt  }
0x49: {  	_ =	shalt  }
0x4a: {  	_ =	shalt  }
0x4b: {  	_ =	shalt  }
0x4c: {  	_ =	shalt  }
0x4d: {  	_ =	shalt  }
0x4e: {  	_ =	shalt  }
0x4f: {  	_ =	shalt  }
0x50: {  	_ =	shalt  }
0x51: {  	_ =	shalt  }
0x52: {  	_ =	shalt  }
0x53: {  	_ =	shalt  }
0x54: {  	_ =	shalt  }
0x55: {  	_ =	shalt  }
0x56: {  	_ =	shalt  }
0x57: {  	_ =	shalt  }
0x58: {  	_ =	shalt  }
0x59: {  	_ =	shalt  }
0x5a: {  	_ =	shalt  }
0x5b: {  	_ =	shalt  }
0x5c: {  	_ =	shalt  }
0x5d: {  	_ =	shalt  }
0x5e: {  	_ =	shalt  }
0x5f: {  	_ =	shalt  }
0x60: {  	_ =	shalt  }
0x61: {  	_ =	shalt  }
0x62: {  	_ =	shalt  }
0x63: {  	_ =	shalt  }
0x64: {  	_ =	shalt  }
0x65: {  	_ =	shalt  }
0x66: {  	_ =	shalt  }
0x67: {  	_ =	shalt  }
0x68: {  	_ =	shalt  }
0x69: {  	_ =	shalt  }
0x6a: {  	_ =	shalt  }
0x6b: {  	_ =	shalt  }
0x6c: {  	_ =	shalt  }
0x6d: {  	_ =	shalt  }
0x6e: {  	_ =	shalt  }
0x6f: {  	_ =	shalt  }
0x70: {  	_ =	shalt  }
0x71: {  	_ =	shalt  }
0x72: {  	_ =	shalt  }
0x73: {  	_ =	shalt  }
0x74: {  	_ =	shalt  }
0x75: {  	_ =	shalt  }
0x76: {  	_ =	shalt  }
0x77: {  	_ =	shalt  }
0x78: {  	_ =	shalt  }
0x79: {  	_ =	shalt  }
0x7a: {  	_ =	shalt  }
0x7b: {  	_ =	shalt  }
0x7c: {  	_ =	shalt  }
0x7d: {  	_ =	shalt  }
0x7e: {  	_ =	shalt  }
0x7f: {  	_ =	shalt  }
0x80: {  	_ =	shalt  }
0x81: {  	_ =	shalt  }
0x82: {  	_ =	shalt  }
0x83: {  	_ =	shalt  }
0x84: {  	_ =	shalt  }
0x85: {  	_ =	shalt  }
0x86: {  	_ =	shalt  }
0x87: {  	_ =	shalt  }
.Lfunc_end0:
.L_simem_size_0:
called_computation_lowered:
.L_overlay_start_0:
0x88: {  	s2 =	sld [smem:$0x3FD9]  }
0x89: {  	s3 =	sld [smem:$0x3FFE];
	_ =	sdelay $0x1  }
0x8a: {  	s1 =	srdreg.scid  }
0x8b: {  	s0 =	sand.u32 $0x1, s1  }
0x8c: {  	s17 =	sshll.u32 s0, $0xA;
	s2 =	sadd.s32 s3, s2  }
0x8d: {  	s2 =	sadd.s32 s2, s17  }
0x8e: {  	[smem:$0x3FC6] =	sst s2  }
0x8f: {  	_ = 	snop  }
0x90: {  	s2 =	sld [smem:$0x3FC9]  }
0x91: {  	s18 =	sld [smem:$0x3FD0];
	(tm) =	ssettm $0x1  }
0x92: {  	s4 =	sld [smem:$0x3FFB];
	_ =	sdelay $0x3  }
0x93: {  	_ =	strace s4  }
0x94: {  	s4 =	sld [smem:$0x3FFC];
	_ =	sdelay $0x3  }
0x95: {  	_ =	strace s4  }
0x96: {  	s4 =	sld [smem:$0x3FFD];
	_ =	sdelay $0x3  }
0x97: {  	_ =	strace s4  }
0x98: {  	_ =	strace $0x8FFFFFFF  }
0x99: {  	s19 =	sld [smem:$0x3FDB];
	_ =	sdelay $0x1  }
0x9a: {  	s5 =	simm.s32 $_scs_section_size  }
0x9b: {  	s6 =	simm.s32 $_size__tile_overlayer_lowered;
	s7 =	simm.s32 $_tile_overlayer_lowered  }
0x9c: {  	s22 =	simm.s32 $0x1BFF;
	s21 =	sshll.u32 s7, $0x1;
	s4 =	sadd.s32 s5, s19  }
0x9d: {  	s8 =	simm.s32 $0x0;
	s20 =	sshll.u32 s6, $0x1;
	s6 =	sadd.s32 s21, s4  }
0x9e: {  	[timem:s8], [sflag:s22] =	dma.local [hbm:s6], s20  }
0x9f: {  	_ =	swait.ge [sflag:s22], s20  }
0xa0: {  	s5 =	ssub.s32 $0x0, s20;
	[sflag:s22] =	ssyncset.done $0x0  }
0xa1: {  	[sflag:s22] =	ssyncadd.s32 s5;
	_ =	sdelay $0x1  }
0xa2: {  	s23 =	simm.s32 $0x1B8B  }
0xa3: {  	_ =	swait.ge [sflag:s23], $0x1  }
0xa4: {  	[sflag:s23] =	ssyncset.done $0x0  }
0xa5: {  	s25 =	simm.s32 $0x1B8E;
	s24 =	sld [smem:$0x3FFE];
	[sflag:s23] =	ssyncadd.s32 $0xFFFFFFFF  }
0xa6: {  	s26 =	simm.s32 $execute0_lowered;
	[smem:$0x3FD2] =	sst s25  }
0xa7: {  	s6 =	sshll.u32 s26, $0x1;
	_ =	strace $0x80000046;
	[dreg:$0x1] =	wrdreg $0xFFFFFFFF  }
0xa8: {  	s28 =	simm.s32 $_size_execute0_lowered;
	s4 =	sadd.s32 s4, s6;
	[dreg:$0x0] =	wrdreg $0x0  }
0xa9: {  	s6 =	sshll.u32 s28, $0x1;
	[dreg:$0x2] =	wrdreg s4  }
0xaa: {  	[dreg:$0x3] =	wrdreg s6  }
0xab: {  	[dreg:$0x4] =	wrdreg $0xC0  }
0xac: {  	_ =	task [dreg:s8], $0x5FFFF  }
0xad: {  	[dreg:$0x1] =	wrdreg $0xFFFFFFFF  }
0xae: {  	[dreg:$0x0] =	wrdreg $0x60  }
0xaf: {  	[dreg:$0x2] =	wrdreg s2  }
0xb0: {  	[dreg:$0x3] =	wrdreg s24  }
0xb1: {  	[dreg:$0x4] =	wrdreg s18  }
0xb2: {  	[dreg:$0x5] =	wrdreg $0x9  }
0xb3: {  	_ =	task.clear_ibuf [dreg:s8], $0x6FFFF;
	_ =	strace $0x90000046  }
0xb4: {  	s29 =	simm.s32 $0x9;
	_ =	strace $0x80000048  }
0xb5: {  	_ =	swait.ge [sflag:s29], $0x1  }
0xb6: {  	[sflag:s29] =	ssyncadd.s32 $0xFFFFFFFF  }
0xb7: {  	_ =	strace $0x90000048  }
0xb8: {  	_ =	sfence  }
0xb9: {  	s30 =	sld [smem:$0x0];
	_ =	sdelay $0x2  }
0xba: {  	s31 =	sshll.u32 s1, $0xD;
	s1 =	sshrl.u32 s1, $0x2  }
0xbb: {  	s3 =	sand.u32 $0x4000, s31;
	s1 =	sadd.s32 s1, s30  }
0xbc: {  	s0 =	sor.u32 s3, s0;
	s1 =	sshll.u32 s1, $0x11  }
0xbd: {  	s0 =	sor.u32 s1, s0  }
0xbe: {  	s0 =	sadd.s32 $0x8F2B, s0  }
0xbf: {  	[sflag:s0] =	ssyncadd.remote.s32 $0x1  }
0xc0: {  	_ =	sfence.sel $0xFFFF  }
0xc1: {  	[dreg:$0x0] =	wrdreg $0xFFFFFFFF;
	(pc) =	sbr.abs _section_cstart, $3  }
0xc2: {  	[dreg:$0x1] =	wrdreg $0xFFFFFFFF  }
0xc3: {  	_ =	task.clear_ibuf [dreg:s8], $0x2FFFF;
	_ =	strace $0x9FFFFFFF  }
0xc4: {  	(tm) =	ssettm $0x7FFFFFFF  }
0xc5: {  	_ =	shalt  }
tec
execute0_lowered:
.L_overlay_start_1:
0x0: {  	(tag) =	ssettag $0x1  }
0x1: {  	s0 =	rddreg [dreg:$0x0]  }
0x2: {  	s1 =	rddreg [dreg:$0x1]  }
0x3: {  	s7 =	rddreg [dreg:$0x2]  }
0x4: {  	s3 =	simm.s32 $0x0;
	s2 =	srdreg.scid;
	s5 =	stileid.u32  }
0x5: {  	s15 =	simm.s32 $0x1;
	s16 =	simm.s32 $0xE400;
	s29 =	simm.s32 $0x3  }
0x6: {  	s30 =	simm.s32 $0x10600;
	s14 =	simm.s32 $0x11700;
	s21 =	simm.s32 $0x5  }
0x7: {  	s22 =	simm.s32 $0x12800;
	s19 =	simm.s32 $0x6;
	s20 =	simm.s32 $0x13900  }
0x8: {  	s28 =	simm.s32 $0x7;
	s31 =	simm.s32 $0x14A00;
	[smem:$0x7FF] =	sst s3  }
0x9: {  	s2 =	sand.u32 $0x1, s2;
	s5 =	sshll.u32 s5, $0xB;
	s24 =	sadd.s32 $0x4000, s7  }
0xa: {  	s25 =	sadd.s32 $0x8000, s7;
	s9 =	sadd.s32 $0xC000, s7;
	s10 =	sadd.s32 $0x10000, s7  }
0xb: {  	s11 =	sadd.s32 $0x14000, s7;
	s12 =	sadd.s32 $0x18000, s7;
	s13 =	sadd.s32 $0x1C000, s7  }
0xc: {  	s7 =	simm.s32 $0x0;
	_ =	strace $0x80000047;
	[dreg:$0x5] =	wrdreg s24  }
0xd: {  	s4 =	ssub.s32 $0x2, s2;
	s2 =	sshll.u32 s2, $0xA;
	[dreg:$0x6] =	wrdreg s25  }
0xe: {  	s24 =	simm.s32 $0x15B00;
	s6 =	sshrl.u32 s4, $0x1;
	s2 =	sor.u32 s2, s5  }
0xf: {  	v0 =	vlaneseq.u32;
	s5 =	sadd.s32 $0x400, s1;
	s8 =	smov.u32 s2;
	s2 =	sshrl.u32 s2, $0x3  }
0x10: {  	v0 =	vmul.u32 $0x88, v0;
	s23 =	ssub.s32 s4, s6;
	s6 =	simm.s32 $0x4;
	s0 =	sadd.s32 s0, s2  }
0x11: {  	s26 =	smax.u32 s23, $0x1;
	s2 =	simm.s32 $0xF500;
	[dreg:$0x4] =	wrdreg s0  }
0x12: {  	v1 =	vimm.s32 $0x0;
	v2 =	vadd.s32 $0x880, v0;
	s23 =	simm.s32 $0x8;
	[dreg:$0x7] =	wrdreg s26;
	s0 =	simm.s32 $0x2  }
.LBB2_1:
0x13: {  	[dreg:$0x8] =	wrdreg s7  }
0x14: {  	s1 =	rddreg [dreg:$0x4]  }
0x15: {  	s4 =	simm.s32 $0x400;
	s25 =	simm.s32 $0x8000;
	s26 =	simm.s32 $0x11  }
0x16: {  	[tilespmem:s3], [sflag:$0x11] =	stream.strided.gather [hbm4b:s1+s4], $0x6400, s25, s4, $0x38;
	[tilespmem:$0x16C00] =	vst v63  }
0x17: {  	_ =	swait.ge [sflag:s26], $0x6400  }
0x18: {  	[sflag:s26] =	ssyncset.done $0x0  }
0x19: {  	s1 =	simm.s32 $0x0;
	[sflag:s26] =	ssyncadd.s32 $0xFFFF9C00  }
0x1a: {  	v13 =	vld [tilespmem:s1+$0x50]  }
0x1b: {  	v14 =	vld [tilespmem:s1+$0x60]  }
0x1c: {  	v3 =	vld [tilespmem:s1+$0x30]  }
0x1d: {  	v9 =	vld [tilespmem:s1+$0x70];
	_ =	sdelay $0x1  }
0x1e: {  	vm0 =	vgt.s32 v13, $0xB9FFF  }
0x1f: {  	v4 =	vld [tilespmem:s1+$0x40];
	vm1 =	vgt.s32 v13, $0x3DFFF;
	vm2 =	vgt.s32 v14, $0x3DFFF;
	vm3 =	vgt.s32 v14, $0x7BFFF  }
0x20: {  	vm4 =	vgt.s32 v3, $0x3DFFF;
	vm5 =	vgt.s32 v13, $0x7BFFF;
	v5 =	vsel vm2, $0x1, v1  }
0x21: {  	vm2 =	vgt.s32 v9, $0x7BFFF;
	v6 =	vsel vm3, $0x1, v1;
	vm3 =	vgt.s32 v9, $0xB9FFF  }
0x22: {  	v11 =	vsel vm5, $0x1, v1;
	v12 =	vsel vm4, $0x1, v1;
	vm4 =	vgt.s32 v3, $0xB9FFF  }
0x23: {  	v16 =	vsel vm1, $0x1, v1;
	vm1 =	vgt.s32 v9, $0x3DFFF;
	v7 =	vsel vm2, $0x1, v1  }
0x24: {  	vm2 =	vgt.s32 v4, $0xB9FFF;
	v15 =	vadd.s32 v6, v5;
	v10 =	vsel vm3, $0x1, v1  }
0x25: {  	vm3 =	vgt.s32 v4, $0x7BFFF;
	v8 =	vsel vm4, $0x1, v1;
	vm4 =	vgt.s32 v14, $0xB9FFF  }
0x26: {  	v5 =	vld [tilespmem:s1+$0x0];
	v17 =	vsel vm1, $0x1, v1;
	vm1 =	vgt.s32 v3, $0x7BFFF;
	v11 =	vadd.s32 v11, v16  }
0x27: {  	v6 =	vld [tilespmem:s1+$0x20];
	v18 =	vsel vm2, $0x1, v1;
	vm2 =	vgt.s32 v4, $0x3DFFF;
	v19 =	vsel vm4, $0x1, v1  }
0x28: {  	v7 =	vadd.s32 v7, v17;
	v20 =	vsel vm3, $0x1, v1;
	v17 =	vsel vm0, $0x1, v1  }
0x29: {  	v21 =	vadd.s32 v10, v7;
	v10 =	vsel vm1, $0x1, v1;
	v11 =	vadd.s32 v17, v11  }
0x2a: {  	v22 =	vadd.s32 v19, v15;
	v16 =	vmul.u32 $0x3FFC2000, v21;
	v10 =	vadd.s32 v10, v12  }
0x2b: {  	v7 =	vld [tilespmem:s1+$0x10];
	v15 =	vmul.u32 $0x3FFC2000, v22;
	vm0 =	vgt.s32 v5, $0x3DFFF;
	vm3 =	vgt.s32 v5, $0x7BFFF  }
0x2c: {  	vm4 =	vgt.s32 v6, $0x7BFFF;
	vm1 =	vgt.s32 v6, $0xB9FFF;
	v9 =	vadd.s32 v9, v16  }
0x2d: {  	vm5 =	vgt.s32 v6, $0x3DFFF;
	vm6 =	vgt.s32 v5, $0xB9FFF;
	v14 =	vadd.s32 v14, v15  }
0x2e: {  	v16 =	vshll.u32 v9, $0x2;
	v12 =	vsel vm3, $0x1, v1;
	v9 =	vsel vm1, $0x1, v1  }
0x2f: {  	v15 =	vsel vm5, $0x1, v1;
	v21 =	vadd.s32 v21, v16;
	v16 =	vmul.u32 $0x3FFC2000, v11  }
0x30: {  	v23 =	vshll.u32 v14, $0x2;
	vm1 =	vgt.s32 v7, $0xB9FFF;
	vm7 =	vgt.s32 v7, $0x3DFFF  }
0x31: {  	vm3 =	vgt.s32 v7, $0x7BFFF;
	v17 =	vadd.s32 v13, v16;
	v16 =	vsel vm2, $0x1, v1  }
0x32: {  	v19 =	vsel vm7, $0x1, v1;
	v13 =	vsel vm6, $0x1, v1;
	v20 =	vadd.s32 v20, v16  }
0x33: {  	s17 =	simm.s32 $0x200;
	[tilespmem:s1+$0x70] =	vst v21;
	v16 =	vsel vm4, $0x1, v1;
	v14 =	vadd.s32 v18, v20;
	v18 =	vadd.s32 v22, v23  }
.LBB2_2:
0x34: {  	s18 =	sshra.s32 s17, $0x2;
	p0 =	sne.s32 s17, $0x18E00;
	s17 =	sadd.s32 $0x200, s17;
	v20 =	vsel vm0, $0x1, v1;
	v21 =	vsel vm3, $0x1, v1;
	v17 =	vshll.u32 v17, $0x2;
	[tilespmem:s1+$0x60] =	vst v18  }
0x35: {  	v18 =	vld [tilespmem:s18+$0x70];
	v19 =	vadd.s32 v21, v19;
	v21 =	vmul.u32 $0x3FFC2000, v14;
	v11 =	vadd.s32 v11, v17  }
0x36: {  	v15 =	vadd.s32 v16, v15;
	v8 =	vadd.s32 v8, v10;
	v12 =	vadd.s32 v12, v20;
	[tilespmem:s1+$0x50] =	vst v11  }
0x37: {  	v10 =	vsel vm1, $0x1, v1;
	v11 =	vmul.u32 $0x3FFC2000, v8;
	v16 =	vld [tilespmem:s18+$0x50];
	v4 =	vadd.s32 v4, v21  }
0x38: {  	v12 =	vadd.s32 v13, v12;
	v10 =	vadd.s32 v10, v19;
	v20 =	vld [tilespmem:s18+$0x60];
	v4 =	vshll.u32 v4, $0x2  }
0x39: {  	v13 =	vmul.u32 $0x3FFC2000, v10;
	v3 =	vadd.s32 v3, v11;
	v4 =	vadd.s32 v14, v4  }
0x3a: {  	v9 =	vadd.s32 v9, v15;
	v11 =	vmul.u32 $0x3FFC2000, v12;
	v3 =	vshll.u32 v3, $0x2;
	[tilespmem:s1+$0x40] =	vst v4  }
0x3b: {  	v7 =	vadd.s32 v7, v13;
	v13 =	vmul.u32 $0x3FFC2000, v9;
	v3 =	vadd.s32 v8, v3;
	v4 =	vld [tilespmem:s18+$0x40]  }
0x3c: {  	v5 =	vadd.s32 v5, v11;
	v7 =	vshll.u32 v7, $0x2;
	vm0 =	vgt.s32 v16, $0xB9FFF;
	[tilespmem:s1+$0x30] =	vst v3  }
0x3d: {  	v5 =	vshll.u32 v5, $0x2;
	v6 =	vadd.s32 v6, v13;
	vm1 =	vgt.s32 v16, $0x3DFFF;
	v3 =	vld [tilespmem:s18+$0x30]  }
0x3e: {  	v6 =	vshll.u32 v6, $0x2;
	vm2 =	vgt.s32 v20, $0x3DFFF;
	vm3 =	vgt.s32 v20, $0x7BFFF  }
0x3f: {  	v6 =	vadd.s32 v9, v6;
	v8 =	vsel vm2, $0x1, v1;
	vm2 =	vgt.s32 v18, $0x7BFFF  }
0x40: {  	v5 =	vadd.s32 v12, v5;
	v9 =	vsel vm3, $0x1, v1;
	v11 =	vsel vm2, $0x1, v1;
	[tilespmem:s1+$0x20] =	vst v6  }
0x41: {  	vm3 =	vgt.s32 v18, $0xB9FFF;
	v13 =	vadd.s32 v9, v8;
	vm2 =	vgt.s32 v4, $0xB9FFF;
	[tilespmem:s1+$0x0] =	vst v5  }
0x42: {  	vm5 =	vgt.s32 v16, $0x7BFFF;
	v9 =	vsel vm3, $0x1, v1;
	v5 =	vld [tilespmem:s18+$0x0];
	vm4 =	vgt.s32 v3, $0x3DFFF  }
0x43: {  	v12 =	vsel vm5, $0x1, v1;
	vm3 =	vgt.s32 v4, $0x7BFFF;
	v14 =	vsel vm2, $0x1, v1  }
0x44: {  	v17 =	vsel vm1, $0x1, v1;
	v15 =	vsel vm4, $0x1, v1;
	vm4 =	vgt.s32 v3, $0xB9FFF;
	v6 =	vld [tilespmem:s18+$0x20]  }
0x45: {  	v7 =	vadd.s32 v10, v7;
	vm1 =	vgt.s32 v18, $0x3DFFF;
	vm2 =	vgt.s32 v4, $0x3DFFF  }
0x46: {  	v10 =	vsel vm1, $0x1, v1;
	v8 =	vsel vm4, $0x1, v1;
	vm4 =	vgt.s32 v20, $0xB9FFF;
	[tilespmem:s1+$0x10] =	vst v7;
	s1 =	smov.u32 s18  }
0x47: {  	v10 =	vadd.s32 v11, v10;
	vm1 =	vgt.s32 v3, $0x7BFFF;
	v19 =	vsel vm4, $0x1, v1  }
0x48: {  	v11 =	vsel vm0, $0x1, v1;
	v21 =	vsel vm3, $0x1, v1;
	v22 =	vadd.s32 v9, v10;
	v7 =	vld [tilespmem:s1+$0x10]  }
0x49: {  	v9 =	vadd.s32 v12, v17;
	v12 =	vmul.u32 $0x3FFC2000, v22;
	vm0 =	vgt.s32 v5, $0x3DFFF  }
0x4a: {  	v10 =	vsel vm1, $0x1, v1;
	vm3 =	vgt.s32 v5, $0x7BFFF;
	vm4 =	vgt.s32 v6, $0x7BFFF  }
0x4b: {  	v10 =	vadd.s32 v10, v15;
	v12 =	vadd.s32 v18, v12;
	vm1 =	vgt.s32 v6, $0xB9FFF  }
0x4c: {  	v11 =	vadd.s32 v11, v9;
	v15 =	vshll.u32 v12, $0x2;
	vm5 =	vgt.s32 v6, $0x3DFFF  }
0x4d: {  	v15 =	vadd.s32 v22, v15;
	v12 =	vsel vm3, $0x1, v1;
	v9 =	vsel vm1, $0x1, v1  }
0x4e: {  	v17 =	vmul.u32 $0x3FFC2000, v11;
	v18 =	vadd.s32 v19, v13;
	vm1 =	vgt.s32 v7, $0xB9FFF;
	[tilespmem:s1+$0x70] =	vst v15  }
.Ltmp0:
0x4f: {  	vm6 =	vgt.s32 v5, $0xB9FFF;
	v19 =	vmul.u32 $0x3FFC2000, v18;
	vm7 =	vgt.s32 v7, $0x3DFFF;
	(pc) =	sbr.rel @p0 .LBB2_2-.Ltmp0, $4  }
0x50: {  	v17 =	vadd.s32 v16, v17;
	v22 =	vsel vm2, $0x1, v1;
	vm3 =	vgt.s32 v7, $0x7BFFF  }
0x51: {  	v13 =	vsel vm6, $0x1, v1;
	v19 =	vadd.s32 v20, v19;
	v15 =	vsel vm5, $0x1, v1  }
0x52: {  	v20 =	vadd.s32 v21, v22;
	v16 =	vsel vm4, $0x1, v1;
	v21 =	vshll.u32 v19, $0x2  }
0x53: {  	v14 =	vadd.s32 v14, v20;
	v18 =	vadd.s32 v18, v21;
	v19 =	vsel vm7, $0x1, v1  }
0x54: {  	v20 =	vsel vm0, $0x1, v1;
	v21 =	vsel vm3, $0x1, v1  }
0x55: {  	v17 =	vshll.u32 v17, $0x2;
	v52 =	vmul.u32 $0x3FFC2000, v14;
	v8 =	vadd.s32 v8, v10  }
0x56: {  	v53 =	vadd.s32 v16, v15;
	v54 =	vsel vm1, $0x1, v1;
	v19 =	vadd.s32 v21, v19  }
0x57: {  	v11 =	vadd.s32 v11, v17;
	v12 =	vadd.s32 v12, v20;
	v55 =	vmul.u32 $0x3FFC2000, v8  }
0x58: {  	v9 =	vadd.s32 v9, v53;
	v4 =	vadd.s32 v4, v52;
	v12 =	vadd.s32 v13, v12  }
0x59: {  	v56 =	vadd.s32 v54, v19;
	v57 =	vmul.u32 $0x3FFC2000, v9;
	v4 =	vshll.u32 v4, $0x2  }
0x5a: {  	[tilespmem:s1+$0x60] =	vst v18;
	v15 =	vmul.u32 $0x3FFC2000, v56;
	v3 =	vadd.s32 v3, v55;
	v58 =	vmul.u32 $0x3FFC2000, v12  }
0x5b: {  	[tilespmem:s1+$0x50] =	vst v11;
	v4 =	vadd.s32 v14, v4;
	v3 =	vshll.u32 v3, $0x2;
	v6 =	vadd.s32 v6, v57  }
0x5c: {  	[tilespmem:s1+$0x40] =	vst v4;
	v3 =	vadd.s32 v8, v3;
	v59 =	vadd.s32 v5, v58;
	v60 =	vshll.u32 v6, $0x2  }
0x5d: {  	v61 =	vadd.s32 v7, v15;
	[tilespmem:s1+$0x30] =	vst v3;
	v3 =	vshll.u32 v59, $0x2;
	v62 =	vadd.s32 v9, v60  }
0x5e: {  	v63 =	vshll.u32 v61, $0x2;
	v3 =	vadd.s32 v12, v3;
	[tilespmem:s1+$0x20] =	vst v62  }
0x5f: {  	[tilespmem:s1+$0x0] =	vst v3;
	v3 =	vadd.s32 v56, v63  }
0x60: {  	s7 =	simm.s32 $0x0;
	s4 =	simm.s32 $0x6400;
	[tilespmem:s1+$0x10] =	vst v3;
	s1 =	simm.s32 $0x80  }
0x61: {  	[tilespmem:s4], [sflag:$0x1] =	stream.indirect.gather [hbm4b:s5+s1], $0x20, s7, s1, $0xb8;
	[tilespmem:$0x16C00] =	vst v63  }
0x62: {  	s7 =	simm.s32 $0x7400  }
0x63: {  	[tilespmem:s7], [sflag:$0x2] =	stream.indirect.gather [hbm4b:s5+s1], $0x20, s1, s1, $0xb8;
	[tilespmem:$0x16C00] =	vst v63  }
0x64: {  	s17 =	simm.s32 $0x100;
	s18 =	simm.s32 $0x8400  }
0x65: {  	[tilespmem:s18], [sflag:$0x3] =	stream.indirect.gather [hbm4b:s5+s1], $0x20, s17, s1, $0xb8;
	[tilespmem:$0x16C00] =	vst v63  }
0x66: {  	s25 =	simm.s32 $0x180;
	s26 =	simm.s32 $0x9400  }
0x67: {  	[tilespmem:s26], [sflag:$0x4] =	stream.indirect.gather [hbm4b:s5+s1], $0x20, s25, s1, $0xb8;
	[tilespmem:$0x16C00] =	vst v63  }
0x68: {  	s17 =	simm.s32 $0x200;
	s18 =	simm.s32 $0xA400  }
0x69: {  	[tilespmem:s18], [sflag:$0x5] =	stream.indirect.gather [hbm4b:s5+s1], $0x20, s17, s1, $0xb8;
	[tilespmem:$0x16C00] =	vst v63  }
0x6a: {  	s25 =	simm.s32 $0x280;
	s26 =	simm.s32 $0xB400  }
0x6b: {  	[tilespmem:s26], [sflag:$0x6] =	stream.indirect.gather [hbm4b:s5+s1], $0x20, s25, s1, $0xb8;
	[tilespmem:$0x16C00] =	vst v63  }
0x6c: {  	s17 =	simm.s32 $0x300;
	s18 =	simm.s32 $0xC400  }
0x6d: {  	[tilespmem:s18], [sflag:$0x7] =	stream.indirect.gather [hbm4b:s5+s1], $0x20, s17, s1, $0xb8;
	[tilespmem:$0x16C00] =	vst v63  }
0x6e: {  	s25 =	simm.s32 $0x380;
	s26 =	simm.s32 $0xD400;
	s17 =	simm.s32 $0x0  }
0x6f: {  	[tilespmem:s26], [sflag:$0x8] =	stream.indirect.gather [hbm4b:s5+s1], $0x20, s25, s1, $0xb8;
	[tilespmem:$0x16C00] =	vst v63  }
.LBB2_4:
0x70: {  	_ =	swait.ge [sflag:s15], $0x1000  }
0x71: {  	p0 =	seq.s32 s17, $0x0;
	[sflag:s15] =	ssyncset.done $0x0  }
0x72: {  	s1 =	simm.s32 @!p0 $0x9;
	[sflag:s15] =	ssyncadd.s32 $0xFFFFF000  }
0x73: {  	s4 =	simm.s32 $0x0;
	_ =	swait.ge @!p0 [sflag:s1], $0x1000  }
0x74: {  	v3 =	vmov s4;
	[sflag:s1] =	ssyncset.done @!p0 $0x0  }
0x75: {  	v3 =	vand.u32 $0x7C, v3;
	[sflag:s1] =	ssyncadd.s32 @!p0 $0xFFFFF000;
	s1 =	simm.s32 $0x6440  }
0x76: {  	v5 =	vadd.s32 v0, v3;
	v4 =	vld [tilespmem:s1+$0xFFFFFFC0];
	_ =	sdelay $0x4  }
0x77: {  	[tilespmem:v5+s16+$0x0] =	vst.idx.msk $0xffff, v4  }
0x78: {  	v3 =	vadd.s32 v2, v3;
	v4 =	vld [tilespmem:s1+$0xFFFFFFD0];
	_ =	sdelay $0x2  }
0x79: {  	s18 =	simm.s32 $0x1  }
0x7a: {  	v5 =	vmov s18  }
0x7b: {  	[tilespmem:v3+s16+$0x0] =	vst.idx.msk $0xffff, v4;
	v3 =	vand.u32 $0x7D, v5  }
0x7c: {  	v4 =	vld [tilespmem:s1+$0xFFFFFFE0];
	v5 =	vadd.s32 v0, v3;
	_ =	sdelay $0x4  }
0x7d: {  	[tilespmem:v5+s16+$0x0] =	vst.idx.msk $0xffff, v4  }
0x7e: {  	v3 =	vadd.s32 v2, v3;
	v4 =	vld [tilespmem:s1+$0xFFFFFFF0];
	_ =	sdelay $0x2  }
0x7f: {  	s25 =	simm.s32 $0x2  }
0x80: {  	v5 =	vmov s25  }
0x81: {  	[tilespmem:v3+s16+$0x0] =	vst.idx.msk $0xffff, v4;
	v3 =	vand.u32 $0x7E, v5  }
0x82: {  	v4 =	vld [tilespmem:s1+$0x0];
	v5 =	vadd.s32 v0, v3;
	_ =	sdelay $0x4  }
0x83: {  	[tilespmem:v5+s16+$0x0] =	vst.idx.msk $0xffff, v4  }
0x84: {  	v3 =	vadd.s32 v2, v3;
	v4 =	vld [tilespmem:s1+$0x10];
	_ =	sdelay $0x2  }
0x85: {  	s26 =	simm.s32 $0x3  }
0x86: {  	v5 =	vmov s26  }
0x87: {  	[tilespmem:v3+s16+$0x0] =	vst.idx.msk $0xffff, v4;
	v4 =	vand.u32 $0x7F, v5  }
0x88: {  	v3 =	vld [tilespmem:s1+$0x20];
	v5 =	vadd.s32 v0, v4;
	_ =	sdelay $0x4  }
0x89: {  	[tilespmem:v5+s16+$0x0] =	vst.idx.msk $0xffff, v3  }
0x8a: {  	v4 =	vadd.s32 v2, v4;
	v3 =	vld [tilespmem:s1+$0x30];
	_ =	sdelay $0x2  }
0x8b: {  	s18 =	simm.s32 $0x4  }
0x8c: {  	s25 =	simm.s32 $0x8;
	v5 =	vmov s18  }
.LBB2_5:
0x8d: {  	p1 =	sne.s32 s25, $0x7C;
	v5 =	vand.u32 $0x7C, v5;
	[tilespmem:v4+s16+$0x0] =	vst.idx.msk $0xffff, v3;
	s1 =	sadd.s32 $0x80, s1  }
0x8e: {  	v3 =	vld [tilespmem:s1+$0xFFFFFFC0];
	v4 =	vadd.s32 v0, v5;
	_ =	sdelay $0x4  }
0x8f: {  	[tilespmem:v4+s16+$0x0] =	vst.idx.msk $0xffff, v3  }
0x90: {  	v4 =	vadd.s32 v2, v5;
	v3 =	vld [tilespmem:s1+$0xFFFFFFD0];
	_ =	sdelay $0x2  }
0x91: {  	s4 =	sadd.s32 $0x1, s18  }
0x92: {  	v5 =	vmov s4  }
0x93: {  	[tilespmem:v4+s16+$0x0] =	vst.idx.msk $0xffff, v3;
	v3 =	vand.u32 $0x7D, v5  }
0x94: {  	v4 =	vld [tilespmem:s1+$0xFFFFFFE0];
	v5 =	vadd.s32 v0, v3;
	_ =	sdelay $0x4  }
0x95: {  	[tilespmem:v5+s16+$0x0] =	vst.idx.msk $0xffff, v4  }
0x96: {  	v3 =	vadd.s32 v2, v3;
	v4 =	vld [tilespmem:s1+$0xFFFFFFF0];
	_ =	sdelay $0x2  }
0x97: {  	s4 =	sadd.s32 $0x2, s18  }
0x98: {  	v5 =	vmov s4  }
0x99: {  	[tilespmem:v3+s16+$0x0] =	vst.idx.msk $0xffff, v4;
	v3 =	vand.u32 $0x7E, v5  }
0x9a: {  	v4 =	vld [tilespmem:s1+$0x0];
	v5 =	vadd.s32 v0, v3;
	_ =	sdelay $0x4  }
0x9b: {  	[tilespmem:v5+s16+$0x0] =	vst.idx.msk $0xffff, v4  }
0x9c: {  	v3 =	vadd.s32 v2, v3;
	v4 =	vld [tilespmem:s1+$0x10];
	_ =	sdelay $0x2  }
0x9d: {  	s4 =	sadd.s32 $0x3, s18;
	s18 =	smov.u32 s25  }
0x9e: {  	v5 =	vmov s4  }
0x9f: {  	[tilespmem:v3+s16+$0x0] =	vst.idx.msk $0xffff, v4;
	v4 =	vand.u32 $0x7F, v5  }
0xa0: {  	v3 =	vld [tilespmem:s1+$0x20];
	v5 =	vadd.s32 v0, v4;
	_ =	sdelay $0x4  }
0xa1: {  	[tilespmem:v5+s16+$0x0] =	vst.idx.msk $0xffff, v3  }
.Ltmp1:
0xa2: {  	v4 =	vadd.s32 v2, v4;
	v3 =	vld [tilespmem:s1+$0x30];
	(pc) =	sbr.rel @p1 .LBB2_5-.Ltmp1, $2  }
0xa3: {  	_ =	sdelay $0x2  }
0xa4: {  	s25 =	sadd.s32 $0x4, s25;
	v5 =	vmov s18  }
0xa5: {  	_ =	sdelay $0x3  }
0xa6: {  	v5 =	vand.u32 $0x7C, v5;
	[tilespmem:v4+s16+$0x0] =	vst.idx.msk $0xffff, v3;
	s1 =	sadd.s32 $0x80, s1  }
0xa7: {  	v3 =	vld [tilespmem:s1+$0xFFFFFFC0];
	v4 =	vadd.s32 v0, v5;
	_ =	sdelay $0x4  }
0xa8: {  	[tilespmem:v4+s16+$0x0] =	vst.idx.msk $0xffff, v3  }
0xa9: {  	v4 =	vadd.s32 v2, v5;
	v3 =	vld [tilespmem:s1+$0xFFFFFFD0];
	_ =	sdelay $0x2  }
0xaa: {  	s4 =	sadd.s32 $0x1, s18  }
0xab: {  	v5 =	vmov s4  }
0xac: {  	[tilespmem:v4+s16+$0x0] =	vst.idx.msk $0xffff, v3;
	v3 =	vand.u32 $0x7D, v5  }
0xad: {  	v4 =	vld [tilespmem:s1+$0xFFFFFFE0];
	v5 =	vadd.s32 v0, v3;
	_ =	sdelay $0x4  }
0xae: {  	[tilespmem:v5+s16+$0x0] =	vst.idx.msk $0xffff, v4  }
0xaf: {  	v3 =	vadd.s32 v2, v3;
	v4 =	vld [tilespmem:s1+$0xFFFFFFF0];
	_ =	sdelay $0x2  }
0xb0: {  	s25 =	sadd.s32 $0x2, s18  }
0xb1: {  	v5 =	vmov s25  }
0xb2: {  	[tilespmem:v3+s16+$0x0] =	vst.idx.msk $0xffff, v4;
	v3 =	vand.u32 $0x7E, v5  }
0xb3: {  	v4 =	vld [tilespmem:s1+$0x0];
	v5 =	vadd.s32 v0, v3;
	_ =	sdelay $0x4  }
0xb4: {  	[tilespmem:v5+s16+$0x0] =	vst.idx.msk $0xffff, v4  }
0xb5: {  	v3 =	vadd.s32 v2, v3;
	v4 =	vld [tilespmem:s1+$0x10];
	_ =	sdelay $0x2  }
0xb6: {  	s26 =	sadd.s32 $0x3, s18  }
0xb7: {  	v5 =	vmov s26  }
0xb8: {  	[tilespmem:v3+s16+$0x0] =	vst.idx.msk $0xffff, v4;
	v3 =	vand.u32 $0x7F, v5  }
0xb9: {  	v4 =	vld [tilespmem:s1+$0x20];
	v5 =	vadd.s32 v0, v3;
	_ =	sdelay $0x4  }
0xba: {  	[tilespmem:v5+s16+$0x0] =	vst.idx.msk $0xffff, v4  }
0xbb: {  	v3 =	vadd.s32 v2, v3;
	v4 =	vld [tilespmem:s1+$0x30];
	_ =	sdelay $0x1  }
0xbc: {  	p1 =	seq.s32 s17, $0x18  }
0xbd: {  	s1 =	sshll.u32 @!p1 s17, $0xA  }
0xbe: {  	s7 =	sshll.u32 s17, $0x14;
	s18 =	sand.u32 @!p1 $0x3FFFFC00, s1  }
0xbf: {  	s4 =	simm.s32 @!p1 $0x80;
	s25 =	simm.s32 @!p1 $0x6400;
	s1 =	sadd.s32 @!p1 $0x400, s18;
	[tilespmem:v3+s16+$0x0] =	vst.idx.msk $0xffff, v4  }
0xc0: {  	[tilespmem:s25], [sflag:$0x1] =	stream.indirect.gather @!p1 [hbm4b:s5+s4], $0x20, s1, s4, $0xb8;
	[tilespmem:$0x16C00] =	vst v63  }
0xc1: {  	s1 =	sor.u32 s8, s7  }
0xc2: {  	s25 =	rddreg [dreg:$0x2];
	s1 =	sshrl.u32 s1, $0x3  }
0xc3: {  	s4 =	sadd.s32 s25, s1  }
0xc4: {  	[hbm4b:s4+s3] =	stream.linear.scatter [tilespmem:s16], [sflag:$0x9], $0x80, $0x38;
	[tilespmem:$0x16C00] =	vst v63  }
0xc5: {  	s7 =	simm.s32 $0xE488;
	s26 =	sadd.s32 $0x10, s4  }
0xc6: {  	[hbm4b:s26+s3] =	stream.linear.scatter [tilespmem:s7], [sflag:$0x9], $0x80, $0x38;
	[tilespmem:$0x16C00] =	vst v63  }
0xc7: {  	s7 =	sadd.s32 $0x20, s4;
	s26 =	simm.s32 $0xE510  }
0xc8: {  	[hbm4b:s7+s3] =	stream.linear.scatter [tilespmem:s26], [sflag:$0x9], $0x80, $0x38;
	[tilespmem:$0x16C00] =	vst v63  }
0xc9: {  	s7 =	sadd.s32 $0x30, s4;
	s26 =	simm.s32 $0xE598  }
0xca: {  	[hbm4b:s7+s3] =	stream.linear.scatter [tilespmem:s26], [sflag:$0x9], $0x80, $0x38;
	[tilespmem:$0x16C00] =	vst v63  }
0xcb: {  	s7 =	sadd.s32 $0x40, s4;
	s26 =	simm.s32 $0xE620  }
0xcc: {  	[hbm4b:s7+s3] =	stream.linear.scatter [tilespmem:s26], [sflag:$0x9], $0x80, $0x38;
	[tilespmem:$0x16C00] =	vst v63  }
0xcd: {  	s7 =	sadd.s32 $0x50, s4;
	s26 =	simm.s32 $0xE6A8  }
0xce: {  	[hbm4b:s7+s3] =	stream.linear.scatter [tilespmem:s26], [sflag:$0x9], $0x80, $0x38;
	[tilespmem:$0x16C00] =	vst v63  }
0xcf: {  	s7 =	sadd.s32 $0x60, s4;
	s26 =	simm.s32 $0xE730  }
0xd0: {  	[hbm4b:s7+s3] =	stream.linear.scatter [tilespmem:s26], [sflag:$0x9], $0x80, $0x38;
	[tilespmem:$0x16C00] =	vst v63  }
0xd1: {  	s7 =	sadd.s32 $0x70, s4;
	s26 =	simm.s32 $0xE7B8  }
0xd2: {  	[hbm4b:s7+s3] =	stream.linear.scatter [tilespmem:s26], [sflag:$0x9], $0x80, $0x38;
	[tilespmem:$0x16C00] =	vst v63  }
0xd3: {  	s7 =	sadd.s32 $0x1000, s4;
	s26 =	simm.s32 $0xE840  }
0xd4: {  	[hbm4b:s7+s3] =	stream.linear.scatter [tilespmem:s26], [sflag:$0x9], $0x80, $0x38;
	[tilespmem:$0x16C00] =	vst v63  }
0xd5: {  	s7 =	sadd.s32 $0x1010, s4;
	s26 =	simm.s32 $0xE8C8  }
0xd6: {  	[hbm4b:s7+s3] =	stream.linear.scatter [tilespmem:s26], [sflag:$0x9], $0x80, $0x38;
	[tilespmem:$0x16C00] =	vst v63  }
0xd7: {  	s7 =	sadd.s32 $0x1020, s4;
	s26 =	simm.s32 $0xE950  }
0xd8: {  	[hbm4b:s7+s3] =	stream.linear.scatter [tilespmem:s26], [sflag:$0x9], $0x80, $0x38;
	[tilespmem:$0x16C00] =	vst v63  }
0xd9: {  	s7 =	sadd.s32 $0x1030, s4;
	s26 =	simm.s32 $0xE9D8  }
0xda: {  	[hbm4b:s7+s3] =	stream.linear.scatter [tilespmem:s26], [sflag:$0x9], $0x80, $0x38;
	[tilespmem:$0x16C00] =	vst v63  }
0xdb: {  	s7 =	sadd.s32 $0x1040, s4;
	s26 =	simm.s32 $0xEA60  }
0xdc: {  	[hbm4b:s7+s3] =	stream.linear.scatter [tilespmem:s26], [sflag:$0x9], $0x80, $0x38;
	[tilespmem:$0x16C00] =	vst v63  }
0xdd: {  	s7 =	sadd.s32 $0x1050, s4;
	s26 =	simm.s32 $0xEAE8  }
0xde: {  	[hbm4b:s7+s3] =	stream.linear.scatter [tilespmem:s26], [sflag:$0x9], $0x80, $0x38;
	[tilespmem:$0x16C00] =	vst v63  }
0xdf: {  	s7 =	sadd.s32 $0x1060, s4;
	s26 =	simm.s32 $0xEB70  }
0xe0: {  	[hbm4b:s7+s3] =	stream.linear.scatter [tilespmem:s26], [sflag:$0x9], $0x80, $0x38;
	[tilespmem:$0x16C00] =	vst v63  }
0xe1: {  	s7 =	sadd.s32 $0x1070, s4;
	s26 =	simm.s32 $0xEBF8  }
0xe2: {  	[hbm4b:s7+s3] =	stream.linear.scatter [tilespmem:s26], [sflag:$0x9], $0x80, $0x38;
	[tilespmem:$0x16C00] =	vst v63  }
0xe3: {  	s7 =	sadd.s32 $0x2000, s4;
	s26 =	simm.s32 $0xEC80  }
0xe4: {  	[hbm4b:s7+s3] =	stream.linear.scatter [tilespmem:s26], [sflag:$0x9], $0x80, $0x38;
	[tilespmem:$0x16C00] =	vst v63  }
0xe5: {  	s7 =	sadd.s32 $0x2010, s4;
	s26 =	simm.s32 $0xED08  }
0xe6: {  	[hbm4b:s7+s3] =	stream.linear.scatter [tilespmem:s26], [sflag:$0x9], $0x80, $0x38;
	[tilespmem:$0x16C00] =	vst v63  }
0xe7: {  	s7 =	sadd.s32 $0x2020, s4;
	s26 =	simm.s32 $0xED90  }
0xe8: {  	[hbm4b:s7+s3] =	stream.linear.scatter [tilespmem:s26], [sflag:$0x9], $0x80, $0x38;
	[tilespmem:$0x16C00] =	vst v63  }
0xe9: {  	s7 =	sadd.s32 $0x2030, s4;
	s26 =	simm.s32 $0xEE18  }
0xea: {  	[hbm4b:s7+s3] =	stream.linear.scatter [tilespmem:s26], [sflag:$0x9], $0x80, $0x38;
	[tilespmem:$0x16C00] =	vst v63  }
0xeb: {  	s7 =	sadd.s32 $0x2040, s4;
	s26 =	simm.s32 $0xEEA0  }
0xec: {  	[hbm4b:s7+s3] =	stream.linear.scatter [tilespmem:s26], [sflag:$0x9], $0x80, $0x38;
	[tilespmem:$0x16C00] =	vst v63  }
0xed: {  	s7 =	sadd.s32 $0x2050, s4;
	s26 =	simm.s32 $0xEF28  }
0xee: {  	[hbm4b:s7+s3] =	stream.linear.scatter [tilespmem:s26], [sflag:$0x9], $0x80, $0x38;
	[tilespmem:$0x16C00] =	vst v63  }
0xef: {  	s7 =	sadd.s32 $0x2060, s4;
	s26 =	simm.s32 $0xEFB0  }
0xf0: {  	[hbm4b:s7+s3] =	stream.linear.scatter [tilespmem:s26], [sflag:$0x9], $0x80, $0x38;
	[tilespmem:$0x16C00] =	vst v63  }
0xf1: {  	s7 =	sadd.s32 $0x2070, s4;
	s26 =	simm.s32 $0xF038  }
0xf2: {  	[hbm4b:s7+s3] =	stream.linear.scatter [tilespmem:s26], [sflag:$0x9], $0x80, $0x38;
	[tilespmem:$0x16C00] =	vst v63  }
0xf3: {  	s7 =	sadd.s32 $0x3000, s4;
	s26 =	simm.s32 $0xF0C0  }
0xf4: {  	[hbm4b:s7+s3] =	stream.linear.scatter [tilespmem:s26], [sflag:$0x9], $0x80, $0x38;
	[tilespmem:$0x16C00] =	vst v63  }
0xf5: {  	s7 =	sadd.s32 $0x3010, s4;
	s26 =	simm.s32 $0xF148  }
0xf6: {  	[hbm4b:s7+s3] =	stream.linear.scatter [tilespmem:s26], [sflag:$0x9], $0x80, $0x38;
	[tilespmem:$0x16C00] =	vst v63  }
0xf7: {  	s7 =	sadd.s32 $0x3020, s4;
	s26 =	simm.s32 $0xF1D0  }
0xf8: {  	[hbm4b:s7+s3] =	stream.linear.scatter [tilespmem:s26], [sflag:$0x9], $0x80, $0x38;
	[tilespmem:$0x16C00] =	vst v63  }
0xf9: {  	s7 =	sadd.s32 $0x3030, s4;
	s26 =	simm.s32 $0xF258  }
0xfa: {  	[hbm4b:s7+s3] =	stream.linear.scatter [tilespmem:s26], [sflag:$0x9], $0x80, $0x38;
	[tilespmem:$0x16C00] =	vst v63  }
0xfb: {  	s7 =	sadd.s32 $0x3040, s4;
	s26 =	simm.s32 $0xF2E0  }
0xfc: {  	[hbm4b:s7+s3] =	stream.linear.scatter [tilespmem:s26], [sflag:$0x9], $0x80, $0x38;
	[tilespmem:$0x16C00] =	vst v63  }
0xfd: {  	s7 =	sadd.s32 $0x3050, s4;
	s26 =	simm.s32 $0xF368  }
0xfe: {  	[hbm4b:s7+s3] =	stream.linear.scatter [tilespmem:s26], [sflag:$0x9], $0x80, $0x38;
	[tilespmem:$0x16C00] =	vst v63  }
0xff: {  	s7 =	sadd.s32 $0x3060, s4;
	s26 =	simm.s32 $0xF3F0  }
0x100: {  	[hbm4b:s7+s3] =	stream.linear.scatter [tilespmem:s26], [sflag:$0x9], $0x80, $0x38;
	[tilespmem:$0x16C00] =	vst v63  }
0x101: {  	s4 =	sadd.s32 $0x3070, s4;
	s26 =	simm.s32 $0xF478  }
0x102: {  	[hbm4b:s4+s3] =	stream.linear.scatter [tilespmem:s26], [sflag:$0x9], $0x80, $0x38;
	[tilespmem:$0x16C00] =	vst v63  }
0x103: {  	_ =	swait.ge [sflag:s0], $0x1000  }
0x104: {  	[sflag:s0] =	ssyncset.done $0x0  }
0x105: {  	s4 =	simm.s32 @!p0 $0xA;
	[sflag:s0] =	ssyncadd.s32 $0xFFFFF000  }
0x106: {  	s7 =	simm.s32 $0x0;
	_ =	swait.ge @!p0 [sflag:s4], $0x1000  }
0x107: {  	v3 =	vmov s7;
	[sflag:s4] =	ssyncset.done @!p0 $0x0  }
0x108: {  	s25 =	simm.s32 $0x7440;
	v3 =	vand.u32 $0x7C, v3;
	[sflag:s4] =	ssyncadd.s32 @!p0 $0xFFFFF000  }
0x109: {  	v5 =	vadd.s32 v0, v3;
	v4 =	vld [tilespmem:s25+$0xFFFFFFC0];
	_ =	sdelay $0x4  }
0x10a: {  	[tilespmem:v5+s2+$0x0] =	vst.idx.msk $0xffff, v4  }
0x10b: {  	v3 =	vadd.s32 v2, v3;
	v4 =	vld [tilespmem:s25+$0xFFFFFFD0];
	_ =	sdelay $0x2  }
0x10c: {  	s26 =	simm.s32 $0x1  }
0x10d: {  	v5 =	vmov s26  }
0x10e: {  	[tilespmem:v3+s2+$0x0] =	vst.idx.msk $0xffff, v4;
	v3 =	vand.u32 $0x7D, v5  }
0x10f: {  	v4 =	vld [tilespmem:s25+$0xFFFFFFE0];
	v5 =	vadd.s32 v0, v3;
	_ =	sdelay $0x4  }
0x110: {  	[tilespmem:v5+s2+$0x0] =	vst.idx.msk $0xffff, v4  }
0x111: {  	v3 =	vadd.s32 v2, v3;
	v4 =	vld [tilespmem:s25+$0xFFFFFFF0];
	_ =	sdelay $0x2  }
0x112: {  	s7 =	simm.s32 $0x2  }
0x113: {  	v5 =	vmov s7  }
0x114: {  	[tilespmem:v3+s2+$0x0] =	vst.idx.msk $0xffff, v4;
	v3 =	vand.u32 $0x7E, v5  }
0x115: {  	v4 =	vld [tilespmem:s25+$0x0];
	v5 =	vadd.s32 v0, v3;
	_ =	sdelay $0x4  }
0x116: {  	[tilespmem:v5+s2+$0x0] =	vst.idx.msk $0xffff, v4  }
0x117: {  	v3 =	vadd.s32 v2, v3;
	v4 =	vld [tilespmem:s25+$0x10];
	_ =	sdelay $0x2  }
0x118: {  	s26 =	simm.s32 $0x3  }
0x119: {  	v5 =	vmov s26  }
0x11a: {  	[tilespmem:v3+s2+$0x0] =	vst.idx.msk $0xffff, v4;
	v4 =	vand.u32 $0x7F, v5  }
0x11b: {  	v3 =	vld [tilespmem:s25+$0x20];
	v5 =	vadd.s32 v0, v4;
	_ =	sdelay $0x4  }
0x11c: {  	[tilespmem:v5+s2+$0x0] =	vst.idx.msk $0xffff, v3  }
0x11d: {  	v4 =	vadd.s32 v2, v4;
	v3 =	vld [tilespmem:s25+$0x30];
	_ =	sdelay $0x2  }
0x11e: {  	s26 =	simm.s32 $0x4  }
0x11f: {  	s4 =	simm.s32 $0x8;
	v5 =	vmov s26  }
.LBB2_7:
0x120: {  	p2 =	sne.s32 s4, $0x7C;
	v5 =	vand.u32 $0x7C, v5;
	[tilespmem:v4+s2+$0x0] =	vst.idx.msk $0xffff, v3;
	s25 =	sadd.s32 $0x80, s25  }
0x121: {  	v3 =	vld [tilespmem:s25+$0xFFFFFFC0];
	v4 =	vadd.s32 v0, v5;
	_ =	sdelay $0x4  }
0x122: {  	[tilespmem:v4+s2+$0x0] =	vst.idx.msk $0xffff, v3  }
0x123: {  	v4 =	vadd.s32 v2, v5;
	v3 =	vld [tilespmem:s25+$0xFFFFFFD0];
	_ =	sdelay $0x2  }
0x124: {  	s7 =	sadd.s32 $0x1, s26  }
0x125: {  	v5 =	vmov s7  }
0x126: {  	[tilespmem:v4+s2+$0x0] =	vst.idx.msk $0xffff, v3;
	v3 =	vand.u32 $0x7D, v5  }
0x127: {  	v4 =	vld [tilespmem:s25+$0xFFFFFFE0];
	v5 =	vadd.s32 v0, v3;
	_ =	sdelay $0x4  }
0x128: {  	[tilespmem:v5+s2+$0x0] =	vst.idx.msk $0xffff, v4  }
0x129: {  	v3 =	vadd.s32 v2, v3;
	v4 =	vld [tilespmem:s25+$0xFFFFFFF0];
	_ =	sdelay $0x2  }
0x12a: {  	s7 =	sadd.s32 $0x2, s26  }
0x12b: {  	v5 =	vmov s7  }
0x12c: {  	[tilespmem:v3+s2+$0x0] =	vst.idx.msk $0xffff, v4;
	v3 =	vand.u32 $0x7E, v5  }
0x12d: {  	v4 =	vld [tilespmem:s25+$0x0];
	v5 =	vadd.s32 v0, v3;
	_ =	sdelay $0x4  }
0x12e: {  	[tilespmem:v5+s2+$0x0] =	vst.idx.msk $0xffff, v4  }
0x12f: {  	v3 =	vadd.s32 v2, v3;
	v4 =	vld [tilespmem:s25+$0x10];
	_ =	sdelay $0x2  }
0x130: {  	s7 =	sadd.s32 $0x3, s26;
	s26 =	smov.u32 s4  }
0x131: {  	v5 =	vmov s7  }
0x132: {  	[tilespmem:v3+s2+$0x0] =	vst.idx.msk $0xffff, v4;
	v4 =	vand.u32 $0x7F, v5  }
0x133: {  	v3 =	vld [tilespmem:s25+$0x20];
	v5 =	vadd.s32 v0, v4;
	_ =	sdelay $0x4  }
0x134: {  	[tilespmem:v5+s2+$0x0] =	vst.idx.msk $0xffff, v3  }
.Ltmp2:
0x135: {  	v4 =	vadd.s32 v2, v4;
	v3 =	vld [tilespmem:s25+$0x30];
	(pc) =	sbr.rel @p2 .LBB2_7-.Ltmp2, $2  }
0x136: {  	_ =	sdelay $0x2  }
0x137: {  	s4 =	sadd.s32 $0x4, s4;
	v5 =	vmov s26  }
0x138: {  	_ =	sdelay $0x3  }
0x139: {  	v5 =	vand.u32 $0x7C, v5;
	[tilespmem:v4+s2+$0x0] =	vst.idx.msk $0xffff, v3;
	s4 =	sadd.s32 $0x80, s25  }
0x13a: {  	v3 =	vld [tilespmem:s4+$0xFFFFFFC0];
	v4 =	vadd.s32 v0, v5;
	_ =	sdelay $0x4  }
0x13b: {  	[tilespmem:v4+s2+$0x0] =	vst.idx.msk $0xffff, v3  }
0x13c: {  	v4 =	vadd.s32 v2, v5;
	v3 =	vld [tilespmem:s4+$0xFFFFFFD0];
	_ =	sdelay $0x2  }
0x13d: {  	s7 =	sadd.s32 $0x1, s26  }
0x13e: {  	v5 =	vmov s7  }
0x13f: {  	[tilespmem:v4+s2+$0x0] =	vst.idx.msk $0xffff, v3;
	v3 =	vand.u32 $0x7D, v5  }
0x140: {  	v4 =	vld [tilespmem:s4+$0xFFFFFFE0];
	v5 =	vadd.s32 v0, v3;
	_ =	sdelay $0x4  }
0x141: {  	[tilespmem:v5+s2+$0x0] =	vst.idx.msk $0xffff, v4  }
0x142: {  	v3 =	vadd.s32 v2, v3;
	v4 =	vld [tilespmem:s4+$0xFFFFFFF0];
	_ =	sdelay $0x2  }
0x143: {  	s25 =	sadd.s32 $0x2, s26  }
0x144: {  	v5 =	vmov s25  }
0x145: {  	[tilespmem:v3+s2+$0x0] =	vst.idx.msk $0xffff, v4;
	v3 =	vand.u32 $0x7E, v5  }
0x146: {  	v4 =	vld [tilespmem:s4+$0x0];
	v5 =	vadd.s32 v0, v3;
	_ =	sdelay $0x4  }
0x147: {  	[tilespmem:v5+s2+$0x0] =	vst.idx.msk $0xffff, v4  }
0x148: {  	v3 =	vadd.s32 v2, v3;
	v4 =	vld [tilespmem:s4+$0x10];
	_ =	sdelay $0x2  }
0x149: {  	s26 =	sadd.s32 $0x3, s26  }
0x14a: {  	v5 =	vmov s26  }
0x14b: {  	[tilespmem:v3+s2+$0x0] =	vst.idx.msk $0xffff, v4;
	v3 =	vand.u32 $0x7F, v5  }
0x14c: {  	v4 =	vld [tilespmem:s4+$0x20];
	v5 =	vadd.s32 v0, v3;
	_ =	sdelay $0x4  }
0x14d: {  	[tilespmem:v5+s2+$0x0] =	vst.idx.msk $0xffff, v4  }
0x14e: {  	v3 =	vadd.s32 v2, v3;
	v4 =	vld [tilespmem:s4+$0x30];
	_ =	sdelay $0x4  }
0x14f: {  	s7 =	simm.s32 @!p1 $0x80;
	s25 =	simm.s32 @!p1 $0x7400;
	s4 =	sadd.s32 @!p1 $0x480, s18;
	[tilespmem:v3+s2+$0x0] =	vst.idx.msk $0xffff, v4  }
0x150: {  	[tilespmem:s25], [sflag:$0x2] =	stream.indirect.gather @!p1 [hbm4b:s5+s7], $0x20, s4, s7, $0xb8;
	[tilespmem:$0x16C00] =	vst v63  }
0x151: {  	s7 =	rddreg [dreg:$0x5]  }
0x152: {  	s4 =	sadd.s32 s1, s7  }
0x153: {  	[hbm4b:s4+s3] =	stream.linear.scatter [tilespmem:s2], [sflag:$0xA], $0x80, $0x38;
	[tilespmem:$0x16C00] =	vst v63  }
0x154: {  	s26 =	simm.s32 $0xF588;
	s25 =	sadd.s32 $0x10, s4  }
0x155: {  	[hbm4b:s25+s3] =	stream.linear.scatter [tilespmem:s26], [sflag:$0xA], $0x80, $0x38;
	[tilespmem:$0x16C00] =	vst v63  }
0x156: {  	s25 =	sadd.s32 $0x20, s4;
	s26 =	simm.s32 $0xF610  }
0x157: {  	[hbm4b:s25+s3] =	stream.linear.scatter [tilespmem:s26], [sflag:$0xA], $0x80, $0x38;
	[tilespmem:$0x16C00] =	vst v63  }
0x158: {  	s25 =	sadd.s32 $0x30, s4;
	s26 =	simm.s32 $0xF698  }
0x159: {  	[hbm4b:s25+s3] =	stream.linear.scatter [tilespmem:s26], [sflag:$0xA], $0x80, $0x38;
	[tilespmem:$0x16C00] =	vst v63  }
0x15a: {  	s25 =	sadd.s32 $0x40, s4;
	s26 =	simm.s32 $0xF720  }
0x15b: {  	[hbm4b:s25+s3] =	stream.linear.scatter [tilespmem:s26], [sflag:$0xA], $0x80, $0x38;
	[tilespmem:$0x16C00] =	vst v63  }
0x15c: {  	s25 =	sadd.s32 $0x50, s4;
	s26 =	simm.s32 $0xF7A8  }
0x15d: {  	[hbm4b:s25+s3] =	stream.linear.scatter [tilespmem:s26], [sflag:$0xA], $0x80, $0x38;
	[tilespmem:$0x16C00] =	vst v63  }
0x15e: {  	s25 =	sadd.s32 $0x60, s4;
	s26 =	simm.s32 $0xF830  }
0x15f: {  	[hbm4b:s25+s3] =	stream.linear.scatter [tilespmem:s26], [sflag:$0xA], $0x80, $0x38;
	[tilespmem:$0x16C00] =	vst v63  }
0x160: {  	s25 =	sadd.s32 $0x70, s4;
	s26 =	simm.s32 $0xF8B8  }
0x161: {  	[hbm4b:s25+s3] =	stream.linear.scatter [tilespmem:s26], [sflag:$0xA], $0x80, $0x38;
	[tilespmem:$0x16C00] =	vst v63  }
0x162: {  	s25 =	sadd.s32 $0x1000, s4;
	s26 =	simm.s32 $0xF940  }
0x163: {  	[hbm4b:s25+s3] =	stream.linear.scatter [tilespmem:s26], [sflag:$0xA], $0x80, $0x38;
	[tilespmem:$0x16C00] =	vst v63  }
0x164: {  	s25 =	sadd.s32 $0x1010, s4;
	s26 =	simm.s32 $0xF9C8  }
0x165: {  	[hbm4b:s25+s3] =	stream.linear.scatter [tilespmem:s26], [sflag:$0xA], $0x80, $0x38;
	[tilespmem:$0x16C00] =	vst v63  }
0x166: {  	s25 =	sadd.s32 $0x1020, s4;
	s26 =	simm.s32 $0xFA50  }
0x167: {  	[hbm4b:s25+s3] =	stream.linear.scatter [tilespmem:s26], [sflag:$0xA], $0x80, $0x38;
	[tilespmem:$0x16C00] =	vst v63  }
0x168: {  	s25 =	sadd.s32 $0x1030, s4;
	s26 =	simm.s32 $0xFAD8  }
0x169: {  	[hbm4b:s25+s3] =	stream.linear.scatter [tilespmem:s26], [sflag:$0xA], $0x80, $0x38;
	[tilespmem:$0x16C00] =	vst v63  }
0x16a: {  	s25 =	sadd.s32 $0x1040, s4;
	s26 =	simm.s32 $0xFB60  }
0x16b: {  	[hbm4b:s25+s3] =	stream.linear.scatter [tilespmem:s26], [sflag:$0xA], $0x80, $0x38;
	[tilespmem:$0x16C00] =	vst v63  }
0x16c: {  	s25 =	sadd.s32 $0x1050, s4;
	s26 =	simm.s32 $0xFBE8  }
0x16d: {  	[hbm4b:s25+s3] =	stream.linear.scatter [tilespmem:s26], [sflag:$0xA], $0x80, $0x38;
	[tilespmem:$0x16C00] =	vst v63  }
0x16e: {  	s25 =	sadd.s32 $0x1060, s4;
	s26 =	simm.s32 $0xFC70  }
0x16f: {  	[hbm4b:s25+s3] =	stream.linear.scatter [tilespmem:s26], [sflag:$0xA], $0x80, $0x38;
	[tilespmem:$0x16C00] =	vst v63  }
0x170: {  	s25 =	sadd.s32 $0x1070, s4;
	s26 =	simm.s32 $0xFCF8  }
0x171: {  	[hbm4b:s25+s3] =	stream.linear.scatter [tilespmem:s26], [sflag:$0xA], $0x80, $0x38;
	[tilespmem:$0x16C00] =	vst v63  }
0x172: {  	s25 =	sadd.s32 $0x2000, s4;
	s26 =	simm.s32 $0xFD80  }
0x173: {  	[hbm4b:s25+s3] =	stream.linear.scatter [tilespmem:s26], [sflag:$0xA], $0x80, $0x38;
	[tilespmem:$0x16C00] =	vst v63  }
0x174: {  	s25 =	sadd.s32 $0x2010, s4;
	s26 =	simm.s32 $0xFE08  }
0x175: {  	[hbm4b:s25+s3] =	stream.linear.scatter [tilespmem:s26], [sflag:$0xA], $0x80, $0x38;
	[tilespmem:$0x16C00] =	vst v63  }
0x176: {  	s25 =	sadd.s32 $0x2020, s4;
	s26 =	simm.s32 $0xFE90  }
0x177: {  	[hbm4b:s25+s3] =	stream.linear.scatter [tilespmem:s26], [sflag:$0xA], $0x80, $0x38;
	[tilespmem:$0x16C00] =	vst v63  }
0x178: {  	s25 =	sadd.s32 $0x2030, s4;
	s26 =	simm.s32 $0xFF18  }
0x179: {  	[hbm4b:s25+s3] =	stream.linear.scatter [tilespmem:s26], [sflag:$0xA], $0x80, $0x38;
	[tilespmem:$0x16C00] =	vst v63  }
0x17a: {  	s25 =	sadd.s32 $0x2040, s4;
	s26 =	simm.s32 $0xFFA0  }
0x17b: {  	[hbm4b:s25+s3] =	stream.linear.scatter [tilespmem:s26], [sflag:$0xA], $0x80, $0x38;
	[tilespmem:$0x16C00] =	vst v63  }
0x17c: {  	s25 =	sadd.s32 $0x2050, s4;
	s26 =	simm.s32 $0x10028  }
0x17d: {  	[hbm4b:s25+s3] =	stream.linear.scatter [tilespmem:s26], [sflag:$0xA], $0x80, $0x38;
	[tilespmem:$0x16C00] =	vst v63  }
0x17e: {  	s25 =	sadd.s32 $0x2060, s4;
	s26 =	simm.s32 $0x100B0  }
0x17f: {  	[hbm4b:s25+s3] =	stream.linear.scatter [tilespmem:s26], [sflag:$0xA], $0x80, $0x38;
	[tilespmem:$0x16C00] =	vst v63  }
0x180: {  	s25 =	sadd.s32 $0x2070, s4;
	s26 =	simm.s32 $0x10138  }
0x181: {  	[hbm4b:s25+s3] =	stream.linear.scatter [tilespmem:s26], [sflag:$0xA], $0x80, $0x38;
	[tilespmem:$0x16C00] =	vst v63  }
0x182: {  	s25 =	sadd.s32 $0x3000, s4;
	s26 =	simm.s32 $0x101C0  }
0x183: {  	[hbm4b:s25+s3] =	stream.linear.scatter [tilespmem:s26], [sflag:$0xA], $0x80, $0x38;
	[tilespmem:$0x16C00] =	vst v63  }
0x184: {  	s25 =	sadd.s32 $0x3010, s4;
	s26 =	simm.s32 $0x10248  }
0x185: {  	[hbm4b:s25+s3] =	stream.linear.scatter [tilespmem:s26], [sflag:$0xA], $0x80, $0x38;
	[tilespmem:$0x16C00] =	vst v63  }
0x186: {  	s25 =	sadd.s32 $0x3020, s4;
	s26 =	simm.s32 $0x102D0  }
0x187: {  	[hbm4b:s25+s3] =	stream.linear.scatter [tilespmem:s26], [sflag:$0xA], $0x80, $0x38;
	[tilespmem:$0x16C00] =	vst v63  }
0x188: {  	s25 =	sadd.s32 $0x3030, s4;
	s26 =	simm.s32 $0x10358  }
0x189: {  	[hbm4b:s25+s3] =	stream.linear.scatter [tilespmem:s26], [sflag:$0xA], $0x80, $0x38;
	[tilespmem:$0x16C00] =	vst v63  }
0x18a: {  	s25 =	sadd.s32 $0x3040, s4;
	s26 =	simm.s32 $0x103E0  }
0x18b: {  	[hbm4b:s25+s3] =	stream.linear.scatter [tilespmem:s26], [sflag:$0xA], $0x80, $0x38;
	[tilespmem:$0x16C00] =	vst v63  }
0x18c: {  	s25 =	sadd.s32 $0x3050, s4;
	s26 =	simm.s32 $0x10468  }
0x18d: {  	[hbm4b:s25+s3] =	stream.linear.scatter [tilespmem:s26], [sflag:$0xA], $0x80, $0x38;
	[tilespmem:$0x16C00] =	vst v63  }
0x18e: {  	s25 =	sadd.s32 $0x3060, s4;
	s26 =	simm.s32 $0x104F0  }
0x18f: {  	[hbm4b:s25+s3] =	stream.linear.scatter [tilespmem:s26], [sflag:$0xA], $0x80, $0x38;
	[tilespmem:$0x16C00] =	vst v63  }
0x190: {  	s4 =	sadd.s32 $0x3070, s4;
	s26 =	simm.s32 $0x10578  }
0x191: {  	[hbm4b:s4+s3] =	stream.linear.scatter [tilespmem:s26], [sflag:$0xA], $0x80, $0x38;
	[tilespmem:$0x16C00] =	vst v63  }
0x192: {  	_ =	swait.ge [sflag:s29], $0x1000  }
0x193: {  	[sflag:s29] =	ssyncset.done $0x0  }
0x194: {  	s4 =	simm.s32 @!p0 $0xB;
	[sflag:s29] =	ssyncadd.s32 $0xFFFFF000  }
0x195: {  	s25 =	simm.s32 $0x0;
	_ =	swait.ge @!p0 [sflag:s4], $0x1000  }
0x196: {  	v3 =	vmov s25;
	[sflag:s4] =	ssyncset.done @!p0 $0x0  }
0x197: {  	s25 =	simm.s32 $0x8440;
	v3 =	vand.u32 $0x7C, v3;
	[sflag:s4] =	ssyncadd.s32 @!p0 $0xFFFFF000  }
0x198: {  	v5 =	vadd.s32 v0, v3;
	v4 =	vld [tilespmem:s25+$0xFFFFFFC0];
	_ =	sdelay $0x4  }
0x199: {  	[tilespmem:v5+s30+$0x0] =	vst.idx.msk $0xffff, v4  }
0x19a: {  	v3 =	vadd.s32 v2, v3;
	v4 =	vld [tilespmem:s25+$0xFFFFFFD0];
	_ =	sdelay $0x2  }
0x19b: {  	s26 =	simm.s32 $0x1  }
0x19c: {  	v5 =	vmov s26  }
0x19d: {  	[tilespmem:v3+s30+$0x0] =	vst.idx.msk $0xffff, v4;
	v3 =	vand.u32 $0x7D, v5  }
0x19e: {  	v4 =	vld [tilespmem:s25+$0xFFFFFFE0];
	v5 =	vadd.s32 v0, v3;
	_ =	sdelay $0x4  }
0x19f: {  	[tilespmem:v5+s30+$0x0] =	vst.idx.msk $0xffff, v4  }
0x1a0: {  	v3 =	vadd.s32 v2, v3;
	v4 =	vld [tilespmem:s25+$0xFFFFFFF0];
	_ =	sdelay $0x2  }
0x1a1: {  	s7 =	simm.s32 $0x2  }
0x1a2: {  	v5 =	vmov s7  }
0x1a3: {  	[tilespmem:v3+s30+$0x0] =	vst.idx.msk $0xffff, v4;
	v3 =	vand.u32 $0x7E, v5  }
0x1a4: {  	v4 =	vld [tilespmem:s25+$0x0];
	v5 =	vadd.s32 v0, v3;
	_ =	sdelay $0x4  }
0x1a5: {  	[tilespmem:v5+s30+$0x0] =	vst.idx.msk $0xffff, v4  }
0x1a6: {  	v3 =	vadd.s32 v2, v3;
	v4 =	vld [tilespmem:s25+$0x10];
	_ =	sdelay $0x2  }
0x1a7: {  	s26 =	simm.s32 $0x3  }
0x1a8: {  	v5 =	vmov s26  }
0x1a9: {  	[tilespmem:v3+s30+$0x0] =	vst.idx.msk $0xffff, v4;
	v4 =	vand.u32 $0x7F, v5  }
0x1aa: {  	v3 =	vld [tilespmem:s25+$0x20];
	v5 =	vadd.s32 v0, v4;
	_ =	sdelay $0x4  }
0x1ab: {  	[tilespmem:v5+s30+$0x0] =	vst.idx.msk $0xffff, v3  }
0x1ac: {  	v4 =	vadd.s32 v2, v4;
	v3 =	vld [tilespmem:s25+$0x30];
	_ =	sdelay $0x2  }
0x1ad: {  	s26 =	simm.s32 $0x4  }
0x1ae: {  	s4 =	simm.s32 $0x8;
	v5 =	vmov s26  }
.LBB2_9:
0x1af: {  	p2 =	sne.s32 s4, $0x7C;
	v5 =	vand.u32 $0x7C, v5;
	[tilespmem:v4+s30+$0x0] =	vst.idx.msk $0xffff, v3;
	s25 =	sadd.s32 $0x80, s25  }
0x1b0: {  	v3 =	vld [tilespmem:s25+$0xFFFFFFC0];
	v4 =	vadd.s32 v0, v5;
	_ =	sdelay $0x4  }
0x1b1: {  	[tilespmem:v4+s30+$0x0] =	vst.idx.msk $0xffff, v3  }
0x1b2: {  	v4 =	vadd.s32 v2, v5;
	v3 =	vld [tilespmem:s25+$0xFFFFFFD0];
	_ =	sdelay $0x2  }
0x1b3: {  	s7 =	sadd.s32 $0x1, s26  }
0x1b4: {  	v5 =	vmov s7  }
0x1b5: {  	[tilespmem:v4+s30+$0x0] =	vst.idx.msk $0xffff, v3;
	v3 =	vand.u32 $0x7D, v5  }
0x1b6: {  	v4 =	vld [tilespmem:s25+$0xFFFFFFE0];
	v5 =	vadd.s32 v0, v3;
	_ =	sdelay $0x4  }
0x1b7: {  	[tilespmem:v5+s30+$0x0] =	vst.idx.msk $0xffff, v4  }
0x1b8: {  	v3 =	vadd.s32 v2, v3;
	v4 =	vld [tilespmem:s25+$0xFFFFFFF0];
	_ =	sdelay $0x2  }
0x1b9: {  	s7 =	sadd.s32 $0x2, s26  }
0x1ba: {  	v5 =	vmov s7  }
0x1bb: {  	[tilespmem:v3+s30+$0x0] =	vst.idx.msk $0xffff, v4;
	v3 =	vand.u32 $0x7E, v5  }
0x1bc: {  	v4 =	vld [tilespmem:s25+$0x0];
	v5 =	vadd.s32 v0, v3;
	_ =	sdelay $0x4  }
0x1bd: {  	[tilespmem:v5+s30+$0x0] =	vst.idx.msk $0xffff, v4  }
0x1be: {  	v3 =	vadd.s32 v2, v3;
	v4 =	vld [tilespmem:s25+$0x10];
	_ =	sdelay $0x2  }
0x1bf: {  	s7 =	sadd.s32 $0x3, s26;
	s26 =	smov.u32 s4  }
0x1c0: {  	v5 =	vmov s7  }
0x1c1: {  	[tilespmem:v3+s30+$0x0] =	vst.idx.msk $0xffff, v4;
	v4 =	vand.u32 $0x7F, v5  }
0x1c2: {  	v3 =	vld [tilespmem:s25+$0x20];
	v5 =	vadd.s32 v0, v4;
	_ =	sdelay $0x4  }
0x1c3: {  	[tilespmem:v5+s30+$0x0] =	vst.idx.msk $0xffff, v3  }
.Ltmp3:
0x1c4: {  	v4 =	vadd.s32 v2, v4;
	v3 =	vld [tilespmem:s25+$0x30];
	(pc) =	sbr.rel @p2 .LBB2_9-.Ltmp3, $2  }
0x1c5: {  	_ =	sdelay $0x2  }
0x1c6: {  	s4 =	sadd.s32 $0x4, s4;
	v5 =	vmov s26  }
0x1c7: {  	_ =	sdelay $0x3  }
0x1c8: {  	v5 =	vand.u32 $0x7C, v5;
	[tilespmem:v4+s30+$0x0] =	vst.idx.msk $0xffff, v3;
	s4 =	sadd.s32 $0x80, s25  }
0x1c9: {  	v3 =	vld [tilespmem:s4+$0xFFFFFFC0];
	v4 =	vadd.s32 v0, v5;
	_ =	sdelay $0x4  }
0x1ca: {  	[tilespmem:v4+s30+$0x0] =	vst.idx.msk $0xffff, v3  }
0x1cb: {  	v4 =	vadd.s32 v2, v5;
	v3 =	vld [tilespmem:s4+$0xFFFFFFD0];
	_ =	sdelay $0x2  }
0x1cc: {  	s7 =	sadd.s32 $0x1, s26  }
0x1cd: {  	v5 =	vmov s7  }
0x1ce: {  	[tilespmem:v4+s30+$0x0] =	vst.idx.msk $0xffff, v3;
	v3 =	vand.u32 $0x7D, v5  }
0x1cf: {  	v4 =	vld [tilespmem:s4+$0xFFFFFFE0];
	v5 =	vadd.s32 v0, v3;
	_ =	sdelay $0x4  }
0x1d0: {  	[tilespmem:v5+s30+$0x0] =	vst.idx.msk $0xffff, v4  }
0x1d1: {  	v3 =	vadd.s32 v2, v3;
	v4 =	vld [tilespmem:s4+$0xFFFFFFF0];
	_ =	sdelay $0x2  }
0x1d2: {  	s25 =	sadd.s32 $0x2, s26  }
0x1d3: {  	v5 =	vmov s25  }
0x1d4: {  	[tilespmem:v3+s30+$0x0] =	vst.idx.msk $0xffff, v4;
	v3 =	vand.u32 $0x7E, v5  }
0x1d5: {  	v4 =	vld [tilespmem:s4+$0x0];
	v5 =	vadd.s32 v0, v3;
	_ =	sdelay $0x4  }
0x1d6: {  	[tilespmem:v5+s30+$0x0] =	vst.idx.msk $0xffff, v4  }
0x1d7: {  	v3 =	vadd.s32 v2, v3;
	v4 =	vld [tilespmem:s4+$0x10];
	_ =	sdelay $0x2  }
0x1d8: {  	s26 =	sadd.s32 $0x3, s26  }
0x1d9: {  	v5 =	vmov s26  }
0x1da: {  	[tilespmem:v3+s30+$0x0] =	vst.idx.msk $0xffff, v4;
	v3 =	vand.u32 $0x7F, v5  }
0x1db: {  	v4 =	vld [tilespmem:s4+$0x20];
	v5 =	vadd.s32 v0, v3;
	_ =	sdelay $0x4  }
0x1dc: {  	[tilespmem:v5+s30+$0x0] =	vst.idx.msk $0xffff, v4  }
0x1dd: {  	v3 =	vadd.s32 v2, v3;
	v4 =	vld [tilespmem:s4+$0x30];
	_ =	sdelay $0x4  }
0x1de: {  	s7 =	simm.s32 @!p1 $0x80;
	s25 =	simm.s32 @!p1 $0x8400;
	s4 =	sadd.s32 @!p1 $0x500, s18;
	[tilespmem:v3+s30+$0x0] =	vst.idx.msk $0xffff, v4  }
0x1df: {  	[tilespmem:s25], [sflag:$0x3] =	stream.indirect.gather @!p1 [hbm4b:s5+s7], $0x20, s4, s7, $0xb8;
	[tilespmem:$0x16C00] =	vst v63  }
0x1e0: {  	s7 =	rddreg [dreg:$0x6]  }
0x1e1: {  	s4 =	sadd.s32 s1, s7  }
0x1e2: {  	[hbm4b:s4+s3] =	stream.linear.scatter [tilespmem:s30], [sflag:$0xB], $0x80, $0x38;
	[tilespmem:$0x16C00] =	vst v63  }
0x1e3: {  	s26 =	simm.s32 $0x10688;
	s25 =	sadd.s32 $0x10, s4  }
0x1e4: {  	[hbm4b:s25+s3] =	stream.linear.scatter [tilespmem:s26], [sflag:$0xB], $0x80, $0x38;
	[tilespmem:$0x16C00] =	vst v63  }
0x1e5: {  	s25 =	sadd.s32 $0x20, s4;
	s26 =	simm.s32 $0x10710  }
0x1e6: {  	[hbm4b:s25+s3] =	stream.linear.scatter [tilespmem:s26], [sflag:$0xB], $0x80, $0x38;
	[tilespmem:$0x16C00] =	vst v63  }
0x1e7: {  	s25 =	sadd.s32 $0x30, s4;
	s26 =	simm.s32 $0x10798  }
0x1e8: {  	[hbm4b:s25+s3] =	stream.linear.scatter [tilespmem:s26], [sflag:$0xB], $0x80, $0x38;
	[tilespmem:$0x16C00] =	vst v63  }
0x1e9: {  	s25 =	sadd.s32 $0x40, s4;
	s26 =	simm.s32 $0x10820  }
0x1ea: {  	[hbm4b:s25+s3] =	stream.linear.scatter [tilespmem:s26], [sflag:$0xB], $0x80, $0x38;
	[tilespmem:$0x16C00] =	vst v63  }
0x1eb: {  	s25 =	sadd.s32 $0x50, s4;
	s26 =	simm.s32 $0x108A8  }
0x1ec: {  	[hbm4b:s25+s3] =	stream.linear.scatter [tilespmem:s26], [sflag:$0xB], $0x80, $0x38;
	[tilespmem:$0x16C00] =	vst v63  }
0x1ed: {  	s25 =	sadd.s32 $0x60, s4;
	s26 =	simm.s32 $0x10930  }
0x1ee: {  	[hbm4b:s25+s3] =	stream.linear.scatter [tilespmem:s26], [sflag:$0xB], $0x80, $0x38;
	[tilespmem:$0x16C00] =	vst v63  }
0x1ef: {  	s25 =	sadd.s32 $0x70, s4;
	s26 =	simm.s32 $0x109B8  }
0x1f0: {  	[hbm4b:s25+s3] =	stream.linear.scatter [tilespmem:s26], [sflag:$0xB], $0x80, $0x38;
	[tilespmem:$0x16C00] =	vst v63  }
0x1f1: {  	s25 =	sadd.s32 $0x1000, s4;
	s26 =	simm.s32 $0x10A40  }
0x1f2: {  	[hbm4b:s25+s3] =	stream.linear.scatter [tilespmem:s26], [sflag:$0xB], $0x80, $0x38;
	[tilespmem:$0x16C00] =	vst v63  }
0x1f3: {  	s25 =	sadd.s32 $0x1010, s4;
	s26 =	simm.s32 $0x10AC8  }
0x1f4: {  	[hbm4b:s25+s3] =	stream.linear.scatter [tilespmem:s26], [sflag:$0xB], $0x80, $0x38;
	[tilespmem:$0x16C00] =	vst v63  }
0x1f5: {  	s25 =	sadd.s32 $0x1020, s4;
	s26 =	simm.s32 $0x10B50  }
0x1f6: {  	[hbm4b:s25+s3] =	stream.linear.scatter [tilespmem:s26], [sflag:$0xB], $0x80, $0x38;
	[tilespmem:$0x16C00] =	vst v63  }
0x1f7: {  	s25 =	sadd.s32 $0x1030, s4;
	s26 =	simm.s32 $0x10BD8  }
0x1f8: {  	[hbm4b:s25+s3] =	stream.linear.scatter [tilespmem:s26], [sflag:$0xB], $0x80, $0x38;
	[tilespmem:$0x16C00] =	vst v63  }
0x1f9: {  	s25 =	sadd.s32 $0x1040, s4;
	s26 =	simm.s32 $0x10C60  }
0x1fa: {  	[hbm4b:s25+s3] =	stream.linear.scatter [tilespmem:s26], [sflag:$0xB], $0x80, $0x38;
	[tilespmem:$0x16C00] =	vst v63  }
0x1fb: {  	s25 =	sadd.s32 $0x1050, s4;
	s26 =	simm.s32 $0x10CE8  }
0x1fc: {  	[hbm4b:s25+s3] =	stream.linear.scatter [tilespmem:s26], [sflag:$0xB], $0x80, $0x38;
	[tilespmem:$0x16C00] =	vst v63  }
0x1fd: {  	s25 =	sadd.s32 $0x1060, s4;
	s26 =	simm.s32 $0x10D70  }
0x1fe: {  	[hbm4b:s25+s3] =	stream.linear.scatter [tilespmem:s26], [sflag:$0xB], $0x80, $0x38;
	[tilespmem:$0x16C00] =	vst v63  }
0x1ff: {  	s25 =	sadd.s32 $0x1070, s4;
	s26 =	simm.s32 $0x10DF8  }
0x200: {  	[hbm4b:s25+s3] =	stream.linear.scatter [tilespmem:s26], [sflag:$0xB], $0x80, $0x38;
	[tilespmem:$0x16C00] =	vst v63  }
0x201: {  	s25 =	sadd.s32 $0x2000, s4;
	s26 =	simm.s32 $0x10E80  }
0x202: {  	[hbm4b:s25+s3] =	stream.linear.scatter [tilespmem:s26], [sflag:$0xB], $0x80, $0x38;
	[tilespmem:$0x16C00] =	vst v63  }
0x203: {  	s25 =	sadd.s32 $0x2010, s4;
	s26 =	simm.s32 $0x10F08  }
0x204: {  	[hbm4b:s25+s3] =	stream.linear.scatter [tilespmem:s26], [sflag:$0xB], $0x80, $0x38;
	[tilespmem:$0x16C00] =	vst v63  }
0x205: {  	s25 =	sadd.s32 $0x2020, s4;
	s26 =	simm.s32 $0x10F90  }
0x206: {  	[hbm4b:s25+s3] =	stream.linear.scatter [tilespmem:s26], [sflag:$0xB], $0x80, $0x38;
	[tilespmem:$0x16C00] =	vst v63  }
0x207: {  	s25 =	sadd.s32 $0x2030, s4;
	s26 =	simm.s32 $0x11018  }
0x208: {  	[hbm4b:s25+s3] =	stream.linear.scatter [tilespmem:s26], [sflag:$0xB], $0x80, $0x38;
	[tilespmem:$0x16C00] =	vst v63  }
0x209: {  	s25 =	sadd.s32 $0x2040, s4;
	s26 =	simm.s32 $0x110A0  }
0x20a: {  	[hbm4b:s25+s3] =	stream.linear.scatter [tilespmem:s26], [sflag:$0xB], $0x80, $0x38;
	[tilespmem:$0x16C00] =	vst v63  }
0x20b: {  	s25 =	sadd.s32 $0x2050, s4;
	s26 =	simm.s32 $0x11128  }
0x20c: {  	[hbm4b:s25+s3] =	stream.linear.scatter [tilespmem:s26], [sflag:$0xB], $0x80, $0x38;
	[tilespmem:$0x16C00] =	vst v63  }
0x20d: {  	s25 =	sadd.s32 $0x2060, s4;
	s26 =	simm.s32 $0x111B0  }
0x20e: {  	[hbm4b:s25+s3] =	stream.linear.scatter [tilespmem:s26], [sflag:$0xB], $0x80, $0x38;
	[tilespmem:$0x16C00] =	vst v63  }
0x20f: {  	s25 =	sadd.s32 $0x2070, s4;
	s26 =	simm.s32 $0x11238  }
0x210: {  	[hbm4b:s25+s3] =	stream.linear.scatter [tilespmem:s26], [sflag:$0xB], $0x80, $0x38;
	[tilespmem:$0x16C00] =	vst v63  }
0x211: {  	s25 =	sadd.s32 $0x3000, s4;
	s26 =	simm.s32 $0x112C0  }
0x212: {  	[hbm4b:s25+s3] =	stream.linear.scatter [tilespmem:s26], [sflag:$0xB], $0x80, $0x38;
	[tilespmem:$0x16C00] =	vst v63  }
0x213: {  	s25 =	sadd.s32 $0x3010, s4;
	s26 =	simm.s32 $0x11348  }
0x214: {  	[hbm4b:s25+s3] =	stream.linear.scatter [tilespmem:s26], [sflag:$0xB], $0x80, $0x38;
	[tilespmem:$0x16C00] =	vst v63  }
0x215: {  	s25 =	sadd.s32 $0x3020, s4;
	s26 =	simm.s32 $0x113D0  }
0x216: {  	[hbm4b:s25+s3] =	stream.linear.scatter [tilespmem:s26], [sflag:$0xB], $0x80, $0x38;
	[tilespmem:$0x16C00] =	vst v63  }
0x217: {  	s25 =	sadd.s32 $0x3030, s4;
	s26 =	simm.s32 $0x11458  }
0x218: {  	[hbm4b:s25+s3] =	stream.linear.scatter [tilespmem:s26], [sflag:$0xB], $0x80, $0x38;
	[tilespmem:$0x16C00] =	vst v63  }
0x219: {  	s25 =	sadd.s32 $0x3040, s4;
	s26 =	simm.s32 $0x114E0  }
0x21a: {  	[hbm4b:s25+s3] =	stream.linear.scatter [tilespmem:s26], [sflag:$0xB], $0x80, $0x38;
	[tilespmem:$0x16C00] =	vst v63  }
0x21b: {  	s25 =	sadd.s32 $0x3050, s4;
	s26 =	simm.s32 $0x11568  }
0x21c: {  	[hbm4b:s25+s3] =	stream.linear.scatter [tilespmem:s26], [sflag:$0xB], $0x80, $0x38;
	[tilespmem:$0x16C00] =	vst v63  }
0x21d: {  	s25 =	sadd.s32 $0x3060, s4;
	s26 =	simm.s32 $0x115F0  }
0x21e: {  	[hbm4b:s25+s3] =	stream.linear.scatter [tilespmem:s26], [sflag:$0xB], $0x80, $0x38;
	[tilespmem:$0x16C00] =	vst v63  }
0x21f: {  	s4 =	sadd.s32 $0x3070, s4;
	s26 =	simm.s32 $0x11678  }
0x220: {  	[hbm4b:s4+s3] =	stream.linear.scatter [tilespmem:s26], [sflag:$0xB], $0x80, $0x38;
	[tilespmem:$0x16C00] =	vst v63  }
0x221: {  	_ =	swait.ge [sflag:s6], $0x1000  }
0x222: {  	[sflag:s6] =	ssyncset.done $0x0  }
0x223: {  	s4 =	simm.s32 @!p0 $0xC;
	[sflag:s6] =	ssyncadd.s32 $0xFFFFF000  }
0x224: {  	s25 =	simm.s32 $0x0;
	_ =	swait.ge @!p0 [sflag:s4], $0x1000  }
0x225: {  	v3 =	vmov s25;
	[sflag:s4] =	ssyncset.done @!p0 $0x0  }
0x226: {  	s25 =	simm.s32 $0x9440;
	v3 =	vand.u32 $0x7C, v3;
	[sflag:s4] =	ssyncadd.s32 @!p0 $0xFFFFF000  }
0x227: {  	v5 =	vadd.s32 v0, v3;
	v4 =	vld [tilespmem:s25+$0xFFFFFFC0];
	_ =	sdelay $0x4  }
0x228: {  	[tilespmem:v5+s14+$0x0] =	vst.idx.msk $0xffff, v4  }
0x229: {  	v3 =	vadd.s32 v2, v3;
	v4 =	vld [tilespmem:s25+$0xFFFFFFD0];
	_ =	sdelay $0x2  }
0x22a: {  	s26 =	simm.s32 $0x1  }
0x22b: {  	v5 =	vmov s26  }
0x22c: {  	[tilespmem:v3+s14+$0x0] =	vst.idx.msk $0xffff, v4;
	v3 =	vand.u32 $0x7D, v5  }
0x22d: {  	v4 =	vld [tilespmem:s25+$0xFFFFFFE0];
	v5 =	vadd.s32 v0, v3;
	_ =	sdelay $0x4  }
0x22e: {  	[tilespmem:v5+s14+$0x0] =	vst.idx.msk $0xffff, v4  }
0x22f: {  	v3 =	vadd.s32 v2, v3;
	v4 =	vld [tilespmem:s25+$0xFFFFFFF0];
	_ =	sdelay $0x2  }
0x230: {  	s7 =	simm.s32 $0x2  }
0x231: {  	v5 =	vmov s7  }
0x232: {  	[tilespmem:v3+s14+$0x0] =	vst.idx.msk $0xffff, v4;
	v3 =	vand.u32 $0x7E, v5  }
0x233: {  	v4 =	vld [tilespmem:s25+$0x0];
	v5 =	vadd.s32 v0, v3;
	_ =	sdelay $0x4  }
0x234: {  	[tilespmem:v5+s14+$0x0] =	vst.idx.msk $0xffff, v4  }
0x235: {  	v3 =	vadd.s32 v2, v3;
	v4 =	vld [tilespmem:s25+$0x10];
	_ =	sdelay $0x2  }
0x236: {  	s26 =	simm.s32 $0x3  }
0x237: {  	v5 =	vmov s26  }
0x238: {  	[tilespmem:v3+s14+$0x0] =	vst.idx.msk $0xffff, v4;
	v4 =	vand.u32 $0x7F, v5  }
0x239: {  	v3 =	vld [tilespmem:s25+$0x20];
	v5 =	vadd.s32 v0, v4;
	_ =	sdelay $0x4  }
0x23a: {  	[tilespmem:v5+s14+$0x0] =	vst.idx.msk $0xffff, v3  }
0x23b: {  	v4 =	vadd.s32 v2, v4;
	v3 =	vld [tilespmem:s25+$0x30];
	_ =	sdelay $0x2  }
0x23c: {  	s26 =	simm.s32 $0x4  }
0x23d: {  	s4 =	simm.s32 $0x8;
	v5 =	vmov s26  }
.LBB2_11:
0x23e: {  	p2 =	sne.s32 s4, $0x7C;
	v5 =	vand.u32 $0x7C, v5;
	[tilespmem:v4+s14+$0x0] =	vst.idx.msk $0xffff, v3;
	s25 =	sadd.s32 $0x80, s25  }
0x23f: {  	v3 =	vld [tilespmem:s25+$0xFFFFFFC0];
	v4 =	vadd.s32 v0, v5;
	_ =	sdelay $0x4  }
0x240: {  	[tilespmem:v4+s14+$0x0] =	vst.idx.msk $0xffff, v3  }
0x241: {  	v4 =	vadd.s32 v2, v5;
	v3 =	vld [tilespmem:s25+$0xFFFFFFD0];
	_ =	sdelay $0x2  }
0x242: {  	s7 =	sadd.s32 $0x1, s26  }
0x243: {  	v5 =	vmov s7  }
0x244: {  	[tilespmem:v4+s14+$0x0] =	vst.idx.msk $0xffff, v3;
	v3 =	vand.u32 $0x7D, v5  }
0x245: {  	v4 =	vld [tilespmem:s25+$0xFFFFFFE0];
	v5 =	vadd.s32 v0, v3;
	_ =	sdelay $0x4  }
0x246: {  	[tilespmem:v5+s14+$0x0] =	vst.idx.msk $0xffff, v4  }
0x247: {  	v3 =	vadd.s32 v2, v3;
	v4 =	vld [tilespmem:s25+$0xFFFFFFF0];
	_ =	sdelay $0x2  }
0x248: {  	s7 =	sadd.s32 $0x2, s26  }
0x249: {  	v5 =	vmov s7  }
0x24a: {  	[tilespmem:v3+s14+$0x0] =	vst.idx.msk $0xffff, v4;
	v3 =	vand.u32 $0x7E, v5  }
0x24b: {  	v4 =	vld [tilespmem:s25+$0x0];
	v5 =	vadd.s32 v0, v3;
	_ =	sdelay $0x4  }
0x24c: {  	[tilespmem:v5+s14+$0x0] =	vst.idx.msk $0xffff, v4  }
0x24d: {  	v3 =	vadd.s32 v2, v3;
	v4 =	vld [tilespmem:s25+$0x10];
	_ =	sdelay $0x2  }
0x24e: {  	s7 =	sadd.s32 $0x3, s26;
	s26 =	smov.u32 s4  }
0x24f: {  	v5 =	vmov s7  }
0x250: {  	[tilespmem:v3+s14+$0x0] =	vst.idx.msk $0xffff, v4;
	v4 =	vand.u32 $0x7F, v5  }
0x251: {  	v3 =	vld [tilespmem:s25+$0x20];
	v5 =	vadd.s32 v0, v4;
	_ =	sdelay $0x4  }
0x252: {  	[tilespmem:v5+s14+$0x0] =	vst.idx.msk $0xffff, v3  }
.Ltmp4:
0x253: {  	v4 =	vadd.s32 v2, v4;
	v3 =	vld [tilespmem:s25+$0x30];
	(pc) =	sbr.rel @p2 .LBB2_11-.Ltmp4, $2  }
0x254: {  	_ =	sdelay $0x2  }
0x255: {  	s4 =	sadd.s32 $0x4, s4;
	v5 =	vmov s26  }
0x256: {  	_ =	sdelay $0x3  }
0x257: {  	v5 =	vand.u32 $0x7C, v5;
	[tilespmem:v4+s14+$0x0] =	vst.idx.msk $0xffff, v3;
	s4 =	sadd.s32 $0x80, s25  }
0x258: {  	v3 =	vld [tilespmem:s4+$0xFFFFFFC0];
	v4 =	vadd.s32 v0, v5;
	_ =	sdelay $0x4  }
0x259: {  	[tilespmem:v4+s14+$0x0] =	vst.idx.msk $0xffff, v3  }
0x25a: {  	v4 =	vadd.s32 v2, v5;
	v3 =	vld [tilespmem:s4+$0xFFFFFFD0];
	_ =	sdelay $0x2  }
0x25b: {  	s7 =	sadd.s32 $0x1, s26  }
0x25c: {  	v5 =	vmov s7  }
0x25d: {  	[tilespmem:v4+s14+$0x0] =	vst.idx.msk $0xffff, v3;
	v3 =	vand.u32 $0x7D, v5  }
0x25e: {  	v4 =	vld [tilespmem:s4+$0xFFFFFFE0];
	v5 =	vadd.s32 v0, v3;
	_ =	sdelay $0x4  }
0x25f: {  	[tilespmem:v5+s14+$0x0] =	vst.idx.msk $0xffff, v4  }
0x260: {  	v3 =	vadd.s32 v2, v3;
	v4 =	vld [tilespmem:s4+$0xFFFFFFF0];
	_ =	sdelay $0x2  }
0x261: {  	s25 =	sadd.s32 $0x2, s26  }
0x262: {  	v5 =	vmov s25  }
0x263: {  	[tilespmem:v3+s14+$0x0] =	vst.idx.msk $0xffff, v4;
	v3 =	vand.u32 $0x7E, v5  }
0x264: {  	v4 =	vld [tilespmem:s4+$0x0];
	v5 =	vadd.s32 v0, v3;
	_ =	sdelay $0x4  }
0x265: {  	[tilespmem:v5+s14+$0x0] =	vst.idx.msk $0xffff, v4  }
0x266: {  	v3 =	vadd.s32 v2, v3;
	v4 =	vld [tilespmem:s4+$0x10];
	_ =	sdelay $0x2  }
0x267: {  	s26 =	sadd.s32 $0x3, s26  }
0x268: {  	v5 =	vmov s26  }
0x269: {  	[tilespmem:v3+s14+$0x0] =	vst.idx.msk $0xffff, v4;
	v3 =	vand.u32 $0x7F, v5  }
0x26a: {  	v4 =	vld [tilespmem:s4+$0x20];
	v5 =	vadd.s32 v0, v3;
	_ =	sdelay $0x4  }
0x26b: {  	[tilespmem:v5+s14+$0x0] =	vst.idx.msk $0xffff, v4  }
0x26c: {  	v3 =	vadd.s32 v2, v3;
	v4 =	vld [tilespmem:s4+$0x30];
	_ =	sdelay $0x4  }
0x26d: {  	s7 =	simm.s32 @!p1 $0x80;
	s25 =	simm.s32 @!p1 $0x9400;
	s4 =	sadd.s32 @!p1 $0x580, s18;
	[tilespmem:v3+s14+$0x0] =	vst.idx.msk $0xffff, v4  }
0x26e: {  	[tilespmem:s25], [sflag:$0x4] =	stream.indirect.gather @!p1 [hbm4b:s5+s7], $0x20, s4, s7, $0xb8;
	[tilespmem:$0x16C00] =	vst v63  }
0x26f: {  	s4 =	sadd.s32 s1, s9  }
0x270: {  	[hbm4b:s4+s3] =	stream.linear.scatter [tilespmem:s14], [sflag:$0xC], $0x80, $0x38;
	[tilespmem:$0x16C00] =	vst v63  }
0x271: {  	s26 =	simm.s32 $0x11788;
	s25 =	sadd.s32 $0x10, s4  }
0x272: {  	[hbm4b:s25+s3] =	stream.linear.scatter [tilespmem:s26], [sflag:$0xC], $0x80, $0x38;
	[tilespmem:$0x16C00] =	vst v63  }
0x273: {  	s25 =	sadd.s32 $0x20, s4;
	s26 =	simm.s32 $0x11810  }
0x274: {  	[hbm4b:s25+s3] =	stream.linear.scatter [tilespmem:s26], [sflag:$0xC], $0x80, $0x38;
	[tilespmem:$0x16C00] =	vst v63  }
0x275: {  	s25 =	sadd.s32 $0x30, s4;
	s26 =	simm.s32 $0x11898  }
0x276: {  	[hbm4b:s25+s3] =	stream.linear.scatter [tilespmem:s26], [sflag:$0xC], $0x80, $0x38;
	[tilespmem:$0x16C00] =	vst v63  }
0x277: {  	s25 =	sadd.s32 $0x40, s4;
	s26 =	simm.s32 $0x11920  }
0x278: {  	[hbm4b:s25+s3] =	stream.linear.scatter [tilespmem:s26], [sflag:$0xC], $0x80, $0x38;
	[tilespmem:$0x16C00] =	vst v63  }
0x279: {  	s25 =	sadd.s32 $0x50, s4;
	s26 =	simm.s32 $0x119A8  }
0x27a: {  	[hbm4b:s25+s3] =	stream.linear.scatter [tilespmem:s26], [sflag:$0xC], $0x80, $0x38;
	[tilespmem:$0x16C00] =	vst v63  }
0x27b: {  	s25 =	sadd.s32 $0x60, s4;
	s26 =	simm.s32 $0x11A30  }
0x27c: {  	[hbm4b:s25+s3] =	stream.linear.scatter [tilespmem:s26], [sflag:$0xC], $0x80, $0x38;
	[tilespmem:$0x16C00] =	vst v63  }
0x27d: {  	s25 =	sadd.s32 $0x70, s4;
	s26 =	simm.s32 $0x11AB8  }
0x27e: {  	[hbm4b:s25+s3] =	stream.linear.scatter [tilespmem:s26], [sflag:$0xC], $0x80, $0x38;
	[tilespmem:$0x16C00] =	vst v63  }
0x27f: {  	s25 =	sadd.s32 $0x1000, s4;
	s26 =	simm.s32 $0x11B40  }
0x280: {  	[hbm4b:s25+s3] =	stream.linear.scatter [tilespmem:s26], [sflag:$0xC], $0x80, $0x38;
	[tilespmem:$0x16C00] =	vst v63  }
0x281: {  	s25 =	sadd.s32 $0x1010, s4;
	s26 =	simm.s32 $0x11BC8  }
0x282: {  	[hbm4b:s25+s3] =	stream.linear.scatter [tilespmem:s26], [sflag:$0xC], $0x80, $0x38;
	[tilespmem:$0x16C00] =	vst v63  }
0x283: {  	s25 =	sadd.s32 $0x1020, s4;
	s26 =	simm.s32 $0x11C50  }
0x284: {  	[hbm4b:s25+s3] =	stream.linear.scatter [tilespmem:s26], [sflag:$0xC], $0x80, $0x38;
	[tilespmem:$0x16C00] =	vst v63  }
0x285: {  	s25 =	sadd.s32 $0x1030, s4;
	s26 =	simm.s32 $0x11CD8  }
0x286: {  	[hbm4b:s25+s3] =	stream.linear.scatter [tilespmem:s26], [sflag:$0xC], $0x80, $0x38;
	[tilespmem:$0x16C00] =	vst v63  }
0x287: {  	s25 =	sadd.s32 $0x1040, s4;
	s26 =	simm.s32 $0x11D60  }
0x288: {  	[hbm4b:s25+s3] =	stream.linear.scatter [tilespmem:s26], [sflag:$0xC], $0x80, $0x38;
	[tilespmem:$0x16C00] =	vst v63  }
0x289: {  	s25 =	sadd.s32 $0x1050, s4;
	s26 =	simm.s32 $0x11DE8  }
0x28a: {  	[hbm4b:s25+s3] =	stream.linear.scatter [tilespmem:s26], [sflag:$0xC], $0x80, $0x38;
	[tilespmem:$0x16C00] =	vst v63  }
0x28b: {  	s25 =	sadd.s32 $0x1060, s4;
	s26 =	simm.s32 $0x11E70  }
0x28c: {  	[hbm4b:s25+s3] =	stream.linear.scatter [tilespmem:s26], [sflag:$0xC], $0x80, $0x38;
	[tilespmem:$0x16C00] =	vst v63  }
0x28d: {  	s25 =	sadd.s32 $0x1070, s4;
	s26 =	simm.s32 $0x11EF8  }
0x28e: {  	[hbm4b:s25+s3] =	stream.linear.scatter [tilespmem:s26], [sflag:$0xC], $0x80, $0x38;
	[tilespmem:$0x16C00] =	vst v63  }
0x28f: {  	s25 =	sadd.s32 $0x2000, s4;
	s26 =	simm.s32 $0x11F80  }
0x290: {  	[hbm4b:s25+s3] =	stream.linear.scatter [tilespmem:s26], [sflag:$0xC], $0x80, $0x38;
	[tilespmem:$0x16C00] =	vst v63  }
0x291: {  	s25 =	sadd.s32 $0x2010, s4;
	s26 =	simm.s32 $0x12008  }
0x292: {  	[hbm4b:s25+s3] =	stream.linear.scatter [tilespmem:s26], [sflag:$0xC], $0x80, $0x38;
	[tilespmem:$0x16C00] =	vst v63  }
0x293: {  	s25 =	sadd.s32 $0x2020, s4;
	s26 =	simm.s32 $0x12090  }
0x294: {  	[hbm4b:s25+s3] =	stream.linear.scatter [tilespmem:s26], [sflag:$0xC], $0x80, $0x38;
	[tilespmem:$0x16C00] =	vst v63  }
0x295: {  	s25 =	sadd.s32 $0x2030, s4;
	s26 =	simm.s32 $0x12118  }
0x296: {  	[hbm4b:s25+s3] =	stream.linear.scatter [tilespmem:s26], [sflag:$0xC], $0x80, $0x38;
	[tilespmem:$0x16C00] =	vst v63  }
0x297: {  	s25 =	sadd.s32 $0x2040, s4;
	s26 =	simm.s32 $0x121A0  }
0x298: {  	[hbm4b:s25+s3] =	stream.linear.scatter [tilespmem:s26], [sflag:$0xC], $0x80, $0x38;
	[tilespmem:$0x16C00] =	vst v63  }
0x299: {  	s25 =	sadd.s32 $0x2050, s4;
	s26 =	simm.s32 $0x12228  }
0x29a: {  	[hbm4b:s25+s3] =	stream.linear.scatter [tilespmem:s26], [sflag:$0xC], $0x80, $0x38;
	[tilespmem:$0x16C00] =	vst v63  }
0x29b: {  	s25 =	sadd.s32 $0x2060, s4;
	s26 =	simm.s32 $0x122B0  }
0x29c: {  	[hbm4b:s25+s3] =	stream.linear.scatter [tilespmem:s26], [sflag:$0xC], $0x80, $0x38;
	[tilespmem:$0x16C00] =	vst v63  }
0x29d: {  	s25 =	sadd.s32 $0x2070, s4;
	s26 =	simm.s32 $0x12338  }
0x29e: {  	[hbm4b:s25+s3] =	stream.linear.scatter [tilespmem:s26], [sflag:$0xC], $0x80, $0x38;
	[tilespmem:$0x16C00] =	vst v63  }
0x29f: {  	s25 =	sadd.s32 $0x3000, s4;
	s26 =	simm.s32 $0x123C0  }
0x2a0: {  	[hbm4b:s25+s3] =	stream.linear.scatter [tilespmem:s26], [sflag:$0xC], $0x80, $0x38;
	[tilespmem:$0x16C00] =	vst v63  }
0x2a1: {  	s25 =	sadd.s32 $0x3010, s4;
	s26 =	simm.s32 $0x12448  }
0x2a2: {  	[hbm4b:s25+s3] =	stream.linear.scatter [tilespmem:s26], [sflag:$0xC], $0x80, $0x38;
	[tilespmem:$0x16C00] =	vst v63  }
0x2a3: {  	s25 =	sadd.s32 $0x3020, s4;
	s26 =	simm.s32 $0x124D0  }
0x2a4: {  	[hbm4b:s25+s3] =	stream.linear.scatter [tilespmem:s26], [sflag:$0xC], $0x80, $0x38;
	[tilespmem:$0x16C00] =	vst v63  }
0x2a5: {  	s25 =	sadd.s32 $0x3030, s4;
	s26 =	simm.s32 $0x12558  }
0x2a6: {  	[hbm4b:s25+s3] =	stream.linear.scatter [tilespmem:s26], [sflag:$0xC], $0x80, $0x38;
	[tilespmem:$0x16C00] =	vst v63  }
0x2a7: {  	s25 =	sadd.s32 $0x3040, s4;
	s26 =	simm.s32 $0x125E0  }
0x2a8: {  	[hbm4b:s25+s3] =	stream.linear.scatter [tilespmem:s26], [sflag:$0xC], $0x80, $0x38;
	[tilespmem:$0x16C00] =	vst v63  }
0x2a9: {  	s25 =	sadd.s32 $0x3050, s4;
	s26 =	simm.s32 $0x12668  }
0x2aa: {  	[hbm4b:s25+s3] =	stream.linear.scatter [tilespmem:s26], [sflag:$0xC], $0x80, $0x38;
	[tilespmem:$0x16C00] =	vst v63  }
0x2ab: {  	s25 =	sadd.s32 $0x3060, s4;
	s26 =	simm.s32 $0x126F0  }
0x2ac: {  	[hbm4b:s25+s3] =	stream.linear.scatter [tilespmem:s26], [sflag:$0xC], $0x80, $0x38;
	[tilespmem:$0x16C00] =	vst v63  }
0x2ad: {  	s4 =	sadd.s32 $0x3070, s4;
	s26 =	simm.s32 $0x12778  }
0x2ae: {  	[hbm4b:s4+s3] =	stream.linear.scatter [tilespmem:s26], [sflag:$0xC], $0x80, $0x38;
	[tilespmem:$0x16C00] =	vst v63  }
0x2af: {  	_ =	swait.ge [sflag:s21], $0x1000  }
0x2b0: {  	[sflag:s21] =	ssyncset.done $0x0  }
0x2b1: {  	s4 =	simm.s32 @!p0 $0xD;
	[sflag:s21] =	ssyncadd.s32 $0xFFFFF000  }
0x2b2: {  	s25 =	simm.s32 $0x0;
	_ =	swait.ge @!p0 [sflag:s4], $0x1000  }
0x2b3: {  	v3 =	vmov s25;
	[sflag:s4] =	ssyncset.done @!p0 $0x0  }
0x2b4: {  	s25 =	simm.s32 $0xA440;
	v3 =	vand.u32 $0x7C, v3;
	[sflag:s4] =	ssyncadd.s32 @!p0 $0xFFFFF000  }
0x2b5: {  	v5 =	vadd.s32 v0, v3;
	v4 =	vld [tilespmem:s25+$0xFFFFFFC0];
	_ =	sdelay $0x4  }
0x2b6: {  	[tilespmem:v5+s22+$0x0] =	vst.idx.msk $0xffff, v4  }
0x2b7: {  	v3 =	vadd.s32 v2, v3;
	v4 =	vld [tilespmem:s25+$0xFFFFFFD0];
	_ =	sdelay $0x2  }
0x2b8: {  	s26 =	simm.s32 $0x1  }
0x2b9: {  	v5 =	vmov s26  }
0x2ba: {  	[tilespmem:v3+s22+$0x0] =	vst.idx.msk $0xffff, v4;
	v3 =	vand.u32 $0x7D, v5  }
0x2bb: {  	v4 =	vld [tilespmem:s25+$0xFFFFFFE0];
	v5 =	vadd.s32 v0, v3;
	_ =	sdelay $0x4  }
0x2bc: {  	[tilespmem:v5+s22+$0x0] =	vst.idx.msk $0xffff, v4  }
0x2bd: {  	v3 =	vadd.s32 v2, v3;
	v4 =	vld [tilespmem:s25+$0xFFFFFFF0];
	_ =	sdelay $0x2  }
0x2be: {  	s7 =	simm.s32 $0x2  }
0x2bf: {  	v5 =	vmov s7  }
0x2c0: {  	[tilespmem:v3+s22+$0x0] =	vst.idx.msk $0xffff, v4;
	v3 =	vand.u32 $0x7E, v5  }
0x2c1: {  	v4 =	vld [tilespmem:s25+$0x0];
	v5 =	vadd.s32 v0, v3;
	_ =	sdelay $0x4  }
0x2c2: {  	[tilespmem:v5+s22+$0x0] =	vst.idx.msk $0xffff, v4  }
0x2c3: {  	v3 =	vadd.s32 v2, v3;
	v4 =	vld [tilespmem:s25+$0x10];
	_ =	sdelay $0x2  }
0x2c4: {  	s26 =	simm.s32 $0x3  }
0x2c5: {  	v5 =	vmov s26  }
0x2c6: {  	[tilespmem:v3+s22+$0x0] =	vst.idx.msk $0xffff, v4;
	v4 =	vand.u32 $0x7F, v5  }
0x2c7: {  	v3 =	vld [tilespmem:s25+$0x20];
	v5 =	vadd.s32 v0, v4;
	_ =	sdelay $0x4  }
0x2c8: {  	[tilespmem:v5+s22+$0x0] =	vst.idx.msk $0xffff, v3  }
0x2c9: {  	v4 =	vadd.s32 v2, v4;
	v3 =	vld [tilespmem:s25+$0x30];
	_ =	sdelay $0x2  }
0x2ca: {  	s26 =	simm.s32 $0x4  }
0x2cb: {  	s4 =	simm.s32 $0x8;
	v5 =	vmov s26  }
.LBB2_13:
0x2cc: {  	p2 =	sne.s32 s4, $0x7C;
	v5 =	vand.u32 $0x7C, v5;
	[tilespmem:v4+s22+$0x0] =	vst.idx.msk $0xffff, v3;
	s25 =	sadd.s32 $0x80, s25  }
0x2cd: {  	v3 =	vld [tilespmem:s25+$0xFFFFFFC0];
	v4 =	vadd.s32 v0, v5;
	_ =	sdelay $0x4  }
0x2ce: {  	[tilespmem:v4+s22+$0x0] =	vst.idx.msk $0xffff, v3  }
0x2cf: {  	v4 =	vadd.s32 v2, v5;
	v3 =	vld [tilespmem:s25+$0xFFFFFFD0];
	_ =	sdelay $0x2  }
0x2d0: {  	s7 =	sadd.s32 $0x1, s26  }
0x2d1: {  	v5 =	vmov s7  }
0x2d2: {  	[tilespmem:v4+s22+$0x0] =	vst.idx.msk $0xffff, v3;
	v3 =	vand.u32 $0x7D, v5  }
0x2d3: {  	v4 =	vld [tilespmem:s25+$0xFFFFFFE0];
	v5 =	vadd.s32 v0, v3;
	_ =	sdelay $0x4  }
0x2d4: {  	[tilespmem:v5+s22+$0x0] =	vst.idx.msk $0xffff, v4  }
0x2d5: {  	v3 =	vadd.s32 v2, v3;
	v4 =	vld [tilespmem:s25+$0xFFFFFFF0];
	_ =	sdelay $0x2  }
0x2d6: {  	s7 =	sadd.s32 $0x2, s26  }
0x2d7: {  	v5 =	vmov s7  }
0x2d8: {  	[tilespmem:v3+s22+$0x0] =	vst.idx.msk $0xffff, v4;
	v3 =	vand.u32 $0x7E, v5  }
0x2d9: {  	v4 =	vld [tilespmem:s25+$0x0];
	v5 =	vadd.s32 v0, v3;
	_ =	sdelay $0x4  }
0x2da: {  	[tilespmem:v5+s22+$0x0] =	vst.idx.msk $0xffff, v4  }
0x2db: {  	v3 =	vadd.s32 v2, v3;
	v4 =	vld [tilespmem:s25+$0x10];
	_ =	sdelay $0x2  }
0x2dc: {  	s7 =	sadd.s32 $0x3, s26;
	s26 =	smov.u32 s4  }
0x2dd: {  	v5 =	vmov s7  }
0x2de: {  	[tilespmem:v3+s22+$0x0] =	vst.idx.msk $0xffff, v4;
	v4 =	vand.u32 $0x7F, v5  }
0x2df: {  	v3 =	vld [tilespmem:s25+$0x20];
	v5 =	vadd.s32 v0, v4;
	_ =	sdelay $0x4  }
0x2e0: {  	[tilespmem:v5+s22+$0x0] =	vst.idx.msk $0xffff, v3  }
.Ltmp5:
0x2e1: {  	v4 =	vadd.s32 v2, v4;
	v3 =	vld [tilespmem:s25+$0x30];
	(pc) =	sbr.rel @p2 .LBB2_13-.Ltmp5, $2  }
0x2e2: {  	_ =	sdelay $0x2  }
0x2e3: {  	s4 =	sadd.s32 $0x4, s4;
	v5 =	vmov s26  }
0x2e4: {  	_ =	sdelay $0x3  }
0x2e5: {  	v5 =	vand.u32 $0x7C, v5;
	[tilespmem:v4+s22+$0x0] =	vst.idx.msk $0xffff, v3;
	s4 =	sadd.s32 $0x80, s25  }
0x2e6: {  	v3 =	vld [tilespmem:s4+$0xFFFFFFC0];
	v4 =	vadd.s32 v0, v5;
	_ =	sdelay $0x4  }
0x2e7: {  	[tilespmem:v4+s22+$0x0] =	vst.idx.msk $0xffff, v3  }
0x2e8: {  	v4 =	vadd.s32 v2, v5;
	v3 =	vld [tilespmem:s4+$0xFFFFFFD0];
	_ =	sdelay $0x2  }
0x2e9: {  	s7 =	sadd.s32 $0x1, s26  }
0x2ea: {  	v5 =	vmov s7  }
0x2eb: {  	[tilespmem:v4+s22+$0x0] =	vst.idx.msk $0xffff, v3;
	v3 =	vand.u32 $0x7D, v5  }
0x2ec: {  	v4 =	vld [tilespmem:s4+$0xFFFFFFE0];
	v5 =	vadd.s32 v0, v3;
	_ =	sdelay $0x4  }
0x2ed: {  	[tilespmem:v5+s22+$0x0] =	vst.idx.msk $0xffff, v4  }
0x2ee: {  	v3 =	vadd.s32 v2, v3;
	v4 =	vld [tilespmem:s4+$0xFFFFFFF0];
	_ =	sdelay $0x2  }
0x2ef: {  	s25 =	sadd.s32 $0x2, s26  }
0x2f0: {  	v5 =	vmov s25  }
0x2f1: {  	[tilespmem:v3+s22+$0x0] =	vst.idx.msk $0xffff, v4;
	v3 =	vand.u32 $0x7E, v5  }
0x2f2: {  	v4 =	vld [tilespmem:s4+$0x0];
	v5 =	vadd.s32 v0, v3;
	_ =	sdelay $0x4  }
0x2f3: {  	[tilespmem:v5+s22+$0x0] =	vst.idx.msk $0xffff, v4  }
0x2f4: {  	v3 =	vadd.s32 v2, v3;
	v4 =	vld [tilespmem:s4+$0x10];
	_ =	sdelay $0x2  }
0x2f5: {  	s26 =	sadd.s32 $0x3, s26  }
0x2f6: {  	v5 =	vmov s26  }
0x2f7: {  	[tilespmem:v3+s22+$0x0] =	vst.idx.msk $0xffff, v4;
	v3 =	vand.u32 $0x7F, v5  }
0x2f8: {  	v4 =	vld [tilespmem:s4+$0x20];
	v5 =	vadd.s32 v0, v3;
	_ =	sdelay $0x4  }
0x2f9: {  	[tilespmem:v5+s22+$0x0] =	vst.idx.msk $0xffff, v4  }
0x2fa: {  	v3 =	vadd.s32 v2, v3;
	v4 =	vld [tilespmem:s4+$0x30];
	_ =	sdelay $0x4  }
0x2fb: {  	s7 =	simm.s32 @!p1 $0x80;
	s25 =	simm.s32 @!p1 $0xA400;
	s4 =	sadd.s32 @!p1 $0x600, s18;
	[tilespmem:v3+s22+$0x0] =	vst.idx.msk $0xffff, v4  }
0x2fc: {  	[tilespmem:s25], [sflag:$0x5] =	stream.indirect.gather @!p1 [hbm4b:s5+s7], $0x20, s4, s7, $0xb8;
	[tilespmem:$0x16C00] =	vst v63  }
0x2fd: {  	s4 =	sadd.s32 s1, s10  }
0x2fe: {  	[hbm4b:s4+s3] =	stream.linear.scatter [tilespmem:s22], [sflag:$0xD], $0x80, $0x38;
	[tilespmem:$0x16C00] =	vst v63  }
0x2ff: {  	s26 =	simm.s32 $0x12888;
	s25 =	sadd.s32 $0x10, s4  }
0x300: {  	[hbm4b:s25+s3] =	stream.linear.scatter [tilespmem:s26], [sflag:$0xD], $0x80, $0x38;
	[tilespmem:$0x16C00] =	vst v63  }
0x301: {  	s25 =	sadd.s32 $0x20, s4;
	s26 =	simm.s32 $0x12910  }
0x302: {  	[hbm4b:s25+s3] =	stream.linear.scatter [tilespmem:s26], [sflag:$0xD], $0x80, $0x38;
	[tilespmem:$0x16C00] =	vst v63  }
0x303: {  	s25 =	sadd.s32 $0x30, s4;
	s26 =	simm.s32 $0x12998  }
0x304: {  	[hbm4b:s25+s3] =	stream.linear.scatter [tilespmem:s26], [sflag:$0xD], $0x80, $0x38;
	[tilespmem:$0x16C00] =	vst v63  }
0x305: {  	s25 =	sadd.s32 $0x40, s4;
	s26 =	simm.s32 $0x12A20  }
0x306: {  	[hbm4b:s25+s3] =	stream.linear.scatter [tilespmem:s26], [sflag:$0xD], $0x80, $0x38;
	[tilespmem:$0x16C00] =	vst v63  }
0x307: {  	s25 =	sadd.s32 $0x50, s4;
	s26 =	simm.s32 $0x12AA8  }
0x308: {  	[hbm4b:s25+s3] =	stream.linear.scatter [tilespmem:s26], [sflag:$0xD], $0x80, $0x38;
	[tilespmem:$0x16C00] =	vst v63  }
0x309: {  	s25 =	sadd.s32 $0x60, s4;
	s26 =	simm.s32 $0x12B30  }
0x30a: {  	[hbm4b:s25+s3] =	stream.linear.scatter [tilespmem:s26], [sflag:$0xD], $0x80, $0x38;
	[tilespmem:$0x16C00] =	vst v63  }
0x30b: {  	s25 =	sadd.s32 $0x70, s4;
	s26 =	simm.s32 $0x12BB8  }
0x30c: {  	[hbm4b:s25+s3] =	stream.linear.scatter [tilespmem:s26], [sflag:$0xD], $0x80, $0x38;
	[tilespmem:$0x16C00] =	vst v63  }
0x30d: {  	s25 =	sadd.s32 $0x1000, s4;
	s26 =	simm.s32 $0x12C40  }
0x30e: {  	[hbm4b:s25+s3] =	stream.linear.scatter [tilespmem:s26], [sflag:$0xD], $0x80, $0x38;
	[tilespmem:$0x16C00] =	vst v63  }
0x30f: {  	s25 =	sadd.s32 $0x1010, s4;
	s26 =	simm.s32 $0x12CC8  }
0x310: {  	[hbm4b:s25+s3] =	stream.linear.scatter [tilespmem:s26], [sflag:$0xD], $0x80, $0x38;
	[tilespmem:$0x16C00] =	vst v63  }
0x311: {  	s25 =	sadd.s32 $0x1020, s4;
	s26 =	simm.s32 $0x12D50  }
0x312: {  	[hbm4b:s25+s3] =	stream.linear.scatter [tilespmem:s26], [sflag:$0xD], $0x80, $0x38;
	[tilespmem:$0x16C00] =	vst v63  }
0x313: {  	s25 =	sadd.s32 $0x1030, s4;
	s26 =	simm.s32 $0x12DD8  }
0x314: {  	[hbm4b:s25+s3] =	stream.linear.scatter [tilespmem:s26], [sflag:$0xD], $0x80, $0x38;
	[tilespmem:$0x16C00] =	vst v63  }
0x315: {  	s25 =	sadd.s32 $0x1040, s4;
	s26 =	simm.s32 $0x12E60  }
0x316: {  	[hbm4b:s25+s3] =	stream.linear.scatter [tilespmem:s26], [sflag:$0xD], $0x80, $0x38;
	[tilespmem:$0x16C00] =	vst v63  }
0x317: {  	s25 =	sadd.s32 $0x1050, s4;
	s26 =	simm.s32 $0x12EE8  }
0x318: {  	[hbm4b:s25+s3] =	stream.linear.scatter [tilespmem:s26], [sflag:$0xD], $0x80, $0x38;
	[tilespmem:$0x16C00] =	vst v63  }
0x319: {  	s25 =	sadd.s32 $0x1060, s4;
	s26 =	simm.s32 $0x12F70  }
0x31a: {  	[hbm4b:s25+s3] =	stream.linear.scatter [tilespmem:s26], [sflag:$0xD], $0x80, $0x38;
	[tilespmem:$0x16C00] =	vst v63  }
0x31b: {  	s25 =	sadd.s32 $0x1070, s4;
	s26 =	simm.s32 $0x12FF8  }
0x31c: {  	[hbm4b:s25+s3] =	stream.linear.scatter [tilespmem:s26], [sflag:$0xD], $0x80, $0x38;
	[tilespmem:$0x16C00] =	vst v63  }
0x31d: {  	s25 =	sadd.s32 $0x2000, s4;
	s26 =	simm.s32 $0x13080  }
0x31e: {  	[hbm4b:s25+s3] =	stream.linear.scatter [tilespmem:s26], [sflag:$0xD], $0x80, $0x38;
	[tilespmem:$0x16C00] =	vst v63  }
0x31f: {  	s25 =	sadd.s32 $0x2010, s4;
	s26 =	simm.s32 $0x13108  }
0x320: {  	[hbm4b:s25+s3] =	stream.linear.scatter [tilespmem:s26], [sflag:$0xD], $0x80, $0x38;
	[tilespmem:$0x16C00] =	vst v63  }
0x321: {  	s25 =	sadd.s32 $0x2020, s4;
	s26 =	simm.s32 $0x13190  }
0x322: {  	[hbm4b:s25+s3] =	stream.linear.scatter [tilespmem:s26], [sflag:$0xD], $0x80, $0x38;
	[tilespmem:$0x16C00] =	vst v63  }
0x323: {  	s25 =	sadd.s32 $0x2030, s4;
	s26 =	simm.s32 $0x13218  }
0x324: {  	[hbm4b:s25+s3] =	stream.linear.scatter [tilespmem:s26], [sflag:$0xD], $0x80, $0x38;
	[tilespmem:$0x16C00] =	vst v63  }
0x325: {  	s25 =	sadd.s32 $0x2040, s4;
	s26 =	simm.s32 $0x132A0  }
0x326: {  	[hbm4b:s25+s3] =	stream.linear.scatter [tilespmem:s26], [sflag:$0xD], $0x80, $0x38;
	[tilespmem:$0x16C00] =	vst v63  }
0x327: {  	s25 =	sadd.s32 $0x2050, s4;
	s26 =	simm.s32 $0x13328  }
0x328: {  	[hbm4b:s25+s3] =	stream.linear.scatter [tilespmem:s26], [sflag:$0xD], $0x80, $0x38;
	[tilespmem:$0x16C00] =	vst v63  }
0x329: {  	s25 =	sadd.s32 $0x2060, s4;
	s26 =	simm.s32 $0x133B0  }
0x32a: {  	[hbm4b:s25+s3] =	stream.linear.scatter [tilespmem:s26], [sflag:$0xD], $0x80, $0x38;
	[tilespmem:$0x16C00] =	vst v63  }
0x32b: {  	s25 =	sadd.s32 $0x2070, s4;
	s26 =	simm.s32 $0x13438  }
0x32c: {  	[hbm4b:s25+s3] =	stream.linear.scatter [tilespmem:s26], [sflag:$0xD], $0x80, $0x38;
	[tilespmem:$0x16C00] =	vst v63  }
0x32d: {  	s25 =	sadd.s32 $0x3000, s4;
	s26 =	simm.s32 $0x134C0  }
0x32e: {  	[hbm4b:s25+s3] =	stream.linear.scatter [tilespmem:s26], [sflag:$0xD], $0x80, $0x38;
	[tilespmem:$0x16C00] =	vst v63  }
0x32f: {  	s25 =	sadd.s32 $0x3010, s4;
	s26 =	simm.s32 $0x13548  }
0x330: {  	[hbm4b:s25+s3] =	stream.linear.scatter [tilespmem:s26], [sflag:$0xD], $0x80, $0x38;
	[tilespmem:$0x16C00] =	vst v63  }
0x331: {  	s25 =	sadd.s32 $0x3020, s4;
	s26 =	simm.s32 $0x135D0  }
0x332: {  	[hbm4b:s25+s3] =	stream.linear.scatter [tilespmem:s26], [sflag:$0xD], $0x80, $0x38;
	[tilespmem:$0x16C00] =	vst v63  }
0x333: {  	s25 =	sadd.s32 $0x3030, s4;
	s26 =	simm.s32 $0x13658  }
0x334: {  	[hbm4b:s25+s3] =	stream.linear.scatter [tilespmem:s26], [sflag:$0xD], $0x80, $0x38;
	[tilespmem:$0x16C00] =	vst v63  }
0x335: {  	s25 =	sadd.s32 $0x3040, s4;
	s26 =	simm.s32 $0x136E0  }
0x336: {  	[hbm4b:s25+s3] =	stream.linear.scatter [tilespmem:s26], [sflag:$0xD], $0x80, $0x38;
	[tilespmem:$0x16C00] =	vst v63  }
0x337: {  	s25 =	sadd.s32 $0x3050, s4;
	s26 =	simm.s32 $0x13768  }
0x338: {  	[hbm4b:s25+s3] =	stream.linear.scatter [tilespmem:s26], [sflag:$0xD], $0x80, $0x38;
	[tilespmem:$0x16C00] =	vst v63  }
0x339: {  	s25 =	sadd.s32 $0x3060, s4;
	s26 =	simm.s32 $0x137F0  }
0x33a: {  	[hbm4b:s25+s3] =	stream.linear.scatter [tilespmem:s26], [sflag:$0xD], $0x80, $0x38;
	[tilespmem:$0x16C00] =	vst v63  }
0x33b: {  	s4 =	sadd.s32 $0x3070, s4;
	s26 =	simm.s32 $0x13878  }
0x33c: {  	[hbm4b:s4+s3] =	stream.linear.scatter [tilespmem:s26], [sflag:$0xD], $0x80, $0x38;
	[tilespmem:$0x16C00] =	vst v63  }
0x33d: {  	_ =	swait.ge [sflag:s19], $0x1000  }
0x33e: {  	[sflag:s19] =	ssyncset.done $0x0  }
0x33f: {  	s4 =	simm.s32 @!p0 $0xE;
	[sflag:s19] =	ssyncadd.s32 $0xFFFFF000  }
0x340: {  	s25 =	simm.s32 $0x0;
	_ =	swait.ge @!p0 [sflag:s4], $0x1000  }
0x341: {  	v3 =	vmov s25;
	[sflag:s4] =	ssyncset.done @!p0 $0x0  }
0x342: {  	s25 =	simm.s32 $0xB440;
	v3 =	vand.u32 $0x7C, v3;
	[sflag:s4] =	ssyncadd.s32 @!p0 $0xFFFFF000  }
0x343: {  	v5 =	vadd.s32 v0, v3;
	v4 =	vld [tilespmem:s25+$0xFFFFFFC0];
	_ =	sdelay $0x4  }
0x344: {  	[tilespmem:v5+s20+$0x0] =	vst.idx.msk $0xffff, v4  }
0x345: {  	v3 =	vadd.s32 v2, v3;
	v4 =	vld [tilespmem:s25+$0xFFFFFFD0];
	_ =	sdelay $0x2  }
0x346: {  	s26 =	simm.s32 $0x1  }
0x347: {  	v5 =	vmov s26  }
0x348: {  	[tilespmem:v3+s20+$0x0] =	vst.idx.msk $0xffff, v4;
	v3 =	vand.u32 $0x7D, v5  }
0x349: {  	v4 =	vld [tilespmem:s25+$0xFFFFFFE0];
	v5 =	vadd.s32 v0, v3;
	_ =	sdelay $0x4  }
0x34a: {  	[tilespmem:v5+s20+$0x0] =	vst.idx.msk $0xffff, v4  }
0x34b: {  	v3 =	vadd.s32 v2, v3;
	v4 =	vld [tilespmem:s25+$0xFFFFFFF0];
	_ =	sdelay $0x2  }
0x34c: {  	s7 =	simm.s32 $0x2  }
0x34d: {  	v5 =	vmov s7  }
0x34e: {  	[tilespmem:v3+s20+$0x0] =	vst.idx.msk $0xffff, v4;
	v3 =	vand.u32 $0x7E, v5  }
0x34f: {  	v4 =	vld [tilespmem:s25+$0x0];
	v5 =	vadd.s32 v0, v3;
	_ =	sdelay $0x4  }
0x350: {  	[tilespmem:v5+s20+$0x0] =	vst.idx.msk $0xffff, v4  }
0x351: {  	v3 =	vadd.s32 v2, v3;
	v4 =	vld [tilespmem:s25+$0x10];
	_ =	sdelay $0x2  }
0x352: {  	s26 =	simm.s32 $0x3  }
0x353: {  	v5 =	vmov s26  }
0x354: {  	[tilespmem:v3+s20+$0x0] =	vst.idx.msk $0xffff, v4;
	v4 =	vand.u32 $0x7F, v5  }
0x355: {  	v3 =	vld [tilespmem:s25+$0x20];
	v5 =	vadd.s32 v0, v4;
	_ =	sdelay $0x4  }
0x356: {  	[tilespmem:v5+s20+$0x0] =	vst.idx.msk $0xffff, v3  }
0x357: {  	v4 =	vadd.s32 v2, v4;
	v3 =	vld [tilespmem:s25+$0x30];
	_ =	sdelay $0x2  }
0x358: {  	s26 =	simm.s32 $0x4  }
0x359: {  	s4 =	simm.s32 $0x8;
	v5 =	vmov s26  }
.LBB2_15:
0x35a: {  	p2 =	sne.s32 s4, $0x7C;
	v5 =	vand.u32 $0x7C, v5;
	[tilespmem:v4+s20+$0x0] =	vst.idx.msk $0xffff, v3;
	s25 =	sadd.s32 $0x80, s25  }
0x35b: {  	v3 =	vld [tilespmem:s25+$0xFFFFFFC0];
	v4 =	vadd.s32 v0, v5;
	_ =	sdelay $0x4  }
0x35c: {  	[tilespmem:v4+s20+$0x0] =	vst.idx.msk $0xffff, v3  }
0x35d: {  	v4 =	vadd.s32 v2, v5;
	v3 =	vld [tilespmem:s25+$0xFFFFFFD0];
	_ =	sdelay $0x2  }
0x35e: {  	s7 =	sadd.s32 $0x1, s26  }
0x35f: {  	v5 =	vmov s7  }
0x360: {  	[tilespmem:v4+s20+$0x0] =	vst.idx.msk $0xffff, v3;
	v3 =	vand.u32 $0x7D, v5  }
0x361: {  	v4 =	vld [tilespmem:s25+$0xFFFFFFE0];
	v5 =	vadd.s32 v0, v3;
	_ =	sdelay $0x4  }
0x362: {  	[tilespmem:v5+s20+$0x0] =	vst.idx.msk $0xffff, v4  }
0x363: {  	v3 =	vadd.s32 v2, v3;
	v4 =	vld [tilespmem:s25+$0xFFFFFFF0];
	_ =	sdelay $0x2  }
0x364: {  	s7 =	sadd.s32 $0x2, s26  }
0x365: {  	v5 =	vmov s7  }
0x366: {  	[tilespmem:v3+s20+$0x0] =	vst.idx.msk $0xffff, v4;
	v3 =	vand.u32 $0x7E, v5  }
0x367: {  	v4 =	vld [tilespmem:s25+$0x0];
	v5 =	vadd.s32 v0, v3;
	_ =	sdelay $0x4  }
0x368: {  	[tilespmem:v5+s20+$0x0] =	vst.idx.msk $0xffff, v4  }
0x369: {  	v3 =	vadd.s32 v2, v3;
	v4 =	vld [tilespmem:s25+$0x10];
	_ =	sdelay $0x2  }
0x36a: {  	s7 =	sadd.s32 $0x3, s26;
	s26 =	smov.u32 s4  }
0x36b: {  	v5 =	vmov s7  }
0x36c: {  	[tilespmem:v3+s20+$0x0] =	vst.idx.msk $0xffff, v4;
	v4 =	vand.u32 $0x7F, v5  }
0x36d: {  	v3 =	vld [tilespmem:s25+$0x20];
	v5 =	vadd.s32 v0, v4;
	_ =	sdelay $0x4  }
0x36e: {  	[tilespmem:v5+s20+$0x0] =	vst.idx.msk $0xffff, v3  }
.Ltmp6:
0x36f: {  	v4 =	vadd.s32 v2, v4;
	v3 =	vld [tilespmem:s25+$0x30];
	(pc) =	sbr.rel @p2 .LBB2_15-.Ltmp6, $2  }
0x370: {  	_ =	sdelay $0x2  }
0x371: {  	s4 =	sadd.s32 $0x4, s4;
	v5 =	vmov s26  }
0x372: {  	_ =	sdelay $0x3  }
0x373: {  	v5 =	vand.u32 $0x7C, v5;
	[tilespmem:v4+s20+$0x0] =	vst.idx.msk $0xffff, v3;
	s4 =	sadd.s32 $0x80, s25  }
0x374: {  	v3 =	vld [tilespmem:s4+$0xFFFFFFC0];
	v4 =	vadd.s32 v0, v5;
	_ =	sdelay $0x4  }
0x375: {  	[tilespmem:v4+s20+$0x0] =	vst.idx.msk $0xffff, v3  }
0x376: {  	v4 =	vadd.s32 v2, v5;
	v3 =	vld [tilespmem:s4+$0xFFFFFFD0];
	_ =	sdelay $0x2  }
0x377: {  	s7 =	sadd.s32 $0x1, s26  }
0x378: {  	v5 =	vmov s7  }
0x379: {  	[tilespmem:v4+s20+$0x0] =	vst.idx.msk $0xffff, v3;
	v3 =	vand.u32 $0x7D, v5  }
0x37a: {  	v4 =	vld [tilespmem:s4+$0xFFFFFFE0];
	v5 =	vadd.s32 v0, v3;
	_ =	sdelay $0x4  }
0x37b: {  	[tilespmem:v5+s20+$0x0] =	vst.idx.msk $0xffff, v4  }
0x37c: {  	v3 =	vadd.s32 v2, v3;
	v4 =	vld [tilespmem:s4+$0xFFFFFFF0];
	_ =	sdelay $0x2  }
0x37d: {  	s25 =	sadd.s32 $0x2, s26  }
0x37e: {  	v5 =	vmov s25  }
0x37f: {  	[tilespmem:v3+s20+$0x0] =	vst.idx.msk $0xffff, v4;
	v3 =	vand.u32 $0x7E, v5  }
0x380: {  	v4 =	vld [tilespmem:s4+$0x0];
	v5 =	vadd.s32 v0, v3;
	_ =	sdelay $0x4  }
0x381: {  	[tilespmem:v5+s20+$0x0] =	vst.idx.msk $0xffff, v4  }
0x382: {  	v3 =	vadd.s32 v2, v3;
	v4 =	vld [tilespmem:s4+$0x10];
	_ =	sdelay $0x2  }
0x383: {  	s26 =	sadd.s32 $0x3, s26  }
0x384: {  	v5 =	vmov s26  }
0x385: {  	[tilespmem:v3+s20+$0x0] =	vst.idx.msk $0xffff, v4;
	v3 =	vand.u32 $0x7F, v5  }
0x386: {  	v4 =	vld [tilespmem:s4+$0x20];
	v5 =	vadd.s32 v0, v3;
	_ =	sdelay $0x4  }
0x387: {  	[tilespmem:v5+s20+$0x0] =	vst.idx.msk $0xffff, v4  }
0x388: {  	v3 =	vadd.s32 v2, v3;
	v4 =	vld [tilespmem:s4+$0x30];
	_ =	sdelay $0x4  }
0x389: {  	s7 =	simm.s32 @!p1 $0x80;
	s25 =	simm.s32 @!p1 $0xB400;
	s4 =	sadd.s32 @!p1 $0x680, s18;
	[tilespmem:v3+s20+$0x0] =	vst.idx.msk $0xffff, v4  }
0x38a: {  	[tilespmem:s25], [sflag:$0x6] =	stream.indirect.gather @!p1 [hbm4b:s5+s7], $0x20, s4, s7, $0xb8;
	[tilespmem:$0x16C00] =	vst v63  }
0x38b: {  	s4 =	sadd.s32 s1, s11  }
0x38c: {  	[hbm4b:s4+s3] =	stream.linear.scatter [tilespmem:s20], [sflag:$0xE], $0x80, $0x38;
	[tilespmem:$0x16C00] =	vst v63  }
0x38d: {  	s26 =	simm.s32 $0x13988;
	s25 =	sadd.s32 $0x10, s4  }
0x38e: {  	[hbm4b:s25+s3] =	stream.linear.scatter [tilespmem:s26], [sflag:$0xE], $0x80, $0x38;
	[tilespmem:$0x16C00] =	vst v63  }
0x38f: {  	s25 =	sadd.s32 $0x20, s4;
	s26 =	simm.s32 $0x13A10  }
0x390: {  	[hbm4b:s25+s3] =	stream.linear.scatter [tilespmem:s26], [sflag:$0xE], $0x80, $0x38;
	[tilespmem:$0x16C00] =	vst v63  }
0x391: {  	s25 =	sadd.s32 $0x30, s4;
	s26 =	simm.s32 $0x13A98  }
0x392: {  	[hbm4b:s25+s3] =	stream.linear.scatter [tilespmem:s26], [sflag:$0xE], $0x80, $0x38;
	[tilespmem:$0x16C00] =	vst v63  }
0x393: {  	s25 =	sadd.s32 $0x40, s4;
	s26 =	simm.s32 $0x13B20  }
0x394: {  	[hbm4b:s25+s3] =	stream.linear.scatter [tilespmem:s26], [sflag:$0xE], $0x80, $0x38;
	[tilespmem:$0x16C00] =	vst v63  }
0x395: {  	s25 =	sadd.s32 $0x50, s4;
	s26 =	simm.s32 $0x13BA8  }
0x396: {  	[hbm4b:s25+s3] =	stream.linear.scatter [tilespmem:s26], [sflag:$0xE], $0x80, $0x38;
	[tilespmem:$0x16C00] =	vst v63  }
0x397: {  	s25 =	sadd.s32 $0x60, s4;
	s26 =	simm.s32 $0x13C30  }
0x398: {  	[hbm4b:s25+s3] =	stream.linear.scatter [tilespmem:s26], [sflag:$0xE], $0x80, $0x38;
	[tilespmem:$0x16C00] =	vst v63  }
0x399: {  	s25 =	sadd.s32 $0x70, s4;
	s26 =	simm.s32 $0x13CB8  }
0x39a: {  	[hbm4b:s25+s3] =	stream.linear.scatter [tilespmem:s26], [sflag:$0xE], $0x80, $0x38;
	[tilespmem:$0x16C00] =	vst v63  }
0x39b: {  	s25 =	sadd.s32 $0x1000, s4;
	s26 =	simm.s32 $0x13D40  }
0x39c: {  	[hbm4b:s25+s3] =	stream.linear.scatter [tilespmem:s26], [sflag:$0xE], $0x80, $0x38;
	[tilespmem:$0x16C00] =	vst v63  }
0x39d: {  	s25 =	sadd.s32 $0x1010, s4;
	s26 =	simm.s32 $0x13DC8  }
0x39e: {  	[hbm4b:s25+s3] =	stream.linear.scatter [tilespmem:s26], [sflag:$0xE], $0x80, $0x38;
	[tilespmem:$0x16C00] =	vst v63  }
0x39f: {  	s25 =	sadd.s32 $0x1020, s4;
	s26 =	simm.s32 $0x13E50  }
0x3a0: {  	[hbm4b:s25+s3] =	stream.linear.scatter [tilespmem:s26], [sflag:$0xE], $0x80, $0x38;
	[tilespmem:$0x16C00] =	vst v63  }
0x3a1: {  	s25 =	sadd.s32 $0x1030, s4;
	s26 =	simm.s32 $0x13ED8  }
0x3a2: {  	[hbm4b:s25+s3] =	stream.linear.scatter [tilespmem:s26], [sflag:$0xE], $0x80, $0x38;
	[tilespmem:$0x16C00] =	vst v63  }
0x3a3: {  	s25 =	sadd.s32 $0x1040, s4;
	s26 =	simm.s32 $0x13F60  }
0x3a4: {  	[hbm4b:s25+s3] =	stream.linear.scatter [tilespmem:s26], [sflag:$0xE], $0x80, $0x38;
	[tilespmem:$0x16C00] =	vst v63  }
0x3a5: {  	s25 =	sadd.s32 $0x1050, s4;
	s26 =	simm.s32 $0x13FE8  }
0x3a6: {  	[hbm4b:s25+s3] =	stream.linear.scatter [tilespmem:s26], [sflag:$0xE], $0x80, $0x38;
	[tilespmem:$0x16C00] =	vst v63  }
0x3a7: {  	s25 =	sadd.s32 $0x1060, s4;
	s26 =	simm.s32 $0x14070  }
0x3a8: {  	[hbm4b:s25+s3] =	stream.linear.scatter [tilespmem:s26], [sflag:$0xE], $0x80, $0x38;
	[tilespmem:$0x16C00] =	vst v63  }
0x3a9: {  	s25 =	sadd.s32 $0x1070, s4;
	s26 =	simm.s32 $0x140F8  }
0x3aa: {  	[hbm4b:s25+s3] =	stream.linear.scatter [tilespmem:s26], [sflag:$0xE], $0x80, $0x38;
	[tilespmem:$0x16C00] =	vst v63  }
0x3ab: {  	s25 =	sadd.s32 $0x2000, s4;
	s26 =	simm.s32 $0x14180  }
0x3ac: {  	[hbm4b:s25+s3] =	stream.linear.scatter [tilespmem:s26], [sflag:$0xE], $0x80, $0x38;
	[tilespmem:$0x16C00] =	vst v63  }
0x3ad: {  	s25 =	sadd.s32 $0x2010, s4;
	s26 =	simm.s32 $0x14208  }
0x3ae: {  	[hbm4b:s25+s3] =	stream.linear.scatter [tilespmem:s26], [sflag:$0xE], $0x80, $0x38;
	[tilespmem:$0x16C00] =	vst v63  }
0x3af: {  	s25 =	sadd.s32 $0x2020, s4;
	s26 =	simm.s32 $0x14290  }
0x3b0: {  	[hbm4b:s25+s3] =	stream.linear.scatter [tilespmem:s26], [sflag:$0xE], $0x80, $0x38;
	[tilespmem:$0x16C00] =	vst v63  }
0x3b1: {  	s25 =	sadd.s32 $0x2030, s4;
	s26 =	simm.s32 $0x14318  }
0x3b2: {  	[hbm4b:s25+s3] =	stream.linear.scatter [tilespmem:s26], [sflag:$0xE], $0x80, $0x38;
	[tilespmem:$0x16C00] =	vst v63  }
0x3b3: {  	s25 =	sadd.s32 $0x2040, s4;
	s26 =	simm.s32 $0x143A0  }
0x3b4: {  	[hbm4b:s25+s3] =	stream.linear.scatter [tilespmem:s26], [sflag:$0xE], $0x80, $0x38;
	[tilespmem:$0x16C00] =	vst v63  }
0x3b5: {  	s25 =	sadd.s32 $0x2050, s4;
	s26 =	simm.s32 $0x14428  }
0x3b6: {  	[hbm4b:s25+s3] =	stream.linear.scatter [tilespmem:s26], [sflag:$0xE], $0x80, $0x38;
	[tilespmem:$0x16C00] =	vst v63  }
0x3b7: {  	s25 =	sadd.s32 $0x2060, s4;
	s26 =	simm.s32 $0x144B0  }
0x3b8: {  	[hbm4b:s25+s3] =	stream.linear.scatter [tilespmem:s26], [sflag:$0xE], $0x80, $0x38;
	[tilespmem:$0x16C00] =	vst v63  }
0x3b9: {  	s25 =	sadd.s32 $0x2070, s4;
	s26 =	simm.s32 $0x14538  }
0x3ba: {  	[hbm4b:s25+s3] =	stream.linear.scatter [tilespmem:s26], [sflag:$0xE], $0x80, $0x38;
	[tilespmem:$0x16C00] =	vst v63  }
0x3bb: {  	s25 =	sadd.s32 $0x3000, s4;
	s26 =	simm.s32 $0x145C0  }
0x3bc: {  	[hbm4b:s25+s3] =	stream.linear.scatter [tilespmem:s26], [sflag:$0xE], $0x80, $0x38;
	[tilespmem:$0x16C00] =	vst v63  }
0x3bd: {  	s25 =	sadd.s32 $0x3010, s4;
	s26 =	simm.s32 $0x14648  }
0x3be: {  	[hbm4b:s25+s3] =	stream.linear.scatter [tilespmem:s26], [sflag:$0xE], $0x80, $0x38;
	[tilespmem:$0x16C00] =	vst v63  }
0x3bf: {  	s25 =	sadd.s32 $0x3020, s4;
	s26 =	simm.s32 $0x146D0  }
0x3c0: {  	[hbm4b:s25+s3] =	stream.linear.scatter [tilespmem:s26], [sflag:$0xE], $0x80, $0x38;
	[tilespmem:$0x16C00] =	vst v63  }
0x3c1: {  	s25 =	sadd.s32 $0x3030, s4;
	s26 =	simm.s32 $0x14758  }
0x3c2: {  	[hbm4b:s25+s3] =	stream.linear.scatter [tilespmem:s26], [sflag:$0xE], $0x80, $0x38;
	[tilespmem:$0x16C00] =	vst v63  }
0x3c3: {  	s25 =	sadd.s32 $0x3040, s4;
	s26 =	simm.s32 $0x147E0  }
0x3c4: {  	[hbm4b:s25+s3] =	stream.linear.scatter [tilespmem:s26], [sflag:$0xE], $0x80, $0x38;
	[tilespmem:$0x16C00] =	vst v63  }
0x3c5: {  	s25 =	sadd.s32 $0x3050, s4;
	s26 =	simm.s32 $0x14868  }
0x3c6: {  	[hbm4b:s25+s3] =	stream.linear.scatter [tilespmem:s26], [sflag:$0xE], $0x80, $0x38;
	[tilespmem:$0x16C00] =	vst v63  }
0x3c7: {  	s25 =	sadd.s32 $0x3060, s4;
	s26 =	simm.s32 $0x148F0  }
0x3c8: {  	[hbm4b:s25+s3] =	stream.linear.scatter [tilespmem:s26], [sflag:$0xE], $0x80, $0x38;
	[tilespmem:$0x16C00] =	vst v63  }
0x3c9: {  	s4 =	sadd.s32 $0x3070, s4;
	s26 =	simm.s32 $0x14978  }
0x3ca: {  	[hbm4b:s4+s3] =	stream.linear.scatter [tilespmem:s26], [sflag:$0xE], $0x80, $0x38;
	[tilespmem:$0x16C00] =	vst v63  }
0x3cb: {  	_ =	swait.ge [sflag:s28], $0x1000  }
0x3cc: {  	[sflag:s28] =	ssyncset.done $0x0  }
0x3cd: {  	s4 =	simm.s32 @!p0 $0xF;
	[sflag:s28] =	ssyncadd.s32 $0xFFFFF000  }
0x3ce: {  	s25 =	simm.s32 $0x0;
	_ =	swait.ge @!p0 [sflag:s4], $0x1000  }
0x3cf: {  	v3 =	vmov s25;
	[sflag:s4] =	ssyncset.done @!p0 $0x0  }
0x3d0: {  	s25 =	simm.s32 $0xC440;
	v3 =	vand.u32 $0x7C, v3;
	[sflag:s4] =	ssyncadd.s32 @!p0 $0xFFFFF000  }
0x3d1: {  	v5 =	vadd.s32 v0, v3;
	v4 =	vld [tilespmem:s25+$0xFFFFFFC0];
	_ =	sdelay $0x4  }
0x3d2: {  	[tilespmem:v5+s31+$0x0] =	vst.idx.msk $0xffff, v4  }
0x3d3: {  	v3 =	vadd.s32 v2, v3;
	v4 =	vld [tilespmem:s25+$0xFFFFFFD0];
	_ =	sdelay $0x2  }
0x3d4: {  	s26 =	simm.s32 $0x1  }
0x3d5: {  	v5 =	vmov s26  }
0x3d6: {  	[tilespmem:v3+s31+$0x0] =	vst.idx.msk $0xffff, v4;
	v3 =	vand.u32 $0x7D, v5  }
0x3d7: {  	v4 =	vld [tilespmem:s25+$0xFFFFFFE0];
	v5 =	vadd.s32 v0, v3;
	_ =	sdelay $0x4  }
0x3d8: {  	[tilespmem:v5+s31+$0x0] =	vst.idx.msk $0xffff, v4  }
0x3d9: {  	v3 =	vadd.s32 v2, v3;
	v4 =	vld [tilespmem:s25+$0xFFFFFFF0];
	_ =	sdelay $0x2  }
0x3da: {  	s7 =	simm.s32 $0x2  }
0x3db: {  	v5 =	vmov s7  }
0x3dc: {  	[tilespmem:v3+s31+$0x0] =	vst.idx.msk $0xffff, v4;
	v3 =	vand.u32 $0x7E, v5  }
0x3dd: {  	v4 =	vld [tilespmem:s25+$0x0];
	v5 =	vadd.s32 v0, v3;
	_ =	sdelay $0x4  }
0x3de: {  	[tilespmem:v5+s31+$0x0] =	vst.idx.msk $0xffff, v4  }
0x3df: {  	v3 =	vadd.s32 v2, v3;
	v4 =	vld [tilespmem:s25+$0x10];
	_ =	sdelay $0x2  }
0x3e0: {  	s26 =	simm.s32 $0x3  }
0x3e1: {  	v5 =	vmov s26  }
0x3e2: {  	[tilespmem:v3+s31+$0x0] =	vst.idx.msk $0xffff, v4;
	v4 =	vand.u32 $0x7F, v5  }
0x3e3: {  	v3 =	vld [tilespmem:s25+$0x20];
	v5 =	vadd.s32 v0, v4;
	_ =	sdelay $0x4  }
0x3e4: {  	[tilespmem:v5+s31+$0x0] =	vst.idx.msk $0xffff, v3  }
0x3e5: {  	v4 =	vadd.s32 v2, v4;
	v3 =	vld [tilespmem:s25+$0x30];
	_ =	sdelay $0x2  }
0x3e6: {  	s26 =	simm.s32 $0x4  }
0x3e7: {  	s4 =	simm.s32 $0x8;
	v5 =	vmov s26  }
.LBB2_17:
0x3e8: {  	p2 =	sne.s32 s4, $0x7C;
	v5 =	vand.u32 $0x7C, v5;
	[tilespmem:v4+s31+$0x0] =	vst.idx.msk $0xffff, v3;
	s25 =	sadd.s32 $0x80, s25  }
0x3e9: {  	v3 =	vld [tilespmem:s25+$0xFFFFFFC0];
	v4 =	vadd.s32 v0, v5;
	_ =	sdelay $0x4  }
0x3ea: {  	[tilespmem:v4+s31+$0x0] =	vst.idx.msk $0xffff, v3  }
0x3eb: {  	v4 =	vadd.s32 v2, v5;
	v3 =	vld [tilespmem:s25+$0xFFFFFFD0];
	_ =	sdelay $0x2  }
0x3ec: {  	s7 =	sadd.s32 $0x1, s26  }
0x3ed: {  	v5 =	vmov s7  }
0x3ee: {  	[tilespmem:v4+s31+$0x0] =	vst.idx.msk $0xffff, v3;
	v3 =	vand.u32 $0x7D, v5  }
0x3ef: {  	v4 =	vld [tilespmem:s25+$0xFFFFFFE0];
	v5 =	vadd.s32 v0, v3;
	_ =	sdelay $0x4  }
0x3f0: {  	[tilespmem:v5+s31+$0x0] =	vst.idx.msk $0xffff, v4  }
0x3f1: {  	v3 =	vadd.s32 v2, v3;
	v4 =	vld [tilespmem:s25+$0xFFFFFFF0];
	_ =	sdelay $0x2  }
0x3f2: {  	s7 =	sadd.s32 $0x2, s26  }
0x3f3: {  	v5 =	vmov s7  }
0x3f4: {  	[tilespmem:v3+s31+$0x0] =	vst.idx.msk $0xffff, v4;
	v3 =	vand.u32 $0x7E, v5  }
0x3f5: {  	v4 =	vld [tilespmem:s25+$0x0];
	v5 =	vadd.s32 v0, v3;
	_ =	sdelay $0x4  }
0x3f6: {  	[tilespmem:v5+s31+$0x0] =	vst.idx.msk $0xffff, v4  }
0x3f7: {  	v3 =	vadd.s32 v2, v3;
	v4 =	vld [tilespmem:s25+$0x10];
	_ =	sdelay $0x2  }
0x3f8: {  	s7 =	sadd.s32 $0x3, s26;
	s26 =	smov.u32 s4  }
0x3f9: {  	v5 =	vmov s7  }
0x3fa: {  	[tilespmem:v3+s31+$0x0] =	vst.idx.msk $0xffff, v4;
	v4 =	vand.u32 $0x7F, v5  }
0x3fb: {  	v3 =	vld [tilespmem:s25+$0x20];
	v5 =	vadd.s32 v0, v4;
	_ =	sdelay $0x4  }
0x3fc: {  	[tilespmem:v5+s31+$0x0] =	vst.idx.msk $0xffff, v3  }
.Ltmp7:
0x3fd: {  	v4 =	vadd.s32 v2, v4;
	v3 =	vld [tilespmem:s25+$0x30];
	(pc) =	sbr.rel @p2 .LBB2_17-.Ltmp7, $2  }
0x3fe: {  	_ =	sdelay $0x2  }
0x3ff: {  	s4 =	sadd.s32 $0x4, s4;
	v5 =	vmov s26  }
0x400: {  	_ =	sdelay $0x3  }
0x401: {  	v5 =	vand.u32 $0x7C, v5;
	[tilespmem:v4+s31+$0x0] =	vst.idx.msk $0xffff, v3;
	s4 =	sadd.s32 $0x80, s25  }
0x402: {  	v3 =	vld [tilespmem:s4+$0xFFFFFFC0];
	v4 =	vadd.s32 v0, v5;
	_ =	sdelay $0x4  }
0x403: {  	[tilespmem:v4+s31+$0x0] =	vst.idx.msk $0xffff, v3  }
0x404: {  	v4 =	vadd.s32 v2, v5;
	v3 =	vld [tilespmem:s4+$0xFFFFFFD0];
	_ =	sdelay $0x2  }
0x405: {  	s7 =	sadd.s32 $0x1, s26  }
0x406: {  	v5 =	vmov s7  }
0x407: {  	[tilespmem:v4+s31+$0x0] =	vst.idx.msk $0xffff, v3;
	v3 =	vand.u32 $0x7D, v5  }
0x408: {  	v4 =	vld [tilespmem:s4+$0xFFFFFFE0];
	v5 =	vadd.s32 v0, v3;
	_ =	sdelay $0x4  }
0x409: {  	[tilespmem:v5+s31+$0x0] =	vst.idx.msk $0xffff, v4  }
0x40a: {  	v3 =	vadd.s32 v2, v3;
	v4 =	vld [tilespmem:s4+$0xFFFFFFF0];
	_ =	sdelay $0x2  }
0x40b: {  	s25 =	sadd.s32 $0x2, s26  }
0x40c: {  	v5 =	vmov s25  }
0x40d: {  	[tilespmem:v3+s31+$0x0] =	vst.idx.msk $0xffff, v4;
	v3 =	vand.u32 $0x7E, v5  }
0x40e: {  	v4 =	vld [tilespmem:s4+$0x0];
	v5 =	vadd.s32 v0, v3;
	_ =	sdelay $0x4  }
0x40f: {  	[tilespmem:v5+s31+$0x0] =	vst.idx.msk $0xffff, v4  }
0x410: {  	v3 =	vadd.s32 v2, v3;
	v4 =	vld [tilespmem:s4+$0x10];
	_ =	sdelay $0x2  }
0x411: {  	s26 =	sadd.s32 $0x3, s26  }
0x412: {  	v5 =	vmov s26  }
0x413: {  	[tilespmem:v3+s31+$0x0] =	vst.idx.msk $0xffff, v4;
	v3 =	vand.u32 $0x7F, v5  }
0x414: {  	v4 =	vld [tilespmem:s4+$0x20];
	v5 =	vadd.s32 v0, v3;
	_ =	sdelay $0x4  }
0x415: {  	[tilespmem:v5+s31+$0x0] =	vst.idx.msk $0xffff, v4  }
0x416: {  	v3 =	vadd.s32 v2, v3;
	v4 =	vld [tilespmem:s4+$0x30];
	_ =	sdelay $0x4  }
0x417: {  	s7 =	simm.s32 @!p1 $0x80;
	s25 =	simm.s32 @!p1 $0xC400;
	s4 =	sadd.s32 @!p1 $0x700, s18;
	[tilespmem:v3+s31+$0x0] =	vst.idx.msk $0xffff, v4  }
0x418: {  	[tilespmem:s25], [sflag:$0x7] =	stream.indirect.gather @!p1 [hbm4b:s5+s7], $0x20, s4, s7, $0xb8;
	[tilespmem:$0x16C00] =	vst v63  }
0x419: {  	s4 =	sadd.s32 s1, s12  }
0x41a: {  	[hbm4b:s4+s3] =	stream.linear.scatter [tilespmem:s31], [sflag:$0xF], $0x80, $0x38;
	[tilespmem:$0x16C00] =	vst v63  }
0x41b: {  	s26 =	simm.s32 $0x14A88;
	s25 =	sadd.s32 $0x10, s4  }
0x41c: {  	[hbm4b:s25+s3] =	stream.linear.scatter [tilespmem:s26], [sflag:$0xF], $0x80, $0x38;
	[tilespmem:$0x16C00] =	vst v63  }
0x41d: {  	s25 =	sadd.s32 $0x20, s4;
	s26 =	simm.s32 $0x14B10  }
0x41e: {  	[hbm4b:s25+s3] =	stream.linear.scatter [tilespmem:s26], [sflag:$0xF], $0x80, $0x38;
	[tilespmem:$0x16C00] =	vst v63  }
0x41f: {  	s25 =	sadd.s32 $0x30, s4;
	s26 =	simm.s32 $0x14B98  }
0x420: {  	[hbm4b:s25+s3] =	stream.linear.scatter [tilespmem:s26], [sflag:$0xF], $0x80, $0x38;
	[tilespmem:$0x16C00] =	vst v63  }
0x421: {  	s25 =	sadd.s32 $0x40, s4;
	s26 =	simm.s32 $0x14C20  }
0x422: {  	[hbm4b:s25+s3] =	stream.linear.scatter [tilespmem:s26], [sflag:$0xF], $0x80, $0x38;
	[tilespmem:$0x16C00] =	vst v63  }
0x423: {  	s25 =	sadd.s32 $0x50, s4;
	s26 =	simm.s32 $0x14CA8  }
0x424: {  	[hbm4b:s25+s3] =	stream.linear.scatter [tilespmem:s26], [sflag:$0xF], $0x80, $0x38;
	[tilespmem:$0x16C00] =	vst v63  }
0x425: {  	s25 =	sadd.s32 $0x60, s4;
	s26 =	simm.s32 $0x14D30  }
0x426: {  	[hbm4b:s25+s3] =	stream.linear.scatter [tilespmem:s26], [sflag:$0xF], $0x80, $0x38;
	[tilespmem:$0x16C00] =	vst v63  }
0x427: {  	s25 =	sadd.s32 $0x70, s4;
	s26 =	simm.s32 $0x14DB8  }
0x428: {  	[hbm4b:s25+s3] =	stream.linear.scatter [tilespmem:s26], [sflag:$0xF], $0x80, $0x38;
	[tilespmem:$0x16C00] =	vst v63  }
0x429: {  	s25 =	sadd.s32 $0x1000, s4;
	s26 =	simm.s32 $0x14E40  }
0x42a: {  	[hbm4b:s25+s3] =	stream.linear.scatter [tilespmem:s26], [sflag:$0xF], $0x80, $0x38;
	[tilespmem:$0x16C00] =	vst v63  }
0x42b: {  	s25 =	sadd.s32 $0x1010, s4;
	s26 =	simm.s32 $0x14EC8  }
0x42c: {  	[hbm4b:s25+s3] =	stream.linear.scatter [tilespmem:s26], [sflag:$0xF], $0x80, $0x38;
	[tilespmem:$0x16C00] =	vst v63  }
0x42d: {  	s25 =	sadd.s32 $0x1020, s4;
	s26 =	simm.s32 $0x14F50  }
0x42e: {  	[hbm4b:s25+s3] =	stream.linear.scatter [tilespmem:s26], [sflag:$0xF], $0x80, $0x38;
	[tilespmem:$0x16C00] =	vst v63  }
0x42f: {  	s25 =	sadd.s32 $0x1030, s4;
	s26 =	simm.s32 $0x14FD8  }
0x430: {  	[hbm4b:s25+s3] =	stream.linear.scatter [tilespmem:s26], [sflag:$0xF], $0x80, $0x38;
	[tilespmem:$0x16C00] =	vst v63  }
0x431: {  	s25 =	sadd.s32 $0x1040, s4;
	s26 =	simm.s32 $0x15060  }
0x432: {  	[hbm4b:s25+s3] =	stream.linear.scatter [tilespmem:s26], [sflag:$0xF], $0x80, $0x38;
	[tilespmem:$0x16C00] =	vst v63  }
0x433: {  	s25 =	sadd.s32 $0x1050, s4;
	s26 =	simm.s32 $0x150E8  }
0x434: {  	[hbm4b:s25+s3] =	stream.linear.scatter [tilespmem:s26], [sflag:$0xF], $0x80, $0x38;
	[tilespmem:$0x16C00] =	vst v63  }
0x435: {  	s25 =	sadd.s32 $0x1060, s4;
	s26 =	simm.s32 $0x15170  }
0x436: {  	[hbm4b:s25+s3] =	stream.linear.scatter [tilespmem:s26], [sflag:$0xF], $0x80, $0x38;
	[tilespmem:$0x16C00] =	vst v63  }
0x437: {  	s25 =	sadd.s32 $0x1070, s4;
	s26 =	simm.s32 $0x151F8  }
0x438: {  	[hbm4b:s25+s3] =	stream.linear.scatter [tilespmem:s26], [sflag:$0xF], $0x80, $0x38;
	[tilespmem:$0x16C00] =	vst v63  }
0x439: {  	s25 =	sadd.s32 $0x2000, s4;
	s26 =	simm.s32 $0x15280  }
0x43a: {  	[hbm4b:s25+s3] =	stream.linear.scatter [tilespmem:s26], [sflag:$0xF], $0x80, $0x38;
	[tilespmem:$0x16C00] =	vst v63  }
0x43b: {  	s25 =	sadd.s32 $0x2010, s4;
	s26 =	simm.s32 $0x15308  }
0x43c: {  	[hbm4b:s25+s3] =	stream.linear.scatter [tilespmem:s26], [sflag:$0xF], $0x80, $0x38;
	[tilespmem:$0x16C00] =	vst v63  }
0x43d: {  	s25 =	sadd.s32 $0x2020, s4;
	s26 =	simm.s32 $0x15390  }
0x43e: {  	[hbm4b:s25+s3] =	stream.linear.scatter [tilespmem:s26], [sflag:$0xF], $0x80, $0x38;
	[tilespmem:$0x16C00] =	vst v63  }
0x43f: {  	s25 =	sadd.s32 $0x2030, s4;
	s26 =	simm.s32 $0x15418  }
0x440: {  	[hbm4b:s25+s3] =	stream.linear.scatter [tilespmem:s26], [sflag:$0xF], $0x80, $0x38;
	[tilespmem:$0x16C00] =	vst v63  }
0x441: {  	s25 =	sadd.s32 $0x2040, s4;
	s26 =	simm.s32 $0x154A0  }
0x442: {  	[hbm4b:s25+s3] =	stream.linear.scatter [tilespmem:s26], [sflag:$0xF], $0x80, $0x38;
	[tilespmem:$0x16C00] =	vst v63  }
0x443: {  	s25 =	sadd.s32 $0x2050, s4;
	s26 =	simm.s32 $0x15528  }
0x444: {  	[hbm4b:s25+s3] =	stream.linear.scatter [tilespmem:s26], [sflag:$0xF], $0x80, $0x38;
	[tilespmem:$0x16C00] =	vst v63  }
0x445: {  	s25 =	sadd.s32 $0x2060, s4;
	s26 =	simm.s32 $0x155B0  }
0x446: {  	[hbm4b:s25+s3] =	stream.linear.scatter [tilespmem:s26], [sflag:$0xF], $0x80, $0x38;
	[tilespmem:$0x16C00] =	vst v63  }
0x447: {  	s25 =	sadd.s32 $0x2070, s4;
	s26 =	simm.s32 $0x15638  }
0x448: {  	[hbm4b:s25+s3] =	stream.linear.scatter [tilespmem:s26], [sflag:$0xF], $0x80, $0x38;
	[tilespmem:$0x16C00] =	vst v63  }
0x449: {  	s25 =	sadd.s32 $0x3000, s4;
	s26 =	simm.s32 $0x156C0  }
0x44a: {  	[hbm4b:s25+s3] =	stream.linear.scatter [tilespmem:s26], [sflag:$0xF], $0x80, $0x38;
	[tilespmem:$0x16C00] =	vst v63  }
0x44b: {  	s25 =	sadd.s32 $0x3010, s4;
	s26 =	simm.s32 $0x15748  }
0x44c: {  	[hbm4b:s25+s3] =	stream.linear.scatter [tilespmem:s26], [sflag:$0xF], $0x80, $0x38;
	[tilespmem:$0x16C00] =	vst v63  }
0x44d: {  	s25 =	sadd.s32 $0x3020, s4;
	s26 =	simm.s32 $0x157D0  }
0x44e: {  	[hbm4b:s25+s3] =	stream.linear.scatter [tilespmem:s26], [sflag:$0xF], $0x80, $0x38;
	[tilespmem:$0x16C00] =	vst v63  }
0x44f: {  	s25 =	sadd.s32 $0x3030, s4;
	s26 =	simm.s32 $0x15858  }
0x450: {  	[hbm4b:s25+s3] =	stream.linear.scatter [tilespmem:s26], [sflag:$0xF], $0x80, $0x38;
	[tilespmem:$0x16C00] =	vst v63  }
0x451: {  	s25 =	sadd.s32 $0x3040, s4;
	s26 =	simm.s32 $0x158E0  }
0x452: {  	[hbm4b:s25+s3] =	stream.linear.scatter [tilespmem:s26], [sflag:$0xF], $0x80, $0x38;
	[tilespmem:$0x16C00] =	vst v63  }
0x453: {  	s25 =	sadd.s32 $0x3050, s4;
	s26 =	simm.s32 $0x15968  }
0x454: {  	[hbm4b:s25+s3] =	stream.linear.scatter [tilespmem:s26], [sflag:$0xF], $0x80, $0x38;
	[tilespmem:$0x16C00] =	vst v63  }
0x455: {  	s25 =	sadd.s32 $0x3060, s4;
	s26 =	simm.s32 $0x159F0  }
0x456: {  	[hbm4b:s25+s3] =	stream.linear.scatter [tilespmem:s26], [sflag:$0xF], $0x80, $0x38;
	[tilespmem:$0x16C00] =	vst v63  }
0x457: {  	s4 =	sadd.s32 $0x3070, s4;
	s26 =	simm.s32 $0x15A78  }
0x458: {  	[hbm4b:s4+s3] =	stream.linear.scatter [tilespmem:s26], [sflag:$0xF], $0x80, $0x38;
	[tilespmem:$0x16C00] =	vst v63  }
0x459: {  	_ =	swait.ge [sflag:s23], $0x1000  }
0x45a: {  	[sflag:s23] =	ssyncset.done $0x0  }
0x45b: {  	s4 =	simm.s32 @!p0 $0x10;
	[sflag:s23] =	ssyncadd.s32 $0xFFFFF000  }
0x45c: {  	s25 =	simm.s32 $0x0;
	_ =	swait.ge @!p0 [sflag:s4], $0x1000  }
0x45d: {  	v3 =	vmov s25;
	[sflag:s4] =	ssyncset.done @!p0 $0x0  }
0x45e: {  	s25 =	simm.s32 $0xD440;
	v3 =	vand.u32 $0x7C, v3;
	[sflag:s4] =	ssyncadd.s32 @!p0 $0xFFFFF000  }
0x45f: {  	v5 =	vadd.s32 v0, v3;
	v4 =	vld [tilespmem:s25+$0xFFFFFFC0];
	_ =	sdelay $0x4  }
0x460: {  	[tilespmem:v5+s24+$0x0] =	vst.idx.msk $0xffff, v4  }
0x461: {  	v3 =	vadd.s32 v2, v3;
	v4 =	vld [tilespmem:s25+$0xFFFFFFD0];
	_ =	sdelay $0x2  }
0x462: {  	s26 =	simm.s32 $0x1  }
0x463: {  	v5 =	vmov s26  }
0x464: {  	[tilespmem:v3+s24+$0x0] =	vst.idx.msk $0xffff, v4;
	v3 =	vand.u32 $0x7D, v5  }
0x465: {  	v4 =	vld [tilespmem:s25+$0xFFFFFFE0];
	v5 =	vadd.s32 v0, v3;
	_ =	sdelay $0x4  }
0x466: {  	[tilespmem:v5+s24+$0x0] =	vst.idx.msk $0xffff, v4  }
0x467: {  	v3 =	vadd.s32 v2, v3;
	v4 =	vld [tilespmem:s25+$0xFFFFFFF0];
	_ =	sdelay $0x2  }
0x468: {  	s7 =	simm.s32 $0x2  }
0x469: {  	v5 =	vmov s7  }
0x46a: {  	[tilespmem:v3+s24+$0x0] =	vst.idx.msk $0xffff, v4;
	v3 =	vand.u32 $0x7E, v5  }
0x46b: {  	v4 =	vld [tilespmem:s25+$0x0];
	v5 =	vadd.s32 v0, v3;
	_ =	sdelay $0x4  }
0x46c: {  	[tilespmem:v5+s24+$0x0] =	vst.idx.msk $0xffff, v4  }
0x46d: {  	v3 =	vadd.s32 v2, v3;
	v4 =	vld [tilespmem:s25+$0x10];
	_ =	sdelay $0x2  }
0x46e: {  	s26 =	simm.s32 $0x3  }
0x46f: {  	v5 =	vmov s26  }
0x470: {  	[tilespmem:v3+s24+$0x0] =	vst.idx.msk $0xffff, v4;
	v4 =	vand.u32 $0x7F, v5  }
0x471: {  	v3 =	vld [tilespmem:s25+$0x20];
	v5 =	vadd.s32 v0, v4;
	_ =	sdelay $0x4  }
0x472: {  	[tilespmem:v5+s24+$0x0] =	vst.idx.msk $0xffff, v3  }
0x473: {  	v4 =	vadd.s32 v2, v4;
	v3 =	vld [tilespmem:s25+$0x30];
	_ =	sdelay $0x2  }
0x474: {  	s26 =	simm.s32 $0x4  }
0x475: {  	s4 =	simm.s32 $0x8;
	v5 =	vmov s26  }
.LBB2_19:
0x476: {  	p0 =	sne.s32 s4, $0x7C;
	v5 =	vand.u32 $0x7C, v5;
	[tilespmem:v4+s24+$0x0] =	vst.idx.msk $0xffff, v3;
	s25 =	sadd.s32 $0x80, s25  }
0x477: {  	v3 =	vld [tilespmem:s25+$0xFFFFFFC0];
	v4 =	vadd.s32 v0, v5;
	_ =	sdelay $0x4  }
0x478: {  	[tilespmem:v4+s24+$0x0] =	vst.idx.msk $0xffff, v3  }
0x479: {  	v4 =	vadd.s32 v2, v5;
	v3 =	vld [tilespmem:s25+$0xFFFFFFD0];
	_ =	sdelay $0x2  }
0x47a: {  	s7 =	sadd.s32 $0x1, s26  }
0x47b: {  	v5 =	vmov s7  }
0x47c: {  	[tilespmem:v4+s24+$0x0] =	vst.idx.msk $0xffff, v3;
	v3 =	vand.u32 $0x7D, v5  }
0x47d: {  	v4 =	vld [tilespmem:s25+$0xFFFFFFE0];
	v5 =	vadd.s32 v0, v3;
	_ =	sdelay $0x4  }
0x47e: {  	[tilespmem:v5+s24+$0x0] =	vst.idx.msk $0xffff, v4  }
0x47f: {  	v3 =	vadd.s32 v2, v3;
	v4 =	vld [tilespmem:s25+$0xFFFFFFF0];
	_ =	sdelay $0x2  }
0x480: {  	s7 =	sadd.s32 $0x2, s26  }
0x481: {  	v5 =	vmov s7  }
0x482: {  	[tilespmem:v3+s24+$0x0] =	vst.idx.msk $0xffff, v4;
	v3 =	vand.u32 $0x7E, v5  }
0x483: {  	v4 =	vld [tilespmem:s25+$0x0];
	v5 =	vadd.s32 v0, v3;
	_ =	sdelay $0x4  }
0x484: {  	[tilespmem:v5+s24+$0x0] =	vst.idx.msk $0xffff, v4  }
0x485: {  	v3 =	vadd.s32 v2, v3;
	v4 =	vld [tilespmem:s25+$0x10];
	_ =	sdelay $0x2  }
0x486: {  	s7 =	sadd.s32 $0x3, s26;
	s26 =	smov.u32 s4  }
0x487: {  	v5 =	vmov s7  }
0x488: {  	[tilespmem:v3+s24+$0x0] =	vst.idx.msk $0xffff, v4;
	v4 =	vand.u32 $0x7F, v5  }
0x489: {  	v3 =	vld [tilespmem:s25+$0x20];
	v5 =	vadd.s32 v0, v4;
	_ =	sdelay $0x4  }
0x48a: {  	[tilespmem:v5+s24+$0x0] =	vst.idx.msk $0xffff, v3  }
.Ltmp8:
0x48b: {  	v4 =	vadd.s32 v2, v4;
	v3 =	vld [tilespmem:s25+$0x30];
	(pc) =	sbr.rel @p0 .LBB2_19-.Ltmp8, $2  }
0x48c: {  	_ =	sdelay $0x2  }
0x48d: {  	s4 =	sadd.s32 $0x4, s4;
	v5 =	vmov s26  }
0x48e: {  	_ =	sdelay $0x3  }
0x48f: {  	v5 =	vand.u32 $0x7C, v5;
	[tilespmem:v4+s24+$0x0] =	vst.idx.msk $0xffff, v3;
	s4 =	sadd.s32 $0x80, s25  }
0x490: {  	v3 =	vld [tilespmem:s4+$0xFFFFFFC0];
	v59 =	vadd.s32 v0, v5;
	_ =	sdelay $0x4  }
0x491: {  	[tilespmem:v59+s24+$0x0] =	vst.idx.msk $0xffff, v3  }
0x492: {  	v60 =	vadd.s32 v2, v5;
	v3 =	vld [tilespmem:s4+$0xFFFFFFD0];
	_ =	sdelay $0x2  }
0x493: {  	s7 =	sadd.s32 $0x1, s26  }
0x494: {  	v61 =	vmov s7  }
0x495: {  	[tilespmem:v60+s24+$0x0] =	vst.idx.msk $0xffff, v3;
	v3 =	vand.u32 $0x7D, v61  }
0x496: {  	v4 =	vld [tilespmem:s4+$0xFFFFFFE0];
	v5 =	vadd.s32 v0, v3;
	_ =	sdelay $0x4  }
0x497: {  	[tilespmem:v5+s24+$0x0] =	vst.idx.msk $0xffff, v4  }
0x498: {  	v3 =	vadd.s32 v2, v3;
	v4 =	vld [tilespmem:s4+$0xFFFFFFF0];
	_ =	sdelay $0x2  }
0x499: {  	s25 =	sadd.s32 $0x2, s26  }
0x49a: {  	v62 =	vmov s25  }
0x49b: {  	[tilespmem:v3+s24+$0x0] =	vst.idx.msk $0xffff, v4;
	v3 =	vand.u32 $0x7E, v62  }
0x49c: {  	v4 =	vld [tilespmem:s4+$0x0];
	v5 =	vadd.s32 v0, v3;
	_ =	sdelay $0x4  }
0x49d: {  	[tilespmem:v5+s24+$0x0] =	vst.idx.msk $0xffff, v4  }
0x49e: {  	v3 =	vadd.s32 v2, v3;
	v4 =	vld [tilespmem:s4+$0x10];
	_ =	sdelay $0x2  }
0x49f: {  	s26 =	sadd.s32 $0x3, s26  }
0x4a0: {  	v63 =	vmov s26  }
0x4a1: {  	[tilespmem:v3+s24+$0x0] =	vst.idx.msk $0xffff, v4;
	v3 =	vand.u32 $0x7F, v63  }
0x4a2: {  	v4 =	vld [tilespmem:s4+$0x20];
	v5 =	vadd.s32 v0, v3;
	_ =	sdelay $0x4  }
0x4a3: {  	[tilespmem:v5+s24+$0x0] =	vst.idx.msk $0xffff, v4  }
0x4a4: {  	v3 =	vadd.s32 v2, v3;
	v4 =	vld [tilespmem:s4+$0x30];
	_ =	sdelay $0x4  }
0x4a5: {  	s7 =	simm.s32 @!p1 $0x80;
	s4 =	sadd.s32 @!p1 $0x780, s18;
	s18 =	simm.s32 @!p1 $0xD400;
	[tilespmem:v3+s24+$0x0] =	vst.idx.msk $0xffff, v4  }
0x4a6: {  	[tilespmem:s18], [sflag:$0x8] =	stream.indirect.gather @!p1 [hbm4b:s5+s7], $0x20, s4, s7, $0xb8;
	[tilespmem:$0x16C00] =	vst v63  }
0x4a7: {  	s1 =	sadd.s32 s1, s13  }
0x4a8: {  	[hbm4b:s1+s3] =	stream.linear.scatter [tilespmem:s24], [sflag:$0x10], $0x80, $0x38;
	[tilespmem:$0x16C00] =	vst v63  }
0x4a9: {  	s25 =	sadd.s32 $0x10, s1;
	s26 =	simm.s32 $0x15B88  }
0x4aa: {  	[hbm4b:s25+s3] =	stream.linear.scatter [tilespmem:s26], [sflag:$0x10], $0x80, $0x38;
	[tilespmem:$0x16C00] =	vst v63  }
0x4ab: {  	s7 =	sadd.s32 $0x20, s1;
	s18 =	simm.s32 $0x15C10  }
0x4ac: {  	[hbm4b:s7+s3] =	stream.linear.scatter [tilespmem:s18], [sflag:$0x10], $0x80, $0x38;
	[tilespmem:$0x16C00] =	vst v63  }
0x4ad: {  	s25 =	sadd.s32 $0x30, s1;
	s26 =	simm.s32 $0x15C98  }
0x4ae: {  	[hbm4b:s25+s3] =	stream.linear.scatter [tilespmem:s26], [sflag:$0x10], $0x80, $0x38;
	[tilespmem:$0x16C00] =	vst v63  }
0x4af: {  	s7 =	sadd.s32 $0x40, s1;
	s18 =	simm.s32 $0x15D20  }
0x4b0: {  	[hbm4b:s7+s3] =	stream.linear.scatter [tilespmem:s18], [sflag:$0x10], $0x80, $0x38;
	[tilespmem:$0x16C00] =	vst v63  }
0x4b1: {  	s25 =	sadd.s32 $0x50, s1;
	s26 =	simm.s32 $0x15DA8  }
0x4b2: {  	[hbm4b:s25+s3] =	stream.linear.scatter [tilespmem:s26], [sflag:$0x10], $0x80, $0x38;
	[tilespmem:$0x16C00] =	vst v63  }
0x4b3: {  	s7 =	sadd.s32 $0x60, s1;
	s18 =	simm.s32 $0x15E30  }
0x4b4: {  	[hbm4b:s7+s3] =	stream.linear.scatter [tilespmem:s18], [sflag:$0x10], $0x80, $0x38;
	[tilespmem:$0x16C00] =	vst v63  }
0x4b5: {  	s25 =	sadd.s32 $0x70, s1;
	s26 =	simm.s32 $0x15EB8  }
0x4b6: {  	[hbm4b:s25+s3] =	stream.linear.scatter [tilespmem:s26], [sflag:$0x10], $0x80, $0x38;
	[tilespmem:$0x16C00] =	vst v63  }
0x4b7: {  	s7 =	sadd.s32 $0x1000, s1;
	s18 =	simm.s32 $0x15F40  }
0x4b8: {  	[hbm4b:s7+s3] =	stream.linear.scatter [tilespmem:s18], [sflag:$0x10], $0x80, $0x38;
	[tilespmem:$0x16C00] =	vst v63  }
0x4b9: {  	s25 =	sadd.s32 $0x1010, s1;
	s26 =	simm.s32 $0x15FC8  }
0x4ba: {  	[hbm4b:s25+s3] =	stream.linear.scatter [tilespmem:s26], [sflag:$0x10], $0x80, $0x38;
	[tilespmem:$0x16C00] =	vst v63  }
0x4bb: {  	s7 =	sadd.s32 $0x1020, s1;
	s18 =	simm.s32 $0x16050  }
0x4bc: {  	[hbm4b:s7+s3] =	stream.linear.scatter [tilespmem:s18], [sflag:$0x10], $0x80, $0x38;
	[tilespmem:$0x16C00] =	vst v63  }
0x4bd: {  	s25 =	sadd.s32 $0x1030, s1;
	s26 =	simm.s32 $0x160D8  }
0x4be: {  	[hbm4b:s25+s3] =	stream.linear.scatter [tilespmem:s26], [sflag:$0x10], $0x80, $0x38;
	[tilespmem:$0x16C00] =	vst v63  }
0x4bf: {  	s7 =	sadd.s32 $0x1040, s1;
	s18 =	simm.s32 $0x16160  }
0x4c0: {  	[hbm4b:s7+s3] =	stream.linear.scatter [tilespmem:s18], [sflag:$0x10], $0x80, $0x38;
	[tilespmem:$0x16C00] =	vst v63  }
0x4c1: {  	s25 =	sadd.s32 $0x1050, s1;
	s26 =	simm.s32 $0x161E8  }
0x4c2: {  	[hbm4b:s25+s3] =	stream.linear.scatter [tilespmem:s26], [sflag:$0x10], $0x80, $0x38;
	[tilespmem:$0x16C00] =	vst v63  }
0x4c3: {  	s7 =	sadd.s32 $0x1060, s1;
	s18 =	simm.s32 $0x16270  }
0x4c4: {  	[hbm4b:s7+s3] =	stream.linear.scatter [tilespmem:s18], [sflag:$0x10], $0x80, $0x38;
	[tilespmem:$0x16C00] =	vst v63  }
0x4c5: {  	s25 =	sadd.s32 $0x1070, s1;
	s26 =	simm.s32 $0x162F8  }
0x4c6: {  	[hbm4b:s25+s3] =	stream.linear.scatter [tilespmem:s26], [sflag:$0x10], $0x80, $0x38;
	[tilespmem:$0x16C00] =	vst v63  }
0x4c7: {  	s7 =	sadd.s32 $0x2000, s1;
	s18 =	simm.s32 $0x16380  }
0x4c8: {  	[hbm4b:s7+s3] =	stream.linear.scatter [tilespmem:s18], [sflag:$0x10], $0x80, $0x38;
	[tilespmem:$0x16C00] =	vst v63  }
0x4c9: {  	s25 =	sadd.s32 $0x2010, s1;
	s26 =	simm.s32 $0x16408  }
0x4ca: {  	[hbm4b:s25+s3] =	stream.linear.scatter [tilespmem:s26], [sflag:$0x10], $0x80, $0x38;
	[tilespmem:$0x16C00] =	vst v63  }
0x4cb: {  	s7 =	sadd.s32 $0x2020, s1;
	s18 =	simm.s32 $0x16490  }
0x4cc: {  	[hbm4b:s7+s3] =	stream.linear.scatter [tilespmem:s18], [sflag:$0x10], $0x80, $0x38;
	[tilespmem:$0x16C00] =	vst v63  }
0x4cd: {  	s25 =	sadd.s32 $0x2030, s1;
	s26 =	simm.s32 $0x16518  }
0x4ce: {  	[hbm4b:s25+s3] =	stream.linear.scatter [tilespmem:s26], [sflag:$0x10], $0x80, $0x38;
	[tilespmem:$0x16C00] =	vst v63  }
0x4cf: {  	s7 =	sadd.s32 $0x2040, s1;
	s18 =	simm.s32 $0x165A0  }
0x4d0: {  	[hbm4b:s7+s3] =	stream.linear.scatter [tilespmem:s18], [sflag:$0x10], $0x80, $0x38;
	[tilespmem:$0x16C00] =	vst v63  }
0x4d1: {  	s25 =	sadd.s32 $0x2050, s1;
	s26 =	simm.s32 $0x16628  }
0x4d2: {  	[hbm4b:s25+s3] =	stream.linear.scatter [tilespmem:s26], [sflag:$0x10], $0x80, $0x38;
	[tilespmem:$0x16C00] =	vst v63  }
0x4d3: {  	s7 =	sadd.s32 $0x2060, s1;
	s18 =	simm.s32 $0x166B0  }
0x4d4: {  	[hbm4b:s7+s3] =	stream.linear.scatter [tilespmem:s18], [sflag:$0x10], $0x80, $0x38;
	[tilespmem:$0x16C00] =	vst v63  }
0x4d5: {  	s25 =	sadd.s32 $0x2070, s1;
	s26 =	simm.s32 $0x16738  }
0x4d6: {  	[hbm4b:s25+s3] =	stream.linear.scatter [tilespmem:s26], [sflag:$0x10], $0x80, $0x38;
	[tilespmem:$0x16C00] =	vst v63  }
0x4d7: {  	s7 =	sadd.s32 $0x3000, s1;
	s18 =	simm.s32 $0x167C0  }
0x4d8: {  	[hbm4b:s7+s3] =	stream.linear.scatter [tilespmem:s18], [sflag:$0x10], $0x80, $0x38;
	[tilespmem:$0x16C00] =	vst v63  }
0x4d9: {  	s25 =	sadd.s32 $0x3010, s1;
	s26 =	simm.s32 $0x16848  }
0x4da: {  	[hbm4b:s25+s3] =	stream.linear.scatter [tilespmem:s26], [sflag:$0x10], $0x80, $0x38;
	[tilespmem:$0x16C00] =	vst v63  }
0x4db: {  	s7 =	sadd.s32 $0x3020, s1;
	s18 =	simm.s32 $0x168D0  }
0x4dc: {  	[hbm4b:s7+s3] =	stream.linear.scatter [tilespmem:s18], [sflag:$0x10], $0x80, $0x38;
	[tilespmem:$0x16C00] =	vst v63  }
0x4dd: {  	s25 =	sadd.s32 $0x3030, s1;
	s26 =	simm.s32 $0x16958  }
0x4de: {  	[hbm4b:s25+s3] =	stream.linear.scatter [tilespmem:s26], [sflag:$0x10], $0x80, $0x38;
	[tilespmem:$0x16C00] =	vst v63  }
0x4df: {  	s17 =	sadd.s32 $0x1, s17;
	s7 =	sadd.s32 $0x3040, s1;
	s18 =	simm.s32 $0x169E0  }
0x4e0: {  	[hbm4b:s7+s3] =	stream.linear.scatter [tilespmem:s18], [sflag:$0x10], $0x80, $0x38;
	[tilespmem:$0x16C00] =	vst v63  }
0x4e1: {  	p0 =	sne.s32 s17, $0x19;
	s25 =	sadd.s32 $0x3050, s1;
	s26 =	simm.s32 $0x16A68  }
0x4e2: {  	[hbm4b:s25+s3] =	stream.linear.scatter [tilespmem:s26], [sflag:$0x10], $0x80, $0x38;
	[tilespmem:$0x16C00] =	vst v63  }
.Ltmp9:
0x4e3: {  	_ = 	snop;
	(pc) =	sbr.rel @p0 .LBB2_4-.Ltmp9, $4  }
0x4e4: {  	s18 =	sadd.s32 $0x3060, s1;
	s25 =	simm.s32 $0x16AF0  }
0x4e5: {  	[hbm4b:s18+s3] =	stream.linear.scatter [tilespmem:s25], [sflag:$0x10], $0x80, $0x38;
	[tilespmem:$0x16C00] =	vst v63  }
0x4e6: {  	s1 =	sadd.s32 $0x3070, s1;
	s26 =	simm.s32 $0x16B78  }
0x4e7: {  	[hbm4b:s1+s3] =	stream.linear.scatter [tilespmem:s26], [sflag:$0x10], $0x80, $0x38;
	[tilespmem:$0x16C00] =	vst v63  }
0x4e8: {  	s1 =	simm.s32 $0x9  }
0x4e9: {  	_ =	swait.ge [sflag:s1], $0x1000  }
0x4ea: {  	[sflag:s1] =	ssyncset.done $0x0  }
0x4eb: {  	s26 =	simm.s32 $0xA;
	[sflag:s1] =	ssyncadd.s32 $0xFFFFF000  }
0x4ec: {  	_ =	swait.ge [sflag:s26], $0x1000  }
0x4ed: {  	[sflag:s26] =	ssyncset.done $0x0  }
0x4ee: {  	s4 =	simm.s32 $0xB;
	[sflag:s26] =	ssyncadd.s32 $0xFFFFF000  }
0x4ef: {  	_ =	swait.ge [sflag:s4], $0x1000  }
0x4f0: {  	[sflag:s4] =	ssyncset.done $0x0  }
0x4f1: {  	s7 =	simm.s32 $0xC;
	[sflag:s4] =	ssyncadd.s32 $0xFFFFF000  }
0x4f2: {  	_ =	swait.ge [sflag:s7], $0x1000  }
0x4f3: {  	[sflag:s7] =	ssyncset.done $0x0  }
0x4f4: {  	s17 =	simm.s32 $0xD;
	[sflag:s7] =	ssyncadd.s32 $0xFFFFF000  }
0x4f5: {  	_ =	swait.ge [sflag:s17], $0x1000  }
0x4f6: {  	[sflag:s17] =	ssyncset.done $0x0  }
0x4f7: {  	s18 =	simm.s32 $0xE;
	[sflag:s17] =	ssyncadd.s32 $0xFFFFF000  }
0x4f8: {  	_ =	swait.ge [sflag:s18], $0x1000  }
0x4f9: {  	[sflag:s18] =	ssyncset.done $0x0  }
0x4fa: {  	s25 =	simm.s32 $0xF;
	[sflag:s18] =	ssyncadd.s32 $0xFFFFF000  }
0x4fb: {  	_ =	swait.ge [sflag:s25], $0x1000  }
0x4fc: {  	[sflag:s25] =	ssyncset.done $0x0  }
0x4fd: {  	s4 =	simm.s32 $0x10;
	[sflag:s25] =	ssyncadd.s32 $0xFFFFF000  }
0x4fe: {  	_ =	swait.ge [sflag:s4], $0x1000  }
0x4ff: {  	s7 =	rddreg [dreg:$0x8]  }
0x500: {  	s26 =	rddreg [dreg:$0x7];
	s7 =	sadd.s32 $0x1, s7  }
0x501: {  	p0 =	sne.s32 s7, s26  }
.Ltmp10:
0x502: {  	_ = 	snop;
	(pc) =	sbr.rel @p0 .LBB2_1-.Ltmp10, $3  }
0x503: {  	_ =	sdelay $0x1  }
0x504: {  	[sflag:s4] =	ssyncset.done $0x0  }
0x505: {  	[sflag:s4] =	ssyncadd.s32 $0xFFFFF000  }
0x506: {  	_ =	sfence.sel $0x180000  }
0x507: {  	[bflag:$0x0] =	sbarrier.arrive $0xFFFF  }
0x508: {  	_ =	strace $0x90000047  }
0x509: {  	s0 =	stileid.u32;
	[bflag:$0x2] =	sbarrier.arrive $0xFFFF  }
0x50a: {  	p0 =	sne.s32 s0, $0x0;
	s0 =	rddreg [dreg:$0x3]  }
0x50b: {  	s0 =	sadd.s32 @!p0 $0x100000, s0  }
0x50c: {  	[sflag:s0] =	ssyncadd.tile.s32 @!p0 $0x1;
	_ =	shalt  }
.Lfunc_end2:
_tile_overlayer_lowered:
.L_overlay_start_2:
0x50d: {  	(tag) =	ssettag $0x2  }
0x50e: {  	s0 =	rddreg [dreg:$0x0];
	s2 =	stileid.u32  }
0x50f: {  	s1 =	rddreg [dreg:$0x1];
	p0 =	sne.s32 s2, $0x0  }
0x510: {  	s3 =	rddreg [dreg:$0x2];
	[bflag:$0x3] =	sbarrier.arrive $0xFFFF;
	s2 =	simm.s32 @!p0 $0x1C11  }
0x511: {  	[timem:s3], [sflag:s2] =	dma.local @!p0 [hbm:s0], s1  }
0x512: {  	s0 =	simm.s32 @!p0 $0x11  }
0x513: {  	_ =	swait.ge @!p0 [sflag:s0], s1  }
0x514: {  	s1 =	ssub.s32 @!p0 $0x0, s1;
	[sflag:s0] =	ssyncset.done @!p0 $0x0  }
0x515: {  	[sflag:s0] =	ssyncadd.s32 @!p0 s1  }
0x516: {  	[bflag:$0x3] =	sbarrier.arrive $0xFFFF  }
0x517: {  	_ =	shalt  }

</sc_bundles>
